<compile_context>
chip_gen: v7x
topology: tpu7x:2x2x1
jax: 0.10.2.dev20260603
libtpu: 0.0.44.dev20260713+nightly
codegen_flags: <defaults>
</compile_context>

<pallas_src>
import functools

import jax
import jax.numpy as jnp
import numpy as np
from jax import lax
from jax.experimental import pallas as pl
from jax.experimental.pallas import tpu as pltpu
from jax.experimental.pallas import tpu_sc as plsc

N_NODES = 10000
DEG = 32
D = 128

NC = 2
NS = 16
NW = NC * NS

P = 320
N_PAD = NW * P
C = 4
E = C * DEG
CH = P // C
GROUPS = D // 32


NBUF = 2


ROWS_PER_TILE = N_PAD // NS


FL = 8


def _sc_body(neigh_ref, x_ref, out_ref, idx_v, x_sh, rows_0, rows_1,
             out_v, sem_x, sem_0, sem_1, osem):
    rows = (rows_0, rows_1)
    sems = (sem_0, sem_1)
    sid = lax.axis_index("s")
    wid = sid * NC + lax.axis_index("c")
    base_n = wid * P

    stage = pltpu.async_copy(
        x_ref.at[pl.ds(sid * ROWS_PER_TILE, ROWS_PER_TILE)],
        x_sh.at[pl.ds(sid * ROWS_PER_TILE, ROWS_PER_TILE)], sem_x)

    pltpu.sync_copy(neigh_ref.at[pl.ds(wid * CH, CH)], idx_v)
    stage.wait()
    plsc.subcore_barrier()

    for b in range(NBUF):
        pltpu.async_copy(x_sh.at[idx_v.at[b]], rows[b], sems[b])

    hi_mask = jnp.full((16,), -65536, dtype=jnp.int32)
    shift16 = jnp.full((16,), 16, dtype=jnp.int32)

    def compute(rows_ref, ro):
        def node_body(n, carry):
            r0 = n * DEG
            lo = [None] * GROUPS
            hi = [None] * GROUPS
            for j in range(DEG):
                for h in range(GROUPS):
                    w = rows_ref[r0 + j, pl.ds(16 * h, 16)]
                    l = lax.bitcast_convert_type(lax.shift_left(w, shift16), jnp.float32)
                    u = lax.bitcast_convert_type(lax.bitwise_and(w, hi_mask),
                                     jnp.float32)
                    if j == 0:
                        lo[h], hi[h] = l, u
                    else:
                        lo[h], hi[h] = lo[h] + l, hi[h] + u
            for h in range(GROUPS):
                out_v[ro + n, pl.ds(16 * h, 16)] = lo[h]
                out_v[ro + n, pl.ds(D // 2 + 16 * h, 16)] = hi[h]
            return carry
        lax.fori_loop(0, C, node_body, 0)

    def ring_body(q, carry):
        for b in range(NBUF):
            c = NBUF * q + b
            rem = lax.rem(c, FL)

            pltpu.make_async_copy(x_sh.at[idx_v.at[c]], rows[b],
                                  sems[b]).wait()

            @pl.when(jnp.logical_and(rem == 0, c > 0))
            def _():
                pltpu.make_async_copy(
                    out_v, out_ref.at[pl.ds(base_n, FL * C)], osem).wait()

            compute(rows[b], rem * C)

            @pl.when(c + NBUF < CH)
            def _():
                pltpu.async_copy(x_sh.at[idx_v.at[c + NBUF]], rows[b],
                                 sems[b])

            @pl.when(rem == FL - 1)
            def _():
                gi = lax.div(c, FL)
                pltpu.async_copy(
                    out_v, out_ref.at[pl.ds(base_n + gi * FL * C, FL * C)],
                    osem)

        return carry

    lax.fori_loop(0, CH // NBUF, ring_body, 0)

    pltpu.make_async_copy(out_v, out_ref.at[pl.ds(base_n, FL * C)],
                          osem).wait()


_sc_gather_sum = pl.kernel(
    _sc_body,
    out_type=jax.ShapeDtypeStruct((N_PAD, D), jnp.float32),
    mesh=plsc.VectorSubcoreMesh(core_axis_name="c", subcore_axis_name="s"),
    scratch_types=[
        pltpu.VMEM((CH, E), jnp.int32),
        pltpu.VMEM_SHARED((N_PAD, D // 2), jnp.int32),
        pltpu.VMEM((E, D // 2), jnp.int32),
        pltpu.VMEM((E, D // 2), jnp.int32),
        pltpu.VMEM((FL * C, D), jnp.float32),
        pltpu.SemaphoreType.DMA,
        pltpu.SemaphoreType.DMA,
        pltpu.SemaphoreType.DMA,
        pltpu.SemaphoreType.DMA,
    ],
)


def _pack_body(x_ref, o_ref):
    u = lax.bitcast_convert_type(x_ref[...].astype(jnp.bfloat16),
                                 jnp.uint16).astype(jnp.int32)
    o_ref[...] = u[:, :D // 2] | (u[:, D // 2:] << 16)


def _tc_body(x_ref, a_ref, w1_ref, w2_ref, b_ref, o_ref):
    o_ref[...] = (
        jnp.dot(x_ref[...], w1_ref[...], preferred_element_type=jnp.float32)
        + jnp.dot(a_ref[...], w2_ref[...], preferred_element_type=jnp.float32)
        + b_ref[...]
    )


_R = 2000


@jax.jit
def _run(neighbours, x, W1, b1, W2, b2):
    neigh = neighbours.astype(jnp.int32).reshape(-1)
    neigh = jnp.pad(neigh, (0, (N_PAD - N_NODES) * DEG))
    neigh = neigh.reshape(N_PAD * DEG // E, E)

    x_pad = jnp.pad(x, ((0, N_PAD - N_NODES), (0, 0)))
    x_pk = pl.pallas_call(
        _pack_body,
        grid=(N_PAD // 2048,),
        in_specs=[pl.BlockSpec((2048, D), lambda i: (i, 0))],
        out_specs=pl.BlockSpec((2048, D // 2), lambda i: (i, 0)),
        out_shape=jax.ShapeDtypeStruct((N_PAD, D // 2), jnp.int32),
    )(x_pad)
    aggr = _sc_gather_sum(neigh, x_pk)

    bsum = (b1 + b2).reshape(1, D)
    out = pl.pallas_call(
        _tc_body,
        grid=(N_NODES // _R,),
        in_specs=[
            pl.BlockSpec((_R, D), lambda i: (i, 0)),
            pl.BlockSpec((_R, D), lambda i: (i, 0)),
            pl.BlockSpec((D, D), lambda i: (0, 0)),
            pl.BlockSpec((D, D), lambda i: (0, 0)),
            pl.BlockSpec((1, D), lambda i: (0, 0)),
        ],
        out_specs=pl.BlockSpec((_R, D), lambda i: (i, 0)),
        out_shape=jax.ShapeDtypeStruct((N_NODES, D), jnp.float32),
    )(x, aggr, W1, W2, bsum)
    return out


def kernel(neighbours, shape_features, W1, b1, W2, b2):
    return _run(neighbours, shape_features, W1, b1, W2, b2)

# --- scband reference (transcript-rebuilt; emitter-appended) ---
"""Pipeline reference for scband-graph-convolution-35476429865958 (READ-ONLY COPY).

The authoritative reference and input builder live on the scoring server;
editing this copy changes nothing except your own understanding.
"""

import jax, jax.numpy as jnp
import numpy as np

N_NODES = 10000
DEG = 32
D_IN = 128
D_OUT = 128


def setup_inputs(seed: int = 0) -> dict:
    key = jax.random.key(seed)
    k1, k2, k3, k4, k5, k6 = jax.random.split(key, 6)
    neighbours = jax.random.randint(k1, (N_NODES, DEG), 0, N_NODES, dtype=jnp.int64)
    shape_features = jax.random.normal(k2, (N_NODES, D_IN), dtype=jnp.float32)
    # Linear params (stored as [in, out] so forward is x @ W + b; math-equivalent to torch Linear)
    bound = 1.0 / np.sqrt(D_IN)
    W1 = jax.random.uniform(k3, (D_IN, D_OUT), dtype=jnp.float32, minval=-bound, maxval=bound)
    b1 = jax.random.uniform(k4, (D_OUT,), dtype=jnp.float32, minval=-bound, maxval=bound)
    W2 = jax.random.uniform(k5, (D_IN, D_OUT), dtype=jnp.float32, minval=-bound, maxval=bound)
    b2 = jax.random.uniform(k6, (D_OUT,), dtype=jnp.float32, minval=-bound, maxval=bound)
    return {"neighbours": neighbours, "shape_features": shape_features, "W1": W1, "b1": b1, "W2": W2, "b2": b2}


def reference(neighbours, shape_features, W1, b1, W2, b2):
    # linear1(shape_features)
    out1 = shape_features @ W1 + b1
    # per-node neighbor aggregation: for each node i, sum of shape_features[neighbours[i]]
    # gather [N, DEG, D] then reduce over neighbor axis (vectorized form of the python loop)
    gathered = jnp.take(shape_features, neighbours, axis=0)  # [N, DEG, D]
    shape_features_aggr = jnp.sum(gathered, axis=1)          # [N, D]
    # out = linear1(x) + linear2(aggr)
    out = out1 + (shape_features_aggr @ W2 + b2)
    return out

if __name__ == "__main__":
    import jax
    _d = setup_inputs()
    print(jax.jit(kernel)(*tuple(_d.values())))

</pallas_src>

<mosaic_0001>
#map = affine_map<(d0, d1) -> (0, 0)>
module attributes {stable_mosaic.version = 14 : i64} {
  func.func @_sc_body(%arg0: i32, %arg1: i32, %arg2: memref<2560x128xi32, #tpu.memory_space<hbm>>, %arg3: memref<10240x64xi32, #tpu.memory_space<hbm>>, %arg4: memref<10240x128xf32, #tpu.memory_space<hbm>>, %arg5: memref<80x128xi32, #tpu.memory_space<vmem>>, %arg6: memref<10240x64xi32, #tpu.memory_space<vmem_shared>>, %arg7: memref<128x64xi32, #tpu.memory_space<vmem>>, %arg8: memref<128x64xi32, #tpu.memory_space<vmem>>, %arg9: memref<32x128xf32, #tpu.memory_space<vmem>>, %arg10: memref<!tpu.dma_semaphore, #tpu.memory_space<semaphore_mem>>, %arg11: memref<!tpu.dma_semaphore, #tpu.memory_space<semaphore_mem>>, %arg12: memref<!tpu.dma_semaphore, #tpu.memory_space<semaphore_mem>>, %arg13: memref<!tpu.dma_semaphore, #tpu.memory_space<semaphore_mem>>) attributes {dimension_semantics = [#tpu.dimension_semantics<core_parallel>, #tpu.dimension_semantics<subcore_parallel>], iteration_bounds = array<i64: 2, 16>, scalar_prefetch = 0 : i64, scratch_operands = 9 : i64, tpu.core_type = #tpu.core_type<sc_vector_subcore>, window_params = [{transform_indices = #map}, {transform_indices = #map}, {transform_indices = #map}]} {
    %mul3A = arith.constant 2 : i32
    %mul3A_0 = arith.muli %arg1, %mul3A : i32
    %add3A = arith.addi %mul3A_0, %arg0 : i32
    %mul3A_1 = arith.constant 320 : i32
    %mul3A_2 = arith.muli %add3A, %mul3A_1 : i32
    %mul3A_3 = arith.constant 640 : i32
    %mul3A_4 = arith.muli %arg1, %mul3A_3 : i32
    %mul3A_5 = arith.constant 640 : i32
    %mul3A_6 = arith.muli %arg1, %mul3A_5 : i32
    %dma_start3A = arith.constant 0 : i32
    %dma_start3A_7 = tpu.memref_slice %arg6[%mul3A_6, %dma_start3A] : memref<10240x64xi32, #tpu.memory_space<vmem_shared>> -> memref<640x64xi32, #tpu.memory_space<vmem_shared>>
    %dma_start3A_8 = arith.constant 0 : i32
    %dma_start3A_9 = tpu.memref_slice %arg3[%mul3A_4, %dma_start3A_8] : memref<10240x64xi32, #tpu.memory_space<hbm>> -> memref<640x64xi32, #tpu.memory_space<hbm>>
    tpu.enqueue_dma source(%dma_start3A_9 : memref<640x64xi32, #tpu.memory_space<hbm>>) target(%dma_start3A_7 : memref<640x64xi32, #tpu.memory_space<vmem_shared>>) target_semaphore(%arg10 : memref<!tpu.dma_semaphore, #tpu.memory_space<semaphore_mem>>)
    %mul3A_10 = arith.constant 80 : i32
    %mul3A_11 = arith.muli %add3A, %mul3A_10 : i32
    "tpu.region"() ({
      %run_scoped3A = tpu.sem_alloc : memref<!tpu.dma_semaphore, #tpu.memory_space<semaphore_mem>>
      %dma_start3A_41 = arith.constant 0 : i32
      %dma_start3A_42 = tpu.memref_slice %arg2[%mul3A_11, %dma_start3A_41] : memref<2560x128xi32, #tpu.memory_space<hbm>> -> memref<80x128xi32, #tpu.memory_space<hbm>>
      %dma_start3A_43 = arith.constant 0 : i32
      %dma_start3A_44 = tpu.memref_slice %arg2[%mul3A_11, %dma_start3A_43] : memref<2560x128xi32, #tpu.memory_space<hbm>> -> memref<80x128xi32, #tpu.memory_space<hbm>>
      tpu.enqueue_dma source(%dma_start3A_44 : memref<80x128xi32, #tpu.memory_space<hbm>>) target(%arg5 : memref<80x128xi32, #tpu.memory_space<vmem>>) target_semaphore(%run_scoped3A : memref<!tpu.dma_semaphore, #tpu.memory_space<semaphore_mem>>)
      %dma_wait3A_45 = arith.constant 0 : i32
      %dma_wait3A_46 = tpu.memref_slice %arg2[%mul3A_11, %dma_wait3A_45] : memref<2560x128xi32, #tpu.memory_space<hbm>> -> memref<80x128xi32, #tpu.memory_space<hbm>>
      %dma_wait3A_47 = arith.constant 0 : i32
      %dma_wait3A_48 = tpu.memref_slice %arg2[%mul3A_11, %dma_wait3A_47] : memref<2560x128xi32, #tpu.memory_space<hbm>> -> memref<80x128xi32, #tpu.memory_space<hbm>>
      tpu.wait_dma2 semaphore(%run_scoped3A : memref<!tpu.dma_semaphore, #tpu.memory_space<semaphore_mem>>) src(%dma_wait3A_48 : memref<80x128xi32, #tpu.memory_space<hbm>>) dst(%arg5 : memref<80x128xi32, #tpu.memory_space<vmem>>)
      tpu.yield
    }) : () -> ()
    %dma_wait3A = arith.constant 0 : i32
    %dma_wait3A_12 = tpu.memref_slice %arg6[%mul3A_6, %dma_wait3A] : memref<10240x64xi32, #tpu.memory_space<vmem_shared>> -> memref<640x64xi32, #tpu.memory_space<vmem_shared>>
    %dma_wait3A_13 = arith.constant 0 : i32
    %dma_wait3A_14 = tpu.memref_slice %arg3[%mul3A_4, %dma_wait3A_13] : memref<10240x64xi32, #tpu.memory_space<hbm>> -> memref<640x64xi32, #tpu.memory_space<hbm>>
    tpu.wait_dma2 semaphore(%arg10 : memref<!tpu.dma_semaphore, #tpu.memory_space<semaphore_mem>>) src(%dma_wait3A_14 : memref<640x64xi32, #tpu.memory_space<hbm>>) dst(%dma_wait3A_12 : memref<640x64xi32, #tpu.memory_space<vmem_shared>>)
    %barrier3A = arith.constant 0 : index
    tpu.barrier barrier_id(%barrier3A)
    %dma_start3A_15 = arith.constant 0 : i32
    %dma_start3A_16 = arith.constant 0 : i32
    %dma_start3A_17 = tpu.memref_slice %arg5[%dma_start3A_15, %dma_start3A_16] : memref<80x128xi32, #tpu.memory_space<vmem>> -> memref<1x128xi32, #tpu.memory_space<vmem>>
    %dma_start3A_18 = tpu.memref_squeeze %dma_start3A_17 : memref<1x128xi32, #tpu.memory_space<vmem>> -> memref<128xi32, #tpu.memory_space<vmem>>
    %dma_start3A_19 = arith.constant 0 : i32
    %dma_start3A_20 = arith.constant 0 : i32
    %dma_start3A_21 = tpu.memref_slice %arg6[%dma_start3A_19, %dma_start3A_20] : memref<10240x64xi32, #tpu.memory_space<vmem_shared>> -> memref<10240x64xi32, #tpu.memory_space<vmem_shared>>
    tpu.enqueue_indirect_dma source(%dma_start3A_21 : memref<10240x64xi32, #tpu.memory_space<vmem_shared>>) target(%arg7 : memref<128x64xi32, #tpu.memory_space<vmem>>) offsets(%dma_start3A_18 : memref<128xi32, #tpu.memory_space<vmem>>) semaphore(%arg11 : memref<!tpu.dma_semaphore, #tpu.memory_space<semaphore_mem>>)
    %dma_start3A_22 = arith.constant 1 : i32
    %dma_start3A_23 = arith.constant 0 : i32
    %dma_start3A_24 = tpu.memref_slice %arg5[%dma_start3A_22, %dma_start3A_23] : memref<80x128xi32, #tpu.memory_space<vmem>> -> memref<1x128xi32, #tpu.memory_space<vmem>>
    %dma_start3A_25 = tpu.memref_squeeze %dma_start3A_24 : memref<1x128xi32, #tpu.memory_space<vmem>> -> memref<128xi32, #tpu.memory_space<vmem>>
    %dma_start3A_26 = arith.constant 0 : i32
    %dma_start3A_27 = arith.constant 0 : i32
    %dma_start3A_28 = tpu.memref_slice %arg6[%dma_start3A_26, %dma_start3A_27] : memref<10240x64xi32, #tpu.memory_space<vmem_shared>> -> memref<10240x64xi32, #tpu.memory_space<vmem_shared>>
    tpu.enqueue_indirect_dma source(%dma_start3A_28 : memref<10240x64xi32, #tpu.memory_space<vmem_shared>>) target(%arg8 : memref<128x64xi32, #tpu.memory_space<vmem>>) offsets(%dma_start3A_25 : memref<128xi32, #tpu.memory_space<vmem>>) semaphore(%arg12 : memref<!tpu.dma_semaphore, #tpu.memory_space<semaphore_mem>>)
    %broadcast_in_dim3A = arith.constant -65536 : i32
    %broadcast_in_dim3A_29 = vector.broadcast %broadcast_in_dim3A : i32 to vector<16xi32>
    %broadcast_in_dim3A_30 = arith.constant 16 : i32
    %broadcast_in_dim3A_31 = vector.broadcast %broadcast_in_dim3A_30 : i32 to vector<16xi32>
    %scan3A = arith.constant 0 : i32
    %scan3A_32 = arith.constant 0 : i32
    %scan3A_33 = arith.constant 40 : i32
    %scan3A_34 = arith.addi %scan3A_32, %scan3A_33 : i32
    %scan3A_35 = arith.constant 1 : i32
    scf.for %scan3A_41 = %scan3A_32 to %scan3A_34 step %scan3A_35  : i32 {
      %mul3A_42 = arith.constant 2 : i32
      %mul3A_43 = arith.muli %mul3A_42, %scan3A_41 : i32
      %add3A_44 = arith.constant 0 : i32
      %add3A_45 = arith.addi %mul3A_43, %add3A_44 : i32
      %rem3A = arith.constant 8 : i32
      %rem3A_46 = arith.remsi %add3A_45, %rem3A : i32
      %dma_wait3A_47 = arith.constant 0 : i32
      %dma_wait3A_48 = tpu.memref_slice %arg5[%add3A_45, %dma_wait3A_47] : memref<80x128xi32, #tpu.memory_space<vmem>> -> memref<1x128xi32, #tpu.memory_space<vmem>>
      %dma_wait3A_49 = tpu.memref_squeeze %dma_wait3A_48 : memref<1x128xi32, #tpu.memory_space<vmem>> -> memref<128xi32, #tpu.memory_space<vmem>>
      %dma_wait3A_50 = arith.constant 0 : i32
      %dma_wait3A_51 = arith.constant 0 : i32
      %dma_wait3A_52 = tpu.memref_slice %arg6[%dma_wait3A_50, %dma_wait3A_51] : memref<10240x64xi32, #tpu.memory_space<vmem_shared>> -> memref<10240x64xi32, #tpu.memory_space<vmem_shared>>
      tpu.wait_indirect_dma semaphore(%arg11 : memref<!tpu.dma_semaphore, #tpu.memory_space<semaphore_mem>>) src(%dma_wait3A_52 : memref<10240x64xi32, #tpu.memory_space<vmem_shared>>) dst(%arg7 : memref<128x64xi32, #tpu.memory_space<vmem>>)
      %eq3A = arith.constant 0 : i32
      %eq3A_53 = arith.cmpi eq, %rem3A_46, %eq3A : i32
      %gt3A = arith.constant 0 : i32
      %gt3A_54 = arith.cmpi sgt, %add3A_45, %gt3A : i32
      %and3A = arith.andi %eq3A_53, %gt3A_54 : i1
      %convert_element_type3A = arith.extui %and3A : i1 to i32
      %cond3A = arith.constant 0 : i32
      %cond3A_55 = arith.cmpi ne, %convert_element_type3A, %cond3A : i32
      scf.if %cond3A_55 {
        %dma_wait3A_115 = arith.constant 0 : i32
        %dma_wait3A_116 = tpu.memref_slice %arg4[%mul3A_2, %dma_wait3A_115] : memref<10240x128xf32, #tpu.memory_space<hbm>> -> memref<32x128xf32, #tpu.memory_space<hbm>>
        %dma_wait3A_117 = arith.constant 0 : i32
        %dma_wait3A_118 = tpu.memref_slice %arg4[%mul3A_2, %dma_wait3A_117] : memref<10240x128xf32, #tpu.memory_space<hbm>> -> memref<32x128xf32, #tpu.memory_space<hbm>>
        tpu.wait_dma2 semaphore(%arg13 : memref<!tpu.dma_semaphore, #tpu.memory_space<semaphore_mem>>) src(%arg9 : memref<32x128xf32, #tpu.memory_space<vmem>>) dst(%dma_wait3A_118 : memref<32x128xf32, #tpu.memory_space<hbm>>)
      } else {
      }
      %mul3A_56 = arith.constant 4 : i32
      %mul3A_57 = arith.muli %rem3A_46, %mul3A_56 : i32
      %scan3A_58 = arith.constant 0 : i32
      %scan3A_59 = arith.constant 0 : i32
      %scan3A_60 = arith.constant 4 : i32
      %scan3A_61 = arith.addi %scan3A_59, %scan3A_60 : i32
      %scan3A_62 = arith.constant 1 : i32
      scf.for %scan3A_115 = %scan3A_59 to %scan3A_61 step %scan3A_62  : i32 {
        %mul3A_116 = arith.constant 32 : i32
        %mul3A_117 = arith.muli %scan3A_115, %mul3A_116 : i32
        %add3A_118 = arith.constant 0 : i32
        %add3A_119 = arith.addi %mul3A_117, %add3A_118 : i32
        %get3A = arith.index_cast %add3A_119 : i32 to index
        %get3A_120 = arith.constant 0 : index
        %get3A_121 = tpu.vector_load %arg7[%get3A, %get3A_120] {strides = array<i32>} : memref<128x64xi32, #tpu.memory_space<vmem>>, vector<1x16xi32>,
        %get3A_122 = vector.shape_cast %get3A_121 : vector<1x16xi32> to vector<16xi32>
        %shift_left3A = arith.shli %get3A_122, %broadcast_in_dim3A_31 : vector<16xi32>
        %bitcast_convert_type3A = tpu.bitcast %shift_left3A : vector<16xi32> -> vector<16xf32>
        %and3A_123 = arith.andi %get3A_122, %broadcast_in_dim3A_29 : vector<16xi32>
        %bitcast_convert_type3A_124 = tpu.bitcast %and3A_123 : vector<16xi32> -> vector<16xf32>
        %add3A_125 = arith.constant 0 : i32
        %add3A_126 = arith.addi %mul3A_117, %add3A_125 : i32
        %get3A_127 = arith.index_cast %add3A_126 : i32 to index
        %get3A_128 = arith.constant 16 : index
        %get3A_129 = tpu.vector_load %arg7[%get3A_127, %get3A_128] {strides = array<i32>} : memref<128x64xi32, #tpu.memory_space<vmem>>, vector<1x16xi32>,
        %get3A_130 = vector.shape_cast %get3A_129 : vector<1x16xi32> to vector<16xi32>
        %shift_left3A_131 = arith.shli %get3A_130, %broadcast_in_dim3A_31 : vector<16xi32>
        %bitcast_convert_type3A_132 = tpu.bitcast %shift_left3A_131 : vector<16xi32> -> vector<16xf32>
        %and3A_133 = arith.andi %get3A_130, %broadcast_in_dim3A_29 : vector<16xi32>
        %bitcast_convert_type3A_134 = tpu.bitcast %and3A_133 : vector<16xi32> -> vector<16xf32>
        %add3A_135 = arith.constant 0 : i32
        %add3A_136 = arith.addi %mul3A_117, %add3A_135 : i32
        %get3A_137 = arith.index_cast %add3A_136 : i32 to index
        %get3A_138 = arith.constant 32 : index
        %get3A_139 = tpu.vector_load %arg7[%get3A_137, %get3A_138] {strides = array<i32>} : memref<128x64xi32, #tpu.memory_space<vmem>>, vector<1x16xi32>,
        %get3A_140 = vector.shape_cast %get3A_139 : vector<1x16xi32> to vector<16xi32>
        %shift_left3A_141 = arith.shli %get3A_140, %broadcast_in_dim3A_31 : vector<16xi32>
        %bitcast_convert_type3A_142 = tpu.bitcast %shift_left3A_141 : vector<16xi32> -> vector<16xf32>
        %and3A_143 = arith.andi %get3A_140, %broadcast_in_dim3A_29 : vector<16xi32>
        %bitcast_convert_type3A_144 = tpu.bitcast %and3A_143 : vector<16xi32> -> vector<16xf32>
        %add3A_145 = arith.constant 0 : i32
        %add3A_146 = arith.addi %mul3A_117, %add3A_145 : i32
        %get3A_147 = arith.index_cast %add3A_146 : i32 to index
        %get3A_148 = arith.constant 48 : index
        %get3A_149 = tpu.vector_load %arg7[%get3A_147, %get3A_148] {strides = array<i32>} : memref<128x64xi32, #tpu.memory_space<vmem>>, vector<1x16xi32>,
        %get3A_150 = vector.shape_cast %get3A_149 : vector<1x16xi32> to vector<16xi32>
        %shift_left3A_151 = arith.shli %get3A_150, %broadcast_in_dim3A_31 : vector<16xi32>
        %bitcast_convert_type3A_152 = tpu.bitcast %shift_left3A_151 : vector<16xi32> -> vector<16xf32>
        %and3A_153 = arith.andi %get3A_150, %broadcast_in_dim3A_29 : vector<16xi32>
        %bitcast_convert_type3A_154 = tpu.bitcast %and3A_153 : vector<16xi32> -> vector<16xf32>
        %add3A_155 = arith.constant 1 : i32
        %add3A_156 = arith.addi %mul3A_117, %add3A_155 : i32
        %get3A_157 = arith.index_cast %add3A_156 : i32 to index
        %get3A_158 = arith.constant 0 : index
        %get3A_159 = tpu.vector_load %arg7[%get3A_157, %get3A_158] {strides = array<i32>} : memref<128x64xi32, #tpu.memory_space<vmem>>, vector<1x16xi32>,
        %get3A_160 = vector.shape_cast %get3A_159 : vector<1x16xi32> to vector<16xi32>
        %shift_left3A_161 = arith.shli %get3A_160, %broadcast_in_dim3A_31 : vector<16xi32>
        %bitcast_convert_type3A_162 = tpu.bitcast %shift_left3A_161 : vector<16xi32> -> vector<16xf32>
        %and3A_163 = arith.andi %get3A_160, %broadcast_in_dim3A_29 : vector<16xi32>
        %bitcast_convert_type3A_164 = tpu.bitcast %and3A_163 : vector<16xi32> -> vector<16xf32>
        %add3A_165 = arith.addf %bitcast_convert_type3A, %bitcast_convert_type3A_162 : vector<16xf32>
        %add3A_166 = arith.addf %bitcast_convert_type3A_124, %bitcast_convert_type3A_164 : vector<16xf32>
        %add3A_167 = arith.constant 1 : i32
        %add3A_168 = arith.addi %mul3A_117, %add3A_167 : i32
        %get3A_169 = arith.index_cast %add3A_168 : i32 to index
        %get3A_170 = arith.constant 16 : index
        %get3A_171 = tpu.vector_load %arg7[%get3A_169, %get3A_170] {strides = array<i32>} : memref<128x64xi32, #tpu.memory_space<vmem>>, vector<1x16xi32>,
        %get3A_172 = vector.shape_cast %get3A_171 : vector<1x16xi32> to vector<16xi32>
        %shift_left3A_173 = arith.shli %get3A_172, %broadcast_in_dim3A_31 : vector<16xi32>
        %bitcast_convert_type3A_174 = tpu.bitcast %shift_left3A_173 : vector<16xi32> -> vector<16xf32>
        %and3A_175 = arith.andi %get3A_172, %broadcast_in_dim3A_29 : vector<16xi32>
        %bitcast_convert_type3A_176 = tpu.bitcast %and3A_175 : vector<16xi32> -> vector<16xf32>
        %add3A_177 = arith.addf %bitcast_convert_type3A_132, %bitcast_convert_type3A_174 : vector<16xf32>
        %add3A_178 = arith.addf %bitcast_convert_type3A_134, %bitcast_convert_type3A_176 : vector<16xf32>
        %add3A_179 = arith.constant 1 : i32
        %add3A_180 = arith.addi %mul3A_117, %add3A_179 : i32
        %get3A_181 = arith.index_cast %add3A_180 : i32 to index
        %get3A_182 = arith.constant 32 : index
        %get3A_183 = tpu.vector_load %arg7[%get3A_181, %get3A_182] {strides = array<i32>} : memref<128x64xi32, #tpu.memory_space<vmem>>, vector<1x16xi32>,
        %get3A_184 = vector.shape_cast %get3A_183 : vector<1x16xi32> to vector<16xi32>
        %shift_left3A_185 = arith.shli %get3A_184, %broadcast_in_dim3A_31 : vector<16xi32>
        %bitcast_convert_type3A_186 = tpu.bitcast %shift_left3A_185 : vector<16xi32> -> vector<16xf32>
        %and3A_187 = arith.andi %get3A_184, %broadcast_in_dim3A_29 : vector<16xi32>
        %bitcast_convert_type3A_188 = tpu.bitcast %and3A_187 : vector<16xi32> -> vector<16xf32>
        %add3A_189 = arith.addf %bitcast_convert_type3A_142, %bitcast_convert_type3A_186 : vector<16xf32>
        %add3A_190 = arith.addf %bitcast_convert_type3A_144, %bitcast_convert_type3A_188 : vector<16xf32>
        %add3A_191 = arith.constant 1 : i32
        %add3A_192 = arith.addi %mul3A_117, %add3A_191 : i32
        %get3A_193 = arith.index_cast %add3A_192 : i32 to index
        %get3A_194 = arith.constant 48 : index
        %get3A_195 = tpu.vector_load %arg7[%get3A_193, %get3A_194] {strides = array<i32>} : memref<128x64xi32, #tpu.memory_space<vmem>>, vector<1x16xi32>,
        %get3A_196 = vector.shape_cast %get3A_195 : vector<1x16xi32> to vector<16xi32>
        %shift_left3A_197 = arith.shli %get3A_196, %broadcast_in_dim3A_31 : vector<16xi32>
        %bitcast_convert_type3A_198 = tpu.bitcast %shift_left3A_197 : vector<16xi32> -> vector<16xf32>
        %and3A_199 = arith.andi %get3A_196, %broadcast_in_dim3A_29 : vector<16xi32>
        %bitcast_convert_type3A_200 = tpu.bitcast %and3A_199 : vector<16xi32> -> vector<16xf32>
        %add3A_201 = arith.addf %bitcast_convert_type3A_152, %bitcast_convert_type3A_198 : vector<16xf32>
        %add3A_202 = arith.addf %bitcast_convert_type3A_154, %bitcast_convert_type3A_200 : vector<16xf32>
        %add3A_203 = arith.constant 2 : i32
        %add3A_204 = arith.addi %mul3A_117, %add3A_203 : i32
        %get3A_205 = arith.index_cast %add3A_204 : i32 to index
        %get3A_206 = arith.constant 0 : index
        %get3A_207 = tpu.vector_load %arg7[%get3A_205, %get3A_206] {strides = array<i32>} : memref<128x64xi32, #tpu.memory_space<vmem>>, vector<1x16xi32>,
        %get3A_208 = vector.shape_cast %get3A_207 : vector<1x16xi32> to vector<16xi32>
        %shift_left3A_209 = arith.shli %get3A_208, %broadcast_in_dim3A_31 : vector<16xi32>
        %bitcast_convert_type3A_210 = tpu.bitcast %shift_left3A_209 : vector<16xi32> -> vector<16xf32>
        %and3A_211 = arith.andi %get3A_208, %broadcast_in_dim3A_29 : vector<16xi32>
        %bitcast_convert_type3A_212 = tpu.bitcast %and3A_211 : vector<16xi32> -> vector<16xf32>
        %add3A_213 = arith.addf %add3A_165, %bitcast_convert_type3A_210 : vector<16xf32>
        %add3A_214 = arith.addf %add3A_166, %bitcast_convert_type3A_212 : vector<16xf32>
        %add3A_215 = arith.constant 2 : i32
        %add3A_216 = arith.addi %mul3A_117, %add3A_215 : i32
        %get3A_217 = arith.index_cast %add3A_216 : i32 to index
        %get3A_218 = arith.constant 16 : index
        %get3A_219 = tpu.vector_load %arg7[%get3A_217, %get3A_218] {strides = array<i32>} : memref<128x64xi32, #tpu.memory_space<vmem>>, vector<1x16xi32>,
        %get3A_220 = vector.shape_cast %get3A_219 : vector<1x16xi32> to vector<16xi32>
        %shift_left3A_221 = arith.shli %get3A_220, %broadcast_in_dim3A_31 : vector<16xi32>
        %bitcast_convert_type3A_222 = tpu.bitcast %shift_left3A_221 : vector<16xi32> -> vector<16xf32>
        %and3A_223 = arith.andi %get3A_220, %broadcast_in_dim3A_29 : vector<16xi32>
        %bitcast_convert_type3A_224 = tpu.bitcast %and3A_223 : vector<16xi32> -> vector<16xf32>
        %add3A_225 = arith.addf %add3A_177, %bitcast_convert_type3A_222 : vector<16xf32>
        %add3A_226 = arith.addf %add3A_178, %bitcast_convert_type3A_224 : vector<16xf32>
        %add3A_227 = arith.constant 2 : i32
        %add3A_228 = arith.addi %mul3A_117, %add3A_227 : i32
        %get3A_229 = arith.index_cast %add3A_228 : i32 to index
        %get3A_230 = arith.constant 32 : index
        %get3A_231 = tpu.vector_load %arg7[%get3A_229, %get3A_230] {strides = array<i32>} : memref<128x64xi32, #tpu.memory_space<vmem>>, vector<1x16xi32>,
        %get3A_232 = vector.shape_cast %get3A_231 : vector<1x16xi32> to vector<16xi32>
        %shift_left3A_233 = arith.shli %get3A_232, %broadcast_in_dim3A_31 : vector<16xi32>
        %bitcast_convert_type3A_234 = tpu.bitcast %shift_left3A_233 : vector<16xi32> -> vector<16xf32>
        %and3A_235 = arith.andi %get3A_232, %broadcast_in_dim3A_29 : vector<16xi32>
        %bitcast_convert_type3A_236 = tpu.bitcast %and3A_235 : vector<16xi32> -> vector<16xf32>
        %add3A_237 = arith.addf %add3A_189, %bitcast_convert_type3A_234 : vector<16xf32>
        %add3A_238 = arith.addf %add3A_190, %bitcast_convert_type3A_236 : vector<16xf32>
        %add3A_239 = arith.constant 2 : i32
        %add3A_240 = arith.addi %mul3A_117, %add3A_239 : i32
        %get3A_241 = arith.index_cast %add3A_240 : i32 to index
        %get3A_242 = arith.constant 48 : index
        %get3A_243 = tpu.vector_load %arg7[%get3A_241, %get3A_242] {strides = array<i32>} : memref<128x64xi32, #tpu.memory_space<vmem>>, vector<1x16xi32>,
        %get3A_244 = vector.shape_cast %get3A_243 : vector<1x16xi32> to vector<16xi32>
        %shift_left3A_245 = arith.shli %get3A_244, %broadcast_in_dim3A_31 : vector<16xi32>
        %bitcast_convert_type3A_246 = tpu.bitcast %shift_left3A_245 : vector<16xi32> -> vector<16xf32>
        %and3A_247 = arith.andi %get3A_244, %broadcast_in_dim3A_29 : vector<16xi32>
        %bitcast_convert_type3A_248 = tpu.bitcast %and3A_247 : vector<16xi32> -> vector<16xf32>
        %add3A_249 = arith.addf %add3A_201, %bitcast_convert_type3A_246 : vector<16xf32>
        %add3A_250 = arith.addf %add3A_202, %bitcast_convert_type3A_248 : vector<16xf32>
        %add3A_251 = arith.constant 3 : i32
        %add3A_252 = arith.addi %mul3A_117, %add3A_251 : i32
        %get3A_253 = arith.index_cast %add3A_252 : i32 to index
        %get3A_254 = arith.constant 0 : index
        %get3A_255 = tpu.vector_load %arg7[%get3A_253, %get3A_254] {strides = array<i32>} : memref<128x64xi32, #tpu.memory_space<vmem>>, vector<1x16xi32>,
        %get3A_256 = vector.shape_cast %get3A_255 : vector<1x16xi32> to vector<16xi32>
        %shift_left3A_257 = arith.shli %get3A_256, %broadcast_in_dim3A_31 : vector<16xi32>
        %bitcast_convert_type3A_258 = tpu.bitcast %shift_left3A_257 : vector<16xi32> -> vector<16xf32>
        %and3A_259 = arith.andi %get3A_256, %broadcast_in_dim3A_29 : vector<16xi32>
        %bitcast_convert_type3A_260 = tpu.bitcast %and3A_259 : vector<16xi32> -> vector<16xf32>
        %add3A_261 = arith.addf %add3A_213, %bitcast_convert_type3A_258 : vector<16xf32>
        %add3A_262 = arith.addf %add3A_214, %bitcast_convert_type3A_260 : vector<16xf32>
        %add3A_263 = arith.constant 3 : i32
        %add3A_264 = arith.addi %mul3A_117, %add3A_263 : i32
        %get3A_265 = arith.index_cast %add3A_264 : i32 to index
        %get3A_266 = arith.constant 16 : index
        %get3A_267 = tpu.vector_load %arg7[%get3A_265, %get3A_266] {strides = array<i32>} : memref<128x64xi32, #tpu.memory_space<vmem>>, vector<1x16xi32>,
        %get3A_268 = vector.shape_cast %get3A_267 : vector<1x16xi32> to vector<16xi32>
        %shift_left3A_269 = arith.shli %get3A_268, %broadcast_in_dim3A_31 : vector<16xi32>
        %bitcast_convert_type3A_270 = tpu.bitcast %shift_left3A_269 : vector<16xi32> -> vector<16xf32>
        %and3A_271 = arith.andi %get3A_268, %broadcast_in_dim3A_29 : vector<16xi32>
        %bitcast_convert_type3A_272 = tpu.bitcast %and3A_271 : vector<16xi32> -> vector<16xf32>
        %add3A_273 = arith.addf %add3A_225, %bitcast_convert_type3A_270 : vector<16xf32>
        %add3A_274 = arith.addf %add3A_226, %bitcast_convert_type3A_272 : vector<16xf32>
        %add3A_275 = arith.constant 3 : i32
        %add3A_276 = arith.addi %mul3A_117, %add3A_275 : i32
        %get3A_277 = arith.index_cast %add3A_276 : i32 to index
        %get3A_278 = arith.constant 32 : index
        %get3A_279 = tpu.vector_load %arg7[%get3A_277, %get3A_278] {strides = array<i32>} : memref<128x64xi32, #tpu.memory_space<vmem>>, vector<1x16xi32>,
        %get3A_280 = vector.shape_cast %get3A_279 : vector<1x16xi32> to vector<16xi32>
        %shift_left3A_281 = arith.shli %get3A_280, %broadcast_in_dim3A_31 : vector<16xi32>
        %bitcast_convert_type3A_282 = tpu.bitcast %shift_left3A_281 : vector<16xi32> -> vector<16xf32>
        %and3A_283 = arith.andi %get3A_280, %broadcast_in_dim3A_29 : vector<16xi32>
        %bitcast_convert_type3A_284 = tpu.bitcast %and3A_283 : vector<16xi32> -> vector<16xf32>
        %add3A_285 = arith.addf %add3A_237, %bitcast_convert_type3A_282 : vector<16xf32>
        %add3A_286 = arith.addf %add3A_238, %bitcast_convert_type3A_284 : vector<16xf32>
        %add3A_287 = arith.constant 3 : i32
        %add3A_288 = arith.addi %mul3A_117, %add3A_287 : i32
        %get3A_289 = arith.index_cast %add3A_288 : i32 to index
        %get3A_290 = arith.constant 48 : index
        %get3A_291 = tpu.vector_load %arg7[%get3A_289, %get3A_290] {strides = array<i32>} : memref<128x64xi32, #tpu.memory_space<vmem>>, vector<1x16xi32>,
        %get3A_292 = vector.shape_cast %get3A_291 : vector<1x16xi32> to vector<16xi32>
        %shift_left3A_293 = arith.shli %get3A_292, %broadcast_in_dim3A_31 : vector<16xi32>
        %bitcast_convert_type3A_294 = tpu.bitcast %shift_left3A_293 : vector<16xi32> -> vector<16xf32>
        %and3A_295 = arith.andi %get3A_292, %broadcast_in_dim3A_29 : vector<16xi32>
        %bitcast_convert_type3A_296 = tpu.bitcast %and3A_295 : vector<16xi32> -> vector<16xf32>
        %add3A_297 = arith.addf %add3A_249, %bitcast_convert_type3A_294 : vector<16xf32>
        %add3A_298 = arith.addf %add3A_250, %bitcast_convert_type3A_296 : vector<16xf32>
        %add3A_299 = arith.constant 4 : i32
        %add3A_300 = arith.addi %mul3A_117, %add3A_299 : i32
        %get3A_301 = arith.index_cast %add3A_300 : i32 to index
        %get3A_302 = arith.constant 0 : index
        %get3A_303 = tpu.vector_load %arg7[%get3A_301, %get3A_302] {strides = array<i32>} : memref<128x64xi32, #tpu.memory_space<vmem>>, vector<1x16xi32>,
        %get3A_304 = vector.shape_cast %get3A_303 : vector<1x16xi32> to vector<16xi32>
        %shift_left3A_305 = arith.shli %get3A_304, %broadcast_in_dim3A_31 : vector<16xi32>
        %bitcast_convert_type3A_306 = tpu.bitcast %shift_left3A_305 : vector<16xi32> -> vector<16xf32>
        %and3A_307 = arith.andi %get3A_304, %broadcast_in_dim3A_29 : vector<16xi32>
        %bitcast_convert_type3A_308 = tpu.bitcast %and3A_307 : vector<16xi32> -> vector<16xf32>
        %add3A_309 = arith.addf %add3A_261, %bitcast_convert_type3A_306 : vector<16xf32>
        %add3A_310 = arith.addf %add3A_262, %bitcast_convert_type3A_308 : vector<16xf32>
        %add3A_311 = arith.constant 4 : i32
        %add3A_312 = arith.addi %mul3A_117, %add3A_311 : i32
        %get3A_313 = arith.index_cast %add3A_312 : i32 to index
        %get3A_314 = arith.constant 16 : index
        %get3A_315 = tpu.vector_load %arg7[%get3A_313, %get3A_314] {strides = array<i32>} : memref<128x64xi32, #tpu.memory_space<vmem>>, vector<1x16xi32>,
        %get3A_316 = vector.shape_cast %get3A_315 : vector<1x16xi32> to vector<16xi32>
        %shift_left3A_317 = arith.shli %get3A_316, %broadcast_in_dim3A_31 : vector<16xi32>
        %bitcast_convert_type3A_318 = tpu.bitcast %shift_left3A_317 : vector<16xi32> -> vector<16xf32>
        %and3A_319 = arith.andi %get3A_316, %broadcast_in_dim3A_29 : vector<16xi32>
        %bitcast_convert_type3A_320 = tpu.bitcast %and3A_319 : vector<16xi32> -> vector<16xf32>
        %add3A_321 = arith.addf %add3A_273, %bitcast_convert_type3A_318 : vector<16xf32>
        %add3A_322 = arith.addf %add3A_274, %bitcast_convert_type3A_320 : vector<16xf32>
        %add3A_323 = arith.constant 4 : i32
        %add3A_324 = arith.addi %mul3A_117, %add3A_323 : i32
        %get3A_325 = arith.index_cast %add3A_324 : i32 to index
        %get3A_326 = arith.constant 32 : index
        %get3A_327 = tpu.vector_load %arg7[%get3A_325, %get3A_326] {strides = array<i32>} : memref<128x64xi32, #tpu.memory_space<vmem>>, vector<1x16xi32>,
        %get3A_328 = vector.shape_cast %get3A_327 : vector<1x16xi32> to vector<16xi32>
        %shift_left3A_329 = arith.shli %get3A_328, %broadcast_in_dim3A_31 : vector<16xi32>
        %bitcast_convert_type3A_330 = tpu.bitcast %shift_left3A_329 : vector<16xi32> -> vector<16xf32>
        %and3A_331 = arith.andi %get3A_328, %broadcast_in_dim3A_29 : vector<16xi32>
        %bitcast_convert_type3A_332 = tpu.bitcast %and3A_331 : vector<16xi32> -> vector<16xf32>
        %add3A_333 = arith.addf %add3A_285, %bitcast_convert_type3A_330 : vector<16xf32>
        %add3A_334 = arith.addf %add3A_286, %bitcast_convert_type3A_332 : vector<16xf32>
        %add3A_335 = arith.constant 4 : i32
        %add3A_336 = arith.addi %mul3A_117, %add3A_335 : i32
        %get3A_337 = arith.index_cast %add3A_336 : i32 to index
        %get3A_338 = arith.constant 48 : index
        %get3A_339 = tpu.vector_load %arg7[%get3A_337, %get3A_338] {strides = array<i32>} : memref<128x64xi32, #tpu.memory_space<vmem>>, vector<1x16xi32>,
        %get3A_340 = vector.shape_cast %get3A_339 : vector<1x16xi32> to vector<16xi32>
        %shift_left3A_341 = arith.shli %get3A_340, %broadcast_in_dim3A_31 : vector<16xi32>
        %bitcast_convert_type3A_342 = tpu.bitcast %shift_left3A_341 : vector<16xi32> -> vector<16xf32>
        %and3A_343 = arith.andi %get3A_340, %broadcast_in_dim3A_29 : vector<16xi32>
        %bitcast_convert_type3A_344 = tpu.bitcast %and3A_343 : vector<16xi32> -> vector<16xf32>
        %add3A_345 = arith.addf %add3A_297, %bitcast_convert_type3A_342 : vector<16xf32>
        %add3A_346 = arith.addf %add3A_298, %bitcast_convert_type3A_344 : vector<16xf32>
        %add3A_347 = arith.constant 5 : i32
        %add3A_348 = arith.addi %mul3A_117, %add3A_347 : i32
        %get3A_349 = arith.index_cast %add3A_348 : i32 to index
        %get3A_350 = arith.constant 0 : index
        %get3A_351 = tpu.vector_load %arg7[%get3A_349, %get3A_350] {strides = array<i32>} : memref<128x64xi32, #tpu.memory_space<vmem>>, vector<1x16xi32>,
        %get3A_352 = vector.shape_cast %get3A_351 : vector<1x16xi32> to vector<16xi32>
        %shift_left3A_353 = arith.shli %get3A_352, %broadcast_in_dim3A_31 : vector<16xi32>
        %bitcast_convert_type3A_354 = tpu.bitcast %shift_left3A_353 : vector<16xi32> -> vector<16xf32>
        %and3A_355 = arith.andi %get3A_352, %broadcast_in_dim3A_29 : vector<16xi32>
        %bitcast_convert_type3A_356 = tpu.bitcast %and3A_355 : vector<16xi32> -> vector<16xf32>
        %add3A_357 = arith.addf %add3A_309, %bitcast_convert_type3A_354 : vector<16xf32>
        %add3A_358 = arith.addf %add3A_310, %bitcast_convert_type3A_356 : vector<16xf32>
        %add3A_359 = arith.constant 5 : i32
        %add3A_360 = arith.addi %mul3A_117, %add3A_359 : i32
        %get3A_361 = arith.index_cast %add3A_360 : i32 to index
        %get3A_362 = arith.constant 16 : index
        %get3A_363 = tpu.vector_load %arg7[%get3A_361, %get3A_362] {strides = array<i32>} : memref<128x64xi32, #tpu.memory_space<vmem>>, vector<1x16xi32>,
        %get3A_364 = vector.shape_cast %get3A_363 : vector<1x16xi32> to vector<16xi32>
        %shift_left3A_365 = arith.shli %get3A_364, %broadcast_in_dim3A_31 : vector<16xi32>
        %bitcast_convert_type3A_366 = tpu.bitcast %shift_left3A_365 : vector<16xi32> -> vector<16xf32>
        %and3A_367 = arith.andi %get3A_364, %broadcast_in_dim3A_29 : vector<16xi32>
        %bitcast_convert_type3A_368 = tpu.bitcast %and3A_367 : vector<16xi32> -> vector<16xf32>
        %add3A_369 = arith.addf %add3A_321, %bitcast_convert_type3A_366 : vector<16xf32>
        %add3A_370 = arith.addf %add3A_322, %bitcast_convert_type3A_368 : vector<16xf32>
        %add3A_371 = arith.constant 5 : i32
        %add3A_372 = arith.addi %mul3A_117, %add3A_371 : i32
        %get3A_373 = arith.index_cast %add3A_372 : i32 to index
        %get3A_374 = arith.constant 32 : index
        %get3A_375 = tpu.vector_load %arg7[%get3A_373, %get3A_374] {strides = array<i32>} : memref<128x64xi32, #tpu.memory_space<vmem>>, vector<1x16xi32>,
        %get3A_376 = vector.shape_cast %get3A_375 : vector<1x16xi32> to vector<16xi32>
        %shift_left3A_377 = arith.shli %get3A_376, %broadcast_in_dim3A_31 : vector<16xi32>
        %bitcast_convert_type3A_378 = tpu.bitcast %shift_left3A_377 : vector<16xi32> -> vector<16xf32>
        %and3A_379 = arith.andi %get3A_376, %broadcast_in_dim3A_29 : vector<16xi32>
        %bitcast_convert_type3A_380 = tpu.bitcast %and3A_379 : vector<16xi32> -> vector<16xf32>
        %add3A_381 = arith.addf %add3A_333, %bitcast_convert_type3A_378 : vector<16xf32>
        %add3A_382 = arith.addf %add3A_334, %bitcast_convert_type3A_380 : vector<16xf32>
        %add3A_383 = arith.constant 5 : i32
        %add3A_384 = arith.addi %mul3A_117, %add3A_383 : i32
        %get3A_385 = arith.index_cast %add3A_384 : i32 to index
        %get3A_386 = arith.constant 48 : index
        %get3A_387 = tpu.vector_load %arg7[%get3A_385, %get3A_386] {strides = array<i32>} : memref<128x64xi32, #tpu.memory_space<vmem>>, vector<1x16xi32>,
        %get3A_388 = vector.shape_cast %get3A_387 : vector<1x16xi32> to vector<16xi32>
        %shift_left3A_389 = arith.shli %get3A_388, %broadcast_in_dim3A_31 : vector<16xi32>
        %bitcast_convert_type3A_390 = tpu.bitcast %shift_left3A_389 : vector<16xi32> -> vector<16xf32>
        %and3A_391 = arith.andi %get3A_388, %broadcast_in_dim3A_29 : vector<16xi32>
        %bitcast_convert_type3A_392 = tpu.bitcast %and3A_391 : vector<16xi32> -> vector<16xf32>
        %add3A_393 = arith.addf %add3A_345, %bitcast_convert_type3A_390 : vector<16xf32>
        %add3A_394 = arith.addf %add3A_346, %bitcast_convert_type3A_392 : vector<16xf32>
        %add3A_395 = arith.constant 6 : i32
        %add3A_396 = arith.addi %mul3A_117, %add3A_395 : i32
        %get3A_397 = arith.index_cast %add3A_396 : i32 to index
        %get3A_398 = arith.constant 0 : index
        %get3A_399 = tpu.vector_load %arg7[%get3A_397, %get3A_398] {strides = array<i32>} : memref<128x64xi32, #tpu.memory_space<vmem>>, vector<1x16xi32>,
        %get3A_400 = vector.shape_cast %get3A_399 : vector<1x16xi32> to vector<16xi32>
        %shift_left3A_401 = arith.shli %get3A_400, %broadcast_in_dim3A_31 : vector<16xi32>
        %bitcast_convert_type3A_402 = tpu.bitcast %shift_left3A_401 : vector<16xi32> -> vector<16xf32>
        %and3A_403 = arith.andi %get3A_400, %broadcast_in_dim3A_29 : vector<16xi32>
        %bitcast_convert_type3A_404 = tpu.bitcast %and3A_403 : vector<16xi32> -> vector<16xf32>
        %add3A_405 = arith.addf %add3A_357, %bitcast_convert_type3A_402 : vector<16xf32>
        %add3A_406 = arith.addf %add3A_358, %bitcast_convert_type3A_404 : vector<16xf32>
        %add3A_407 = arith.constant 6 : i32
        %add3A_408 = arith.addi %mul3A_117, %add3A_407 : i32
        %get3A_409 = arith.index_cast %add3A_408 : i32 to index
        %get3A_410 = arith.constant 16 : index
        %get3A_411 = tpu.vector_load %arg7[%get3A_409, %get3A_410] {strides = array<i32>} : memref<128x64xi32, #tpu.memory_space<vmem>>, vector<1x16xi32>,
        %get3A_412 = vector.shape_cast %get3A_411 : vector<1x16xi32> to vector<16xi32>
        %shift_left3A_413 = arith.shli %get3A_412, %broadcast_in_dim3A_31 : vector<16xi32>
        %bitcast_convert_type3A_414 = tpu.bitcast %shift_left3A_413 : vector<16xi32> -> vector<16xf32>
        %and3A_415 = arith.andi %get3A_412, %broadcast_in_dim3A_29 : vector<16xi32>
        %bitcast_convert_type3A_416 = tpu.bitcast %and3A_415 : vector<16xi32> -> vector<16xf32>
        %add3A_417 = arith.addf %add3A_369, %bitcast_convert_type3A_414 : vector<16xf32>
        %add3A_418 = arith.addf %add3A_370, %bitcast_convert_type3A_416 : vector<16xf32>
        %add3A_419 = arith.constant 6 : i32
        %add3A_420 = arith.addi %mul3A_117, %add3A_419 : i32
        %get3A_421 = arith.index_cast %add3A_420 : i32 to index
        %get3A_422 = arith.constant 32 : index
        %get3A_423 = tpu.vector_load %arg7[%get3A_421, %get3A_422] {strides = array<i32>} : memref<128x64xi32, #tpu.memory_space<vmem>>, vector<1x16xi32>,
        %get3A_424 = vector.shape_cast %get3A_423 : vector<1x16xi32> to vector<16xi32>
        %shift_left3A_425 = arith.shli %get3A_424, %broadcast_in_dim3A_31 : vector<16xi32>
        %bitcast_convert_type3A_426 = tpu.bitcast %shift_left3A_425 : vector<16xi32> -> vector<16xf32>
        %and3A_427 = arith.andi %get3A_424, %broadcast_in_dim3A_29 : vector<16xi32>
        %bitcast_convert_type3A_428 = tpu.bitcast %and3A_427 : vector<16xi32> -> vector<16xf32>
        %add3A_429 = arith.addf %add3A_381, %bitcast_convert_type3A_426 : vector<16xf32>
        %add3A_430 = arith.addf %add3A_382, %bitcast_convert_type3A_428 : vector<16xf32>
        %add3A_431 = arith.constant 6 : i32
        %add3A_432 = arith.addi %mul3A_117, %add3A_431 : i32
        %get3A_433 = arith.index_cast %add3A_432 : i32 to index
        %get3A_434 = arith.constant 48 : index
        %get3A_435 = tpu.vector_load %arg7[%get3A_433, %get3A_434] {strides = array<i32>} : memref<128x64xi32, #tpu.memory_space<vmem>>, vector<1x16xi32>,
        %get3A_436 = vector.shape_cast %get3A_435 : vector<1x16xi32> to vector<16xi32>
        %shift_left3A_437 = arith.shli %get3A_436, %broadcast_in_dim3A_31 : vector<16xi32>
        %bitcast_convert_type3A_438 = tpu.bitcast %shift_left3A_437 : vector<16xi32> -> vector<16xf32>
        %and3A_439 = arith.andi %get3A_436, %broadcast_in_dim3A_29 : vector<16xi32>
        %bitcast_convert_type3A_440 = tpu.bitcast %and3A_439 : vector<16xi32> -> vector<16xf32>
        %add3A_441 = arith.addf %add3A_393, %bitcast_convert_type3A_438 : vector<16xf32>
        %add3A_442 = arith.addf %add3A_394, %bitcast_convert_type3A_440 : vector<16xf32>
        %add3A_443 = arith.constant 7 : i32
        %add3A_444 = arith.addi %mul3A_117, %add3A_443 : i32
        %get3A_445 = arith.index_cast %add3A_444 : i32 to index
        %get3A_446 = arith.constant 0 : index
        %get3A_447 = tpu.vector_load %arg7[%get3A_445, %get3A_446] {strides = array<i32>} : memref<128x64xi32, #tpu.memory_space<vmem>>, vector<1x16xi32>,
        %get3A_448 = vector.shape_cast %get3A_447 : vector<1x16xi32> to vector<16xi32>
        %shift_left3A_449 = arith.shli %get3A_448, %broadcast_in_dim3A_31 : vector<16xi32>
        %bitcast_convert_type3A_450 = tpu.bitcast %shift_left3A_449 : vector<16xi32> -> vector<16xf32>
        %and3A_451 = arith.andi %get3A_448, %broadcast_in_dim3A_29 : vector<16xi32>
        %bitcast_convert_type3A_452 = tpu.bitcast %and3A_451 : vector<16xi32> -> vector<16xf32>
        %add3A_453 = arith.addf %add3A_405, %bitcast_convert_type3A_450 : vector<16xf32>
        %add3A_454 = arith.addf %add3A_406, %bitcast_convert_type3A_452 : vector<16xf32>
        %add3A_455 = arith.constant 7 : i32
        %add3A_456 = arith.addi %mul3A_117, %add3A_455 : i32
        %get3A_457 = arith.index_cast %add3A_456 : i32 to index
        %get3A_458 = arith.constant 16 : index
        %get3A_459 = tpu.vector_load %arg7[%get3A_457, %get3A_458] {strides = array<i32>} : memref<128x64xi32, #tpu.memory_space<vmem>>, vector<1x16xi32>,
        %get3A_460 = vector.shape_cast %get3A_459 : vector<1x16xi32> to vector<16xi32>
        %shift_left3A_461 = arith.shli %get3A_460, %broadcast_in_dim3A_31 : vector<16xi32>
        %bitcast_convert_type3A_462 = tpu.bitcast %shift_left3A_461 : vector<16xi32> -> vector<16xf32>
        %and3A_463 = arith.andi %get3A_460, %broadcast_in_dim3A_29 : vector<16xi32>
        %bitcast_convert_type3A_464 = tpu.bitcast %and3A_463 : vector<16xi32> -> vector<16xf32>
        %add3A_465 = arith.addf %add3A_417, %bitcast_convert_type3A_462 : vector<16xf32>
        %add3A_466 = arith.addf %add3A_418, %bitcast_convert_type3A_464 : vector<16xf32>
        %add3A_467 = arith.constant 7 : i32
        %add3A_468 = arith.addi %mul3A_117, %add3A_467 : i32
        %get3A_469 = arith.index_cast %add3A_468 : i32 to index
        %get3A_470 = arith.constant 32 : index
        %get3A_471 = tpu.vector_load %arg7[%get3A_469, %get3A_470] {strides = array<i32>} : memref<128x64xi32, #tpu.memory_space<vmem>>, vector<1x16xi32>,
        %get3A_472 = vector.shape_cast %get3A_471 : vector<1x16xi32> to vector<16xi32>
        %shift_left3A_473 = arith.shli %get3A_472, %broadcast_in_dim3A_31 : vector<16xi32>
        %bitcast_convert_type3A_474 = tpu.bitcast %shift_left3A_473 : vector<16xi32> -> vector<16xf32>
        %and3A_475 = arith.andi %get3A_472, %broadcast_in_dim3A_29 : vector<16xi32>
        %bitcast_convert_type3A_476 = tpu.bitcast %and3A_475 : vector<16xi32> -> vector<16xf32>
        %add3A_477 = arith.addf %add3A_429, %bitcast_convert_type3A_474 : vector<16xf32>
        %add3A_478 = arith.addf %add3A_430, %bitcast_convert_type3A_476 : vector<16xf32>
        %add3A_479 = arith.constant 7 : i32
        %add3A_480 = arith.addi %mul3A_117, %add3A_479 : i32
        %get3A_481 = arith.index_cast %add3A_480 : i32 to index
        %get3A_482 = arith.constant 48 : index
        %get3A_483 = tpu.vector_load %arg7[%get3A_481, %get3A_482] {strides = array<i32>} : memref<128x64xi32, #tpu.memory_space<vmem>>, vector<1x16xi32>,
        %get3A_484 = vector.shape_cast %get3A_483 : vector<1x16xi32> to vector<16xi32>
        %shift_left3A_485 = arith.shli %get3A_484, %broadcast_in_dim3A_31 : vector<16xi32>
        %bitcast_convert_type3A_486 = tpu.bitcast %shift_left3A_485 : vector<16xi32> -> vector<16xf32>
        %and3A_487 = arith.andi %get3A_484, %broadcast_in_dim3A_29 : vector<16xi32>
        %bitcast_convert_type3A_488 = tpu.bitcast %and3A_487 : vector<16xi32> -> vector<16xf32>
        %add3A_489 = arith.addf %add3A_441, %bitcast_convert_type3A_486 : vector<16xf32>
        %add3A_490 = arith.addf %add3A_442, %bitcast_convert_type3A_488 : vector<16xf32>
        %add3A_491 = arith.constant 8 : i32
        %add3A_492 = arith.addi %mul3A_117, %add3A_491 : i32
        %get3A_493 = arith.index_cast %add3A_492 : i32 to index
        %get3A_494 = arith.constant 0 : index
        %get3A_495 = tpu.vector_load %arg7[%get3A_493, %get3A_494] {strides = array<i32>} : memref<128x64xi32, #tpu.memory_space<vmem>>, vector<1x16xi32>,
        %get3A_496 = vector.shape_cast %get3A_495 : vector<1x16xi32> to vector<16xi32>
        %shift_left3A_497 = arith.shli %get3A_496, %broadcast_in_dim3A_31 : vector<16xi32>
        %bitcast_convert_type3A_498 = tpu.bitcast %shift_left3A_497 : vector<16xi32> -> vector<16xf32>
        %and3A_499 = arith.andi %get3A_496, %broadcast_in_dim3A_29 : vector<16xi32>
        %bitcast_convert_type3A_500 = tpu.bitcast %and3A_499 : vector<16xi32> -> vector<16xf32>
        %add3A_501 = arith.addf %add3A_453, %bitcast_convert_type3A_498 : vector<16xf32>
        %add3A_502 = arith.addf %add3A_454, %bitcast_convert_type3A_500 : vector<16xf32>
        %add3A_503 = arith.constant 8 : i32
        %add3A_504 = arith.addi %mul3A_117, %add3A_503 : i32
        %get3A_505 = arith.index_cast %add3A_504 : i32 to index
        %get3A_506 = arith.constant 16 : index
        %get3A_507 = tpu.vector_load %arg7[%get3A_505, %get3A_506] {strides = array<i32>} : memref<128x64xi32, #tpu.memory_space<vmem>>, vector<1x16xi32>,
        %get3A_508 = vector.shape_cast %get3A_507 : vector<1x16xi32> to vector<16xi32>
        %shift_left3A_509 = arith.shli %get3A_508, %broadcast_in_dim3A_31 : vector<16xi32>
        %bitcast_convert_type3A_510 = tpu.bitcast %shift_left3A_509 : vector<16xi32> -> vector<16xf32>
        %and3A_511 = arith.andi %get3A_508, %broadcast_in_dim3A_29 : vector<16xi32>
        %bitcast_convert_type3A_512 = tpu.bitcast %and3A_511 : vector<16xi32> -> vector<16xf32>
        %add3A_513 = arith.addf %add3A_465, %bitcast_convert_type3A_510 : vector<16xf32>
        %add3A_514 = arith.addf %add3A_466, %bitcast_convert_type3A_512 : vector<16xf32>
        %add3A_515 = arith.constant 8 : i32
        %add3A_516 = arith.addi %mul3A_117, %add3A_515 : i32
        %get3A_517 = arith.index_cast %add3A_516 : i32 to index
        %get3A_518 = arith.constant 32 : index
        %get3A_519 = tpu.vector_load %arg7[%get3A_517, %get3A_518] {strides = array<i32>} : memref<128x64xi32, #tpu.memory_space<vmem>>, vector<1x16xi32>,
        %get3A_520 = vector.shape_cast %get3A_519 : vector<1x16xi32> to vector<16xi32>
        %shift_left3A_521 = arith.shli %get3A_520, %broadcast_in_dim3A_31 : vector<16xi32>
        %bitcast_convert_type3A_522 = tpu.bitcast %shift_left3A_521 : vector<16xi32> -> vector<16xf32>
        %and3A_523 = arith.andi %get3A_520, %broadcast_in_dim3A_29 : vector<16xi32>
        %bitcast_convert_type3A_524 = tpu.bitcast %and3A_523 : vector<16xi32> -> vector<16xf32>
        %add3A_525 = arith.addf %add3A_477, %bitcast_convert_type3A_522 : vector<16xf32>
        %add3A_526 = arith.addf %add3A_478, %bitcast_convert_type3A_524 : vector<16xf32>
        %add3A_527 = arith.constant 8 : i32
        %add3A_528 = arith.addi %mul3A_117, %add3A_527 : i32
        %get3A_529 = arith.index_cast %add3A_528 : i32 to index
        %get3A_530 = arith.constant 48 : index
        %get3A_531 = tpu.vector_load %arg7[%get3A_529, %get3A_530] {strides = array<i32>} : memref<128x64xi32, #tpu.memory_space<vmem>>, vector<1x16xi32>,
        %get3A_532 = vector.shape_cast %get3A_531 : vector<1x16xi32> to vector<16xi32>
        %shift_left3A_533 = arith.shli %get3A_532, %broadcast_in_dim3A_31 : vector<16xi32>
        %bitcast_convert_type3A_534 = tpu.bitcast %shift_left3A_533 : vector<16xi32> -> vector<16xf32>
        %and3A_535 = arith.andi %get3A_532, %broadcast_in_dim3A_29 : vector<16xi32>
        %bitcast_convert_type3A_536 = tpu.bitcast %and3A_535 : vector<16xi32> -> vector<16xf32>
        %add3A_537 = arith.addf %add3A_489, %bitcast_convert_type3A_534 : vector<16xf32>
        %add3A_538 = arith.addf %add3A_490, %bitcast_convert_type3A_536 : vector<16xf32>
        %add3A_539 = arith.constant 9 : i32
        %add3A_540 = arith.addi %mul3A_117, %add3A_539 : i32
        %get3A_541 = arith.index_cast %add3A_540 : i32 to index
        %get3A_542 = arith.constant 0 : index
        %get3A_543 = tpu.vector_load %arg7[%get3A_541, %get3A_542] {strides = array<i32>} : memref<128x64xi32, #tpu.memory_space<vmem>>, vector<1x16xi32>,
        %get3A_544 = vector.shape_cast %get3A_543 : vector<1x16xi32> to vector<16xi32>
        %shift_left3A_545 = arith.shli %get3A_544, %broadcast_in_dim3A_31 : vector<16xi32>
        %bitcast_convert_type3A_546 = tpu.bitcast %shift_left3A_545 : vector<16xi32> -> vector<16xf32>
        %and3A_547 = arith.andi %get3A_544, %broadcast_in_dim3A_29 : vector<16xi32>
        %bitcast_convert_type3A_548 = tpu.bitcast %and3A_547 : vector<16xi32> -> vector<16xf32>
        %add3A_549 = arith.addf %add3A_501, %bitcast_convert_type3A_546 : vector<16xf32>
        %add3A_550 = arith.addf %add3A_502, %bitcast_convert_type3A_548 : vector<16xf32>
        %add3A_551 = arith.constant 9 : i32
        %add3A_552 = arith.addi %mul3A_117, %add3A_551 : i32
        %get3A_553 = arith.index_cast %add3A_552 : i32 to index
        %get3A_554 = arith.constant 16 : index
        %get3A_555 = tpu.vector_load %arg7[%get3A_553, %get3A_554] {strides = array<i32>} : memref<128x64xi32, #tpu.memory_space<vmem>>, vector<1x16xi32>,
        %get3A_556 = vector.shape_cast %get3A_555 : vector<1x16xi32> to vector<16xi32>
        %shift_left3A_557 = arith.shli %get3A_556, %broadcast_in_dim3A_31 : vector<16xi32>
        %bitcast_convert_type3A_558 = tpu.bitcast %shift_left3A_557 : vector<16xi32> -> vector<16xf32>
        %and3A_559 = arith.andi %get3A_556, %broadcast_in_dim3A_29 : vector<16xi32>
        %bitcast_convert_type3A_560 = tpu.bitcast %and3A_559 : vector<16xi32> -> vector<16xf32>
        %add3A_561 = arith.addf %add3A_513, %bitcast_convert_type3A_558 : vector<16xf32>
        %add3A_562 = arith.addf %add3A_514, %bitcast_convert_type3A_560 : vector<16xf32>
        %add3A_563 = arith.constant 9 : i32
        %add3A_564 = arith.addi %mul3A_117, %add3A_563 : i32
        %get3A_565 = arith.index_cast %add3A_564 : i32 to index
        %get3A_566 = arith.constant 32 : index
        %get3A_567 = tpu.vector_load %arg7[%get3A_565, %get3A_566] {strides = array<i32>} : memref<128x64xi32, #tpu.memory_space<vmem>>, vector<1x16xi32>,
        %get3A_568 = vector.shape_cast %get3A_567 : vector<1x16xi32> to vector<16xi32>
        %shift_left3A_569 = arith.shli %get3A_568, %broadcast_in_dim3A_31 : vector<16xi32>
        %bitcast_convert_type3A_570 = tpu.bitcast %shift_left3A_569 : vector<16xi32> -> vector<16xf32>
        %and3A_571 = arith.andi %get3A_568, %broadcast_in_dim3A_29 : vector<16xi32>
        %bitcast_convert_type3A_572 = tpu.bitcast %and3A_571 : vector<16xi32> -> vector<16xf32>
        %add3A_573 = arith.addf %add3A_525, %bitcast_convert_type3A_570 : vector<16xf32>
        %add3A_574 = arith.addf %add3A_526, %bitcast_convert_type3A_572 : vector<16xf32>
        %add3A_575 = arith.constant 9 : i32
        %add3A_576 = arith.addi %mul3A_117, %add3A_575 : i32
        %get3A_577 = arith.index_cast %add3A_576 : i32 to index
        %get3A_578 = arith.constant 48 : index
        %get3A_579 = tpu.vector_load %arg7[%get3A_577, %get3A_578] {strides = array<i32>} : memref<128x64xi32, #tpu.memory_space<vmem>>, vector<1x16xi32>,
        %get3A_580 = vector.shape_cast %get3A_579 : vector<1x16xi32> to vector<16xi32>
        %shift_left3A_581 = arith.shli %get3A_580, %broadcast_in_dim3A_31 : vector<16xi32>
        %bitcast_convert_type3A_582 = tpu.bitcast %shift_left3A_581 : vector<16xi32> -> vector<16xf32>
        %and3A_583 = arith.andi %get3A_580, %broadcast_in_dim3A_29 : vector<16xi32>
        %bitcast_convert_type3A_584 = tpu.bitcast %and3A_583 : vector<16xi32> -> vector<16xf32>
        %add3A_585 = arith.addf %add3A_537, %bitcast_convert_type3A_582 : vector<16xf32>
        %add3A_586 = arith.addf %add3A_538, %bitcast_convert_type3A_584 : vector<16xf32>
        %add3A_587 = arith.constant 10 : i32
        %add3A_588 = arith.addi %mul3A_117, %add3A_587 : i32
        %get3A_589 = arith.index_cast %add3A_588 : i32 to index
        %get3A_590 = arith.constant 0 : index
        %get3A_591 = tpu.vector_load %arg7[%get3A_589, %get3A_590] {strides = array<i32>} : memref<128x64xi32, #tpu.memory_space<vmem>>, vector<1x16xi32>,
        %get3A_592 = vector.shape_cast %get3A_591 : vector<1x16xi32> to vector<16xi32>
        %shift_left3A_593 = arith.shli %get3A_592, %broadcast_in_dim3A_31 : vector<16xi32>
        %bitcast_convert_type3A_594 = tpu.bitcast %shift_left3A_593 : vector<16xi32> -> vector<16xf32>
        %and3A_595 = arith.andi %get3A_592, %broadcast_in_dim3A_29 : vector<16xi32>
        %bitcast_convert_type3A_596 = tpu.bitcast %and3A_595 : vector<16xi32> -> vector<16xf32>
        %add3A_597 = arith.addf %add3A_549, %bitcast_convert_type3A_594 : vector<16xf32>
        %add3A_598 = arith.addf %add3A_550, %bitcast_convert_type3A_596 : vector<16xf32>
        %add3A_599 = arith.constant 10 : i32
        %add3A_600 = arith.addi %mul3A_117, %add3A_599 : i32
        %get3A_601 = arith.index_cast %add3A_600 : i32 to index
        %get3A_602 = arith.constant 16 : index
        %get3A_603 = tpu.vector_load %arg7[%get3A_601, %get3A_602] {strides = array<i32>} : memref<128x64xi32, #tpu.memory_space<vmem>>, vector<1x16xi32>,
        %get3A_604 = vector.shape_cast %get3A_603 : vector<1x16xi32> to vector<16xi32>
        %shift_left3A_605 = arith.shli %get3A_604, %broadcast_in_dim3A_31 : vector<16xi32>
        %bitcast_convert_type3A_606 = tpu.bitcast %shift_left3A_605 : vector<16xi32> -> vector<16xf32>
        %and3A_607 = arith.andi %get3A_604, %broadcast_in_dim3A_29 : vector<16xi32>
        %bitcast_convert_type3A_608 = tpu.bitcast %and3A_607 : vector<16xi32> -> vector<16xf32>
        %add3A_609 = arith.addf %add3A_561, %bitcast_convert_type3A_606 : vector<16xf32>
        %add3A_610 = arith.addf %add3A_562, %bitcast_convert_type3A_608 : vector<16xf32>
        %add3A_611 = arith.constant 10 : i32
        %add3A_612 = arith.addi %mul3A_117, %add3A_611 : i32
        %get3A_613 = arith.index_cast %add3A_612 : i32 to index
        %get3A_614 = arith.constant 32 : index
        %get3A_615 = tpu.vector_load %arg7[%get3A_613, %get3A_614] {strides = array<i32>} : memref<128x64xi32, #tpu.memory_space<vmem>>, vector<1x16xi32>,
        %get3A_616 = vector.shape_cast %get3A_615 : vector<1x16xi32> to vector<16xi32>
        %shift_left3A_617 = arith.shli %get3A_616, %broadcast_in_dim3A_31 : vector<16xi32>
        %bitcast_convert_type3A_618 = tpu.bitcast %shift_left3A_617 : vector<16xi32> -> vector<16xf32>
        %and3A_619 = arith.andi %get3A_616, %broadcast_in_dim3A_29 : vector<16xi32>
        %bitcast_convert_type3A_620 = tpu.bitcast %and3A_619 : vector<16xi32> -> vector<16xf32>
        %add3A_621 = arith.addf %add3A_573, %bitcast_convert_type3A_618 : vector<16xf32>
        %add3A_622 = arith.addf %add3A_574, %bitcast_convert_type3A_620 : vector<16xf32>
        %add3A_623 = arith.constant 10 : i32
        %add3A_624 = arith.addi %mul3A_117, %add3A_623 : i32
        %get3A_625 = arith.index_cast %add3A_624 : i32 to index
        %get3A_626 = arith.constant 48 : index
        %get3A_627 = tpu.vector_load %arg7[%get3A_625, %get3A_626] {strides = array<i32>} : memref<128x64xi32, #tpu.memory_space<vmem>>, vector<1x16xi32>,
        %get3A_628 = vector.shape_cast %get3A_627 : vector<1x16xi32> to vector<16xi32>
        %shift_left3A_629 = arith.shli %get3A_628, %broadcast_in_dim3A_31 : vector<16xi32>
        %bitcast_convert_type3A_630 = tpu.bitcast %shift_left3A_629 : vector<16xi32> -> vector<16xf32>
        %and3A_631 = arith.andi %get3A_628, %broadcast_in_dim3A_29 : vector<16xi32>
        %bitcast_convert_type3A_632 = tpu.bitcast %and3A_631 : vector<16xi32> -> vector<16xf32>
        %add3A_633 = arith.addf %add3A_585, %bitcast_convert_type3A_630 : vector<16xf32>
        %add3A_634 = arith.addf %add3A_586, %bitcast_convert_type3A_632 : vector<16xf32>
        %add3A_635 = arith.constant 11 : i32
        %add3A_636 = arith.addi %mul3A_117, %add3A_635 : i32
        %get3A_637 = arith.index_cast %add3A_636 : i32 to index
        %get3A_638 = arith.constant 0 : index
        %get3A_639 = tpu.vector_load %arg7[%get3A_637, %get3A_638] {strides = array<i32>} : memref<128x64xi32, #tpu.memory_space<vmem>>, vector<1x16xi32>,
        %get3A_640 = vector.shape_cast %get3A_639 : vector<1x16xi32> to vector<16xi32>
        %shift_left3A_641 = arith.shli %get3A_640, %broadcast_in_dim3A_31 : vector<16xi32>
        %bitcast_convert_type3A_642 = tpu.bitcast %shift_left3A_641 : vector<16xi32> -> vector<16xf32>
        %and3A_643 = arith.andi %get3A_640, %broadcast_in_dim3A_29 : vector<16xi32>
        %bitcast_convert_type3A_644 = tpu.bitcast %and3A_643 : vector<16xi32> -> vector<16xf32>
        %add3A_645 = arith.addf %add3A_597, %bitcast_convert_type3A_642 : vector<16xf32>
        %add3A_646 = arith.addf %add3A_598, %bitcast_convert_type3A_644 : vector<16xf32>
        %add3A_647 = arith.constant 11 : i32
        %add3A_648 = arith.addi %mul3A_117, %add3A_647 : i32
        %get3A_649 = arith.index_cast %add3A_648 : i32 to index
        %get3A_650 = arith.constant 16 : index
        %get3A_651 = tpu.vector_load %arg7[%get3A_649, %get3A_650] {strides = array<i32>} : memref<128x64xi32, #tpu.memory_space<vmem>>, vector<1x16xi32>,
        %get3A_652 = vector.shape_cast %get3A_651 : vector<1x16xi32> to vector<16xi32>
        %shift_left3A_653 = arith.shli %get3A_652, %broadcast_in_dim3A_31 : vector<16xi32>
        %bitcast_convert_type3A_654 = tpu.bitcast %shift_left3A_653 : vector<16xi32> -> vector<16xf32>
        %and3A_655 = arith.andi %get3A_652, %broadcast_in_dim3A_29 : vector<16xi32>
        %bitcast_convert_type3A_656 = tpu.bitcast %and3A_655 : vector<16xi32> -> vector<16xf32>
        %add3A_657 = arith.addf %add3A_609, %bitcast_convert_type3A_654 : vector<16xf32>
        %add3A_658 = arith.addf %add3A_610, %bitcast_convert_type3A_656 : vector<16xf32>
        %add3A_659 = arith.constant 11 : i32
        %add3A_660 = arith.addi %mul3A_117, %add3A_659 : i32
        %get3A_661 = arith.index_cast %add3A_660 : i32 to index
        %get3A_662 = arith.constant 32 : index
        %get3A_663 = tpu.vector_load %arg7[%get3A_661, %get3A_662] {strides = array<i32>} : memref<128x64xi32, #tpu.memory_space<vmem>>, vector<1x16xi32>,
        %get3A_664 = vector.shape_cast %get3A_663 : vector<1x16xi32> to vector<16xi32>
        %shift_left3A_665 = arith.shli %get3A_664, %broadcast_in_dim3A_31 : vector<16xi32>
        %bitcast_convert_type3A_666 = tpu.bitcast %shift_left3A_665 : vector<16xi32> -> vector<16xf32>
        %and3A_667 = arith.andi %get3A_664, %broadcast_in_dim3A_29 : vector<16xi32>
        %bitcast_convert_type3A_668 = tpu.bitcast %and3A_667 : vector<16xi32> -> vector<16xf32>
        %add3A_669 = arith.addf %add3A_621, %bitcast_convert_type3A_666 : vector<16xf32>
        %add3A_670 = arith.addf %add3A_622, %bitcast_convert_type3A_668 : vector<16xf32>
        %add3A_671 = arith.constant 11 : i32
        %add3A_672 = arith.addi %mul3A_117, %add3A_671 : i32
        %get3A_673 = arith.index_cast %add3A_672 : i32 to index
        %get3A_674 = arith.constant 48 : index
        %get3A_675 = tpu.vector_load %arg7[%get3A_673, %get3A_674] {strides = array<i32>} : memref<128x64xi32, #tpu.memory_space<vmem>>, vector<1x16xi32>,
        %get3A_676 = vector.shape_cast %get3A_675 : vector<1x16xi32> to vector<16xi32>
        %shift_left3A_677 = arith.shli %get3A_676, %broadcast_in_dim3A_31 : vector<16xi32>
        %bitcast_convert_type3A_678 = tpu.bitcast %shift_left3A_677 : vector<16xi32> -> vector<16xf32>
        %and3A_679 = arith.andi %get3A_676, %broadcast_in_dim3A_29 : vector<16xi32>
        %bitcast_convert_type3A_680 = tpu.bitcast %and3A_679 : vector<16xi32> -> vector<16xf32>
        %add3A_681 = arith.addf %add3A_633, %bitcast_convert_type3A_678 : vector<16xf32>
        %add3A_682 = arith.addf %add3A_634, %bitcast_convert_type3A_680 : vector<16xf32>
        %add3A_683 = arith.constant 12 : i32
        %add3A_684 = arith.addi %mul3A_117, %add3A_683 : i32
        %get3A_685 = arith.index_cast %add3A_684 : i32 to index
        %get3A_686 = arith.constant 0 : index
        %get3A_687 = tpu.vector_load %arg7[%get3A_685, %get3A_686] {strides = array<i32>} : memref<128x64xi32, #tpu.memory_space<vmem>>, vector<1x16xi32>,
        %get3A_688 = vector.shape_cast %get3A_687 : vector<1x16xi32> to vector<16xi32>
        %shift_left3A_689 = arith.shli %get3A_688, %broadcast_in_dim3A_31 : vector<16xi32>
        %bitcast_convert_type3A_690 = tpu.bitcast %shift_left3A_689 : vector<16xi32> -> vector<16xf32>
        %and3A_691 = arith.andi %get3A_688, %broadcast_in_dim3A_29 : vector<16xi32>
        %bitcast_convert_type3A_692 = tpu.bitcast %and3A_691 : vector<16xi32> -> vector<16xf32>
        %add3A_693 = arith.addf %add3A_645, %bitcast_convert_type3A_690 : vector<16xf32>
        %add3A_694 = arith.addf %add3A_646, %bitcast_convert_type3A_692 : vector<16xf32>
        %add3A_695 = arith.constant 12 : i32
        %add3A_696 = arith.addi %mul3A_117, %add3A_695 : i32
        %get3A_697 = arith.index_cast %add3A_696 : i32 to index
        %get3A_698 = arith.constant 16 : index
        %get3A_699 = tpu.vector_load %arg7[%get3A_697, %get3A_698] {strides = array<i32>} : memref<128x64xi32, #tpu.memory_space<vmem>>, vector<1x16xi32>,
        %get3A_700 = vector.shape_cast %get3A_699 : vector<1x16xi32> to vector<16xi32>
        %shift_left3A_701 = arith.shli %get3A_700, %broadcast_in_dim3A_31 : vector<16xi32>
        %bitcast_convert_type3A_702 = tpu.bitcast %shift_left3A_701 : vector<16xi32> -> vector<16xf32>
        %and3A_703 = arith.andi %get3A_700, %broadcast_in_dim3A_29 : vector<16xi32>
        %bitcast_convert_type3A_704 = tpu.bitcast %and3A_703 : vector<16xi32> -> vector<16xf32>
        %add3A_705 = arith.addf %add3A_657, %bitcast_convert_type3A_702 : vector<16xf32>
        %add3A_706 = arith.addf %add3A_658, %bitcast_convert_type3A_704 : vector<16xf32>
        %add3A_707 = arith.constant 12 : i32
        %add3A_708 = arith.addi %mul3A_117, %add3A_707 : i32
        %get3A_709 = arith.index_cast %add3A_708 : i32 to index
        %get3A_710 = arith.constant 32 : index
        %get3A_711 = tpu.vector_load %arg7[%get3A_709, %get3A_710] {strides = array<i32>} : memref<128x64xi32, #tpu.memory_space<vmem>>, vector<1x16xi32>,
        %get3A_712 = vector.shape_cast %get3A_711 : vector<1x16xi32> to vector<16xi32>
        %shift_left3A_713 = arith.shli %get3A_712, %broadcast_in_dim3A_31 : vector<16xi32>
        %bitcast_convert_type3A_714 = tpu.bitcast %shift_left3A_713 : vector<16xi32> -> vector<16xf32>
        %and3A_715 = arith.andi %get3A_712, %broadcast_in_dim3A_29 : vector<16xi32>
        %bitcast_convert_type3A_716 = tpu.bitcast %and3A_715 : vector<16xi32> -> vector<16xf32>
        %add3A_717 = arith.addf %add3A_669, %bitcast_convert_type3A_714 : vector<16xf32>
        %add3A_718 = arith.addf %add3A_670, %bitcast_convert_type3A_716 : vector<16xf32>
        %add3A_719 = arith.constant 12 : i32
        %add3A_720 = arith.addi %mul3A_117, %add3A_719 : i32
        %get3A_721 = arith.index_cast %add3A_720 : i32 to index
        %get3A_722 = arith.constant 48 : index
        %get3A_723 = tpu.vector_load %arg7[%get3A_721, %get3A_722] {strides = array<i32>} : memref<128x64xi32, #tpu.memory_space<vmem>>, vector<1x16xi32>,
        %get3A_724 = vector.shape_cast %get3A_723 : vector<1x16xi32> to vector<16xi32>
        %shift_left3A_725 = arith.shli %get3A_724, %broadcast_in_dim3A_31 : vector<16xi32>
        %bitcast_convert_type3A_726 = tpu.bitcast %shift_left3A_725 : vector<16xi32> -> vector<16xf32>
        %and3A_727 = arith.andi %get3A_724, %broadcast_in_dim3A_29 : vector<16xi32>
        %bitcast_convert_type3A_728 = tpu.bitcast %and3A_727 : vector<16xi32> -> vector<16xf32>
        %add3A_729 = arith.addf %add3A_681, %bitcast_convert_type3A_726 : vector<16xf32>
        %add3A_730 = arith.addf %add3A_682, %bitcast_convert_type3A_728 : vector<16xf32>
        %add3A_731 = arith.constant 13 : i32
        %add3A_732 = arith.addi %mul3A_117, %add3A_731 : i32
        %get3A_733 = arith.index_cast %add3A_732 : i32 to index
        %get3A_734 = arith.constant 0 : index
        %get3A_735 = tpu.vector_load %arg7[%get3A_733, %get3A_734] {strides = array<i32>} : memref<128x64xi32, #tpu.memory_space<vmem>>, vector<1x16xi32>,
        %get3A_736 = vector.shape_cast %get3A_735 : vector<1x16xi32> to vector<16xi32>
        %shift_left3A_737 = arith.shli %get3A_736, %broadcast_in_dim3A_31 : vector<16xi32>
        %bitcast_convert_type3A_738 = tpu.bitcast %shift_left3A_737 : vector<16xi32> -> vector<16xf32>
        %and3A_739 = arith.andi %get3A_736, %broadcast_in_dim3A_29 : vector<16xi32>
        %bitcast_convert_type3A_740 = tpu.bitcast %and3A_739 : vector<16xi32> -> vector<16xf32>
        %add3A_741 = arith.addf %add3A_693, %bitcast_convert_type3A_738 : vector<16xf32>
        %add3A_742 = arith.addf %add3A_694, %bitcast_convert_type3A_740 : vector<16xf32>
        %add3A_743 = arith.constant 13 : i32
        %add3A_744 = arith.addi %mul3A_117, %add3A_743 : i32
        %get3A_745 = arith.index_cast %add3A_744 : i32 to index
        %get3A_746 = arith.constant 16 : index
        %get3A_747 = tpu.vector_load %arg7[%get3A_745, %get3A_746] {strides = array<i32>} : memref<128x64xi32, #tpu.memory_space<vmem>>, vector<1x16xi32>,
        %get3A_748 = vector.shape_cast %get3A_747 : vector<1x16xi32> to vector<16xi32>
        %shift_left3A_749 = arith.shli %get3A_748, %broadcast_in_dim3A_31 : vector<16xi32>
        %bitcast_convert_type3A_750 = tpu.bitcast %shift_left3A_749 : vector<16xi32> -> vector<16xf32>
        %and3A_751 = arith.andi %get3A_748, %broadcast_in_dim3A_29 : vector<16xi32>
        %bitcast_convert_type3A_752 = tpu.bitcast %and3A_751 : vector<16xi32> -> vector<16xf32>
        %add3A_753 = arith.addf %add3A_705, %bitcast_convert_type3A_750 : vector<16xf32>
        %add3A_754 = arith.addf %add3A_706, %bitcast_convert_type3A_752 : vector<16xf32>
        %add3A_755 = arith.constant 13 : i32
        %add3A_756 = arith.addi %mul3A_117, %add3A_755 : i32
        %get3A_757 = arith.index_cast %add3A_756 : i32 to index
        %get3A_758 = arith.constant 32 : index
        %get3A_759 = tpu.vector_load %arg7[%get3A_757, %get3A_758] {strides = array<i32>} : memref<128x64xi32, #tpu.memory_space<vmem>>, vector<1x16xi32>,
        %get3A_760 = vector.shape_cast %get3A_759 : vector<1x16xi32> to vector<16xi32>
        %shift_left3A_761 = arith.shli %get3A_760, %broadcast_in_dim3A_31 : vector<16xi32>
        %bitcast_convert_type3A_762 = tpu.bitcast %shift_left3A_761 : vector<16xi32> -> vector<16xf32>
        %and3A_763 = arith.andi %get3A_760, %broadcast_in_dim3A_29 : vector<16xi32>
        %bitcast_convert_type3A_764 = tpu.bitcast %and3A_763 : vector<16xi32> -> vector<16xf32>
        %add3A_765 = arith.addf %add3A_717, %bitcast_convert_type3A_762 : vector<16xf32>
        %add3A_766 = arith.addf %add3A_718, %bitcast_convert_type3A_764 : vector<16xf32>
        %add3A_767 = arith.constant 13 : i32
        %add3A_768 = arith.addi %mul3A_117, %add3A_767 : i32
        %get3A_769 = arith.index_cast %add3A_768 : i32 to index
        %get3A_770 = arith.constant 48 : index
        %get3A_771 = tpu.vector_load %arg7[%get3A_769, %get3A_770] {strides = array<i32>} : memref<128x64xi32, #tpu.memory_space<vmem>>, vector<1x16xi32>,
        %get3A_772 = vector.shape_cast %get3A_771 : vector<1x16xi32> to vector<16xi32>
        %shift_left3A_773 = arith.shli %get3A_772, %broadcast_in_dim3A_31 : vector<16xi32>
        %bitcast_convert_type3A_774 = tpu.bitcast %shift_left3A_773 : vector<16xi32> -> vector<16xf32>
        %and3A_775 = arith.andi %get3A_772, %broadcast_in_dim3A_29 : vector<16xi32>
        %bitcast_convert_type3A_776 = tpu.bitcast %and3A_775 : vector<16xi32> -> vector<16xf32>
        %add3A_777 = arith.addf %add3A_729, %bitcast_convert_type3A_774 : vector<16xf32>
        %add3A_778 = arith.addf %add3A_730, %bitcast_convert_type3A_776 : vector<16xf32>
        %add3A_779 = arith.constant 14 : i32
        %add3A_780 = arith.addi %mul3A_117, %add3A_779 : i32
        %get3A_781 = arith.index_cast %add3A_780 : i32 to index
        %get3A_782 = arith.constant 0 : index
        %get3A_783 = tpu.vector_load %arg7[%get3A_781, %get3A_782] {strides = array<i32>} : memref<128x64xi32, #tpu.memory_space<vmem>>, vector<1x16xi32>,
        %get3A_784 = vector.shape_cast %get3A_783 : vector<1x16xi32> to vector<16xi32>
        %shift_left3A_785 = arith.shli %get3A_784, %broadcast_in_dim3A_31 : vector<16xi32>
        %bitcast_convert_type3A_786 = tpu.bitcast %shift_left3A_785 : vector<16xi32> -> vector<16xf32>
        %and3A_787 = arith.andi %get3A_784, %broadcast_in_dim3A_29 : vector<16xi32>
        %bitcast_convert_type3A_788 = tpu.bitcast %and3A_787 : vector<16xi32> -> vector<16xf32>
        %add3A_789 = arith.addf %add3A_741, %bitcast_convert_type3A_786 : vector<16xf32>
        %add3A_790 = arith.addf %add3A_742, %bitcast_convert_type3A_788 : vector<16xf32>
        %add3A_791 = arith.constant 14 : i32
        %add3A_792 = arith.addi %mul3A_117, %add3A_791 : i32
        %get3A_793 = arith.index_cast %add3A_792 : i32 to index
        %get3A_794 = arith.constant 16 : index
        %get3A_795 = tpu.vector_load %arg7[%get3A_793, %get3A_794] {strides = array<i32>} : memref<128x64xi32, #tpu.memory_space<vmem>>, vector<1x16xi32>,
        %get3A_796 = vector.shape_cast %get3A_795 : vector<1x16xi32> to vector<16xi32>
        %shift_left3A_797 = arith.shli %get3A_796, %broadcast_in_dim3A_31 : vector<16xi32>
        %bitcast_convert_type3A_798 = tpu.bitcast %shift_left3A_797 : vector<16xi32> -> vector<16xf32>
        %and3A_799 = arith.andi %get3A_796, %broadcast_in_dim3A_29 : vector<16xi32>
        %bitcast_convert_type3A_800 = tpu.bitcast %and3A_799 : vector<16xi32> -> vector<16xf32>
        %add3A_801 = arith.addf %add3A_753, %bitcast_convert_type3A_798 : vector<16xf32>
        %add3A_802 = arith.addf %add3A_754, %bitcast_convert_type3A_800 : vector<16xf32>
        %add3A_803 = arith.constant 14 : i32
        %add3A_804 = arith.addi %mul3A_117, %add3A_803 : i32
        %get3A_805 = arith.index_cast %add3A_804 : i32 to index
        %get3A_806 = arith.constant 32 : index
        %get3A_807 = tpu.vector_load %arg7[%get3A_805, %get3A_806] {strides = array<i32>} : memref<128x64xi32, #tpu.memory_space<vmem>>, vector<1x16xi32>,
        %get3A_808 = vector.shape_cast %get3A_807 : vector<1x16xi32> to vector<16xi32>
        %shift_left3A_809 = arith.shli %get3A_808, %broadcast_in_dim3A_31 : vector<16xi32>
        %bitcast_convert_type3A_810 = tpu.bitcast %shift_left3A_809 : vector<16xi32> -> vector<16xf32>
        %and3A_811 = arith.andi %get3A_808, %broadcast_in_dim3A_29 : vector<16xi32>
        %bitcast_convert_type3A_812 = tpu.bitcast %and3A_811 : vector<16xi32> -> vector<16xf32>
        %add3A_813 = arith.addf %add3A_765, %bitcast_convert_type3A_810 : vector<16xf32>
        %add3A_814 = arith.addf %add3A_766, %bitcast_convert_type3A_812 : vector<16xf32>
        %add3A_815 = arith.constant 14 : i32
        %add3A_816 = arith.addi %mul3A_117, %add3A_815 : i32
        %get3A_817 = arith.index_cast %add3A_816 : i32 to index
        %get3A_818 = arith.constant 48 : index
        %get3A_819 = tpu.vector_load %arg7[%get3A_817, %get3A_818] {strides = array<i32>} : memref<128x64xi32, #tpu.memory_space<vmem>>, vector<1x16xi32>,
        %get3A_820 = vector.shape_cast %get3A_819 : vector<1x16xi32> to vector<16xi32>
        %shift_left3A_821 = arith.shli %get3A_820, %broadcast_in_dim3A_31 : vector<16xi32>
        %bitcast_convert_type3A_822 = tpu.bitcast %shift_left3A_821 : vector<16xi32> -> vector<16xf32>
        %and3A_823 = arith.andi %get3A_820, %broadcast_in_dim3A_29 : vector<16xi32>
        %bitcast_convert_type3A_824 = tpu.bitcast %and3A_823 : vector<16xi32> -> vector<16xf32>
        %add3A_825 = arith.addf %add3A_777, %bitcast_convert_type3A_822 : vector<16xf32>
        %add3A_826 = arith.addf %add3A_778, %bitcast_convert_type3A_824 : vector<16xf32>
        %add3A_827 = arith.constant 15 : i32
        %add3A_828 = arith.addi %mul3A_117, %add3A_827 : i32
        %get3A_829 = arith.index_cast %add3A_828 : i32 to index
        %get3A_830 = arith.constant 0 : index
        %get3A_831 = tpu.vector_load %arg7[%get3A_829, %get3A_830] {strides = array<i32>} : memref<128x64xi32, #tpu.memory_space<vmem>>, vector<1x16xi32>,
        %get3A_832 = vector.shape_cast %get3A_831 : vector<1x16xi32> to vector<16xi32>
        %shift_left3A_833 = arith.shli %get3A_832, %broadcast_in_dim3A_31 : vector<16xi32>
        %bitcast_convert_type3A_834 = tpu.bitcast %shift_left3A_833 : vector<16xi32> -> vector<16xf32>
        %and3A_835 = arith.andi %get3A_832, %broadcast_in_dim3A_29 : vector<16xi32>
        %bitcast_convert_type3A_836 = tpu.bitcast %and3A_835 : vector<16xi32> -> vector<16xf32>
        %add3A_837 = arith.addf %add3A_789, %bitcast_convert_type3A_834 : vector<16xf32>
        %add3A_838 = arith.addf %add3A_790, %bitcast_convert_type3A_836 : vector<16xf32>
        %add3A_839 = arith.constant 15 : i32
        %add3A_840 = arith.addi %mul3A_117, %add3A_839 : i32
        %get3A_841 = arith.index_cast %add3A_840 : i32 to index
        %get3A_842 = arith.constant 16 : index
        %get3A_843 = tpu.vector_load %arg7[%get3A_841, %get3A_842] {strides = array<i32>} : memref<128x64xi32, #tpu.memory_space<vmem>>, vector<1x16xi32>,
        %get3A_844 = vector.shape_cast %get3A_843 : vector<1x16xi32> to vector<16xi32>
        %shift_left3A_845 = arith.shli %get3A_844, %broadcast_in_dim3A_31 : vector<16xi32>
        %bitcast_convert_type3A_846 = tpu.bitcast %shift_left3A_845 : vector<16xi32> -> vector<16xf32>
        %and3A_847 = arith.andi %get3A_844, %broadcast_in_dim3A_29 : vector<16xi32>
        %bitcast_convert_type3A_848 = tpu.bitcast %and3A_847 : vector<16xi32> -> vector<16xf32>
        %add3A_849 = arith.addf %add3A_801, %bitcast_convert_type3A_846 : vector<16xf32>
        %add3A_850 = arith.addf %add3A_802, %bitcast_convert_type3A_848 : vector<16xf32>
        %add3A_851 = arith.constant 15 : i32
        %add3A_852 = arith.addi %mul3A_117, %add3A_851 : i32
        %get3A_853 = arith.index_cast %add3A_852 : i32 to index
        %get3A_854 = arith.constant 32 : index
        %get3A_855 = tpu.vector_load %arg7[%get3A_853, %get3A_854] {strides = array<i32>} : memref<128x64xi32, #tpu.memory_space<vmem>>, vector<1x16xi32>,
        %get3A_856 = vector.shape_cast %get3A_855 : vector<1x16xi32> to vector<16xi32>
        %shift_left3A_857 = arith.shli %get3A_856, %broadcast_in_dim3A_31 : vector<16xi32>
        %bitcast_convert_type3A_858 = tpu.bitcast %shift_left3A_857 : vector<16xi32> -> vector<16xf32>
        %and3A_859 = arith.andi %get3A_856, %broadcast_in_dim3A_29 : vector<16xi32>
        %bitcast_convert_type3A_860 = tpu.bitcast %and3A_859 : vector<16xi32> -> vector<16xf32>
        %add3A_861 = arith.addf %add3A_813, %bitcast_convert_type3A_858 : vector<16xf32>
        %add3A_862 = arith.addf %add3A_814, %bitcast_convert_type3A_860 : vector<16xf32>
        %add3A_863 = arith.constant 15 : i32
        %add3A_864 = arith.addi %mul3A_117, %add3A_863 : i32
        %get3A_865 = arith.index_cast %add3A_864 : i32 to index
        %get3A_866 = arith.constant 48 : index
        %get3A_867 = tpu.vector_load %arg7[%get3A_865, %get3A_866] {strides = array<i32>} : memref<128x64xi32, #tpu.memory_space<vmem>>, vector<1x16xi32>,
        %get3A_868 = vector.shape_cast %get3A_867 : vector<1x16xi32> to vector<16xi32>
        %shift_left3A_869 = arith.shli %get3A_868, %broadcast_in_dim3A_31 : vector<16xi32>
        %bitcast_convert_type3A_870 = tpu.bitcast %shift_left3A_869 : vector<16xi32> -> vector<16xf32>
        %and3A_871 = arith.andi %get3A_868, %broadcast_in_dim3A_29 : vector<16xi32>
        %bitcast_convert_type3A_872 = tpu.bitcast %and3A_871 : vector<16xi32> -> vector<16xf32>
        %add3A_873 = arith.addf %add3A_825, %bitcast_convert_type3A_870 : vector<16xf32>
        %add3A_874 = arith.addf %add3A_826, %bitcast_convert_type3A_872 : vector<16xf32>
        %add3A_875 = arith.constant 16 : i32
        %add3A_876 = arith.addi %mul3A_117, %add3A_875 : i32
        %get3A_877 = arith.index_cast %add3A_876 : i32 to index
        %get3A_878 = arith.constant 0 : index
        %get3A_879 = tpu.vector_load %arg7[%get3A_877, %get3A_878] {strides = array<i32>} : memref<128x64xi32, #tpu.memory_space<vmem>>, vector<1x16xi32>,
        %get3A_880 = vector.shape_cast %get3A_879 : vector<1x16xi32> to vector<16xi32>
        %shift_left3A_881 = arith.shli %get3A_880, %broadcast_in_dim3A_31 : vector<16xi32>
        %bitcast_convert_type3A_882 = tpu.bitcast %shift_left3A_881 : vector<16xi32> -> vector<16xf32>
        %and3A_883 = arith.andi %get3A_880, %broadcast_in_dim3A_29 : vector<16xi32>
        %bitcast_convert_type3A_884 = tpu.bitcast %and3A_883 : vector<16xi32> -> vector<16xf32>
        %add3A_885 = arith.addf %add3A_837, %bitcast_convert_type3A_882 : vector<16xf32>
        %add3A_886 = arith.addf %add3A_838, %bitcast_convert_type3A_884 : vector<16xf32>
        %add3A_887 = arith.constant 16 : i32
        %add3A_888 = arith.addi %mul3A_117, %add3A_887 : i32
        %get3A_889 = arith.index_cast %add3A_888 : i32 to index
        %get3A_890 = arith.constant 16 : index
        %get3A_891 = tpu.vector_load %arg7[%get3A_889, %get3A_890] {strides = array<i32>} : memref<128x64xi32, #tpu.memory_space<vmem>>, vector<1x16xi32>,
        %get3A_892 = vector.shape_cast %get3A_891 : vector<1x16xi32> to vector<16xi32>
        %shift_left3A_893 = arith.shli %get3A_892, %broadcast_in_dim3A_31 : vector<16xi32>
        %bitcast_convert_type3A_894 = tpu.bitcast %shift_left3A_893 : vector<16xi32> -> vector<16xf32>
        %and3A_895 = arith.andi %get3A_892, %broadcast_in_dim3A_29 : vector<16xi32>
        %bitcast_convert_type3A_896 = tpu.bitcast %and3A_895 : vector<16xi32> -> vector<16xf32>
        %add3A_897 = arith.addf %add3A_849, %bitcast_convert_type3A_894 : vector<16xf32>
        %add3A_898 = arith.addf %add3A_850, %bitcast_convert_type3A_896 : vector<16xf32>
        %add3A_899 = arith.constant 16 : i32
        %add3A_900 = arith.addi %mul3A_117, %add3A_899 : i32
        %get3A_901 = arith.index_cast %add3A_900 : i32 to index
        %get3A_902 = arith.constant 32 : index
        %get3A_903 = tpu.vector_load %arg7[%get3A_901, %get3A_902] {strides = array<i32>} : memref<128x64xi32, #tpu.memory_space<vmem>>, vector<1x16xi32>,
        %get3A_904 = vector.shape_cast %get3A_903 : vector<1x16xi32> to vector<16xi32>
        %shift_left3A_905 = arith.shli %get3A_904, %broadcast_in_dim3A_31 : vector<16xi32>
        %bitcast_convert_type3A_906 = tpu.bitcast %shift_left3A_905 : vector<16xi32> -> vector<16xf32>
        %and3A_907 = arith.andi %get3A_904, %broadcast_in_dim3A_29 : vector<16xi32>
        %bitcast_convert_type3A_908 = tpu.bitcast %and3A_907 : vector<16xi32> -> vector<16xf32>
        %add3A_909 = arith.addf %add3A_861, %bitcast_convert_type3A_906 : vector<16xf32>
        %add3A_910 = arith.addf %add3A_862, %bitcast_convert_type3A_908 : vector<16xf32>
        %add3A_911 = arith.constant 16 : i32
        %add3A_912 = arith.addi %mul3A_117, %add3A_911 : i32
        %get3A_913 = arith.index_cast %add3A_912 : i32 to index
        %get3A_914 = arith.constant 48 : index
        %get3A_915 = tpu.vector_load %arg7[%get3A_913, %get3A_914] {strides = array<i32>} : memref<128x64xi32, #tpu.memory_space<vmem>>, vector<1x16xi32>,
        %get3A_916 = vector.shape_cast %get3A_915 : vector<1x16xi32> to vector<16xi32>
        %shift_left3A_917 = arith.shli %get3A_916, %broadcast_in_dim3A_31 : vector<16xi32>
        %bitcast_convert_type3A_918 = tpu.bitcast %shift_left3A_917 : vector<16xi32> -> vector<16xf32>
        %and3A_919 = arith.andi %get3A_916, %broadcast_in_dim3A_29 : vector<16xi32>
        %bitcast_convert_type3A_920 = tpu.bitcast %and3A_919 : vector<16xi32> -> vector<16xf32>
        %add3A_921 = arith.addf %add3A_873, %bitcast_convert_type3A_918 : vector<16xf32>
        %add3A_922 = arith.addf %add3A_874, %bitcast_convert_type3A_920 : vector<16xf32>
        %add3A_923 = arith.constant 17 : i32
        %add3A_924 = arith.addi %mul3A_117, %add3A_923 : i32
        %get3A_925 = arith.index_cast %add3A_924 : i32 to index
        %get3A_926 = arith.constant 0 : index
        %get3A_927 = tpu.vector_load %arg7[%get3A_925, %get3A_926] {strides = array<i32>} : memref<128x64xi32, #tpu.memory_space<vmem>>, vector<1x16xi32>,
        %get3A_928 = vector.shape_cast %get3A_927 : vector<1x16xi32> to vector<16xi32>
        %shift_left3A_929 = arith.shli %get3A_928, %broadcast_in_dim3A_31 : vector<16xi32>
        %bitcast_convert_type3A_930 = tpu.bitcast %shift_left3A_929 : vector<16xi32> -> vector<16xf32>
        %and3A_931 = arith.andi %get3A_928, %broadcast_in_dim3A_29 : vector<16xi32>
        %bitcast_convert_type3A_932 = tpu.bitcast %and3A_931 : vector<16xi32> -> vector<16xf32>
        %add3A_933 = arith.addf %add3A_885, %bitcast_convert_type3A_930 : vector<16xf32>
        %add3A_934 = arith.addf %add3A_886, %bitcast_convert_type3A_932 : vector<16xf32>
        %add3A_935 = arith.constant 17 : i32
        %add3A_936 = arith.addi %mul3A_117, %add3A_935 : i32
        %get3A_937 = arith.index_cast %add3A_936 : i32 to index
        %get3A_938 = arith.constant 16 : index
        %get3A_939 = tpu.vector_load %arg7[%get3A_937, %get3A_938] {strides = array<i32>} : memref<128x64xi32, #tpu.memory_space<vmem>>, vector<1x16xi32>,
        %get3A_940 = vector.shape_cast %get3A_939 : vector<1x16xi32> to vector<16xi32>
        %shift_left3A_941 = arith.shli %get3A_940, %broadcast_in_dim3A_31 : vector<16xi32>
        %bitcast_convert_type3A_942 = tpu.bitcast %shift_left3A_941 : vector<16xi32> -> vector<16xf32>
        %and3A_943 = arith.andi %get3A_940, %broadcast_in_dim3A_29 : vector<16xi32>
        %bitcast_convert_type3A_944 = tpu.bitcast %and3A_943 : vector<16xi32> -> vector<16xf32>
        %add3A_945 = arith.addf %add3A_897, %bitcast_convert_type3A_942 : vector<16xf32>
        %add3A_946 = arith.addf %add3A_898, %bitcast_convert_type3A_944 : vector<16xf32>
        %add3A_947 = arith.constant 17 : i32
        %add3A_948 = arith.addi %mul3A_117, %add3A_947 : i32
        %get3A_949 = arith.index_cast %add3A_948 : i32 to index
        %get3A_950 = arith.constant 32 : index
        %get3A_951 = tpu.vector_load %arg7[%get3A_949, %get3A_950] {strides = array<i32>} : memref<128x64xi32, #tpu.memory_space<vmem>>, vector<1x16xi32>,
        %get3A_952 = vector.shape_cast %get3A_951 : vector<1x16xi32> to vector<16xi32>
        %shift_left3A_953 = arith.shli %get3A_952, %broadcast_in_dim3A_31 : vector<16xi32>
        %bitcast_convert_type3A_954 = tpu.bitcast %shift_left3A_953 : vector<16xi32> -> vector<16xf32>
        %and3A_955 = arith.andi %get3A_952, %broadcast_in_dim3A_29 : vector<16xi32>
        %bitcast_convert_type3A_956 = tpu.bitcast %and3A_955 : vector<16xi32> -> vector<16xf32>
        %add3A_957 = arith.addf %add3A_909, %bitcast_convert_type3A_954 : vector<16xf32>
        %add3A_958 = arith.addf %add3A_910, %bitcast_convert_type3A_956 : vector<16xf32>
        %add3A_959 = arith.constant 17 : i32
        %add3A_960 = arith.addi %mul3A_117, %add3A_959 : i32
        %get3A_961 = arith.index_cast %add3A_960 : i32 to index
        %get3A_962 = arith.constant 48 : index
        %get3A_963 = tpu.vector_load %arg7[%get3A_961, %get3A_962] {strides = array<i32>} : memref<128x64xi32, #tpu.memory_space<vmem>>, vector<1x16xi32>,
        %get3A_964 = vector.shape_cast %get3A_963 : vector<1x16xi32> to vector<16xi32>
        %shift_left3A_965 = arith.shli %get3A_964, %broadcast_in_dim3A_31 : vector<16xi32>
        %bitcast_convert_type3A_966 = tpu.bitcast %shift_left3A_965 : vector<16xi32> -> vector<16xf32>
        %and3A_967 = arith.andi %get3A_964, %broadcast_in_dim3A_29 : vector<16xi32>
        %bitcast_convert_type3A_968 = tpu.bitcast %and3A_967 : vector<16xi32> -> vector<16xf32>
        %add3A_969 = arith.addf %add3A_921, %bitcast_convert_type3A_966 : vector<16xf32>
        %add3A_970 = arith.addf %add3A_922, %bitcast_convert_type3A_968 : vector<16xf32>
        %add3A_971 = arith.constant 18 : i32
        %add3A_972 = arith.addi %mul3A_117, %add3A_971 : i32
        %get3A_973 = arith.index_cast %add3A_972 : i32 to index
        %get3A_974 = arith.constant 0 : index
        %get3A_975 = tpu.vector_load %arg7[%get3A_973, %get3A_974] {strides = array<i32>} : memref<128x64xi32, #tpu.memory_space<vmem>>, vector<1x16xi32>,
        %get3A_976 = vector.shape_cast %get3A_975 : vector<1x16xi32> to vector<16xi32>
        %shift_left3A_977 = arith.shli %get3A_976, %broadcast_in_dim3A_31 : vector<16xi32>
        %bitcast_convert_type3A_978 = tpu.bitcast %shift_left3A_977 : vector<16xi32> -> vector<16xf32>
        %and3A_979 = arith.andi %get3A_976, %broadcast_in_dim3A_29 : vector<16xi32>
        %bitcast_convert_type3A_980 = tpu.bitcast %and3A_979 : vector<16xi32> -> vector<16xf32>
        %add3A_981 = arith.addf %add3A_933, %bitcast_convert_type3A_978 : vector<16xf32>
        %add3A_982 = arith.addf %add3A_934, %bitcast_convert_type3A_980 : vector<16xf32>
        %add3A_983 = arith.constant 18 : i32
        %add3A_984 = arith.addi %mul3A_117, %add3A_983 : i32
        %get3A_985 = arith.index_cast %add3A_984 : i32 to index
        %get3A_986 = arith.constant 16 : index
        %get3A_987 = tpu.vector_load %arg7[%get3A_985, %get3A_986] {strides = array<i32>} : memref<128x64xi32, #tpu.memory_space<vmem>>, vector<1x16xi32>,
        %get3A_988 = vector.shape_cast %get3A_987 : vector<1x16xi32> to vector<16xi32>
        %shift_left3A_989 = arith.shli %get3A_988, %broadcast_in_dim3A_31 : vector<16xi32>
        %bitcast_convert_type3A_990 = tpu.bitcast %shift_left3A_989 : vector<16xi32> -> vector<16xf32>
        %and3A_991 = arith.andi %get3A_988, %broadcast_in_dim3A_29 : vector<16xi32>
        %bitcast_convert_type3A_992 = tpu.bitcast %and3A_991 : vector<16xi32> -> vector<16xf32>
        %add3A_993 = arith.addf %add3A_945, %bitcast_convert_type3A_990 : vector<16xf32>
        %add3A_994 = arith.addf %add3A_946, %bitcast_convert_type3A_992 : vector<16xf32>
        %add3A_995 = arith.constant 18 : i32
        %add3A_996 = arith.addi %mul3A_117, %add3A_995 : i32
        %get3A_997 = arith.index_cast %add3A_996 : i32 to index
        %get3A_998 = arith.constant 32 : index
        %get3A_999 = tpu.vector_load %arg7[%get3A_997, %get3A_998] {strides = array<i32>} : memref<128x64xi32, #tpu.memory_space<vmem>>, vector<1x16xi32>,
        %get3A_1000 = vector.shape_cast %get3A_999 : vector<1x16xi32> to vector<16xi32>
        %shift_left3A_1001 = arith.shli %get3A_1000, %broadcast_in_dim3A_31 : vector<16xi32>
        %bitcast_convert_type3A_1002 = tpu.bitcast %shift_left3A_1001 : vector<16xi32> -> vector<16xf32>
        %and3A_1003 = arith.andi %get3A_1000, %broadcast_in_dim3A_29 : vector<16xi32>
        %bitcast_convert_type3A_1004 = tpu.bitcast %and3A_1003 : vector<16xi32> -> vector<16xf32>
        %add3A_1005 = arith.addf %add3A_957, %bitcast_convert_type3A_1002 : vector<16xf32>
        %add3A_1006 = arith.addf %add3A_958, %bitcast_convert_type3A_1004 : vector<16xf32>
        %add3A_1007 = arith.constant 18 : i32
        %add3A_1008 = arith.addi %mul3A_117, %add3A_1007 : i32
        %get3A_1009 = arith.index_cast %add3A_1008 : i32 to index
        %get3A_1010 = arith.constant 48 : index
        %get3A_1011 = tpu.vector_load %arg7[%get3A_1009, %get3A_1010] {strides = array<i32>} : memref<128x64xi32, #tpu.memory_space<vmem>>, vector<1x16xi32>,
        %get3A_1012 = vector.shape_cast %get3A_1011 : vector<1x16xi32> to vector<16xi32>
        %shift_left3A_1013 = arith.shli %get3A_1012, %broadcast_in_dim3A_31 : vector<16xi32>
        %bitcast_convert_type3A_1014 = tpu.bitcast %shift_left3A_1013 : vector<16xi32> -> vector<16xf32>
        %and3A_1015 = arith.andi %get3A_1012, %broadcast_in_dim3A_29 : vector<16xi32>
        %bitcast_convert_type3A_1016 = tpu.bitcast %and3A_1015 : vector<16xi32> -> vector<16xf32>
        %add3A_1017 = arith.addf %add3A_969, %bitcast_convert_type3A_1014 : vector<16xf32>
        %add3A_1018 = arith.addf %add3A_970, %bitcast_convert_type3A_1016 : vector<16xf32>
        %add3A_1019 = arith.constant 19 : i32
        %add3A_1020 = arith.addi %mul3A_117, %add3A_1019 : i32
        %get3A_1021 = arith.index_cast %add3A_1020 : i32 to index
        %get3A_1022 = arith.constant 0 : index
        %get3A_1023 = tpu.vector_load %arg7[%get3A_1021, %get3A_1022] {strides = array<i32>} : memref<128x64xi32, #tpu.memory_space<vmem>>, vector<1x16xi32>,
        %get3A_1024 = vector.shape_cast %get3A_1023 : vector<1x16xi32> to vector<16xi32>
        %shift_left3A_1025 = arith.shli %get3A_1024, %broadcast_in_dim3A_31 : vector<16xi32>
        %bitcast_convert_type3A_1026 = tpu.bitcast %shift_left3A_1025 : vector<16xi32> -> vector<16xf32>
        %and3A_1027 = arith.andi %get3A_1024, %broadcast_in_dim3A_29 : vector<16xi32>
        %bitcast_convert_type3A_1028 = tpu.bitcast %and3A_1027 : vector<16xi32> -> vector<16xf32>
        %add3A_1029 = arith.addf %add3A_981, %bitcast_convert_type3A_1026 : vector<16xf32>
        %add3A_1030 = arith.addf %add3A_982, %bitcast_convert_type3A_1028 : vector<16xf32>
        %add3A_1031 = arith.constant 19 : i32
        %add3A_1032 = arith.addi %mul3A_117, %add3A_1031 : i32
        %get3A_1033 = arith.index_cast %add3A_1032 : i32 to index
        %get3A_1034 = arith.constant 16 : index
        %get3A_1035 = tpu.vector_load %arg7[%get3A_1033, %get3A_1034] {strides = array<i32>} : memref<128x64xi32, #tpu.memory_space<vmem>>, vector<1x16xi32>,
        %get3A_1036 = vector.shape_cast %get3A_1035 : vector<1x16xi32> to vector<16xi32>
        %shift_left3A_1037 = arith.shli %get3A_1036, %broadcast_in_dim3A_31 : vector<16xi32>
        %bitcast_convert_type3A_1038 = tpu.bitcast %shift_left3A_1037 : vector<16xi32> -> vector<16xf32>
        %and3A_1039 = arith.andi %get3A_1036, %broadcast_in_dim3A_29 : vector<16xi32>
        %bitcast_convert_type3A_1040 = tpu.bitcast %and3A_1039 : vector<16xi32> -> vector<16xf32>
        %add3A_1041 = arith.addf %add3A_993, %bitcast_convert_type3A_1038 : vector<16xf32>
        %add3A_1042 = arith.addf %add3A_994, %bitcast_convert_type3A_1040 : vector<16xf32>
        %add3A_1043 = arith.constant 19 : i32
        %add3A_1044 = arith.addi %mul3A_117, %add3A_1043 : i32
        %get3A_1045 = arith.index_cast %add3A_1044 : i32 to index
        %get3A_1046 = arith.constant 32 : index
        %get3A_1047 = tpu.vector_load %arg7[%get3A_1045, %get3A_1046] {strides = array<i32>} : memref<128x64xi32, #tpu.memory_space<vmem>>, vector<1x16xi32>,
        %get3A_1048 = vector.shape_cast %get3A_1047 : vector<1x16xi32> to vector<16xi32>
        %shift_left3A_1049 = arith.shli %get3A_1048, %broadcast_in_dim3A_31 : vector<16xi32>
        %bitcast_convert_type3A_1050 = tpu.bitcast %shift_left3A_1049 : vector<16xi32> -> vector<16xf32>
        %and3A_1051 = arith.andi %get3A_1048, %broadcast_in_dim3A_29 : vector<16xi32>
        %bitcast_convert_type3A_1052 = tpu.bitcast %and3A_1051 : vector<16xi32> -> vector<16xf32>
        %add3A_1053 = arith.addf %add3A_1005, %bitcast_convert_type3A_1050 : vector<16xf32>
        %add3A_1054 = arith.addf %add3A_1006, %bitcast_convert_type3A_1052 : vector<16xf32>
        %add3A_1055 = arith.constant 19 : i32
        %add3A_1056 = arith.addi %mul3A_117, %add3A_1055 : i32
        %get3A_1057 = arith.index_cast %add3A_1056 : i32 to index
        %get3A_1058 = arith.constant 48 : index
        %get3A_1059 = tpu.vector_load %arg7[%get3A_1057, %get3A_1058] {strides = array<i32>} : memref<128x64xi32, #tpu.memory_space<vmem>>, vector<1x16xi32>,
        %get3A_1060 = vector.shape_cast %get3A_1059 : vector<1x16xi32> to vector<16xi32>
        %shift_left3A_1061 = arith.shli %get3A_1060, %broadcast_in_dim3A_31 : vector<16xi32>
        %bitcast_convert_type3A_1062 = tpu.bitcast %shift_left3A_1061 : vector<16xi32> -> vector<16xf32>
        %and3A_1063 = arith.andi %get3A_1060, %broadcast_in_dim3A_29 : vector<16xi32>
        %bitcast_convert_type3A_1064 = tpu.bitcast %and3A_1063 : vector<16xi32> -> vector<16xf32>
        %add3A_1065 = arith.addf %add3A_1017, %bitcast_convert_type3A_1062 : vector<16xf32>
        %add3A_1066 = arith.addf %add3A_1018, %bitcast_convert_type3A_1064 : vector<16xf32>
        %add3A_1067 = arith.constant 20 : i32
        %add3A_1068 = arith.addi %mul3A_117, %add3A_1067 : i32
        %get3A_1069 = arith.index_cast %add3A_1068 : i32 to index
        %get3A_1070 = arith.constant 0 : index
        %get3A_1071 = tpu.vector_load %arg7[%get3A_1069, %get3A_1070] {strides = array<i32>} : memref<128x64xi32, #tpu.memory_space<vmem>>, vector<1x16xi32>,
        %get3A_1072 = vector.shape_cast %get3A_1071 : vector<1x16xi32> to vector<16xi32>
        %shift_left3A_1073 = arith.shli %get3A_1072, %broadcast_in_dim3A_31 : vector<16xi32>
        %bitcast_convert_type3A_1074 = tpu.bitcast %shift_left3A_1073 : vector<16xi32> -> vector<16xf32>
        %and3A_1075 = arith.andi %get3A_1072, %broadcast_in_dim3A_29 : vector<16xi32>
        %bitcast_convert_type3A_1076 = tpu.bitcast %and3A_1075 : vector<16xi32> -> vector<16xf32>
        %add3A_1077 = arith.addf %add3A_1029, %bitcast_convert_type3A_1074 : vector<16xf32>
        %add3A_1078 = arith.addf %add3A_1030, %bitcast_convert_type3A_1076 : vector<16xf32>
        %add3A_1079 = arith.constant 20 : i32
        %add3A_1080 = arith.addi %mul3A_117, %add3A_1079 : i32
        %get3A_1081 = arith.index_cast %add3A_1080 : i32 to index
        %get3A_1082 = arith.constant 16 : index
        %get3A_1083 = tpu.vector_load %arg7[%get3A_1081, %get3A_1082] {strides = array<i32>} : memref<128x64xi32, #tpu.memory_space<vmem>>, vector<1x16xi32>,
        %get3A_1084 = vector.shape_cast %get3A_1083 : vector<1x16xi32> to vector<16xi32>
        %shift_left3A_1085 = arith.shli %get3A_1084, %broadcast_in_dim3A_31 : vector<16xi32>
        %bitcast_convert_type3A_1086 = tpu.bitcast %shift_left3A_1085 : vector<16xi32> -> vector<16xf32>
        %and3A_1087 = arith.andi %get3A_1084, %broadcast_in_dim3A_29 : vector<16xi32>
        %bitcast_convert_type3A_1088 = tpu.bitcast %and3A_1087 : vector<16xi32> -> vector<16xf32>
        %add3A_1089 = arith.addf %add3A_1041, %bitcast_convert_type3A_1086 : vector<16xf32>
        %add3A_1090 = arith.addf %add3A_1042, %bitcast_convert_type3A_1088 : vector<16xf32>
        %add3A_1091 = arith.constant 20 : i32
        %add3A_1092 = arith.addi %mul3A_117, %add3A_1091 : i32
        %get3A_1093 = arith.index_cast %add3A_1092 : i32 to index
        %get3A_1094 = arith.constant 32 : index
        %get3A_1095 = tpu.vector_load %arg7[%get3A_1093, %get3A_1094] {strides = array<i32>} : memref<128x64xi32, #tpu.memory_space<vmem>>, vector<1x16xi32>,
        %get3A_1096 = vector.shape_cast %get3A_1095 : vector<1x16xi32> to vector<16xi32>
        %shift_left3A_1097 = arith.shli %get3A_1096, %broadcast_in_dim3A_31 : vector<16xi32>
        %bitcast_convert_type3A_1098 = tpu.bitcast %shift_left3A_1097 : vector<16xi32> -> vector<16xf32>
        %and3A_1099 = arith.andi %get3A_1096, %broadcast_in_dim3A_29 : vector<16xi32>
        %bitcast_convert_type3A_1100 = tpu.bitcast %and3A_1099 : vector<16xi32> -> vector<16xf32>
        %add3A_1101 = arith.addf %add3A_1053, %bitcast_convert_type3A_1098 : vector<16xf32>
        %add3A_1102 = arith.addf %add3A_1054, %bitcast_convert_type3A_1100 : vector<16xf32>
        %add3A_1103 = arith.constant 20 : i32
        %add3A_1104 = arith.addi %mul3A_117, %add3A_1103 : i32
        %get3A_1105 = arith.index_cast %add3A_1104 : i32 to index
        %get3A_1106 = arith.constant 48 : index
        %get3A_1107 = tpu.vector_load %arg7[%get3A_1105, %get3A_1106] {strides = array<i32>} : memref<128x64xi32, #tpu.memory_space<vmem>>, vector<1x16xi32>,
        %get3A_1108 = vector.shape_cast %get3A_1107 : vector<1x16xi32> to vector<16xi32>
        %shift_left3A_1109 = arith.shli %get3A_1108, %broadcast_in_dim3A_31 : vector<16xi32>
        %bitcast_convert_type3A_1110 = tpu.bitcast %shift_left3A_1109 : vector<16xi32> -> vector<16xf32>
        %and3A_1111 = arith.andi %get3A_1108, %broadcast_in_dim3A_29 : vector<16xi32>
        %bitcast_convert_type3A_1112 = tpu.bitcast %and3A_1111 : vector<16xi32> -> vector<16xf32>
        %add3A_1113 = arith.addf %add3A_1065, %bitcast_convert_type3A_1110 : vector<16xf32>
        %add3A_1114 = arith.addf %add3A_1066, %bitcast_convert_type3A_1112 : vector<16xf32>
        %add3A_1115 = arith.constant 21 : i32
        %add3A_1116 = arith.addi %mul3A_117, %add3A_1115 : i32
        %get3A_1117 = arith.index_cast %add3A_1116 : i32 to index
        %get3A_1118 = arith.constant 0 : index
        %get3A_1119 = tpu.vector_load %arg7[%get3A_1117, %get3A_1118] {strides = array<i32>} : memref<128x64xi32, #tpu.memory_space<vmem>>, vector<1x16xi32>,
        %get3A_1120 = vector.shape_cast %get3A_1119 : vector<1x16xi32> to vector<16xi32>
        %shift_left3A_1121 = arith.shli %get3A_1120, %broadcast_in_dim3A_31 : vector<16xi32>
        %bitcast_convert_type3A_1122 = tpu.bitcast %shift_left3A_1121 : vector<16xi32> -> vector<16xf32>
        %and3A_1123 = arith.andi %get3A_1120, %broadcast_in_dim3A_29 : vector<16xi32>
        %bitcast_convert_type3A_1124 = tpu.bitcast %and3A_1123 : vector<16xi32> -> vector<16xf32>
        %add3A_1125 = arith.addf %add3A_1077, %bitcast_convert_type3A_1122 : vector<16xf32>
        %add3A_1126 = arith.addf %add3A_1078, %bitcast_convert_type3A_1124 : vector<16xf32>
        %add3A_1127 = arith.constant 21 : i32
        %add3A_1128 = arith.addi %mul3A_117, %add3A_1127 : i32
        %get3A_1129 = arith.index_cast %add3A_1128 : i32 to index
        %get3A_1130 = arith.constant 16 : index
        %get3A_1131 = tpu.vector_load %arg7[%get3A_1129, %get3A_1130] {strides = array<i32>} : memref<128x64xi32, #tpu.memory_space<vmem>>, vector<1x16xi32>,
        %get3A_1132 = vector.shape_cast %get3A_1131 : vector<1x16xi32> to vector<16xi32>
        %shift_left3A_1133 = arith.shli %get3A_1132, %broadcast_in_dim3A_31 : vector<16xi32>
        %bitcast_convert_type3A_1134 = tpu.bitcast %shift_left3A_1133 : vector<16xi32> -> vector<16xf32>
        %and3A_1135 = arith.andi %get3A_1132, %broadcast_in_dim3A_29 : vector<16xi32>
        %bitcast_convert_type3A_1136 = tpu.bitcast %and3A_1135 : vector<16xi32> -> vector<16xf32>
        %add3A_1137 = arith.addf %add3A_1089, %bitcast_convert_type3A_1134 : vector<16xf32>
        %add3A_1138 = arith.addf %add3A_1090, %bitcast_convert_type3A_1136 : vector<16xf32>
        %add3A_1139 = arith.constant 21 : i32
        %add3A_1140 = arith.addi %mul3A_117, %add3A_1139 : i32
        %get3A_1141 = arith.index_cast %add3A_1140 : i32 to index
        %get3A_1142 = arith.constant 32 : index
        %get3A_1143 = tpu.vector_load %arg7[%get3A_1141, %get3A_1142] {strides = array<i32>} : memref<128x64xi32, #tpu.memory_space<vmem>>, vector<1x16xi32>,
        %get3A_1144 = vector.shape_cast %get3A_1143 : vector<1x16xi32> to vector<16xi32>
        %shift_left3A_1145 = arith.shli %get3A_1144, %broadcast_in_dim3A_31 : vector<16xi32>
        %bitcast_convert_type3A_1146 = tpu.bitcast %shift_left3A_1145 : vector<16xi32> -> vector<16xf32>
        %and3A_1147 = arith.andi %get3A_1144, %broadcast_in_dim3A_29 : vector<16xi32>
        %bitcast_convert_type3A_1148 = tpu.bitcast %and3A_1147 : vector<16xi32> -> vector<16xf32>
        %add3A_1149 = arith.addf %add3A_1101, %bitcast_convert_type3A_1146 : vector<16xf32>
        %add3A_1150 = arith.addf %add3A_1102, %bitcast_convert_type3A_1148 : vector<16xf32>
        %add3A_1151 = arith.constant 21 : i32
        %add3A_1152 = arith.addi %mul3A_117, %add3A_1151 : i32
        %get3A_1153 = arith.index_cast %add3A_1152 : i32 to index
        %get3A_1154 = arith.constant 48 : index
        %get3A_1155 = tpu.vector_load %arg7[%get3A_1153, %get3A_1154] {strides = array<i32>} : memref<128x64xi32, #tpu.memory_space<vmem>>, vector<1x16xi32>,
        %get3A_1156 = vector.shape_cast %get3A_1155 : vector<1x16xi32> to vector<16xi32>
        %shift_left3A_1157 = arith.shli %get3A_1156, %broadcast_in_dim3A_31 : vector<16xi32>
        %bitcast_convert_type3A_1158 = tpu.bitcast %shift_left3A_1157 : vector<16xi32> -> vector<16xf32>
        %and3A_1159 = arith.andi %get3A_1156, %broadcast_in_dim3A_29 : vector<16xi32>
        %bitcast_convert_type3A_1160 = tpu.bitcast %and3A_1159 : vector<16xi32> -> vector<16xf32>
        %add3A_1161 = arith.addf %add3A_1113, %bitcast_convert_type3A_1158 : vector<16xf32>
        %add3A_1162 = arith.addf %add3A_1114, %bitcast_convert_type3A_1160 : vector<16xf32>
        %add3A_1163 = arith.constant 22 : i32
        %add3A_1164 = arith.addi %mul3A_117, %add3A_1163 : i32
        %get3A_1165 = arith.index_cast %add3A_1164 : i32 to index
        %get3A_1166 = arith.constant 0 : index
        %get3A_1167 = tpu.vector_load %arg7[%get3A_1165, %get3A_1166] {strides = array<i32>} : memref<128x64xi32, #tpu.memory_space<vmem>>, vector<1x16xi32>,
        %get3A_1168 = vector.shape_cast %get3A_1167 : vector<1x16xi32> to vector<16xi32>
        %shift_left3A_1169 = arith.shli %get3A_1168, %broadcast_in_dim3A_31 : vector<16xi32>
        %bitcast_convert_type3A_1170 = tpu.bitcast %shift_left3A_1169 : vector<16xi32> -> vector<16xf32>
        %and3A_1171 = arith.andi %get3A_1168, %broadcast_in_dim3A_29 : vector<16xi32>
        %bitcast_convert_type3A_1172 = tpu.bitcast %and3A_1171 : vector<16xi32> -> vector<16xf32>
        %add3A_1173 = arith.addf %add3A_1125, %bitcast_convert_type3A_1170 : vector<16xf32>
        %add3A_1174 = arith.addf %add3A_1126, %bitcast_convert_type3A_1172 : vector<16xf32>
        %add3A_1175 = arith.constant 22 : i32
        %add3A_1176 = arith.addi %mul3A_117, %add3A_1175 : i32
        %get3A_1177 = arith.index_cast %add3A_1176 : i32 to index
        %get3A_1178 = arith.constant 16 : index
        %get3A_1179 = tpu.vector_load %arg7[%get3A_1177, %get3A_1178] {strides = array<i32>} : memref<128x64xi32, #tpu.memory_space<vmem>>, vector<1x16xi32>,
        %get3A_1180 = vector.shape_cast %get3A_1179 : vector<1x16xi32> to vector<16xi32>
        %shift_left3A_1181 = arith.shli %get3A_1180, %broadcast_in_dim3A_31 : vector<16xi32>
        %bitcast_convert_type3A_1182 = tpu.bitcast %shift_left3A_1181 : vector<16xi32> -> vector<16xf32>
        %and3A_1183 = arith.andi %get3A_1180, %broadcast_in_dim3A_29 : vector<16xi32>
        %bitcast_convert_type3A_1184 = tpu.bitcast %and3A_1183 : vector<16xi32> -> vector<16xf32>
        %add3A_1185 = arith.addf %add3A_1137, %bitcast_convert_type3A_1182 : vector<16xf32>
        %add3A_1186 = arith.addf %add3A_1138, %bitcast_convert_type3A_1184 : vector<16xf32>
        %add3A_1187 = arith.constant 22 : i32
        %add3A_1188 = arith.addi %mul3A_117, %add3A_1187 : i32
        %get3A_1189 = arith.index_cast %add3A_1188 : i32 to index
        %get3A_1190 = arith.constant 32 : index
        %get3A_1191 = tpu.vector_load %arg7[%get3A_1189, %get3A_1190] {strides = array<i32>} : memref<128x64xi32, #tpu.memory_space<vmem>>, vector<1x16xi32>,
        %get3A_1192 = vector.shape_cast %get3A_1191 : vector<1x16xi32> to vector<16xi32>
        %shift_left3A_1193 = arith.shli %get3A_1192, %broadcast_in_dim3A_31 : vector<16xi32>
        %bitcast_convert_type3A_1194 = tpu.bitcast %shift_left3A_1193 : vector<16xi32> -> vector<16xf32>
        %and3A_1195 = arith.andi %get3A_1192, %broadcast_in_dim3A_29 : vector<16xi32>
        %bitcast_convert_type3A_1196 = tpu.bitcast %and3A_1195 : vector<16xi32> -> vector<16xf32>
        %add3A_1197 = arith.addf %add3A_1149, %bitcast_convert_type3A_1194 : vector<16xf32>
        %add3A_1198 = arith.addf %add3A_1150, %bitcast_convert_type3A_1196 : vector<16xf32>
        %add3A_1199 = arith.constant 22 : i32
        %add3A_1200 = arith.addi %mul3A_117, %add3A_1199 : i32
        %get3A_1201 = arith.index_cast %add3A_1200 : i32 to index
        %get3A_1202 = arith.constant 48 : index
        %get3A_1203 = tpu.vector_load %arg7[%get3A_1201, %get3A_1202] {strides = array<i32>} : memref<128x64xi32, #tpu.memory_space<vmem>>, vector<1x16xi32>,
        %get3A_1204 = vector.shape_cast %get3A_1203 : vector<1x16xi32> to vector<16xi32>
        %shift_left3A_1205 = arith.shli %get3A_1204, %broadcast_in_dim3A_31 : vector<16xi32>
        %bitcast_convert_type3A_1206 = tpu.bitcast %shift_left3A_1205 : vector<16xi32> -> vector<16xf32>
        %and3A_1207 = arith.andi %get3A_1204, %broadcast_in_dim3A_29 : vector<16xi32>
        %bitcast_convert_type3A_1208 = tpu.bitcast %and3A_1207 : vector<16xi32> -> vector<16xf32>
        %add3A_1209 = arith.addf %add3A_1161, %bitcast_convert_type3A_1206 : vector<16xf32>
        %add3A_1210 = arith.addf %add3A_1162, %bitcast_convert_type3A_1208 : vector<16xf32>
        %add3A_1211 = arith.constant 23 : i32
        %add3A_1212 = arith.addi %mul3A_117, %add3A_1211 : i32
        %get3A_1213 = arith.index_cast %add3A_1212 : i32 to index
        %get3A_1214 = arith.constant 0 : index
        %get3A_1215 = tpu.vector_load %arg7[%get3A_1213, %get3A_1214] {strides = array<i32>} : memref<128x64xi32, #tpu.memory_space<vmem>>, vector<1x16xi32>,
        %get3A_1216 = vector.shape_cast %get3A_1215 : vector<1x16xi32> to vector<16xi32>
        %shift_left3A_1217 = arith.shli %get3A_1216, %broadcast_in_dim3A_31 : vector<16xi32>
        %bitcast_convert_type3A_1218 = tpu.bitcast %shift_left3A_1217 : vector<16xi32> -> vector<16xf32>
        %and3A_1219 = arith.andi %get3A_1216, %broadcast_in_dim3A_29 : vector<16xi32>
        %bitcast_convert_type3A_1220 = tpu.bitcast %and3A_1219 : vector<16xi32> -> vector<16xf32>
        %add3A_1221 = arith.addf %add3A_1173, %bitcast_convert_type3A_1218 : vector<16xf32>
        %add3A_1222 = arith.addf %add3A_1174, %bitcast_convert_type3A_1220 : vector<16xf32>
        %add3A_1223 = arith.constant 23 : i32
        %add3A_1224 = arith.addi %mul3A_117, %add3A_1223 : i32
        %get3A_1225 = arith.index_cast %add3A_1224 : i32 to index
        %get3A_1226 = arith.constant 16 : index
        %get3A_1227 = tpu.vector_load %arg7[%get3A_1225, %get3A_1226] {strides = array<i32>} : memref<128x64xi32, #tpu.memory_space<vmem>>, vector<1x16xi32>,
        %get3A_1228 = vector.shape_cast %get3A_1227 : vector<1x16xi32> to vector<16xi32>
        %shift_left3A_1229 = arith.shli %get3A_1228, %broadcast_in_dim3A_31 : vector<16xi32>
        %bitcast_convert_type3A_1230 = tpu.bitcast %shift_left3A_1229 : vector<16xi32> -> vector<16xf32>
        %and3A_1231 = arith.andi %get3A_1228, %broadcast_in_dim3A_29 : vector<16xi32>
        %bitcast_convert_type3A_1232 = tpu.bitcast %and3A_1231 : vector<16xi32> -> vector<16xf32>
        %add3A_1233 = arith.addf %add3A_1185, %bitcast_convert_type3A_1230 : vector<16xf32>
        %add3A_1234 = arith.addf %add3A_1186, %bitcast_convert_type3A_1232 : vector<16xf32>
        %add3A_1235 = arith.constant 23 : i32
        %add3A_1236 = arith.addi %mul3A_117, %add3A_1235 : i32
        %get3A_1237 = arith.index_cast %add3A_1236 : i32 to index
        %get3A_1238 = arith.constant 32 : index
        %get3A_1239 = tpu.vector_load %arg7[%get3A_1237, %get3A_1238] {strides = array<i32>} : memref<128x64xi32, #tpu.memory_space<vmem>>, vector<1x16xi32>,
        %get3A_1240 = vector.shape_cast %get3A_1239 : vector<1x16xi32> to vector<16xi32>
        %shift_left3A_1241 = arith.shli %get3A_1240, %broadcast_in_dim3A_31 : vector<16xi32>
        %bitcast_convert_type3A_1242 = tpu.bitcast %shift_left3A_1241 : vector<16xi32> -> vector<16xf32>
        %and3A_1243 = arith.andi %get3A_1240, %broadcast_in_dim3A_29 : vector<16xi32>
        %bitcast_convert_type3A_1244 = tpu.bitcast %and3A_1243 : vector<16xi32> -> vector<16xf32>
        %add3A_1245 = arith.addf %add3A_1197, %bitcast_convert_type3A_1242 : vector<16xf32>
        %add3A_1246 = arith.addf %add3A_1198, %bitcast_convert_type3A_1244 : vector<16xf32>
        %add3A_1247 = arith.constant 23 : i32
        %add3A_1248 = arith.addi %mul3A_117, %add3A_1247 : i32
        %get3A_1249 = arith.index_cast %add3A_1248 : i32 to index
        %get3A_1250 = arith.constant 48 : index
        %get3A_1251 = tpu.vector_load %arg7[%get3A_1249, %get3A_1250] {strides = array<i32>} : memref<128x64xi32, #tpu.memory_space<vmem>>, vector<1x16xi32>,
        %get3A_1252 = vector.shape_cast %get3A_1251 : vector<1x16xi32> to vector<16xi32>
        %shift_left3A_1253 = arith.shli %get3A_1252, %broadcast_in_dim3A_31 : vector<16xi32>
        %bitcast_convert_type3A_1254 = tpu.bitcast %shift_left3A_1253 : vector<16xi32> -> vector<16xf32>
        %and3A_1255 = arith.andi %get3A_1252, %broadcast_in_dim3A_29 : vector<16xi32>
        %bitcast_convert_type3A_1256 = tpu.bitcast %and3A_1255 : vector<16xi32> -> vector<16xf32>
        %add3A_1257 = arith.addf %add3A_1209, %bitcast_convert_type3A_1254 : vector<16xf32>
        %add3A_1258 = arith.addf %add3A_1210, %bitcast_convert_type3A_1256 : vector<16xf32>
        %add3A_1259 = arith.constant 24 : i32
        %add3A_1260 = arith.addi %mul3A_117, %add3A_1259 : i32
        %get3A_1261 = arith.index_cast %add3A_1260 : i32 to index
        %get3A_1262 = arith.constant 0 : index
        %get3A_1263 = tpu.vector_load %arg7[%get3A_1261, %get3A_1262] {strides = array<i32>} : memref<128x64xi32, #tpu.memory_space<vmem>>, vector<1x16xi32>,
        %get3A_1264 = vector.shape_cast %get3A_1263 : vector<1x16xi32> to vector<16xi32>
        %shift_left3A_1265 = arith.shli %get3A_1264, %broadcast_in_dim3A_31 : vector<16xi32>
        %bitcast_convert_type3A_1266 = tpu.bitcast %shift_left3A_1265 : vector<16xi32> -> vector<16xf32>
        %and3A_1267 = arith.andi %get3A_1264, %broadcast_in_dim3A_29 : vector<16xi32>
        %bitcast_convert_type3A_1268 = tpu.bitcast %and3A_1267 : vector<16xi32> -> vector<16xf32>
        %add3A_1269 = arith.addf %add3A_1221, %bitcast_convert_type3A_1266 : vector<16xf32>
        %add3A_1270 = arith.addf %add3A_1222, %bitcast_convert_type3A_1268 : vector<16xf32>
        %add3A_1271 = arith.constant 24 : i32
        %add3A_1272 = arith.addi %mul3A_117, %add3A_1271 : i32
        %get3A_1273 = arith.index_cast %add3A_1272 : i32 to index
        %get3A_1274 = arith.constant 16 : index
        %get3A_1275 = tpu.vector_load %arg7[%get3A_1273, %get3A_1274] {strides = array<i32>} : memref<128x64xi32, #tpu.memory_space<vmem>>, vector<1x16xi32>,
        %get3A_1276 = vector.shape_cast %get3A_1275 : vector<1x16xi32> to vector<16xi32>
        %shift_left3A_1277 = arith.shli %get3A_1276, %broadcast_in_dim3A_31 : vector<16xi32>
        %bitcast_convert_type3A_1278 = tpu.bitcast %shift_left3A_1277 : vector<16xi32> -> vector<16xf32>
        %and3A_1279 = arith.andi %get3A_1276, %broadcast_in_dim3A_29 : vector<16xi32>
        %bitcast_convert_type3A_1280 = tpu.bitcast %and3A_1279 : vector<16xi32> -> vector<16xf32>
        %add3A_1281 = arith.addf %add3A_1233, %bitcast_convert_type3A_1278 : vector<16xf32>
        %add3A_1282 = arith.addf %add3A_1234, %bitcast_convert_type3A_1280 : vector<16xf32>
        %add3A_1283 = arith.constant 24 : i32
        %add3A_1284 = arith.addi %mul3A_117, %add3A_1283 : i32
        %get3A_1285 = arith.index_cast %add3A_1284 : i32 to index
        %get3A_1286 = arith.constant 32 : index
        %get3A_1287 = tpu.vector_load %arg7[%get3A_1285, %get3A_1286] {strides = array<i32>} : memref<128x64xi32, #tpu.memory_space<vmem>>, vector<1x16xi32>,
        %get3A_1288 = vector.shape_cast %get3A_1287 : vector<1x16xi32> to vector<16xi32>
        %shift_left3A_1289 = arith.shli %get3A_1288, %broadcast_in_dim3A_31 : vector<16xi32>
        %bitcast_convert_type3A_1290 = tpu.bitcast %shift_left3A_1289 : vector<16xi32> -> vector<16xf32>
        %and3A_1291 = arith.andi %get3A_1288, %broadcast_in_dim3A_29 : vector<16xi32>
        %bitcast_convert_type3A_1292 = tpu.bitcast %and3A_1291 : vector<16xi32> -> vector<16xf32>
        %add3A_1293 = arith.addf %add3A_1245, %bitcast_convert_type3A_1290 : vector<16xf32>
        %add3A_1294 = arith.addf %add3A_1246, %bitcast_convert_type3A_1292 : vector<16xf32>
        %add3A_1295 = arith.constant 24 : i32
        %add3A_1296 = arith.addi %mul3A_117, %add3A_1295 : i32
        %get3A_1297 = arith.index_cast %add3A_1296 : i32 to index
        %get3A_1298 = arith.constant 48 : index
        %get3A_1299 = tpu.vector_load %arg7[%get3A_1297, %get3A_1298] {strides = array<i32>} : memref<128x64xi32, #tpu.memory_space<vmem>>, vector<1x16xi32>,
        %get3A_1300 = vector.shape_cast %get3A_1299 : vector<1x16xi32> to vector<16xi32>
        %shift_left3A_1301 = arith.shli %get3A_1300, %broadcast_in_dim3A_31 : vector<16xi32>
        %bitcast_convert_type3A_1302 = tpu.bitcast %shift_left3A_1301 : vector<16xi32> -> vector<16xf32>
        %and3A_1303 = arith.andi %get3A_1300, %broadcast_in_dim3A_29 : vector<16xi32>
        %bitcast_convert_type3A_1304 = tpu.bitcast %and3A_1303 : vector<16xi32> -> vector<16xf32>
        %add3A_1305 = arith.addf %add3A_1257, %bitcast_convert_type3A_1302 : vector<16xf32>
        %add3A_1306 = arith.addf %add3A_1258, %bitcast_convert_type3A_1304 : vector<16xf32>
        %add3A_1307 = arith.constant 25 : i32
        %add3A_1308 = arith.addi %mul3A_117, %add3A_1307 : i32
        %get3A_1309 = arith.index_cast %add3A_1308 : i32 to index
        %get3A_1310 = arith.constant 0 : index
        %get3A_1311 = tpu.vector_load %arg7[%get3A_1309, %get3A_1310] {strides = array<i32>} : memref<128x64xi32, #tpu.memory_space<vmem>>, vector<1x16xi32>,
        %get3A_1312 = vector.shape_cast %get3A_1311 : vector<1x16xi32> to vector<16xi32>
        %shift_left3A_1313 = arith.shli %get3A_1312, %broadcast_in_dim3A_31 : vector<16xi32>
        %bitcast_convert_type3A_1314 = tpu.bitcast %shift_left3A_1313 : vector<16xi32> -> vector<16xf32>
        %and3A_1315 = arith.andi %get3A_1312, %broadcast_in_dim3A_29 : vector<16xi32>
        %bitcast_convert_type3A_1316 = tpu.bitcast %and3A_1315 : vector<16xi32> -> vector<16xf32>
        %add3A_1317 = arith.addf %add3A_1269, %bitcast_convert_type3A_1314 : vector<16xf32>
        %add3A_1318 = arith.addf %add3A_1270, %bitcast_convert_type3A_1316 : vector<16xf32>
        %add3A_1319 = arith.constant 25 : i32
        %add3A_1320 = arith.addi %mul3A_117, %add3A_1319 : i32
        %get3A_1321 = arith.index_cast %add3A_1320 : i32 to index
        %get3A_1322 = arith.constant 16 : index
        %get3A_1323 = tpu.vector_load %arg7[%get3A_1321, %get3A_1322] {strides = array<i32>} : memref<128x64xi32, #tpu.memory_space<vmem>>, vector<1x16xi32>,
        %get3A_1324 = vector.shape_cast %get3A_1323 : vector<1x16xi32> to vector<16xi32>
        %shift_left3A_1325 = arith.shli %get3A_1324, %broadcast_in_dim3A_31 : vector<16xi32>
        %bitcast_convert_type3A_1326 = tpu.bitcast %shift_left3A_1325 : vector<16xi32> -> vector<16xf32>
        %and3A_1327 = arith.andi %get3A_1324, %broadcast_in_dim3A_29 : vector<16xi32>
        %bitcast_convert_type3A_1328 = tpu.bitcast %and3A_1327 : vector<16xi32> -> vector<16xf32>
        %add3A_1329 = arith.addf %add3A_1281, %bitcast_convert_type3A_1326 : vector<16xf32>
        %add3A_1330 = arith.addf %add3A_1282, %bitcast_convert_type3A_1328 : vector<16xf32>
        %add3A_1331 = arith.constant 25 : i32
        %add3A_1332 = arith.addi %mul3A_117, %add3A_1331 : i32
        %get3A_1333 = arith.index_cast %add3A_1332 : i32 to index
        %get3A_1334 = arith.constant 32 : index
        %get3A_1335 = tpu.vector_load %arg7[%get3A_1333, %get3A_1334] {strides = array<i32>} : memref<128x64xi32, #tpu.memory_space<vmem>>, vector<1x16xi32>,
        %get3A_1336 = vector.shape_cast %get3A_1335 : vector<1x16xi32> to vector<16xi32>
        %shift_left3A_1337 = arith.shli %get3A_1336, %broadcast_in_dim3A_31 : vector<16xi32>
        %bitcast_convert_type3A_1338 = tpu.bitcast %shift_left3A_1337 : vector<16xi32> -> vector<16xf32>
        %and3A_1339 = arith.andi %get3A_1336, %broadcast_in_dim3A_29 : vector<16xi32>
        %bitcast_convert_type3A_1340 = tpu.bitcast %and3A_1339 : vector<16xi32> -> vector<16xf32>
        %add3A_1341 = arith.addf %add3A_1293, %bitcast_convert_type3A_1338 : vector<16xf32>
        %add3A_1342 = arith.addf %add3A_1294, %bitcast_convert_type3A_1340 : vector<16xf32>
        %add3A_1343 = arith.constant 25 : i32
        %add3A_1344 = arith.addi %mul3A_117, %add3A_1343 : i32
        %get3A_1345 = arith.index_cast %add3A_1344 : i32 to index
        %get3A_1346 = arith.constant 48 : index
        %get3A_1347 = tpu.vector_load %arg7[%get3A_1345, %get3A_1346] {strides = array<i32>} : memref<128x64xi32, #tpu.memory_space<vmem>>, vector<1x16xi32>,
        %get3A_1348 = vector.shape_cast %get3A_1347 : vector<1x16xi32> to vector<16xi32>
        %shift_left3A_1349 = arith.shli %get3A_1348, %broadcast_in_dim3A_31 : vector<16xi32>
        %bitcast_convert_type3A_1350 = tpu.bitcast %shift_left3A_1349 : vector<16xi32> -> vector<16xf32>
        %and3A_1351 = arith.andi %get3A_1348, %broadcast_in_dim3A_29 : vector<16xi32>
        %bitcast_convert_type3A_1352 = tpu.bitcast %and3A_1351 : vector<16xi32> -> vector<16xf32>
        %add3A_1353 = arith.addf %add3A_1305, %bitcast_convert_type3A_1350 : vector<16xf32>
        %add3A_1354 = arith.addf %add3A_1306, %bitcast_convert_type3A_1352 : vector<16xf32>
        %add3A_1355 = arith.constant 26 : i32
        %add3A_1356 = arith.addi %mul3A_117, %add3A_1355 : i32
        %get3A_1357 = arith.index_cast %add3A_1356 : i32 to index
        %get3A_1358 = arith.constant 0 : index
        %get3A_1359 = tpu.vector_load %arg7[%get3A_1357, %get3A_1358] {strides = array<i32>} : memref<128x64xi32, #tpu.memory_space<vmem>>, vector<1x16xi32>,
        %get3A_1360 = vector.shape_cast %get3A_1359 : vector<1x16xi32> to vector<16xi32>
        %shift_left3A_1361 = arith.shli %get3A_1360, %broadcast_in_dim3A_31 : vector<16xi32>
        %bitcast_convert_type3A_1362 = tpu.bitcast %shift_left3A_1361 : vector<16xi32> -> vector<16xf32>
        %and3A_1363 = arith.andi %get3A_1360, %broadcast_in_dim3A_29 : vector<16xi32>
        %bitcast_convert_type3A_1364 = tpu.bitcast %and3A_1363 : vector<16xi32> -> vector<16xf32>
        %add3A_1365 = arith.addf %add3A_1317, %bitcast_convert_type3A_1362 : vector<16xf32>
        %add3A_1366 = arith.addf %add3A_1318, %bitcast_convert_type3A_1364 : vector<16xf32>
        %add3A_1367 = arith.constant 26 : i32
        %add3A_1368 = arith.addi %mul3A_117, %add3A_1367 : i32
        %get3A_1369 = arith.index_cast %add3A_1368 : i32 to index
        %get3A_1370 = arith.constant 16 : index
        %get3A_1371 = tpu.vector_load %arg7[%get3A_1369, %get3A_1370] {strides = array<i32>} : memref<128x64xi32, #tpu.memory_space<vmem>>, vector<1x16xi32>,
        %get3A_1372 = vector.shape_cast %get3A_1371 : vector<1x16xi32> to vector<16xi32>
        %shift_left3A_1373 = arith.shli %get3A_1372, %broadcast_in_dim3A_31 : vector<16xi32>
        %bitcast_convert_type3A_1374 = tpu.bitcast %shift_left3A_1373 : vector<16xi32> -> vector<16xf32>
        %and3A_1375 = arith.andi %get3A_1372, %broadcast_in_dim3A_29 : vector<16xi32>
        %bitcast_convert_type3A_1376 = tpu.bitcast %and3A_1375 : vector<16xi32> -> vector<16xf32>
        %add3A_1377 = arith.addf %add3A_1329, %bitcast_convert_type3A_1374 : vector<16xf32>
        %add3A_1378 = arith.addf %add3A_1330, %bitcast_convert_type3A_1376 : vector<16xf32>
        %add3A_1379 = arith.constant 26 : i32
        %add3A_1380 = arith.addi %mul3A_117, %add3A_1379 : i32
        %get3A_1381 = arith.index_cast %add3A_1380 : i32 to index
        %get3A_1382 = arith.constant 32 : index
        %get3A_1383 = tpu.vector_load %arg7[%get3A_1381, %get3A_1382] {strides = array<i32>} : memref<128x64xi32, #tpu.memory_space<vmem>>, vector<1x16xi32>,
        %get3A_1384 = vector.shape_cast %get3A_1383 : vector<1x16xi32> to vector<16xi32>
        %shift_left3A_1385 = arith.shli %get3A_1384, %broadcast_in_dim3A_31 : vector<16xi32>
        %bitcast_convert_type3A_1386 = tpu.bitcast %shift_left3A_1385 : vector<16xi32> -> vector<16xf32>
        %and3A_1387 = arith.andi %get3A_1384, %broadcast_in_dim3A_29 : vector<16xi32>
        %bitcast_convert_type3A_1388 = tpu.bitcast %and3A_1387 : vector<16xi32> -> vector<16xf32>
        %add3A_1389 = arith.addf %add3A_1341, %bitcast_convert_type3A_1386 : vector<16xf32>
        %add3A_1390 = arith.addf %add3A_1342, %bitcast_convert_type3A_1388 : vector<16xf32>
        %add3A_1391 = arith.constant 26 : i32
        %add3A_1392 = arith.addi %mul3A_117, %add3A_1391 : i32
        %get3A_1393 = arith.index_cast %add3A_1392 : i32 to index
        %get3A_1394 = arith.constant 48 : index
        %get3A_1395 = tpu.vector_load %arg7[%get3A_1393, %get3A_1394] {strides = array<i32>} : memref<128x64xi32, #tpu.memory_space<vmem>>, vector<1x16xi32>,
        %get3A_1396 = vector.shape_cast %get3A_1395 : vector<1x16xi32> to vector<16xi32>
        %shift_left3A_1397 = arith.shli %get3A_1396, %broadcast_in_dim3A_31 : vector<16xi32>
        %bitcast_convert_type3A_1398 = tpu.bitcast %shift_left3A_1397 : vector<16xi32> -> vector<16xf32>
        %and3A_1399 = arith.andi %get3A_1396, %broadcast_in_dim3A_29 : vector<16xi32>
        %bitcast_convert_type3A_1400 = tpu.bitcast %and3A_1399 : vector<16xi32> -> vector<16xf32>
        %add3A_1401 = arith.addf %add3A_1353, %bitcast_convert_type3A_1398 : vector<16xf32>
        %add3A_1402 = arith.addf %add3A_1354, %bitcast_convert_type3A_1400 : vector<16xf32>
        %add3A_1403 = arith.constant 27 : i32
        %add3A_1404 = arith.addi %mul3A_117, %add3A_1403 : i32
        %get3A_1405 = arith.index_cast %add3A_1404 : i32 to index
        %get3A_1406 = arith.constant 0 : index
        %get3A_1407 = tpu.vector_load %arg7[%get3A_1405, %get3A_1406] {strides = array<i32>} : memref<128x64xi32, #tpu.memory_space<vmem>>, vector<1x16xi32>,
        %get3A_1408 = vector.shape_cast %get3A_1407 : vector<1x16xi32> to vector<16xi32>
        %shift_left3A_1409 = arith.shli %get3A_1408, %broadcast_in_dim3A_31 : vector<16xi32>
        %bitcast_convert_type3A_1410 = tpu.bitcast %shift_left3A_1409 : vector<16xi32> -> vector<16xf32>
        %and3A_1411 = arith.andi %get3A_1408, %broadcast_in_dim3A_29 : vector<16xi32>
        %bitcast_convert_type3A_1412 = tpu.bitcast %and3A_1411 : vector<16xi32> -> vector<16xf32>
        %add3A_1413 = arith.addf %add3A_1365, %bitcast_convert_type3A_1410 : vector<16xf32>
        %add3A_1414 = arith.addf %add3A_1366, %bitcast_convert_type3A_1412 : vector<16xf32>
        %add3A_1415 = arith.constant 27 : i32
        %add3A_1416 = arith.addi %mul3A_117, %add3A_1415 : i32
        %get3A_1417 = arith.index_cast %add3A_1416 : i32 to index
        %get3A_1418 = arith.constant 16 : index
        %get3A_1419 = tpu.vector_load %arg7[%get3A_1417, %get3A_1418] {strides = array<i32>} : memref<128x64xi32, #tpu.memory_space<vmem>>, vector<1x16xi32>,
        %get3A_1420 = vector.shape_cast %get3A_1419 : vector<1x16xi32> to vector<16xi32>
        %shift_left3A_1421 = arith.shli %get3A_1420, %broadcast_in_dim3A_31 : vector<16xi32>
        %bitcast_convert_type3A_1422 = tpu.bitcast %shift_left3A_1421 : vector<16xi32> -> vector<16xf32>
        %and3A_1423 = arith.andi %get3A_1420, %broadcast_in_dim3A_29 : vector<16xi32>
        %bitcast_convert_type3A_1424 = tpu.bitcast %and3A_1423 : vector<16xi32> -> vector<16xf32>
        %add3A_1425 = arith.addf %add3A_1377, %bitcast_convert_type3A_1422 : vector<16xf32>
        %add3A_1426 = arith.addf %add3A_1378, %bitcast_convert_type3A_1424 : vector<16xf32>
        %add3A_1427 = arith.constant 27 : i32
        %add3A_1428 = arith.addi %mul3A_117, %add3A_1427 : i32
        %get3A_1429 = arith.index_cast %add3A_1428 : i32 to index
        %get3A_1430 = arith.constant 32 : index
        %get3A_1431 = tpu.vector_load %arg7[%get3A_1429, %get3A_1430] {strides = array<i32>} : memref<128x64xi32, #tpu.memory_space<vmem>>, vector<1x16xi32>,
        %get3A_1432 = vector.shape_cast %get3A_1431 : vector<1x16xi32> to vector<16xi32>
        %shift_left3A_1433 = arith.shli %get3A_1432, %broadcast_in_dim3A_31 : vector<16xi32>
        %bitcast_convert_type3A_1434 = tpu.bitcast %shift_left3A_1433 : vector<16xi32> -> vector<16xf32>
        %and3A_1435 = arith.andi %get3A_1432, %broadcast_in_dim3A_29 : vector<16xi32>
        %bitcast_convert_type3A_1436 = tpu.bitcast %and3A_1435 : vector<16xi32> -> vector<16xf32>
        %add3A_1437 = arith.addf %add3A_1389, %bitcast_convert_type3A_1434 : vector<16xf32>
        %add3A_1438 = arith.addf %add3A_1390, %bitcast_convert_type3A_1436 : vector<16xf32>
        %add3A_1439 = arith.constant 27 : i32
        %add3A_1440 = arith.addi %mul3A_117, %add3A_1439 : i32
        %get3A_1441 = arith.index_cast %add3A_1440 : i32 to index
        %get3A_1442 = arith.constant 48 : index
        %get3A_1443 = tpu.vector_load %arg7[%get3A_1441, %get3A_1442] {strides = array<i32>} : memref<128x64xi32, #tpu.memory_space<vmem>>, vector<1x16xi32>,
        %get3A_1444 = vector.shape_cast %get3A_1443 : vector<1x16xi32> to vector<16xi32>
        %shift_left3A_1445 = arith.shli %get3A_1444, %broadcast_in_dim3A_31 : vector<16xi32>
        %bitcast_convert_type3A_1446 = tpu.bitcast %shift_left3A_1445 : vector<16xi32> -> vector<16xf32>
        %and3A_1447 = arith.andi %get3A_1444, %broadcast_in_dim3A_29 : vector<16xi32>
        %bitcast_convert_type3A_1448 = tpu.bitcast %and3A_1447 : vector<16xi32> -> vector<16xf32>
        %add3A_1449 = arith.addf %add3A_1401, %bitcast_convert_type3A_1446 : vector<16xf32>
        %add3A_1450 = arith.addf %add3A_1402, %bitcast_convert_type3A_1448 : vector<16xf32>
        %add3A_1451 = arith.constant 28 : i32
        %add3A_1452 = arith.addi %mul3A_117, %add3A_1451 : i32
        %get3A_1453 = arith.index_cast %add3A_1452 : i32 to index
        %get3A_1454 = arith.constant 0 : index
        %get3A_1455 = tpu.vector_load %arg7[%get3A_1453, %get3A_1454] {strides = array<i32>} : memref<128x64xi32, #tpu.memory_space<vmem>>, vector<1x16xi32>,
        %get3A_1456 = vector.shape_cast %get3A_1455 : vector<1x16xi32> to vector<16xi32>
        %shift_left3A_1457 = arith.shli %get3A_1456, %broadcast_in_dim3A_31 : vector<16xi32>
        %bitcast_convert_type3A_1458 = tpu.bitcast %shift_left3A_1457 : vector<16xi32> -> vector<16xf32>
        %and3A_1459 = arith.andi %get3A_1456, %broadcast_in_dim3A_29 : vector<16xi32>
        %bitcast_convert_type3A_1460 = tpu.bitcast %and3A_1459 : vector<16xi32> -> vector<16xf32>
        %add3A_1461 = arith.addf %add3A_1413, %bitcast_convert_type3A_1458 : vector<16xf32>
        %add3A_1462 = arith.addf %add3A_1414, %bitcast_convert_type3A_1460 : vector<16xf32>
        %add3A_1463 = arith.constant 28 : i32
        %add3A_1464 = arith.addi %mul3A_117, %add3A_1463 : i32
        %get3A_1465 = arith.index_cast %add3A_1464 : i32 to index
        %get3A_1466 = arith.constant 16 : index
        %get3A_1467 = tpu.vector_load %arg7[%get3A_1465, %get3A_1466] {strides = array<i32>} : memref<128x64xi32, #tpu.memory_space<vmem>>, vector<1x16xi32>,
        %get3A_1468 = vector.shape_cast %get3A_1467 : vector<1x16xi32> to vector<16xi32>
        %shift_left3A_1469 = arith.shli %get3A_1468, %broadcast_in_dim3A_31 : vector<16xi32>
        %bitcast_convert_type3A_1470 = tpu.bitcast %shift_left3A_1469 : vector<16xi32> -> vector<16xf32>
        %and3A_1471 = arith.andi %get3A_1468, %broadcast_in_dim3A_29 : vector<16xi32>
        %bitcast_convert_type3A_1472 = tpu.bitcast %and3A_1471 : vector<16xi32> -> vector<16xf32>
        %add3A_1473 = arith.addf %add3A_1425, %bitcast_convert_type3A_1470 : vector<16xf32>
        %add3A_1474 = arith.addf %add3A_1426, %bitcast_convert_type3A_1472 : vector<16xf32>
        %add3A_1475 = arith.constant 28 : i32
        %add3A_1476 = arith.addi %mul3A_117, %add3A_1475 : i32
        %get3A_1477 = arith.index_cast %add3A_1476 : i32 to index
        %get3A_1478 = arith.constant 32 : index
        %get3A_1479 = tpu.vector_load %arg7[%get3A_1477, %get3A_1478] {strides = array<i32>} : memref<128x64xi32, #tpu.memory_space<vmem>>, vector<1x16xi32>,
        %get3A_1480 = vector.shape_cast %get3A_1479 : vector<1x16xi32> to vector<16xi32>
        %shift_left3A_1481 = arith.shli %get3A_1480, %broadcast_in_dim3A_31 : vector<16xi32>
        %bitcast_convert_type3A_1482 = tpu.bitcast %shift_left3A_1481 : vector<16xi32> -> vector<16xf32>
        %and3A_1483 = arith.andi %get3A_1480, %broadcast_in_dim3A_29 : vector<16xi32>
        %bitcast_convert_type3A_1484 = tpu.bitcast %and3A_1483 : vector<16xi32> -> vector<16xf32>
        %add3A_1485 = arith.addf %add3A_1437, %bitcast_convert_type3A_1482 : vector<16xf32>
        %add3A_1486 = arith.addf %add3A_1438, %bitcast_convert_type3A_1484 : vector<16xf32>
        %add3A_1487 = arith.constant 28 : i32
        %add3A_1488 = arith.addi %mul3A_117, %add3A_1487 : i32
        %get3A_1489 = arith.index_cast %add3A_1488 : i32 to index
        %get3A_1490 = arith.constant 48 : index
        %get3A_1491 = tpu.vector_load %arg7[%get3A_1489, %get3A_1490] {strides = array<i32>} : memref<128x64xi32, #tpu.memory_space<vmem>>, vector<1x16xi32>,
        %get3A_1492 = vector.shape_cast %get3A_1491 : vector<1x16xi32> to vector<16xi32>
        %shift_left3A_1493 = arith.shli %get3A_1492, %broadcast_in_dim3A_31 : vector<16xi32>
        %bitcast_convert_type3A_1494 = tpu.bitcast %shift_left3A_1493 : vector<16xi32> -> vector<16xf32>
        %and3A_1495 = arith.andi %get3A_1492, %broadcast_in_dim3A_29 : vector<16xi32>
        %bitcast_convert_type3A_1496 = tpu.bitcast %and3A_1495 : vector<16xi32> -> vector<16xf32>
        %add3A_1497 = arith.addf %add3A_1449, %bitcast_convert_type3A_1494 : vector<16xf32>
        %add3A_1498 = arith.addf %add3A_1450, %bitcast_convert_type3A_1496 : vector<16xf32>
        %add3A_1499 = arith.constant 29 : i32
        %add3A_1500 = arith.addi %mul3A_117, %add3A_1499 : i32
        %get3A_1501 = arith.index_cast %add3A_1500 : i32 to index
        %get3A_1502 = arith.constant 0 : index
        %get3A_1503 = tpu.vector_load %arg7[%get3A_1501, %get3A_1502] {strides = array<i32>} : memref<128x64xi32, #tpu.memory_space<vmem>>, vector<1x16xi32>,
        %get3A_1504 = vector.shape_cast %get3A_1503 : vector<1x16xi32> to vector<16xi32>
        %shift_left3A_1505 = arith.shli %get3A_1504, %broadcast_in_dim3A_31 : vector<16xi32>
        %bitcast_convert_type3A_1506 = tpu.bitcast %shift_left3A_1505 : vector<16xi32> -> vector<16xf32>
        %and3A_1507 = arith.andi %get3A_1504, %broadcast_in_dim3A_29 : vector<16xi32>
        %bitcast_convert_type3A_1508 = tpu.bitcast %and3A_1507 : vector<16xi32> -> vector<16xf32>
        %add3A_1509 = arith.addf %add3A_1461, %bitcast_convert_type3A_1506 : vector<16xf32>
        %add3A_1510 = arith.addf %add3A_1462, %bitcast_convert_type3A_1508 : vector<16xf32>
        %add3A_1511 = arith.constant 29 : i32
        %add3A_1512 = arith.addi %mul3A_117, %add3A_1511 : i32
        %get3A_1513 = arith.index_cast %add3A_1512 : i32 to index
        %get3A_1514 = arith.constant 16 : index
        %get3A_1515 = tpu.vector_load %arg7[%get3A_1513, %get3A_1514] {strides = array<i32>} : memref<128x64xi32, #tpu.memory_space<vmem>>, vector<1x16xi32>,
        %get3A_1516 = vector.shape_cast %get3A_1515 : vector<1x16xi32> to vector<16xi32>
        %shift_left3A_1517 = arith.shli %get3A_1516, %broadcast_in_dim3A_31 : vector<16xi32>
        %bitcast_convert_type3A_1518 = tpu.bitcast %shift_left3A_1517 : vector<16xi32> -> vector<16xf32>
        %and3A_1519 = arith.andi %get3A_1516, %broadcast_in_dim3A_29 : vector<16xi32>
        %bitcast_convert_type3A_1520 = tpu.bitcast %and3A_1519 : vector<16xi32> -> vector<16xf32>
        %add3A_1521 = arith.addf %add3A_1473, %bitcast_convert_type3A_1518 : vector<16xf32>
        %add3A_1522 = arith.addf %add3A_1474, %bitcast_convert_type3A_1520 : vector<16xf32>
        %add3A_1523 = arith.constant 29 : i32
        %add3A_1524 = arith.addi %mul3A_117, %add3A_1523 : i32
        %get3A_1525 = arith.index_cast %add3A_1524 : i32 to index
        %get3A_1526 = arith.constant 32 : index
        %get3A_1527 = tpu.vector_load %arg7[%get3A_1525, %get3A_1526] {strides = array<i32>} : memref<128x64xi32, #tpu.memory_space<vmem>>, vector<1x16xi32>,
        %get3A_1528 = vector.shape_cast %get3A_1527 : vector<1x16xi32> to vector<16xi32>
        %shift_left3A_1529 = arith.shli %get3A_1528, %broadcast_in_dim3A_31 : vector<16xi32>
        %bitcast_convert_type3A_1530 = tpu.bitcast %shift_left3A_1529 : vector<16xi32> -> vector<16xf32>
        %and3A_1531 = arith.andi %get3A_1528, %broadcast_in_dim3A_29 : vector<16xi32>
        %bitcast_convert_type3A_1532 = tpu.bitcast %and3A_1531 : vector<16xi32> -> vector<16xf32>
        %add3A_1533 = arith.addf %add3A_1485, %bitcast_convert_type3A_1530 : vector<16xf32>
        %add3A_1534 = arith.addf %add3A_1486, %bitcast_convert_type3A_1532 : vector<16xf32>
        %add3A_1535 = arith.constant 29 : i32
        %add3A_1536 = arith.addi %mul3A_117, %add3A_1535 : i32
        %get3A_1537 = arith.index_cast %add3A_1536 : i32 to index
        %get3A_1538 = arith.constant 48 : index
        %get3A_1539 = tpu.vector_load %arg7[%get3A_1537, %get3A_1538] {strides = array<i32>} : memref<128x64xi32, #tpu.memory_space<vmem>>, vector<1x16xi32>,
        %get3A_1540 = vector.shape_cast %get3A_1539 : vector<1x16xi32> to vector<16xi32>
        %shift_left3A_1541 = arith.shli %get3A_1540, %broadcast_in_dim3A_31 : vector<16xi32>
        %bitcast_convert_type3A_1542 = tpu.bitcast %shift_left3A_1541 : vector<16xi32> -> vector<16xf32>
        %and3A_1543 = arith.andi %get3A_1540, %broadcast_in_dim3A_29 : vector<16xi32>
        %bitcast_convert_type3A_1544 = tpu.bitcast %and3A_1543 : vector<16xi32> -> vector<16xf32>
        %add3A_1545 = arith.addf %add3A_1497, %bitcast_convert_type3A_1542 : vector<16xf32>
        %add3A_1546 = arith.addf %add3A_1498, %bitcast_convert_type3A_1544 : vector<16xf32>
        %add3A_1547 = arith.constant 30 : i32
        %add3A_1548 = arith.addi %mul3A_117, %add3A_1547 : i32
        %get3A_1549 = arith.index_cast %add3A_1548 : i32 to index
        %get3A_1550 = arith.constant 0 : index
        %get3A_1551 = tpu.vector_load %arg7[%get3A_1549, %get3A_1550] {strides = array<i32>} : memref<128x64xi32, #tpu.memory_space<vmem>>, vector<1x16xi32>,
        %get3A_1552 = vector.shape_cast %get3A_1551 : vector<1x16xi32> to vector<16xi32>
        %shift_left3A_1553 = arith.shli %get3A_1552, %broadcast_in_dim3A_31 : vector<16xi32>
        %bitcast_convert_type3A_1554 = tpu.bitcast %shift_left3A_1553 : vector<16xi32> -> vector<16xf32>
        %and3A_1555 = arith.andi %get3A_1552, %broadcast_in_dim3A_29 : vector<16xi32>
        %bitcast_convert_type3A_1556 = tpu.bitcast %and3A_1555 : vector<16xi32> -> vector<16xf32>
        %add3A_1557 = arith.addf %add3A_1509, %bitcast_convert_type3A_1554 : vector<16xf32>
        %add3A_1558 = arith.addf %add3A_1510, %bitcast_convert_type3A_1556 : vector<16xf32>
        %add3A_1559 = arith.constant 30 : i32
        %add3A_1560 = arith.addi %mul3A_117, %add3A_1559 : i32
        %get3A_1561 = arith.index_cast %add3A_1560 : i32 to index
        %get3A_1562 = arith.constant 16 : index
        %get3A_1563 = tpu.vector_load %arg7[%get3A_1561, %get3A_1562] {strides = array<i32>} : memref<128x64xi32, #tpu.memory_space<vmem>>, vector<1x16xi32>,
        %get3A_1564 = vector.shape_cast %get3A_1563 : vector<1x16xi32> to vector<16xi32>
        %shift_left3A_1565 = arith.shli %get3A_1564, %broadcast_in_dim3A_31 : vector<16xi32>
        %bitcast_convert_type3A_1566 = tpu.bitcast %shift_left3A_1565 : vector<16xi32> -> vector<16xf32>
        %and3A_1567 = arith.andi %get3A_1564, %broadcast_in_dim3A_29 : vector<16xi32>
        %bitcast_convert_type3A_1568 = tpu.bitcast %and3A_1567 : vector<16xi32> -> vector<16xf32>
        %add3A_1569 = arith.addf %add3A_1521, %bitcast_convert_type3A_1566 : vector<16xf32>
        %add3A_1570 = arith.addf %add3A_1522, %bitcast_convert_type3A_1568 : vector<16xf32>
        %add3A_1571 = arith.constant 30 : i32
        %add3A_1572 = arith.addi %mul3A_117, %add3A_1571 : i32
        %get3A_1573 = arith.index_cast %add3A_1572 : i32 to index
        %get3A_1574 = arith.constant 32 : index
        %get3A_1575 = tpu.vector_load %arg7[%get3A_1573, %get3A_1574] {strides = array<i32>} : memref<128x64xi32, #tpu.memory_space<vmem>>, vector<1x16xi32>,
        %get3A_1576 = vector.shape_cast %get3A_1575 : vector<1x16xi32> to vector<16xi32>
        %shift_left3A_1577 = arith.shli %get3A_1576, %broadcast_in_dim3A_31 : vector<16xi32>
        %bitcast_convert_type3A_1578 = tpu.bitcast %shift_left3A_1577 : vector<16xi32> -> vector<16xf32>
        %and3A_1579 = arith.andi %get3A_1576, %broadcast_in_dim3A_29 : vector<16xi32>
        %bitcast_convert_type3A_1580 = tpu.bitcast %and3A_1579 : vector<16xi32> -> vector<16xf32>
        %add3A_1581 = arith.addf %add3A_1533, %bitcast_convert_type3A_1578 : vector<16xf32>
        %add3A_1582 = arith.addf %add3A_1534, %bitcast_convert_type3A_1580 : vector<16xf32>
        %add3A_1583 = arith.constant 30 : i32
        %add3A_1584 = arith.addi %mul3A_117, %add3A_1583 : i32
        %get3A_1585 = arith.index_cast %add3A_1584 : i32 to index
        %get3A_1586 = arith.constant 48 : index
        %get3A_1587 = tpu.vector_load %arg7[%get3A_1585, %get3A_1586] {strides = array<i32>} : memref<128x64xi32, #tpu.memory_space<vmem>>, vector<1x16xi32>,
        %get3A_1588 = vector.shape_cast %get3A_1587 : vector<1x16xi32> to vector<16xi32>
        %shift_left3A_1589 = arith.shli %get3A_1588, %broadcast_in_dim3A_31 : vector<16xi32>
        %bitcast_convert_type3A_1590 = tpu.bitcast %shift_left3A_1589 : vector<16xi32> -> vector<16xf32>
        %and3A_1591 = arith.andi %get3A_1588, %broadcast_in_dim3A_29 : vector<16xi32>
        %bitcast_convert_type3A_1592 = tpu.bitcast %and3A_1591 : vector<16xi32> -> vector<16xf32>
        %add3A_1593 = arith.addf %add3A_1545, %bitcast_convert_type3A_1590 : vector<16xf32>
        %add3A_1594 = arith.addf %add3A_1546, %bitcast_convert_type3A_1592 : vector<16xf32>
        %add3A_1595 = arith.constant 31 : i32
        %add3A_1596 = arith.addi %mul3A_117, %add3A_1595 : i32
        %get3A_1597 = arith.index_cast %add3A_1596 : i32 to index
        %get3A_1598 = arith.constant 0 : index
        %get3A_1599 = tpu.vector_load %arg7[%get3A_1597, %get3A_1598] {strides = array<i32>} : memref<128x64xi32, #tpu.memory_space<vmem>>, vector<1x16xi32>,
        %get3A_1600 = vector.shape_cast %get3A_1599 : vector<1x16xi32> to vector<16xi32>
        %shift_left3A_1601 = arith.shli %get3A_1600, %broadcast_in_dim3A_31 : vector<16xi32>
        %bitcast_convert_type3A_1602 = tpu.bitcast %shift_left3A_1601 : vector<16xi32> -> vector<16xf32>
        %and3A_1603 = arith.andi %get3A_1600, %broadcast_in_dim3A_29 : vector<16xi32>
        %bitcast_convert_type3A_1604 = tpu.bitcast %and3A_1603 : vector<16xi32> -> vector<16xf32>
        %add3A_1605 = arith.addf %add3A_1557, %bitcast_convert_type3A_1602 : vector<16xf32>
        %add3A_1606 = arith.addf %add3A_1558, %bitcast_convert_type3A_1604 : vector<16xf32>
        %add3A_1607 = arith.constant 31 : i32
        %add3A_1608 = arith.addi %mul3A_117, %add3A_1607 : i32
        %get3A_1609 = arith.index_cast %add3A_1608 : i32 to index
        %get3A_1610 = arith.constant 16 : index
        %get3A_1611 = tpu.vector_load %arg7[%get3A_1609, %get3A_1610] {strides = array<i32>} : memref<128x64xi32, #tpu.memory_space<vmem>>, vector<1x16xi32>,
        %get3A_1612 = vector.shape_cast %get3A_1611 : vector<1x16xi32> to vector<16xi32>
        %shift_left3A_1613 = arith.shli %get3A_1612, %broadcast_in_dim3A_31 : vector<16xi32>
        %bitcast_convert_type3A_1614 = tpu.bitcast %shift_left3A_1613 : vector<16xi32> -> vector<16xf32>
        %and3A_1615 = arith.andi %get3A_1612, %broadcast_in_dim3A_29 : vector<16xi32>
        %bitcast_convert_type3A_1616 = tpu.bitcast %and3A_1615 : vector<16xi32> -> vector<16xf32>
        %add3A_1617 = arith.addf %add3A_1569, %bitcast_convert_type3A_1614 : vector<16xf32>
        %add3A_1618 = arith.addf %add3A_1570, %bitcast_convert_type3A_1616 : vector<16xf32>
        %add3A_1619 = arith.constant 31 : i32
        %add3A_1620 = arith.addi %mul3A_117, %add3A_1619 : i32
        %get3A_1621 = arith.index_cast %add3A_1620 : i32 to index
        %get3A_1622 = arith.constant 32 : index
        %get3A_1623 = tpu.vector_load %arg7[%get3A_1621, %get3A_1622] {strides = array<i32>} : memref<128x64xi32, #tpu.memory_space<vmem>>, vector<1x16xi32>,
        %get3A_1624 = vector.shape_cast %get3A_1623 : vector<1x16xi32> to vector<16xi32>
        %shift_left3A_1625 = arith.shli %get3A_1624, %broadcast_in_dim3A_31 : vector<16xi32>
        %bitcast_convert_type3A_1626 = tpu.bitcast %shift_left3A_1625 : vector<16xi32> -> vector<16xf32>
        %and3A_1627 = arith.andi %get3A_1624, %broadcast_in_dim3A_29 : vector<16xi32>
        %bitcast_convert_type3A_1628 = tpu.bitcast %and3A_1627 : vector<16xi32> -> vector<16xf32>
        %add3A_1629 = arith.addf %add3A_1581, %bitcast_convert_type3A_1626 : vector<16xf32>
        %add3A_1630 = arith.addf %add3A_1582, %bitcast_convert_type3A_1628 : vector<16xf32>
        %add3A_1631 = arith.constant 31 : i32
        %add3A_1632 = arith.addi %mul3A_117, %add3A_1631 : i32
        %get3A_1633 = arith.index_cast %add3A_1632 : i32 to index
        %get3A_1634 = arith.constant 48 : index
        %get3A_1635 = tpu.vector_load %arg7[%get3A_1633, %get3A_1634] {strides = array<i32>} : memref<128x64xi32, #tpu.memory_space<vmem>>, vector<1x16xi32>,
        %get3A_1636 = vector.shape_cast %get3A_1635 : vector<1x16xi32> to vector<16xi32>
        %shift_left3A_1637 = arith.shli %get3A_1636, %broadcast_in_dim3A_31 : vector<16xi32>
        %bitcast_convert_type3A_1638 = tpu.bitcast %shift_left3A_1637 : vector<16xi32> -> vector<16xf32>
        %and3A_1639 = arith.andi %get3A_1636, %broadcast_in_dim3A_29 : vector<16xi32>
        %bitcast_convert_type3A_1640 = tpu.bitcast %and3A_1639 : vector<16xi32> -> vector<16xf32>
        %add3A_1641 = arith.addf %add3A_1593, %bitcast_convert_type3A_1638 : vector<16xf32>
        %add3A_1642 = arith.addf %add3A_1594, %bitcast_convert_type3A_1640 : vector<16xf32>
        %add3A_1643 = arith.addi %mul3A_57, %scan3A_115 : i32
        %swap3A = arith.index_cast %add3A_1643 : i32 to index
        %swap3A_1644 = arith.constant 0 : index
        %swap3A_1645 = tpu.vector_load %arg9[%swap3A, %swap3A_1644] {strides = array<i32>} : memref<32x128xf32, #tpu.memory_space<vmem>>, vector<1x16xf32>,
        %swap3A_1646 = vector.shape_cast %swap3A_1645 : vector<1x16xf32> to vector<16xf32>
        %swap3A_1647 = vector.shape_cast %add3A_1605 : vector<16xf32> to vector<1x16xf32>
        tpu.vector_store %arg9[%swap3A, %swap3A_1644], %swap3A_1647 {strides = array<i32>} : memref<32x128xf32, #tpu.memory_space<vmem>>, vector<1x16xf32>,
        %add3A_1648 = arith.addi %mul3A_57, %scan3A_115 : i32
        %swap3A_1649 = arith.index_cast %add3A_1648 : i32 to index
        %swap3A_1650 = arith.constant 64 : index
        %swap3A_1651 = tpu.vector_load %arg9[%swap3A_1649, %swap3A_1650] {strides = array<i32>} : memref<32x128xf32, #tpu.memory_space<vmem>>, vector<1x16xf32>,
        %swap3A_1652 = vector.shape_cast %swap3A_1651 : vector<1x16xf32> to vector<16xf32>
        %swap3A_1653 = vector.shape_cast %add3A_1606 : vector<16xf32> to vector<1x16xf32>
        tpu.vector_store %arg9[%swap3A_1649, %swap3A_1650], %swap3A_1653 {strides = array<i32>} : memref<32x128xf32, #tpu.memory_space<vmem>>, vector<1x16xf32>,
        %add3A_1654 = arith.addi %mul3A_57, %scan3A_115 : i32
        %swap3A_1655 = arith.index_cast %add3A_1654 : i32 to index
        %swap3A_1656 = arith.constant 16 : index
        %swap3A_1657 = tpu.vector_load %arg9[%swap3A_1655, %swap3A_1656] {strides = array<i32>} : memref<32x128xf32, #tpu.memory_space<vmem>>, vector<1x16xf32>,
        %swap3A_1658 = vector.shape_cast %swap3A_1657 : vector<1x16xf32> to vector<16xf32>
        %swap3A_1659 = vector.shape_cast %add3A_1617 : vector<16xf32> to vector<1x16xf32>
        tpu.vector_store %arg9[%swap3A_1655, %swap3A_1656], %swap3A_1659 {strides = array<i32>} : memref<32x128xf32, #tpu.memory_space<vmem>>, vector<1x16xf32>,
        %add3A_1660 = arith.addi %mul3A_57, %scan3A_115 : i32
        %swap3A_1661 = arith.index_cast %add3A_1660 : i32 to index
        %swap3A_1662 = arith.constant 80 : index
        %swap3A_1663 = tpu.vector_load %arg9[%swap3A_1661, %swap3A_1662] {strides = array<i32>} : memref<32x128xf32, #tpu.memory_space<vmem>>, vector<1x16xf32>,
        %swap3A_1664 = vector.shape_cast %swap3A_1663 : vector<1x16xf32> to vector<16xf32>
        %swap3A_1665 = vector.shape_cast %add3A_1618 : vector<16xf32> to vector<1x16xf32>
        tpu.vector_store %arg9[%swap3A_1661, %swap3A_1662], %swap3A_1665 {strides = array<i32>} : memref<32x128xf32, #tpu.memory_space<vmem>>, vector<1x16xf32>,
        %add3A_1666 = arith.addi %mul3A_57, %scan3A_115 : i32
        %swap3A_1667 = arith.index_cast %add3A_1666 : i32 to index
        %swap3A_1668 = arith.constant 32 : index
        %swap3A_1669 = tpu.vector_load %arg9[%swap3A_1667, %swap3A_1668] {strides = array<i32>} : memref<32x128xf32, #tpu.memory_space<vmem>>, vector<1x16xf32>,
        %swap3A_1670 = vector.shape_cast %swap3A_1669 : vector<1x16xf32> to vector<16xf32>
        %swap3A_1671 = vector.shape_cast %add3A_1629 : vector<16xf32> to vector<1x16xf32>
        tpu.vector_store %arg9[%swap3A_1667, %swap3A_1668], %swap3A_1671 {strides = array<i32>} : memref<32x128xf32, #tpu.memory_space<vmem>>, vector<1x16xf32>,
        %add3A_1672 = arith.addi %mul3A_57, %scan3A_115 : i32
        %swap3A_1673 = arith.index_cast %add3A_1672 : i32 to index
        %swap3A_1674 = arith.constant 96 : index
        %swap3A_1675 = tpu.vector_load %arg9[%swap3A_1673, %swap3A_1674] {strides = array<i32>} : memref<32x128xf32, #tpu.memory_space<vmem>>, vector<1x16xf32>,
        %swap3A_1676 = vector.shape_cast %swap3A_1675 : vector<1x16xf32> to vector<16xf32>
        %swap3A_1677 = vector.shape_cast %add3A_1630 : vector<16xf32> to vector<1x16xf32>
        tpu.vector_store %arg9[%swap3A_1673, %swap3A_1674], %swap3A_1677 {strides = array<i32>} : memref<32x128xf32, #tpu.memory_space<vmem>>, vector<1x16xf32>,
        %add3A_1678 = arith.addi %mul3A_57, %scan3A_115 : i32
        %swap3A_1679 = arith.index_cast %add3A_1678 : i32 to index
        %swap3A_1680 = arith.constant 48 : index
        %swap3A_1681 = tpu.vector_load %arg9[%swap3A_1679, %swap3A_1680] {strides = array<i32>} : memref<32x128xf32, #tpu.memory_space<vmem>>, vector<1x16xf32>,
        %swap3A_1682 = vector.shape_cast %swap3A_1681 : vector<1x16xf32> to vector<16xf32>
        %swap3A_1683 = vector.shape_cast %add3A_1641 : vector<16xf32> to vector<1x16xf32>
        tpu.vector_store %arg9[%swap3A_1679, %swap3A_1680], %swap3A_1683 {strides = array<i32>} : memref<32x128xf32, #tpu.memory_space<vmem>>, vector<1x16xf32>,
        %add3A_1684 = arith.addi %mul3A_57, %scan3A_115 : i32
        %swap3A_1685 = arith.index_cast %add3A_1684 : i32 to index
        %swap3A_1686 = arith.constant 112 : index
        %swap3A_1687 = tpu.vector_load %arg9[%swap3A_1685, %swap3A_1686] {strides = array<i32>} : memref<32x128xf32, #tpu.memory_space<vmem>>, vector<1x16xf32>,
        %swap3A_1688 = vector.shape_cast %swap3A_1687 : vector<1x16xf32> to vector<16xf32>
        %swap3A_1689 = vector.shape_cast %add3A_1642 : vector<16xf32> to vector<1x16xf32>
        tpu.vector_store %arg9[%swap3A_1685, %swap3A_1686], %swap3A_1689 {strides = array<i32>} : memref<32x128xf32, #tpu.memory_space<vmem>>, vector<1x16xf32>,
      }
      %scan3A_63 = arith.constant 4 : i32
      %add3A_64 = arith.constant 2 : i32
      %add3A_65 = arith.addi %add3A_45, %add3A_64 : i32
      %lt3A = arith.constant 80 : i32
      %lt3A_66 = arith.cmpi slt, %add3A_65, %lt3A : i32
      %convert_element_type3A_67 = arith.extui %lt3A_66 : i1 to i32
      %cond3A_68 = arith.constant 0 : i32
      %cond3A_69 = arith.cmpi ne, %convert_element_type3A_67, %cond3A_68 : i32
      scf.if %cond3A_69 {
        %add3A_115 = arith.constant 2 : i32
        %add3A_116 = arith.addi %add3A_45, %add3A_115 : i32
        %dma_start3A_117 = arith.constant 0 : i32
        %dma_start3A_118 = tpu.memref_slice %arg5[%add3A_116, %dma_start3A_117] : memref<80x128xi32, #tpu.memory_space<vmem>> -> memref<1x128xi32, #tpu.memory_space<vmem>>
        %dma_start3A_119 = tpu.memref_squeeze %dma_start3A_118 : memref<1x128xi32, #tpu.memory_space<vmem>> -> memref<128xi32, #tpu.memory_space<vmem>>
        %dma_start3A_120 = arith.constant 0 : i32
        %dma_start3A_121 = arith.constant 0 : i32
        %dma_start3A_122 = tpu.memref_slice %arg6[%dma_start3A_120, %dma_start3A_121] : memref<10240x64xi32, #tpu.memory_space<vmem_shared>> -> memref<10240x64xi32, #tpu.memory_space<vmem_shared>>
        tpu.enqueue_indirect_dma source(%dma_start3A_122 : memref<10240x64xi32, #tpu.memory_space<vmem_shared>>) target(%arg7 : memref<128x64xi32, #tpu.memory_space<vmem>>) offsets(%dma_start3A_119 : memref<128xi32, #tpu.memory_space<vmem>>) semaphore(%arg11 : memref<!tpu.dma_semaphore, #tpu.memory_space<semaphore_mem>>)
      } else {
      }
      %eq3A_70 = arith.constant 7 : i32
      %eq3A_71 = arith.cmpi eq, %rem3A_46, %eq3A_70 : i32
      %convert_element_type3A_72 = arith.extui %eq3A_71 : i1 to i32
      %cond3A_73 = arith.constant 0 : i32
      %cond3A_74 = arith.cmpi ne, %convert_element_type3A_72, %cond3A_73 : i32
      scf.if %cond3A_74 {
        %div3A = arith.constant 8 : i32
        %div3A_115 = arith.divsi %add3A_45, %div3A : i32
        %mul3A_116 = arith.constant 8 : i32
        %mul3A_117 = arith.muli %div3A_115, %mul3A_116 : i32
        %mul3A_118 = arith.constant 4 : i32
        %mul3A_119 = arith.muli %mul3A_117, %mul3A_118 : i32
        %add3A_120 = arith.addi %mul3A_2, %mul3A_119 : i32
        %dma_start3A_121 = arith.constant 0 : i32
        %dma_start3A_122 = tpu.memref_slice %arg4[%add3A_120, %dma_start3A_121] : memref<10240x128xf32, #tpu.memory_space<hbm>> -> memref<32x128xf32, #tpu.memory_space<hbm>>
        %dma_start3A_123 = arith.constant 0 : i32
        %dma_start3A_124 = tpu.memref_slice %arg4[%add3A_120, %dma_start3A_123] : memref<10240x128xf32, #tpu.memory_space<hbm>> -> memref<32x128xf32, #tpu.memory_space<hbm>>
        tpu.enqueue_dma source(%arg9 : memref<32x128xf32, #tpu.memory_space<vmem>>) target(%dma_start3A_124 : memref<32x128xf32, #tpu.memory_space<hbm>>) target_semaphore(%arg13 : memref<!tpu.dma_semaphore, #tpu.memory_space<semaphore_mem>>)
      } else {
      }
      %mul3A_75 = arith.constant 2 : i32
      %mul3A_76 = arith.muli %mul3A_75, %scan3A_41 : i32
      %add3A_77 = arith.constant 1 : i32
      %add3A_78 = arith.addi %mul3A_76, %add3A_77 : i32
      %rem3A_79 = arith.constant 8 : i32
      %rem3A_80 = arith.remsi %add3A_78, %rem3A_79 : i32
      %dma_wait3A_81 = arith.constant 0 : i32
      %dma_wait3A_82 = tpu.memref_slice %arg5[%add3A_78, %dma_wait3A_81] : memref<80x128xi32, #tpu.memory_space<vmem>> -> memref<1x128xi32, #tpu.memory_space<vmem>>
      %dma_wait3A_83 = tpu.memref_squeeze %dma_wait3A_82 : memref<1x128xi32, #tpu.memory_space<vmem>> -> memref<128xi32, #tpu.memory_space<vmem>>
      %dma_wait3A_84 = arith.constant 0 : i32
      %dma_wait3A_85 = arith.constant 0 : i32
      %dma_wait3A_86 = tpu.memref_slice %arg6[%dma_wait3A_84, %dma_wait3A_85] : memref<10240x64xi32, #tpu.memory_space<vmem_shared>> -> memref<10240x64xi32, #tpu.memory_space<vmem_shared>>
      tpu.wait_indirect_dma semaphore(%arg12 : memref<!tpu.dma_semaphore, #tpu.memory_space<semaphore_mem>>) src(%dma_wait3A_86 : memref<10240x64xi32, #tpu.memory_space<vmem_shared>>) dst(%arg8 : memref<128x64xi32, #tpu.memory_space<vmem>>)
      %eq3A_87 = arith.constant 0 : i32
      %eq3A_88 = arith.cmpi eq, %rem3A_80, %eq3A_87 : i32
      %gt3A_89 = arith.constant 0 : i32
      %gt3A_90 = arith.cmpi sgt, %add3A_78, %gt3A_89 : i32
      %and3A_91 = arith.andi %eq3A_88, %gt3A_90 : i1
      %convert_element_type3A_92 = arith.extui %and3A_91 : i1 to i32
      %cond3A_93 = arith.constant 0 : i32
      %cond3A_94 = arith.cmpi ne, %convert_element_type3A_92, %cond3A_93 : i32
      scf.if %cond3A_94 {
        %dma_wait3A_115 = arith.constant 0 : i32
        %dma_wait3A_116 = tpu.memref_slice %arg4[%mul3A_2, %dma_wait3A_115] : memref<10240x128xf32, #tpu.memory_space<hbm>> -> memref<32x128xf32, #tpu.memory_space<hbm>>
        %dma_wait3A_117 = arith.constant 0 : i32
        %dma_wait3A_118 = tpu.memref_slice %arg4[%mul3A_2, %dma_wait3A_117] : memref<10240x128xf32, #tpu.memory_space<hbm>> -> memref<32x128xf32, #tpu.memory_space<hbm>>
        tpu.wait_dma2 semaphore(%arg13 : memref<!tpu.dma_semaphore, #tpu.memory_space<semaphore_mem>>) src(%arg9 : memref<32x128xf32, #tpu.memory_space<vmem>>) dst(%dma_wait3A_118 : memref<32x128xf32, #tpu.memory_space<hbm>>)
      } else {
      }
      %mul3A_95 = arith.constant 4 : i32
      %mul3A_96 = arith.muli %rem3A_80, %mul3A_95 : i32
      %scan3A_97 = arith.constant 0 : i32
      %scan3A_98 = arith.constant 0 : i32
      %scan3A_99 = arith.constant 4 : i32
      %scan3A_100 = arith.addi %scan3A_98, %scan3A_99 : i32
      %scan3A_101 = arith.constant 1 : i32
      scf.for %scan3A_115 = %scan3A_98 to %scan3A_100 step %scan3A_101  : i32 {
        %mul3A_116 = arith.constant 32 : i32
        %mul3A_117 = arith.muli %scan3A_115, %mul3A_116 : i32
        %add3A_118 = arith.constant 0 : i32
        %add3A_119 = arith.addi %mul3A_117, %add3A_118 : i32
        %get3A = arith.index_cast %add3A_119 : i32 to index
        %get3A_120 = arith.constant 0 : index
        %get3A_121 = tpu.vector_load %arg8[%get3A, %get3A_120] {strides = array<i32>} : memref<128x64xi32, #tpu.memory_space<vmem>>, vector<1x16xi32>,
        %get3A_122 = vector.shape_cast %get3A_121 : vector<1x16xi32> to vector<16xi32>
        %shift_left3A = arith.shli %get3A_122, %broadcast_in_dim3A_31 : vector<16xi32>
        %bitcast_convert_type3A = tpu.bitcast %shift_left3A : vector<16xi32> -> vector<16xf32>
        %and3A_123 = arith.andi %get3A_122, %broadcast_in_dim3A_29 : vector<16xi32>
        %bitcast_convert_type3A_124 = tpu.bitcast %and3A_123 : vector<16xi32> -> vector<16xf32>
        %add3A_125 = arith.constant 0 : i32
        %add3A_126 = arith.addi %mul3A_117, %add3A_125 : i32
        %get3A_127 = arith.index_cast %add3A_126 : i32 to index
        %get3A_128 = arith.constant 16 : index
        %get3A_129 = tpu.vector_load %arg8[%get3A_127, %get3A_128] {strides = array<i32>} : memref<128x64xi32, #tpu.memory_space<vmem>>, vector<1x16xi32>,
        %get3A_130 = vector.shape_cast %get3A_129 : vector<1x16xi32> to vector<16xi32>
        %shift_left3A_131 = arith.shli %get3A_130, %broadcast_in_dim3A_31 : vector<16xi32>
        %bitcast_convert_type3A_132 = tpu.bitcast %shift_left3A_131 : vector<16xi32> -> vector<16xf32>
        %and3A_133 = arith.andi %get3A_130, %broadcast_in_dim3A_29 : vector<16xi32>
        %bitcast_convert_type3A_134 = tpu.bitcast %and3A_133 : vector<16xi32> -> vector<16xf32>
        %add3A_135 = arith.constant 0 : i32
        %add3A_136 = arith.addi %mul3A_117, %add3A_135 : i32
        %get3A_137 = arith.index_cast %add3A_136 : i32 to index
        %get3A_138 = arith.constant 32 : index
        %get3A_139 = tpu.vector_load %arg8[%get3A_137, %get3A_138] {strides = array<i32>} : memref<128x64xi32, #tpu.memory_space<vmem>>, vector<1x16xi32>,
        %get3A_140 = vector.shape_cast %get3A_139 : vector<1x16xi32> to vector<16xi32>
        %shift_left3A_141 = arith.shli %get3A_140, %broadcast_in_dim3A_31 : vector<16xi32>
        %bitcast_convert_type3A_142 = tpu.bitcast %shift_left3A_141 : vector<16xi32> -> vector<16xf32>
        %and3A_143 = arith.andi %get3A_140, %broadcast_in_dim3A_29 : vector<16xi32>
        %bitcast_convert_type3A_144 = tpu.bitcast %and3A_143 : vector<16xi32> -> vector<16xf32>
        %add3A_145 = arith.constant 0 : i32
        %add3A_146 = arith.addi %mul3A_117, %add3A_145 : i32
        %get3A_147 = arith.index_cast %add3A_146 : i32 to index
        %get3A_148 = arith.constant 48 : index
        %get3A_149 = tpu.vector_load %arg8[%get3A_147, %get3A_148] {strides = array<i32>} : memref<128x64xi32, #tpu.memory_space<vmem>>, vector<1x16xi32>,
        %get3A_150 = vector.shape_cast %get3A_149 : vector<1x16xi32> to vector<16xi32>
        %shift_left3A_151 = arith.shli %get3A_150, %broadcast_in_dim3A_31 : vector<16xi32>
        %bitcast_convert_type3A_152 = tpu.bitcast %shift_left3A_151 : vector<16xi32> -> vector<16xf32>
        %and3A_153 = arith.andi %get3A_150, %broadcast_in_dim3A_29 : vector<16xi32>
        %bitcast_convert_type3A_154 = tpu.bitcast %and3A_153 : vector<16xi32> -> vector<16xf32>
        %add3A_155 = arith.constant 1 : i32
        %add3A_156 = arith.addi %mul3A_117, %add3A_155 : i32
        %get3A_157 = arith.index_cast %add3A_156 : i32 to index
        %get3A_158 = arith.constant 0 : index
        %get3A_159 = tpu.vector_load %arg8[%get3A_157, %get3A_158] {strides = array<i32>} : memref<128x64xi32, #tpu.memory_space<vmem>>, vector<1x16xi32>,
        %get3A_160 = vector.shape_cast %get3A_159 : vector<1x16xi32> to vector<16xi32>
        %shift_left3A_161 = arith.shli %get3A_160, %broadcast_in_dim3A_31 : vector<16xi32>
        %bitcast_convert_type3A_162 = tpu.bitcast %shift_left3A_161 : vector<16xi32> -> vector<16xf32>
        %and3A_163 = arith.andi %get3A_160, %broadcast_in_dim3A_29 : vector<16xi32>
        %bitcast_convert_type3A_164 = tpu.bitcast %and3A_163 : vector<16xi32> -> vector<16xf32>
        %add3A_165 = arith.addf %bitcast_convert_type3A, %bitcast_convert_type3A_162 : vector<16xf32>
        %add3A_166 = arith.addf %bitcast_convert_type3A_124, %bitcast_convert_type3A_164 : vector<16xf32>
        %add3A_167 = arith.constant 1 : i32
        %add3A_168 = arith.addi %mul3A_117, %add3A_167 : i32
        %get3A_169 = arith.index_cast %add3A_168 : i32 to index
        %get3A_170 = arith.constant 16 : index
        %get3A_171 = tpu.vector_load %arg8[%get3A_169, %get3A_170] {strides = array<i32>} : memref<128x64xi32, #tpu.memory_space<vmem>>, vector<1x16xi32>,
        %get3A_172 = vector.shape_cast %get3A_171 : vector<1x16xi32> to vector<16xi32>
        %shift_left3A_173 = arith.shli %get3A_172, %broadcast_in_dim3A_31 : vector<16xi32>
        %bitcast_convert_type3A_174 = tpu.bitcast %shift_left3A_173 : vector<16xi32> -> vector<16xf32>
        %and3A_175 = arith.andi %get3A_172, %broadcast_in_dim3A_29 : vector<16xi32>
        %bitcast_convert_type3A_176 = tpu.bitcast %and3A_175 : vector<16xi32> -> vector<16xf32>
        %add3A_177 = arith.addf %bitcast_convert_type3A_132, %bitcast_convert_type3A_174 : vector<16xf32>
        %add3A_178 = arith.addf %bitcast_convert_type3A_134, %bitcast_convert_type3A_176 : vector<16xf32>
        %add3A_179 = arith.constant 1 : i32
        %add3A_180 = arith.addi %mul3A_117, %add3A_179 : i32
        %get3A_181 = arith.index_cast %add3A_180 : i32 to index
        %get3A_182 = arith.constant 32 : index
        %get3A_183 = tpu.vector_load %arg8[%get3A_181, %get3A_182] {strides = array<i32>} : memref<128x64xi32, #tpu.memory_space<vmem>>, vector<1x16xi32>,
        %get3A_184 = vector.shape_cast %get3A_183 : vector<1x16xi32> to vector<16xi32>
        %shift_left3A_185 = arith.shli %get3A_184, %broadcast_in_dim3A_31 : vector<16xi32>
        %bitcast_convert_type3A_186 = tpu.bitcast %shift_left3A_185 : vector<16xi32> -> vector<16xf32>
        %and3A_187 = arith.andi %get3A_184, %broadcast_in_dim3A_29 : vector<16xi32>
        %bitcast_convert_type3A_188 = tpu.bitcast %and3A_187 : vector<16xi32> -> vector<16xf32>
        %add3A_189 = arith.addf %bitcast_convert_type3A_142, %bitcast_convert_type3A_186 : vector<16xf32>
        %add3A_190 = arith.addf %bitcast_convert_type3A_144, %bitcast_convert_type3A_188 : vector<16xf32>
        %add3A_191 = arith.constant 1 : i32
        %add3A_192 = arith.addi %mul3A_117, %add3A_191 : i32
        %get3A_193 = arith.index_cast %add3A_192 : i32 to index
        %get3A_194 = arith.constant 48 : index
        %get3A_195 = tpu.vector_load %arg8[%get3A_193, %get3A_194] {strides = array<i32>} : memref<128x64xi32, #tpu.memory_space<vmem>>, vector<1x16xi32>,
        %get3A_196 = vector.shape_cast %get3A_195 : vector<1x16xi32> to vector<16xi32>
        %shift_left3A_197 = arith.shli %get3A_196, %broadcast_in_dim3A_31 : vector<16xi32>
        %bitcast_convert_type3A_198 = tpu.bitcast %shift_left3A_197 : vector<16xi32> -> vector<16xf32>
        %and3A_199 = arith.andi %get3A_196, %broadcast_in_dim3A_29 : vector<16xi32>
        %bitcast_convert_type3A_200 = tpu.bitcast %and3A_199 : vector<16xi32> -> vector<16xf32>
        %add3A_201 = arith.addf %bitcast_convert_type3A_152, %bitcast_convert_type3A_198 : vector<16xf32>
        %add3A_202 = arith.addf %bitcast_convert_type3A_154, %bitcast_convert_type3A_200 : vector<16xf32>
        %add3A_203 = arith.constant 2 : i32
        %add3A_204 = arith.addi %mul3A_117, %add3A_203 : i32
        %get3A_205 = arith.index_cast %add3A_204 : i32 to index
        %get3A_206 = arith.constant 0 : index
        %get3A_207 = tpu.vector_load %arg8[%get3A_205, %get3A_206] {strides = array<i32>} : memref<128x64xi32, #tpu.memory_space<vmem>>, vector<1x16xi32>,
        %get3A_208 = vector.shape_cast %get3A_207 : vector<1x16xi32> to vector<16xi32>
        %shift_left3A_209 = arith.shli %get3A_208, %broadcast_in_dim3A_31 : vector<16xi32>
        %bitcast_convert_type3A_210 = tpu.bitcast %shift_left3A_209 : vector<16xi32> -> vector<16xf32>
        %and3A_211 = arith.andi %get3A_208, %broadcast_in_dim3A_29 : vector<16xi32>
        %bitcast_convert_type3A_212 = tpu.bitcast %and3A_211 : vector<16xi32> -> vector<16xf32>
        %add3A_213 = arith.addf %add3A_165, %bitcast_convert_type3A_210 : vector<16xf32>
        %add3A_214 = arith.addf %add3A_166, %bitcast_convert_type3A_212 : vector<16xf32>
        %add3A_215 = arith.constant 2 : i32
        %add3A_216 = arith.addi %mul3A_117, %add3A_215 : i32
        %get3A_217 = arith.index_cast %add3A_216 : i32 to index
        %get3A_218 = arith.constant 16 : index
        %get3A_219 = tpu.vector_load %arg8[%get3A_217, %get3A_218] {strides = array<i32>} : memref<128x64xi32, #tpu.memory_space<vmem>>, vector<1x16xi32>,
        %get3A_220 = vector.shape_cast %get3A_219 : vector<1x16xi32> to vector<16xi32>
        %shift_left3A_221 = arith.shli %get3A_220, %broadcast_in_dim3A_31 : vector<16xi32>
        %bitcast_convert_type3A_222 = tpu.bitcast %shift_left3A_221 : vector<16xi32> -> vector<16xf32>
        %and3A_223 = arith.andi %get3A_220, %broadcast_in_dim3A_29 : vector<16xi32>
        %bitcast_convert_type3A_224 = tpu.bitcast %and3A_223 : vector<16xi32> -> vector<16xf32>
        %add3A_225 = arith.addf %add3A_177, %bitcast_convert_type3A_222 : vector<16xf32>
        %add3A_226 = arith.addf %add3A_178, %bitcast_convert_type3A_224 : vector<16xf32>
        %add3A_227 = arith.constant 2 : i32
        %add3A_228 = arith.addi %mul3A_117, %add3A_227 : i32
        %get3A_229 = arith.index_cast %add3A_228 : i32 to index
        %get3A_230 = arith.constant 32 : index
        %get3A_231 = tpu.vector_load %arg8[%get3A_229, %get3A_230] {strides = array<i32>} : memref<128x64xi32, #tpu.memory_space<vmem>>, vector<1x16xi32>,
        %get3A_232 = vector.shape_cast %get3A_231 : vector<1x16xi32> to vector<16xi32>
        %shift_left3A_233 = arith.shli %get3A_232, %broadcast_in_dim3A_31 : vector<16xi32>
        %bitcast_convert_type3A_234 = tpu.bitcast %shift_left3A_233 : vector<16xi32> -> vector<16xf32>
        %and3A_235 = arith.andi %get3A_232, %broadcast_in_dim3A_29 : vector<16xi32>
        %bitcast_convert_type3A_236 = tpu.bitcast %and3A_235 : vector<16xi32> -> vector<16xf32>
        %add3A_237 = arith.addf %add3A_189, %bitcast_convert_type3A_234 : vector<16xf32>
        %add3A_238 = arith.addf %add3A_190, %bitcast_convert_type3A_236 : vector<16xf32>
        %add3A_239 = arith.constant 2 : i32
        %add3A_240 = arith.addi %mul3A_117, %add3A_239 : i32
        %get3A_241 = arith.index_cast %add3A_240 : i32 to index
        %get3A_242 = arith.constant 48 : index
        %get3A_243 = tpu.vector_load %arg8[%get3A_241, %get3A_242] {strides = array<i32>} : memref<128x64xi32, #tpu.memory_space<vmem>>, vector<1x16xi32>,
        %get3A_244 = vector.shape_cast %get3A_243 : vector<1x16xi32> to vector<16xi32>
        %shift_left3A_245 = arith.shli %get3A_244, %broadcast_in_dim3A_31 : vector<16xi32>
        %bitcast_convert_type3A_246 = tpu.bitcast %shift_left3A_245 : vector<16xi32> -> vector<16xf32>
        %and3A_247 = arith.andi %get3A_244, %broadcast_in_dim3A_29 : vector<16xi32>
        %bitcast_convert_type3A_248 = tpu.bitcast %and3A_247 : vector<16xi32> -> vector<16xf32>
        %add3A_249 = arith.addf %add3A_201, %bitcast_convert_type3A_246 : vector<16xf32>
        %add3A_250 = arith.addf %add3A_202, %bitcast_convert_type3A_248 : vector<16xf32>
        %add3A_251 = arith.constant 3 : i32
        %add3A_252 = arith.addi %mul3A_117, %add3A_251 : i32
        %get3A_253 = arith.index_cast %add3A_252 : i32 to index
        %get3A_254 = arith.constant 0 : index
        %get3A_255 = tpu.vector_load %arg8[%get3A_253, %get3A_254] {strides = array<i32>} : memref<128x64xi32, #tpu.memory_space<vmem>>, vector<1x16xi32>,
        %get3A_256 = vector.shape_cast %get3A_255 : vector<1x16xi32> to vector<16xi32>
        %shift_left3A_257 = arith.shli %get3A_256, %broadcast_in_dim3A_31 : vector<16xi32>
        %bitcast_convert_type3A_258 = tpu.bitcast %shift_left3A_257 : vector<16xi32> -> vector<16xf32>
        %and3A_259 = arith.andi %get3A_256, %broadcast_in_dim3A_29 : vector<16xi32>
        %bitcast_convert_type3A_260 = tpu.bitcast %and3A_259 : vector<16xi32> -> vector<16xf32>
        %add3A_261 = arith.addf %add3A_213, %bitcast_convert_type3A_258 : vector<16xf32>
        %add3A_262 = arith.addf %add3A_214, %bitcast_convert_type3A_260 : vector<16xf32>
        %add3A_263 = arith.constant 3 : i32
        %add3A_264 = arith.addi %mul3A_117, %add3A_263 : i32
        %get3A_265 = arith.index_cast %add3A_264 : i32 to index
        %get3A_266 = arith.constant 16 : index
        %get3A_267 = tpu.vector_load %arg8[%get3A_265, %get3A_266] {strides = array<i32>} : memref<128x64xi32, #tpu.memory_space<vmem>>, vector<1x16xi32>,
        %get3A_268 = vector.shape_cast %get3A_267 : vector<1x16xi32> to vector<16xi32>
        %shift_left3A_269 = arith.shli %get3A_268, %broadcast_in_dim3A_31 : vector<16xi32>
        %bitcast_convert_type3A_270 = tpu.bitcast %shift_left3A_269 : vector<16xi32> -> vector<16xf32>
        %and3A_271 = arith.andi %get3A_268, %broadcast_in_dim3A_29 : vector<16xi32>
        %bitcast_convert_type3A_272 = tpu.bitcast %and3A_271 : vector<16xi32> -> vector<16xf32>
        %add3A_273 = arith.addf %add3A_225, %bitcast_convert_type3A_270 : vector<16xf32>
        %add3A_274 = arith.addf %add3A_226, %bitcast_convert_type3A_272 : vector<16xf32>
        %add3A_275 = arith.constant 3 : i32
        %add3A_276 = arith.addi %mul3A_117, %add3A_275 : i32
        %get3A_277 = arith.index_cast %add3A_276 : i32 to index
        %get3A_278 = arith.constant 32 : index
        %get3A_279 = tpu.vector_load %arg8[%get3A_277, %get3A_278] {strides = array<i32>} : memref<128x64xi32, #tpu.memory_space<vmem>>, vector<1x16xi32>,
        %get3A_280 = vector.shape_cast %get3A_279 : vector<1x16xi32> to vector<16xi32>
        %shift_left3A_281 = arith.shli %get3A_280, %broadcast_in_dim3A_31 : vector<16xi32>
        %bitcast_convert_type3A_282 = tpu.bitcast %shift_left3A_281 : vector<16xi32> -> vector<16xf32>
        %and3A_283 = arith.andi %get3A_280, %broadcast_in_dim3A_29 : vector<16xi32>
        %bitcast_convert_type3A_284 = tpu.bitcast %and3A_283 : vector<16xi32> -> vector<16xf32>
        %add3A_285 = arith.addf %add3A_237, %bitcast_convert_type3A_282 : vector<16xf32>
        %add3A_286 = arith.addf %add3A_238, %bitcast_convert_type3A_284 : vector<16xf32>
        %add3A_287 = arith.constant 3 : i32
        %add3A_288 = arith.addi %mul3A_117, %add3A_287 : i32
        %get3A_289 = arith.index_cast %add3A_288 : i32 to index
        %get3A_290 = arith.constant 48 : index
        %get3A_291 = tpu.vector_load %arg8[%get3A_289, %get3A_290] {strides = array<i32>} : memref<128x64xi32, #tpu.memory_space<vmem>>, vector<1x16xi32>,
        %get3A_292 = vector.shape_cast %get3A_291 : vector<1x16xi32> to vector<16xi32>
        %shift_left3A_293 = arith.shli %get3A_292, %broadcast_in_dim3A_31 : vector<16xi32>
        %bitcast_convert_type3A_294 = tpu.bitcast %shift_left3A_293 : vector<16xi32> -> vector<16xf32>
        %and3A_295 = arith.andi %get3A_292, %broadcast_in_dim3A_29 : vector<16xi32>
        %bitcast_convert_type3A_296 = tpu.bitcast %and3A_295 : vector<16xi32> -> vector<16xf32>
        %add3A_297 = arith.addf %add3A_249, %bitcast_convert_type3A_294 : vector<16xf32>
        %add3A_298 = arith.addf %add3A_250, %bitcast_convert_type3A_296 : vector<16xf32>
        %add3A_299 = arith.constant 4 : i32
        %add3A_300 = arith.addi %mul3A_117, %add3A_299 : i32
        %get3A_301 = arith.index_cast %add3A_300 : i32 to index
        %get3A_302 = arith.constant 0 : index
        %get3A_303 = tpu.vector_load %arg8[%get3A_301, %get3A_302] {strides = array<i32>} : memref<128x64xi32, #tpu.memory_space<vmem>>, vector<1x16xi32>,
        %get3A_304 = vector.shape_cast %get3A_303 : vector<1x16xi32> to vector<16xi32>
        %shift_left3A_305 = arith.shli %get3A_304, %broadcast_in_dim3A_31 : vector<16xi32>
        %bitcast_convert_type3A_306 = tpu.bitcast %shift_left3A_305 : vector<16xi32> -> vector<16xf32>
        %and3A_307 = arith.andi %get3A_304, %broadcast_in_dim3A_29 : vector<16xi32>
        %bitcast_convert_type3A_308 = tpu.bitcast %and3A_307 : vector<16xi32> -> vector<16xf32>
        %add3A_309 = arith.addf %add3A_261, %bitcast_convert_type3A_306 : vector<16xf32>
        %add3A_310 = arith.addf %add3A_262, %bitcast_convert_type3A_308 : vector<16xf32>
        %add3A_311 = arith.constant 4 : i32
        %add3A_312 = arith.addi %mul3A_117, %add3A_311 : i32
        %get3A_313 = arith.index_cast %add3A_312 : i32 to index
        %get3A_314 = arith.constant 16 : index
        %get3A_315 = tpu.vector_load %arg8[%get3A_313, %get3A_314] {strides = array<i32>} : memref<128x64xi32, #tpu.memory_space<vmem>>, vector<1x16xi32>,
        %get3A_316 = vector.shape_cast %get3A_315 : vector<1x16xi32> to vector<16xi32>
        %shift_left3A_317 = arith.shli %get3A_316, %broadcast_in_dim3A_31 : vector<16xi32>
        %bitcast_convert_type3A_318 = tpu.bitcast %shift_left3A_317 : vector<16xi32> -> vector<16xf32>
        %and3A_319 = arith.andi %get3A_316, %broadcast_in_dim3A_29 : vector<16xi32>
        %bitcast_convert_type3A_320 = tpu.bitcast %and3A_319 : vector<16xi32> -> vector<16xf32>
        %add3A_321 = arith.addf %add3A_273, %bitcast_convert_type3A_318 : vector<16xf32>
        %add3A_322 = arith.addf %add3A_274, %bitcast_convert_type3A_320 : vector<16xf32>
        %add3A_323 = arith.constant 4 : i32
        %add3A_324 = arith.addi %mul3A_117, %add3A_323 : i32
        %get3A_325 = arith.index_cast %add3A_324 : i32 to index
        %get3A_326 = arith.constant 32 : index
        %get3A_327 = tpu.vector_load %arg8[%get3A_325, %get3A_326] {strides = array<i32>} : memref<128x64xi32, #tpu.memory_space<vmem>>, vector<1x16xi32>,
        %get3A_328 = vector.shape_cast %get3A_327 : vector<1x16xi32> to vector<16xi32>
        %shift_left3A_329 = arith.shli %get3A_328, %broadcast_in_dim3A_31 : vector<16xi32>
        %bitcast_convert_type3A_330 = tpu.bitcast %shift_left3A_329 : vector<16xi32> -> vector<16xf32>
        %and3A_331 = arith.andi %get3A_328, %broadcast_in_dim3A_29 : vector<16xi32>
        %bitcast_convert_type3A_332 = tpu.bitcast %and3A_331 : vector<16xi32> -> vector<16xf32>
        %add3A_333 = arith.addf %add3A_285, %bitcast_convert_type3A_330 : vector<16xf32>
        %add3A_334 = arith.addf %add3A_286, %bitcast_convert_type3A_332 : vector<16xf32>
        %add3A_335 = arith.constant 4 : i32
        %add3A_336 = arith.addi %mul3A_117, %add3A_335 : i32
        %get3A_337 = arith.index_cast %add3A_336 : i32 to index
        %get3A_338 = arith.constant 48 : index
        %get3A_339 = tpu.vector_load %arg8[%get3A_337, %get3A_338] {strides = array<i32>} : memref<128x64xi32, #tpu.memory_space<vmem>>, vector<1x16xi32>,
        %get3A_340 = vector.shape_cast %get3A_339 : vector<1x16xi32> to vector<16xi32>
        %shift_left3A_341 = arith.shli %get3A_340, %broadcast_in_dim3A_31 : vector<16xi32>
        %bitcast_convert_type3A_342 = tpu.bitcast %shift_left3A_341 : vector<16xi32> -> vector<16xf32>
        %and3A_343 = arith.andi %get3A_340, %broadcast_in_dim3A_29 : vector<16xi32>
        %bitcast_convert_type3A_344 = tpu.bitcast %and3A_343 : vector<16xi32> -> vector<16xf32>
        %add3A_345 = arith.addf %add3A_297, %bitcast_convert_type3A_342 : vector<16xf32>
        %add3A_346 = arith.addf %add3A_298, %bitcast_convert_type3A_344 : vector<16xf32>
        %add3A_347 = arith.constant 5 : i32
        %add3A_348 = arith.addi %mul3A_117, %add3A_347 : i32
        %get3A_349 = arith.index_cast %add3A_348 : i32 to index
        %get3A_350 = arith.constant 0 : index
        %get3A_351 = tpu.vector_load %arg8[%get3A_349, %get3A_350] {strides = array<i32>} : memref<128x64xi32, #tpu.memory_space<vmem>>, vector<1x16xi32>,
        %get3A_352 = vector.shape_cast %get3A_351 : vector<1x16xi32> to vector<16xi32>
        %shift_left3A_353 = arith.shli %get3A_352, %broadcast_in_dim3A_31 : vector<16xi32>
        %bitcast_convert_type3A_354 = tpu.bitcast %shift_left3A_353 : vector<16xi32> -> vector<16xf32>
        %and3A_355 = arith.andi %get3A_352, %broadcast_in_dim3A_29 : vector<16xi32>
        %bitcast_convert_type3A_356 = tpu.bitcast %and3A_355 : vector<16xi32> -> vector<16xf32>
        %add3A_357 = arith.addf %add3A_309, %bitcast_convert_type3A_354 : vector<16xf32>
        %add3A_358 = arith.addf %add3A_310, %bitcast_convert_type3A_356 : vector<16xf32>
        %add3A_359 = arith.constant 5 : i32
        %add3A_360 = arith.addi %mul3A_117, %add3A_359 : i32
        %get3A_361 = arith.index_cast %add3A_360 : i32 to index
        %get3A_362 = arith.constant 16 : index
        %get3A_363 = tpu.vector_load %arg8[%get3A_361, %get3A_362] {strides = array<i32>} : memref<128x64xi32, #tpu.memory_space<vmem>>, vector<1x16xi32>,
        %get3A_364 = vector.shape_cast %get3A_363 : vector<1x16xi32> to vector<16xi32>
        %shift_left3A_365 = arith.shli %get3A_364, %broadcast_in_dim3A_31 : vector<16xi32>
        %bitcast_convert_type3A_366 = tpu.bitcast %shift_left3A_365 : vector<16xi32> -> vector<16xf32>
        %and3A_367 = arith.andi %get3A_364, %broadcast_in_dim3A_29 : vector<16xi32>
        %bitcast_convert_type3A_368 = tpu.bitcast %and3A_367 : vector<16xi32> -> vector<16xf32>
        %add3A_369 = arith.addf %add3A_321, %bitcast_convert_type3A_366 : vector<16xf32>
        %add3A_370 = arith.addf %add3A_322, %bitcast_convert_type3A_368 : vector<16xf32>
        %add3A_371 = arith.constant 5 : i32
        %add3A_372 = arith.addi %mul3A_117, %add3A_371 : i32
        %get3A_373 = arith.index_cast %add3A_372 : i32 to index
        %get3A_374 = arith.constant 32 : index
        %get3A_375 = tpu.vector_load %arg8[%get3A_373, %get3A_374] {strides = array<i32>} : memref<128x64xi32, #tpu.memory_space<vmem>>, vector<1x16xi32>,
        %get3A_376 = vector.shape_cast %get3A_375 : vector<1x16xi32> to vector<16xi32>
        %shift_left3A_377 = arith.shli %get3A_376, %broadcast_in_dim3A_31 : vector<16xi32>
        %bitcast_convert_type3A_378 = tpu.bitcast %shift_left3A_377 : vector<16xi32> -> vector<16xf32>
        %and3A_379 = arith.andi %get3A_376, %broadcast_in_dim3A_29 : vector<16xi32>
        %bitcast_convert_type3A_380 = tpu.bitcast %and3A_379 : vector<16xi32> -> vector<16xf32>
        %add3A_381 = arith.addf %add3A_333, %bitcast_convert_type3A_378 : vector<16xf32>
        %add3A_382 = arith.addf %add3A_334, %bitcast_convert_type3A_380 : vector<16xf32>
        %add3A_383 = arith.constant 5 : i32
        %add3A_384 = arith.addi %mul3A_117, %add3A_383 : i32
        %get3A_385 = arith.index_cast %add3A_384 : i32 to index
        %get3A_386 = arith.constant 48 : index
        %get3A_387 = tpu.vector_load %arg8[%get3A_385, %get3A_386] {strides = array<i32>} : memref<128x64xi32, #tpu.memory_space<vmem>>, vector<1x16xi32>,
        %get3A_388 = vector.shape_cast %get3A_387 : vector<1x16xi32> to vector<16xi32>
        %shift_left3A_389 = arith.shli %get3A_388, %broadcast_in_dim3A_31 : vector<16xi32>
        %bitcast_convert_type3A_390 = tpu.bitcast %shift_left3A_389 : vector<16xi32> -> vector<16xf32>
        %and3A_391 = arith.andi %get3A_388, %broadcast_in_dim3A_29 : vector<16xi32>
        %bitcast_convert_type3A_392 = tpu.bitcast %and3A_391 : vector<16xi32> -> vector<16xf32>
        %add3A_393 = arith.addf %add3A_345, %bitcast_convert_type3A_390 : vector<16xf32>
        %add3A_394 = arith.addf %add3A_346, %bitcast_convert_type3A_392 : vector<16xf32>
        %add3A_395 = arith.constant 6 : i32
        %add3A_396 = arith.addi %mul3A_117, %add3A_395 : i32
        %get3A_397 = arith.index_cast %add3A_396 : i32 to index
        %get3A_398 = arith.constant 0 : index
        %get3A_399 = tpu.vector_load %arg8[%get3A_397, %get3A_398] {strides = array<i32>} : memref<128x64xi32, #tpu.memory_space<vmem>>, vector<1x16xi32>,
        %get3A_400 = vector.shape_cast %get3A_399 : vector<1x16xi32> to vector<16xi32>
        %shift_left3A_401 = arith.shli %get3A_400, %broadcast_in_dim3A_31 : vector<16xi32>
        %bitcast_convert_type3A_402 = tpu.bitcast %shift_left3A_401 : vector<16xi32> -> vector<16xf32>
        %and3A_403 = arith.andi %get3A_400, %broadcast_in_dim3A_29 : vector<16xi32>
        %bitcast_convert_type3A_404 = tpu.bitcast %and3A_403 : vector<16xi32> -> vector<16xf32>
        %add3A_405 = arith.addf %add3A_357, %bitcast_convert_type3A_402 : vector<16xf32>
        %add3A_406 = arith.addf %add3A_358, %bitcast_convert_type3A_404 : vector<16xf32>
        %add3A_407 = arith.constant 6 : i32
        %add3A_408 = arith.addi %mul3A_117, %add3A_407 : i32
        %get3A_409 = arith.index_cast %add3A_408 : i32 to index
        %get3A_410 = arith.constant 16 : index
        %get3A_411 = tpu.vector_load %arg8[%get3A_409, %get3A_410] {strides = array<i32>} : memref<128x64xi32, #tpu.memory_space<vmem>>, vector<1x16xi32>,
        %get3A_412 = vector.shape_cast %get3A_411 : vector<1x16xi32> to vector<16xi32>
        %shift_left3A_413 = arith.shli %get3A_412, %broadcast_in_dim3A_31 : vector<16xi32>
        %bitcast_convert_type3A_414 = tpu.bitcast %shift_left3A_413 : vector<16xi32> -> vector<16xf32>
        %and3A_415 = arith.andi %get3A_412, %broadcast_in_dim3A_29 : vector<16xi32>
        %bitcast_convert_type3A_416 = tpu.bitcast %and3A_415 : vector<16xi32> -> vector<16xf32>
        %add3A_417 = arith.addf %add3A_369, %bitcast_convert_type3A_414 : vector<16xf32>
        %add3A_418 = arith.addf %add3A_370, %bitcast_convert_type3A_416 : vector<16xf32>
        %add3A_419 = arith.constant 6 : i32
        %add3A_420 = arith.addi %mul3A_117, %add3A_419 : i32
        %get3A_421 = arith.index_cast %add3A_420 : i32 to index
        %get3A_422 = arith.constant 32 : index
        %get3A_423 = tpu.vector_load %arg8[%get3A_421, %get3A_422] {strides = array<i32>} : memref<128x64xi32, #tpu.memory_space<vmem>>, vector<1x16xi32>,
        %get3A_424 = vector.shape_cast %get3A_423 : vector<1x16xi32> to vector<16xi32>
        %shift_left3A_425 = arith.shli %get3A_424, %broadcast_in_dim3A_31 : vector<16xi32>
        %bitcast_convert_type3A_426 = tpu.bitcast %shift_left3A_425 : vector<16xi32> -> vector<16xf32>
        %and3A_427 = arith.andi %get3A_424, %broadcast_in_dim3A_29 : vector<16xi32>
        %bitcast_convert_type3A_428 = tpu.bitcast %and3A_427 : vector<16xi32> -> vector<16xf32>
        %add3A_429 = arith.addf %add3A_381, %bitcast_convert_type3A_426 : vector<16xf32>
        %add3A_430 = arith.addf %add3A_382, %bitcast_convert_type3A_428 : vector<16xf32>
        %add3A_431 = arith.constant 6 : i32
        %add3A_432 = arith.addi %mul3A_117, %add3A_431 : i32
        %get3A_433 = arith.index_cast %add3A_432 : i32 to index
        %get3A_434 = arith.constant 48 : index
        %get3A_435 = tpu.vector_load %arg8[%get3A_433, %get3A_434] {strides = array<i32>} : memref<128x64xi32, #tpu.memory_space<vmem>>, vector<1x16xi32>,
        %get3A_436 = vector.shape_cast %get3A_435 : vector<1x16xi32> to vector<16xi32>
        %shift_left3A_437 = arith.shli %get3A_436, %broadcast_in_dim3A_31 : vector<16xi32>
        %bitcast_convert_type3A_438 = tpu.bitcast %shift_left3A_437 : vector<16xi32> -> vector<16xf32>
        %and3A_439 = arith.andi %get3A_436, %broadcast_in_dim3A_29 : vector<16xi32>
        %bitcast_convert_type3A_440 = tpu.bitcast %and3A_439 : vector<16xi32> -> vector<16xf32>
        %add3A_441 = arith.addf %add3A_393, %bitcast_convert_type3A_438 : vector<16xf32>
        %add3A_442 = arith.addf %add3A_394, %bitcast_convert_type3A_440 : vector<16xf32>
        %add3A_443 = arith.constant 7 : i32
        %add3A_444 = arith.addi %mul3A_117, %add3A_443 : i32
        %get3A_445 = arith.index_cast %add3A_444 : i32 to index
        %get3A_446 = arith.constant 0 : index
        %get3A_447 = tpu.vector_load %arg8[%get3A_445, %get3A_446] {strides = array<i32>} : memref<128x64xi32, #tpu.memory_space<vmem>>, vector<1x16xi32>,
        %get3A_448 = vector.shape_cast %get3A_447 : vector<1x16xi32> to vector<16xi32>
        %shift_left3A_449 = arith.shli %get3A_448, %broadcast_in_dim3A_31 : vector<16xi32>
        %bitcast_convert_type3A_450 = tpu.bitcast %shift_left3A_449 : vector<16xi32> -> vector<16xf32>
        %and3A_451 = arith.andi %get3A_448, %broadcast_in_dim3A_29 : vector<16xi32>
        %bitcast_convert_type3A_452 = tpu.bitcast %and3A_451 : vector<16xi32> -> vector<16xf32>
        %add3A_453 = arith.addf %add3A_405, %bitcast_convert_type3A_450 : vector<16xf32>
        %add3A_454 = arith.addf %add3A_406, %bitcast_convert_type3A_452 : vector<16xf32>
        %add3A_455 = arith.constant 7 : i32
        %add3A_456 = arith.addi %mul3A_117, %add3A_455 : i32
        %get3A_457 = arith.index_cast %add3A_456 : i32 to index
        %get3A_458 = arith.constant 16 : index
        %get3A_459 = tpu.vector_load %arg8[%get3A_457, %get3A_458] {strides = array<i32>} : memref<128x64xi32, #tpu.memory_space<vmem>>, vector<1x16xi32>,
        %get3A_460 = vector.shape_cast %get3A_459 : vector<1x16xi32> to vector<16xi32>
        %shift_left3A_461 = arith.shli %get3A_460, %broadcast_in_dim3A_31 : vector<16xi32>
        %bitcast_convert_type3A_462 = tpu.bitcast %shift_left3A_461 : vector<16xi32> -> vector<16xf32>
        %and3A_463 = arith.andi %get3A_460, %broadcast_in_dim3A_29 : vector<16xi32>
        %bitcast_convert_type3A_464 = tpu.bitcast %and3A_463 : vector<16xi32> -> vector<16xf32>
        %add3A_465 = arith.addf %add3A_417, %bitcast_convert_type3A_462 : vector<16xf32>
        %add3A_466 = arith.addf %add3A_418, %bitcast_convert_type3A_464 : vector<16xf32>
        %add3A_467 = arith.constant 7 : i32
        %add3A_468 = arith.addi %mul3A_117, %add3A_467 : i32
        %get3A_469 = arith.index_cast %add3A_468 : i32 to index
        %get3A_470 = arith.constant 32 : index
        %get3A_471 = tpu.vector_load %arg8[%get3A_469, %get3A_470] {strides = array<i32>} : memref<128x64xi32, #tpu.memory_space<vmem>>, vector<1x16xi32>,
        %get3A_472 = vector.shape_cast %get3A_471 : vector<1x16xi32> to vector<16xi32>
        %shift_left3A_473 = arith.shli %get3A_472, %broadcast_in_dim3A_31 : vector<16xi32>
        %bitcast_convert_type3A_474 = tpu.bitcast %shift_left3A_473 : vector<16xi32> -> vector<16xf32>
        %and3A_475 = arith.andi %get3A_472, %broadcast_in_dim3A_29 : vector<16xi32>
        %bitcast_convert_type3A_476 = tpu.bitcast %and3A_475 : vector<16xi32> -> vector<16xf32>
        %add3A_477 = arith.addf %add3A_429, %bitcast_convert_type3A_474 : vector<16xf32>
        %add3A_478 = arith.addf %add3A_430, %bitcast_convert_type3A_476 : vector<16xf32>
        %add3A_479 = arith.constant 7 : i32
        %add3A_480 = arith.addi %mul3A_117, %add3A_479 : i32
        %get3A_481 = arith.index_cast %add3A_480 : i32 to index
        %get3A_482 = arith.constant 48 : index
        %get3A_483 = tpu.vector_load %arg8[%get3A_481, %get3A_482] {strides = array<i32>} : memref<128x64xi32, #tpu.memory_space<vmem>>, vector<1x16xi32>,
        %get3A_484 = vector.shape_cast %get3A_483 : vector<1x16xi32> to vector<16xi32>
        %shift_left3A_485 = arith.shli %get3A_484, %broadcast_in_dim3A_31 : vector<16xi32>
        %bitcast_convert_type3A_486 = tpu.bitcast %shift_left3A_485 : vector<16xi32> -> vector<16xf32>
        %and3A_487 = arith.andi %get3A_484, %broadcast_in_dim3A_29 : vector<16xi32>
        %bitcast_convert_type3A_488 = tpu.bitcast %and3A_487 : vector<16xi32> -> vector<16xf32>
        %add3A_489 = arith.addf %add3A_441, %bitcast_convert_type3A_486 : vector<16xf32>
        %add3A_490 = arith.addf %add3A_442, %bitcast_convert_type3A_488 : vector<16xf32>
        %add3A_491 = arith.constant 8 : i32
        %add3A_492 = arith.addi %mul3A_117, %add3A_491 : i32
        %get3A_493 = arith.index_cast %add3A_492 : i32 to index
        %get3A_494 = arith.constant 0 : index
        %get3A_495 = tpu.vector_load %arg8[%get3A_493, %get3A_494] {strides = array<i32>} : memref<128x64xi32, #tpu.memory_space<vmem>>, vector<1x16xi32>,
        %get3A_496 = vector.shape_cast %get3A_495 : vector<1x16xi32> to vector<16xi32>
        %shift_left3A_497 = arith.shli %get3A_496, %broadcast_in_dim3A_31 : vector<16xi32>
        %bitcast_convert_type3A_498 = tpu.bitcast %shift_left3A_497 : vector<16xi32> -> vector<16xf32>
        %and3A_499 = arith.andi %get3A_496, %broadcast_in_dim3A_29 : vector<16xi32>
        %bitcast_convert_type3A_500 = tpu.bitcast %and3A_499 : vector<16xi32> -> vector<16xf32>
        %add3A_501 = arith.addf %add3A_453, %bitcast_convert_type3A_498 : vector<16xf32>
        %add3A_502 = arith.addf %add3A_454, %bitcast_convert_type3A_500 : vector<16xf32>
        %add3A_503 = arith.constant 8 : i32
        %add3A_504 = arith.addi %mul3A_117, %add3A_503 : i32
        %get3A_505 = arith.index_cast %add3A_504 : i32 to index
        %get3A_506 = arith.constant 16 : index
        %get3A_507 = tpu.vector_load %arg8[%get3A_505, %get3A_506] {strides = array<i32>} : memref<128x64xi32, #tpu.memory_space<vmem>>, vector<1x16xi32>,
        %get3A_508 = vector.shape_cast %get3A_507 : vector<1x16xi32> to vector<16xi32>
        %shift_left3A_509 = arith.shli %get3A_508, %broadcast_in_dim3A_31 : vector<16xi32>
        %bitcast_convert_type3A_510 = tpu.bitcast %shift_left3A_509 : vector<16xi32> -> vector<16xf32>
        %and3A_511 = arith.andi %get3A_508, %broadcast_in_dim3A_29 : vector<16xi32>
        %bitcast_convert_type3A_512 = tpu.bitcast %and3A_511 : vector<16xi32> -> vector<16xf32>
        %add3A_513 = arith.addf %add3A_465, %bitcast_convert_type3A_510 : vector<16xf32>
        %add3A_514 = arith.addf %add3A_466, %bitcast_convert_type3A_512 : vector<16xf32>
        %add3A_515 = arith.constant 8 : i32
        %add3A_516 = arith.addi %mul3A_117, %add3A_515 : i32
        %get3A_517 = arith.index_cast %add3A_516 : i32 to index
        %get3A_518 = arith.constant 32 : index
        %get3A_519 = tpu.vector_load %arg8[%get3A_517, %get3A_518] {strides = array<i32>} : memref<128x64xi32, #tpu.memory_space<vmem>>, vector<1x16xi32>,
        %get3A_520 = vector.shape_cast %get3A_519 : vector<1x16xi32> to vector<16xi32>
        %shift_left3A_521 = arith.shli %get3A_520, %broadcast_in_dim3A_31 : vector<16xi32>
        %bitcast_convert_type3A_522 = tpu.bitcast %shift_left3A_521 : vector<16xi32> -> vector<16xf32>
        %and3A_523 = arith.andi %get3A_520, %broadcast_in_dim3A_29 : vector<16xi32>
        %bitcast_convert_type3A_524 = tpu.bitcast %and3A_523 : vector<16xi32> -> vector<16xf32>
        %add3A_525 = arith.addf %add3A_477, %bitcast_convert_type3A_522 : vector<16xf32>
        %add3A_526 = arith.addf %add3A_478, %bitcast_convert_type3A_524 : vector<16xf32>
        %add3A_527 = arith.constant 8 : i32
        %add3A_528 = arith.addi %mul3A_117, %add3A_527 : i32
        %get3A_529 = arith.index_cast %add3A_528 : i32 to index
        %get3A_530 = arith.constant 48 : index
        %get3A_531 = tpu.vector_load %arg8[%get3A_529, %get3A_530] {strides = array<i32>} : memref<128x64xi32, #tpu.memory_space<vmem>>, vector<1x16xi32>,
        %get3A_532 = vector.shape_cast %get3A_531 : vector<1x16xi32> to vector<16xi32>
        %shift_left3A_533 = arith.shli %get3A_532, %broadcast_in_dim3A_31 : vector<16xi32>
        %bitcast_convert_type3A_534 = tpu.bitcast %shift_left3A_533 : vector<16xi32> -> vector<16xf32>
        %and3A_535 = arith.andi %get3A_532, %broadcast_in_dim3A_29 : vector<16xi32>
        %bitcast_convert_type3A_536 = tpu.bitcast %and3A_535 : vector<16xi32> -> vector<16xf32>
        %add3A_537 = arith.addf %add3A_489, %bitcast_convert_type3A_534 : vector<16xf32>
        %add3A_538 = arith.addf %add3A_490, %bitcast_convert_type3A_536 : vector<16xf32>
        %add3A_539 = arith.constant 9 : i32
        %add3A_540 = arith.addi %mul3A_117, %add3A_539 : i32
        %get3A_541 = arith.index_cast %add3A_540 : i32 to index
        %get3A_542 = arith.constant 0 : index
        %get3A_543 = tpu.vector_load %arg8[%get3A_541, %get3A_542] {strides = array<i32>} : memref<128x64xi32, #tpu.memory_space<vmem>>, vector<1x16xi32>,
        %get3A_544 = vector.shape_cast %get3A_543 : vector<1x16xi32> to vector<16xi32>
        %shift_left3A_545 = arith.shli %get3A_544, %broadcast_in_dim3A_31 : vector<16xi32>
        %bitcast_convert_type3A_546 = tpu.bitcast %shift_left3A_545 : vector<16xi32> -> vector<16xf32>
        %and3A_547 = arith.andi %get3A_544, %broadcast_in_dim3A_29 : vector<16xi32>
        %bitcast_convert_type3A_548 = tpu.bitcast %and3A_547 : vector<16xi32> -> vector<16xf32>
        %add3A_549 = arith.addf %add3A_501, %bitcast_convert_type3A_546 : vector<16xf32>
        %add3A_550 = arith.addf %add3A_502, %bitcast_convert_type3A_548 : vector<16xf32>
        %add3A_551 = arith.constant 9 : i32
        %add3A_552 = arith.addi %mul3A_117, %add3A_551 : i32
        %get3A_553 = arith.index_cast %add3A_552 : i32 to index
        %get3A_554 = arith.constant 16 : index
        %get3A_555 = tpu.vector_load %arg8[%get3A_553, %get3A_554] {strides = array<i32>} : memref<128x64xi32, #tpu.memory_space<vmem>>, vector<1x16xi32>,
        %get3A_556 = vector.shape_cast %get3A_555 : vector<1x16xi32> to vector<16xi32>
        %shift_left3A_557 = arith.shli %get3A_556, %broadcast_in_dim3A_31 : vector<16xi32>
        %bitcast_convert_type3A_558 = tpu.bitcast %shift_left3A_557 : vector<16xi32> -> vector<16xf32>
        %and3A_559 = arith.andi %get3A_556, %broadcast_in_dim3A_29 : vector<16xi32>
        %bitcast_convert_type3A_560 = tpu.bitcast %and3A_559 : vector<16xi32> -> vector<16xf32>
        %add3A_561 = arith.addf %add3A_513, %bitcast_convert_type3A_558 : vector<16xf32>
        %add3A_562 = arith.addf %add3A_514, %bitcast_convert_type3A_560 : vector<16xf32>
        %add3A_563 = arith.constant 9 : i32
        %add3A_564 = arith.addi %mul3A_117, %add3A_563 : i32
        %get3A_565 = arith.index_cast %add3A_564 : i32 to index
        %get3A_566 = arith.constant 32 : index
        %get3A_567 = tpu.vector_load %arg8[%get3A_565, %get3A_566] {strides = array<i32>} : memref<128x64xi32, #tpu.memory_space<vmem>>, vector<1x16xi32>,
        %get3A_568 = vector.shape_cast %get3A_567 : vector<1x16xi32> to vector<16xi32>
        %shift_left3A_569 = arith.shli %get3A_568, %broadcast_in_dim3A_31 : vector<16xi32>
        %bitcast_convert_type3A_570 = tpu.bitcast %shift_left3A_569 : vector<16xi32> -> vector<16xf32>
        %and3A_571 = arith.andi %get3A_568, %broadcast_in_dim3A_29 : vector<16xi32>
        %bitcast_convert_type3A_572 = tpu.bitcast %and3A_571 : vector<16xi32> -> vector<16xf32>
        %add3A_573 = arith.addf %add3A_525, %bitcast_convert_type3A_570 : vector<16xf32>
        %add3A_574 = arith.addf %add3A_526, %bitcast_convert_type3A_572 : vector<16xf32>
        %add3A_575 = arith.constant 9 : i32
        %add3A_576 = arith.addi %mul3A_117, %add3A_575 : i32
        %get3A_577 = arith.index_cast %add3A_576 : i32 to index
        %get3A_578 = arith.constant 48 : index
        %get3A_579 = tpu.vector_load %arg8[%get3A_577, %get3A_578] {strides = array<i32>} : memref<128x64xi32, #tpu.memory_space<vmem>>, vector<1x16xi32>,
        %get3A_580 = vector.shape_cast %get3A_579 : vector<1x16xi32> to vector<16xi32>
        %shift_left3A_581 = arith.shli %get3A_580, %broadcast_in_dim3A_31 : vector<16xi32>
        %bitcast_convert_type3A_582 = tpu.bitcast %shift_left3A_581 : vector<16xi32> -> vector<16xf32>
        %and3A_583 = arith.andi %get3A_580, %broadcast_in_dim3A_29 : vector<16xi32>
        %bitcast_convert_type3A_584 = tpu.bitcast %and3A_583 : vector<16xi32> -> vector<16xf32>
        %add3A_585 = arith.addf %add3A_537, %bitcast_convert_type3A_582 : vector<16xf32>
        %add3A_586 = arith.addf %add3A_538, %bitcast_convert_type3A_584 : vector<16xf32>
        %add3A_587 = arith.constant 10 : i32
        %add3A_588 = arith.addi %mul3A_117, %add3A_587 : i32
        %get3A_589 = arith.index_cast %add3A_588 : i32 to index
        %get3A_590 = arith.constant 0 : index
        %get3A_591 = tpu.vector_load %arg8[%get3A_589, %get3A_590] {strides = array<i32>} : memref<128x64xi32, #tpu.memory_space<vmem>>, vector<1x16xi32>,
        %get3A_592 = vector.shape_cast %get3A_591 : vector<1x16xi32> to vector<16xi32>
        %shift_left3A_593 = arith.shli %get3A_592, %broadcast_in_dim3A_31 : vector<16xi32>
        %bitcast_convert_type3A_594 = tpu.bitcast %shift_left3A_593 : vector<16xi32> -> vector<16xf32>
        %and3A_595 = arith.andi %get3A_592, %broadcast_in_dim3A_29 : vector<16xi32>
        %bitcast_convert_type3A_596 = tpu.bitcast %and3A_595 : vector<16xi32> -> vector<16xf32>
        %add3A_597 = arith.addf %add3A_549, %bitcast_convert_type3A_594 : vector<16xf32>
        %add3A_598 = arith.addf %add3A_550, %bitcast_convert_type3A_596 : vector<16xf32>
        %add3A_599 = arith.constant 10 : i32
        %add3A_600 = arith.addi %mul3A_117, %add3A_599 : i32
        %get3A_601 = arith.index_cast %add3A_600 : i32 to index
        %get3A_602 = arith.constant 16 : index
        %get3A_603 = tpu.vector_load %arg8[%get3A_601, %get3A_602] {strides = array<i32>} : memref<128x64xi32, #tpu.memory_space<vmem>>, vector<1x16xi32>,
        %get3A_604 = vector.shape_cast %get3A_603 : vector<1x16xi32> to vector<16xi32>
        %shift_left3A_605 = arith.shli %get3A_604, %broadcast_in_dim3A_31 : vector<16xi32>
        %bitcast_convert_type3A_606 = tpu.bitcast %shift_left3A_605 : vector<16xi32> -> vector<16xf32>
        %and3A_607 = arith.andi %get3A_604, %broadcast_in_dim3A_29 : vector<16xi32>
        %bitcast_convert_type3A_608 = tpu.bitcast %and3A_607 : vector<16xi32> -> vector<16xf32>
        %add3A_609 = arith.addf %add3A_561, %bitcast_convert_type3A_606 : vector<16xf32>
        %add3A_610 = arith.addf %add3A_562, %bitcast_convert_type3A_608 : vector<16xf32>
        %add3A_611 = arith.constant 10 : i32
        %add3A_612 = arith.addi %mul3A_117, %add3A_611 : i32
        %get3A_613 = arith.index_cast %add3A_612 : i32 to index
        %get3A_614 = arith.constant 32 : index
        %get3A_615 = tpu.vector_load %arg8[%get3A_613, %get3A_614] {strides = array<i32>} : memref<128x64xi32, #tpu.memory_space<vmem>>, vector<1x16xi32>,
        %get3A_616 = vector.shape_cast %get3A_615 : vector<1x16xi32> to vector<16xi32>
        %shift_left3A_617 = arith.shli %get3A_616, %broadcast_in_dim3A_31 : vector<16xi32>
        %bitcast_convert_type3A_618 = tpu.bitcast %shift_left3A_617 : vector<16xi32> -> vector<16xf32>
        %and3A_619 = arith.andi %get3A_616, %broadcast_in_dim3A_29 : vector<16xi32>
        %bitcast_convert_type3A_620 = tpu.bitcast %and3A_619 : vector<16xi32> -> vector<16xf32>
        %add3A_621 = arith.addf %add3A_573, %bitcast_convert_type3A_618 : vector<16xf32>
        %add3A_622 = arith.addf %add3A_574, %bitcast_convert_type3A_620 : vector<16xf32>
        %add3A_623 = arith.constant 10 : i32
        %add3A_624 = arith.addi %mul3A_117, %add3A_623 : i32
        %get3A_625 = arith.index_cast %add3A_624 : i32 to index
        %get3A_626 = arith.constant 48 : index
        %get3A_627 = tpu.vector_load %arg8[%get3A_625, %get3A_626] {strides = array<i32>} : memref<128x64xi32, #tpu.memory_space<vmem>>, vector<1x16xi32>,
        %get3A_628 = vector.shape_cast %get3A_627 : vector<1x16xi32> to vector<16xi32>
        %shift_left3A_629 = arith.shli %get3A_628, %broadcast_in_dim3A_31 : vector<16xi32>
        %bitcast_convert_type3A_630 = tpu.bitcast %shift_left3A_629 : vector<16xi32> -> vector<16xf32>
        %and3A_631 = arith.andi %get3A_628, %broadcast_in_dim3A_29 : vector<16xi32>
        %bitcast_convert_type3A_632 = tpu.bitcast %and3A_631 : vector<16xi32> -> vector<16xf32>
        %add3A_633 = arith.addf %add3A_585, %bitcast_convert_type3A_630 : vector<16xf32>
        %add3A_634 = arith.addf %add3A_586, %bitcast_convert_type3A_632 : vector<16xf32>
        %add3A_635 = arith.constant 11 : i32
        %add3A_636 = arith.addi %mul3A_117, %add3A_635 : i32
        %get3A_637 = arith.index_cast %add3A_636 : i32 to index
        %get3A_638 = arith.constant 0 : index
        %get3A_639 = tpu.vector_load %arg8[%get3A_637, %get3A_638] {strides = array<i32>} : memref<128x64xi32, #tpu.memory_space<vmem>>, vector<1x16xi32>,
        %get3A_640 = vector.shape_cast %get3A_639 : vector<1x16xi32> to vector<16xi32>
        %shift_left3A_641 = arith.shli %get3A_640, %broadcast_in_dim3A_31 : vector<16xi32>
        %bitcast_convert_type3A_642 = tpu.bitcast %shift_left3A_641 : vector<16xi32> -> vector<16xf32>
        %and3A_643 = arith.andi %get3A_640, %broadcast_in_dim3A_29 : vector<16xi32>
        %bitcast_convert_type3A_644 = tpu.bitcast %and3A_643 : vector<16xi32> -> vector<16xf32>
        %add3A_645 = arith.addf %add3A_597, %bitcast_convert_type3A_642 : vector<16xf32>
        %add3A_646 = arith.addf %add3A_598, %bitcast_convert_type3A_644 : vector<16xf32>
        %add3A_647 = arith.constant 11 : i32
        %add3A_648 = arith.addi %mul3A_117, %add3A_647 : i32
        %get3A_649 = arith.index_cast %add3A_648 : i32 to index
        %get3A_650 = arith.constant 16 : index
        %get3A_651 = tpu.vector_load %arg8[%get3A_649, %get3A_650] {strides = array<i32>} : memref<128x64xi32, #tpu.memory_space<vmem>>, vector<1x16xi32>,
        %get3A_652 = vector.shape_cast %get3A_651 : vector<1x16xi32> to vector<16xi32>
        %shift_left3A_653 = arith.shli %get3A_652, %broadcast_in_dim3A_31 : vector<16xi32>
        %bitcast_convert_type3A_654 = tpu.bitcast %shift_left3A_653 : vector<16xi32> -> vector<16xf32>
        %and3A_655 = arith.andi %get3A_652, %broadcast_in_dim3A_29 : vector<16xi32>
        %bitcast_convert_type3A_656 = tpu.bitcast %and3A_655 : vector<16xi32> -> vector<16xf32>
        %add3A_657 = arith.addf %add3A_609, %bitcast_convert_type3A_654 : vector<16xf32>
        %add3A_658 = arith.addf %add3A_610, %bitcast_convert_type3A_656 : vector<16xf32>
        %add3A_659 = arith.constant 11 : i32
        %add3A_660 = arith.addi %mul3A_117, %add3A_659 : i32
        %get3A_661 = arith.index_cast %add3A_660 : i32 to index
        %get3A_662 = arith.constant 32 : index
        %get3A_663 = tpu.vector_load %arg8[%get3A_661, %get3A_662] {strides = array<i32>} : memref<128x64xi32, #tpu.memory_space<vmem>>, vector<1x16xi32>,
        %get3A_664 = vector.shape_cast %get3A_663 : vector<1x16xi32> to vector<16xi32>
        %shift_left3A_665 = arith.shli %get3A_664, %broadcast_in_dim3A_31 : vector<16xi32>
        %bitcast_convert_type3A_666 = tpu.bitcast %shift_left3A_665 : vector<16xi32> -> vector<16xf32>
        %and3A_667 = arith.andi %get3A_664, %broadcast_in_dim3A_29 : vector<16xi32>
        %bitcast_convert_type3A_668 = tpu.bitcast %and3A_667 : vector<16xi32> -> vector<16xf32>
        %add3A_669 = arith.addf %add3A_621, %bitcast_convert_type3A_666 : vector<16xf32>
        %add3A_670 = arith.addf %add3A_622, %bitcast_convert_type3A_668 : vector<16xf32>
        %add3A_671 = arith.constant 11 : i32
        %add3A_672 = arith.addi %mul3A_117, %add3A_671 : i32
        %get3A_673 = arith.index_cast %add3A_672 : i32 to index
        %get3A_674 = arith.constant 48 : index
        %get3A_675 = tpu.vector_load %arg8[%get3A_673, %get3A_674] {strides = array<i32>} : memref<128x64xi32, #tpu.memory_space<vmem>>, vector<1x16xi32>,
        %get3A_676 = vector.shape_cast %get3A_675 : vector<1x16xi32> to vector<16xi32>
        %shift_left3A_677 = arith.shli %get3A_676, %broadcast_in_dim3A_31 : vector<16xi32>
        %bitcast_convert_type3A_678 = tpu.bitcast %shift_left3A_677 : vector<16xi32> -> vector<16xf32>
        %and3A_679 = arith.andi %get3A_676, %broadcast_in_dim3A_29 : vector<16xi32>
        %bitcast_convert_type3A_680 = tpu.bitcast %and3A_679 : vector<16xi32> -> vector<16xf32>
        %add3A_681 = arith.addf %add3A_633, %bitcast_convert_type3A_678 : vector<16xf32>
        %add3A_682 = arith.addf %add3A_634, %bitcast_convert_type3A_680 : vector<16xf32>
        %add3A_683 = arith.constant 12 : i32
        %add3A_684 = arith.addi %mul3A_117, %add3A_683 : i32
        %get3A_685 = arith.index_cast %add3A_684 : i32 to index
        %get3A_686 = arith.constant 0 : index
        %get3A_687 = tpu.vector_load %arg8[%get3A_685, %get3A_686] {strides = array<i32>} : memref<128x64xi32, #tpu.memory_space<vmem>>, vector<1x16xi32>,
        %get3A_688 = vector.shape_cast %get3A_687 : vector<1x16xi32> to vector<16xi32>
        %shift_left3A_689 = arith.shli %get3A_688, %broadcast_in_dim3A_31 : vector<16xi32>
        %bitcast_convert_type3A_690 = tpu.bitcast %shift_left3A_689 : vector<16xi32> -> vector<16xf32>
        %and3A_691 = arith.andi %get3A_688, %broadcast_in_dim3A_29 : vector<16xi32>
        %bitcast_convert_type3A_692 = tpu.bitcast %and3A_691 : vector<16xi32> -> vector<16xf32>
        %add3A_693 = arith.addf %add3A_645, %bitcast_convert_type3A_690 : vector<16xf32>
        %add3A_694 = arith.addf %add3A_646, %bitcast_convert_type3A_692 : vector<16xf32>
        %add3A_695 = arith.constant 12 : i32
        %add3A_696 = arith.addi %mul3A_117, %add3A_695 : i32
        %get3A_697 = arith.index_cast %add3A_696 : i32 to index
        %get3A_698 = arith.constant 16 : index
        %get3A_699 = tpu.vector_load %arg8[%get3A_697, %get3A_698] {strides = array<i32>} : memref<128x64xi32, #tpu.memory_space<vmem>>, vector<1x16xi32>,
        %get3A_700 = vector.shape_cast %get3A_699 : vector<1x16xi32> to vector<16xi32>
        %shift_left3A_701 = arith.shli %get3A_700, %broadcast_in_dim3A_31 : vector<16xi32>
        %bitcast_convert_type3A_702 = tpu.bitcast %shift_left3A_701 : vector<16xi32> -> vector<16xf32>
        %and3A_703 = arith.andi %get3A_700, %broadcast_in_dim3A_29 : vector<16xi32>
        %bitcast_convert_type3A_704 = tpu.bitcast %and3A_703 : vector<16xi32> -> vector<16xf32>
        %add3A_705 = arith.addf %add3A_657, %bitcast_convert_type3A_702 : vector<16xf32>
        %add3A_706 = arith.addf %add3A_658, %bitcast_convert_type3A_704 : vector<16xf32>
        %add3A_707 = arith.constant 12 : i32
        %add3A_708 = arith.addi %mul3A_117, %add3A_707 : i32
        %get3A_709 = arith.index_cast %add3A_708 : i32 to index
        %get3A_710 = arith.constant 32 : index
        %get3A_711 = tpu.vector_load %arg8[%get3A_709, %get3A_710] {strides = array<i32>} : memref<128x64xi32, #tpu.memory_space<vmem>>, vector<1x16xi32>,
        %get3A_712 = vector.shape_cast %get3A_711 : vector<1x16xi32> to vector<16xi32>
        %shift_left3A_713 = arith.shli %get3A_712, %broadcast_in_dim3A_31 : vector<16xi32>
        %bitcast_convert_type3A_714 = tpu.bitcast %shift_left3A_713 : vector<16xi32> -> vector<16xf32>
        %and3A_715 = arith.andi %get3A_712, %broadcast_in_dim3A_29 : vector<16xi32>
        %bitcast_convert_type3A_716 = tpu.bitcast %and3A_715 : vector<16xi32> -> vector<16xf32>
        %add3A_717 = arith.addf %add3A_669, %bitcast_convert_type3A_714 : vector<16xf32>
        %add3A_718 = arith.addf %add3A_670, %bitcast_convert_type3A_716 : vector<16xf32>
        %add3A_719 = arith.constant 12 : i32
        %add3A_720 = arith.addi %mul3A_117, %add3A_719 : i32
        %get3A_721 = arith.index_cast %add3A_720 : i32 to index
        %get3A_722 = arith.constant 48 : index
        %get3A_723 = tpu.vector_load %arg8[%get3A_721, %get3A_722] {strides = array<i32>} : memref<128x64xi32, #tpu.memory_space<vmem>>, vector<1x16xi32>,
        %get3A_724 = vector.shape_cast %get3A_723 : vector<1x16xi32> to vector<16xi32>
        %shift_left3A_725 = arith.shli %get3A_724, %broadcast_in_dim3A_31 : vector<16xi32>
        %bitcast_convert_type3A_726 = tpu.bitcast %shift_left3A_725 : vector<16xi32> -> vector<16xf32>
        %and3A_727 = arith.andi %get3A_724, %broadcast_in_dim3A_29 : vector<16xi32>
        %bitcast_convert_type3A_728 = tpu.bitcast %and3A_727 : vector<16xi32> -> vector<16xf32>
        %add3A_729 = arith.addf %add3A_681, %bitcast_convert_type3A_726 : vector<16xf32>
        %add3A_730 = arith.addf %add3A_682, %bitcast_convert_type3A_728 : vector<16xf32>
        %add3A_731 = arith.constant 13 : i32
        %add3A_732 = arith.addi %mul3A_117, %add3A_731 : i32
        %get3A_733 = arith.index_cast %add3A_732 : i32 to index
        %get3A_734 = arith.constant 0 : index
        %get3A_735 = tpu.vector_load %arg8[%get3A_733, %get3A_734] {strides = array<i32>} : memref<128x64xi32, #tpu.memory_space<vmem>>, vector<1x16xi32>,
        %get3A_736 = vector.shape_cast %get3A_735 : vector<1x16xi32> to vector<16xi32>
        %shift_left3A_737 = arith.shli %get3A_736, %broadcast_in_dim3A_31 : vector<16xi32>
        %bitcast_convert_type3A_738 = tpu.bitcast %shift_left3A_737 : vector<16xi32> -> vector<16xf32>
        %and3A_739 = arith.andi %get3A_736, %broadcast_in_dim3A_29 : vector<16xi32>
        %bitcast_convert_type3A_740 = tpu.bitcast %and3A_739 : vector<16xi32> -> vector<16xf32>
        %add3A_741 = arith.addf %add3A_693, %bitcast_convert_type3A_738 : vector<16xf32>
        %add3A_742 = arith.addf %add3A_694, %bitcast_convert_type3A_740 : vector<16xf32>
        %add3A_743 = arith.constant 13 : i32
        %add3A_744 = arith.addi %mul3A_117, %add3A_743 : i32
        %get3A_745 = arith.index_cast %add3A_744 : i32 to index
        %get3A_746 = arith.constant 16 : index
        %get3A_747 = tpu.vector_load %arg8[%get3A_745, %get3A_746] {strides = array<i32>} : memref<128x64xi32, #tpu.memory_space<vmem>>, vector<1x16xi32>,
        %get3A_748 = vector.shape_cast %get3A_747 : vector<1x16xi32> to vector<16xi32>
        %shift_left3A_749 = arith.shli %get3A_748, %broadcast_in_dim3A_31 : vector<16xi32>
        %bitcast_convert_type3A_750 = tpu.bitcast %shift_left3A_749 : vector<16xi32> -> vector<16xf32>
        %and3A_751 = arith.andi %get3A_748, %broadcast_in_dim3A_29 : vector<16xi32>
        %bitcast_convert_type3A_752 = tpu.bitcast %and3A_751 : vector<16xi32> -> vector<16xf32>
        %add3A_753 = arith.addf %add3A_705, %bitcast_convert_type3A_750 : vector<16xf32>
        %add3A_754 = arith.addf %add3A_706, %bitcast_convert_type3A_752 : vector<16xf32>
        %add3A_755 = arith.constant 13 : i32
        %add3A_756 = arith.addi %mul3A_117, %add3A_755 : i32
        %get3A_757 = arith.index_cast %add3A_756 : i32 to index
        %get3A_758 = arith.constant 32 : index
        %get3A_759 = tpu.vector_load %arg8[%get3A_757, %get3A_758] {strides = array<i32>} : memref<128x64xi32, #tpu.memory_space<vmem>>, vector<1x16xi32>,
        %get3A_760 = vector.shape_cast %get3A_759 : vector<1x16xi32> to vector<16xi32>
        %shift_left3A_761 = arith.shli %get3A_760, %broadcast_in_dim3A_31 : vector<16xi32>
        %bitcast_convert_type3A_762 = tpu.bitcast %shift_left3A_761 : vector<16xi32> -> vector<16xf32>
        %and3A_763 = arith.andi %get3A_760, %broadcast_in_dim3A_29 : vector<16xi32>
        %bitcast_convert_type3A_764 = tpu.bitcast %and3A_763 : vector<16xi32> -> vector<16xf32>
        %add3A_765 = arith.addf %add3A_717, %bitcast_convert_type3A_762 : vector<16xf32>
        %add3A_766 = arith.addf %add3A_718, %bitcast_convert_type3A_764 : vector<16xf32>
        %add3A_767 = arith.constant 13 : i32
        %add3A_768 = arith.addi %mul3A_117, %add3A_767 : i32
        %get3A_769 = arith.index_cast %add3A_768 : i32 to index
        %get3A_770 = arith.constant 48 : index
        %get3A_771 = tpu.vector_load %arg8[%get3A_769, %get3A_770] {strides = array<i32>} : memref<128x64xi32, #tpu.memory_space<vmem>>, vector<1x16xi32>,
        %get3A_772 = vector.shape_cast %get3A_771 : vector<1x16xi32> to vector<16xi32>
        %shift_left3A_773 = arith.shli %get3A_772, %broadcast_in_dim3A_31 : vector<16xi32>
        %bitcast_convert_type3A_774 = tpu.bitcast %shift_left3A_773 : vector<16xi32> -> vector<16xf32>
        %and3A_775 = arith.andi %get3A_772, %broadcast_in_dim3A_29 : vector<16xi32>
        %bitcast_convert_type3A_776 = tpu.bitcast %and3A_775 : vector<16xi32> -> vector<16xf32>
        %add3A_777 = arith.addf %add3A_729, %bitcast_convert_type3A_774 : vector<16xf32>
        %add3A_778 = arith.addf %add3A_730, %bitcast_convert_type3A_776 : vector<16xf32>
        %add3A_779 = arith.constant 14 : i32
        %add3A_780 = arith.addi %mul3A_117, %add3A_779 : i32
        %get3A_781 = arith.index_cast %add3A_780 : i32 to index
        %get3A_782 = arith.constant 0 : index
        %get3A_783 = tpu.vector_load %arg8[%get3A_781, %get3A_782] {strides = array<i32>} : memref<128x64xi32, #tpu.memory_space<vmem>>, vector<1x16xi32>,
        %get3A_784 = vector.shape_cast %get3A_783 : vector<1x16xi32> to vector<16xi32>
        %shift_left3A_785 = arith.shli %get3A_784, %broadcast_in_dim3A_31 : vector<16xi32>
        %bitcast_convert_type3A_786 = tpu.bitcast %shift_left3A_785 : vector<16xi32> -> vector<16xf32>
        %and3A_787 = arith.andi %get3A_784, %broadcast_in_dim3A_29 : vector<16xi32>
        %bitcast_convert_type3A_788 = tpu.bitcast %and3A_787 : vector<16xi32> -> vector<16xf32>
        %add3A_789 = arith.addf %add3A_741, %bitcast_convert_type3A_786 : vector<16xf32>
        %add3A_790 = arith.addf %add3A_742, %bitcast_convert_type3A_788 : vector<16xf32>
        %add3A_791 = arith.constant 14 : i32
        %add3A_792 = arith.addi %mul3A_117, %add3A_791 : i32
        %get3A_793 = arith.index_cast %add3A_792 : i32 to index
        %get3A_794 = arith.constant 16 : index
        %get3A_795 = tpu.vector_load %arg8[%get3A_793, %get3A_794] {strides = array<i32>} : memref<128x64xi32, #tpu.memory_space<vmem>>, vector<1x16xi32>,
        %get3A_796 = vector.shape_cast %get3A_795 : vector<1x16xi32> to vector<16xi32>
        %shift_left3A_797 = arith.shli %get3A_796, %broadcast_in_dim3A_31 : vector<16xi32>
        %bitcast_convert_type3A_798 = tpu.bitcast %shift_left3A_797 : vector<16xi32> -> vector<16xf32>
        %and3A_799 = arith.andi %get3A_796, %broadcast_in_dim3A_29 : vector<16xi32>
        %bitcast_convert_type3A_800 = tpu.bitcast %and3A_799 : vector<16xi32> -> vector<16xf32>
        %add3A_801 = arith.addf %add3A_753, %bitcast_convert_type3A_798 : vector<16xf32>
        %add3A_802 = arith.addf %add3A_754, %bitcast_convert_type3A_800 : vector<16xf32>
        %add3A_803 = arith.constant 14 : i32
        %add3A_804 = arith.addi %mul3A_117, %add3A_803 : i32
        %get3A_805 = arith.index_cast %add3A_804 : i32 to index
        %get3A_806 = arith.constant 32 : index
        %get3A_807 = tpu.vector_load %arg8[%get3A_805, %get3A_806] {strides = array<i32>} : memref<128x64xi32, #tpu.memory_space<vmem>>, vector<1x16xi32>,
        %get3A_808 = vector.shape_cast %get3A_807 : vector<1x16xi32> to vector<16xi32>
        %shift_left3A_809 = arith.shli %get3A_808, %broadcast_in_dim3A_31 : vector<16xi32>
        %bitcast_convert_type3A_810 = tpu.bitcast %shift_left3A_809 : vector<16xi32> -> vector<16xf32>
        %and3A_811 = arith.andi %get3A_808, %broadcast_in_dim3A_29 : vector<16xi32>
        %bitcast_convert_type3A_812 = tpu.bitcast %and3A_811 : vector<16xi32> -> vector<16xf32>
        %add3A_813 = arith.addf %add3A_765, %bitcast_convert_type3A_810 : vector<16xf32>
        %add3A_814 = arith.addf %add3A_766, %bitcast_convert_type3A_812 : vector<16xf32>
        %add3A_815 = arith.constant 14 : i32
        %add3A_816 = arith.addi %mul3A_117, %add3A_815 : i32
        %get3A_817 = arith.index_cast %add3A_816 : i32 to index
        %get3A_818 = arith.constant 48 : index
        %get3A_819 = tpu.vector_load %arg8[%get3A_817, %get3A_818] {strides = array<i32>} : memref<128x64xi32, #tpu.memory_space<vmem>>, vector<1x16xi32>,
        %get3A_820 = vector.shape_cast %get3A_819 : vector<1x16xi32> to vector<16xi32>
        %shift_left3A_821 = arith.shli %get3A_820, %broadcast_in_dim3A_31 : vector<16xi32>
        %bitcast_convert_type3A_822 = tpu.bitcast %shift_left3A_821 : vector<16xi32> -> vector<16xf32>
        %and3A_823 = arith.andi %get3A_820, %broadcast_in_dim3A_29 : vector<16xi32>
        %bitcast_convert_type3A_824 = tpu.bitcast %and3A_823 : vector<16xi32> -> vector<16xf32>
        %add3A_825 = arith.addf %add3A_777, %bitcast_convert_type3A_822 : vector<16xf32>
        %add3A_826 = arith.addf %add3A_778, %bitcast_convert_type3A_824 : vector<16xf32>
        %add3A_827 = arith.constant 15 : i32
        %add3A_828 = arith.addi %mul3A_117, %add3A_827 : i32
        %get3A_829 = arith.index_cast %add3A_828 : i32 to index
        %get3A_830 = arith.constant 0 : index
        %get3A_831 = tpu.vector_load %arg8[%get3A_829, %get3A_830] {strides = array<i32>} : memref<128x64xi32, #tpu.memory_space<vmem>>, vector<1x16xi32>,
        %get3A_832 = vector.shape_cast %get3A_831 : vector<1x16xi32> to vector<16xi32>
        %shift_left3A_833 = arith.shli %get3A_832, %broadcast_in_dim3A_31 : vector<16xi32>
        %bitcast_convert_type3A_834 = tpu.bitcast %shift_left3A_833 : vector<16xi32> -> vector<16xf32>
        %and3A_835 = arith.andi %get3A_832, %broadcast_in_dim3A_29 : vector<16xi32>
        %bitcast_convert_type3A_836 = tpu.bitcast %and3A_835 : vector<16xi32> -> vector<16xf32>
        %add3A_837 = arith.addf %add3A_789, %bitcast_convert_type3A_834 : vector<16xf32>
        %add3A_838 = arith.addf %add3A_790, %bitcast_convert_type3A_836 : vector<16xf32>
        %add3A_839 = arith.constant 15 : i32
        %add3A_840 = arith.addi %mul3A_117, %add3A_839 : i32
        %get3A_841 = arith.index_cast %add3A_840 : i32 to index
        %get3A_842 = arith.constant 16 : index
        %get3A_843 = tpu.vector_load %arg8[%get3A_841, %get3A_842] {strides = array<i32>} : memref<128x64xi32, #tpu.memory_space<vmem>>, vector<1x16xi32>,
        %get3A_844 = vector.shape_cast %get3A_843 : vector<1x16xi32> to vector<16xi32>
        %shift_left3A_845 = arith.shli %get3A_844, %broadcast_in_dim3A_31 : vector<16xi32>
        %bitcast_convert_type3A_846 = tpu.bitcast %shift_left3A_845 : vector<16xi32> -> vector<16xf32>
        %and3A_847 = arith.andi %get3A_844, %broadcast_in_dim3A_29 : vector<16xi32>
        %bitcast_convert_type3A_848 = tpu.bitcast %and3A_847 : vector<16xi32> -> vector<16xf32>
        %add3A_849 = arith.addf %add3A_801, %bitcast_convert_type3A_846 : vector<16xf32>
        %add3A_850 = arith.addf %add3A_802, %bitcast_convert_type3A_848 : vector<16xf32>
        %add3A_851 = arith.constant 15 : i32
        %add3A_852 = arith.addi %mul3A_117, %add3A_851 : i32
        %get3A_853 = arith.index_cast %add3A_852 : i32 to index
        %get3A_854 = arith.constant 32 : index
        %get3A_855 = tpu.vector_load %arg8[%get3A_853, %get3A_854] {strides = array<i32>} : memref<128x64xi32, #tpu.memory_space<vmem>>, vector<1x16xi32>,
        %get3A_856 = vector.shape_cast %get3A_855 : vector<1x16xi32> to vector<16xi32>
        %shift_left3A_857 = arith.shli %get3A_856, %broadcast_in_dim3A_31 : vector<16xi32>
        %bitcast_convert_type3A_858 = tpu.bitcast %shift_left3A_857 : vector<16xi32> -> vector<16xf32>
        %and3A_859 = arith.andi %get3A_856, %broadcast_in_dim3A_29 : vector<16xi32>
        %bitcast_convert_type3A_860 = tpu.bitcast %and3A_859 : vector<16xi32> -> vector<16xf32>
        %add3A_861 = arith.addf %add3A_813, %bitcast_convert_type3A_858 : vector<16xf32>
        %add3A_862 = arith.addf %add3A_814, %bitcast_convert_type3A_860 : vector<16xf32>
        %add3A_863 = arith.constant 15 : i32
        %add3A_864 = arith.addi %mul3A_117, %add3A_863 : i32
        %get3A_865 = arith.index_cast %add3A_864 : i32 to index
        %get3A_866 = arith.constant 48 : index
        %get3A_867 = tpu.vector_load %arg8[%get3A_865, %get3A_866] {strides = array<i32>} : memref<128x64xi32, #tpu.memory_space<vmem>>, vector<1x16xi32>,
        %get3A_868 = vector.shape_cast %get3A_867 : vector<1x16xi32> to vector<16xi32>
        %shift_left3A_869 = arith.shli %get3A_868, %broadcast_in_dim3A_31 : vector<16xi32>
        %bitcast_convert_type3A_870 = tpu.bitcast %shift_left3A_869 : vector<16xi32> -> vector<16xf32>
        %and3A_871 = arith.andi %get3A_868, %broadcast_in_dim3A_29 : vector<16xi32>
        %bitcast_convert_type3A_872 = tpu.bitcast %and3A_871 : vector<16xi32> -> vector<16xf32>
        %add3A_873 = arith.addf %add3A_825, %bitcast_convert_type3A_870 : vector<16xf32>
        %add3A_874 = arith.addf %add3A_826, %bitcast_convert_type3A_872 : vector<16xf32>
        %add3A_875 = arith.constant 16 : i32
        %add3A_876 = arith.addi %mul3A_117, %add3A_875 : i32
        %get3A_877 = arith.index_cast %add3A_876 : i32 to index
        %get3A_878 = arith.constant 0 : index
        %get3A_879 = tpu.vector_load %arg8[%get3A_877, %get3A_878] {strides = array<i32>} : memref<128x64xi32, #tpu.memory_space<vmem>>, vector<1x16xi32>,
        %get3A_880 = vector.shape_cast %get3A_879 : vector<1x16xi32> to vector<16xi32>
        %shift_left3A_881 = arith.shli %get3A_880, %broadcast_in_dim3A_31 : vector<16xi32>
        %bitcast_convert_type3A_882 = tpu.bitcast %shift_left3A_881 : vector<16xi32> -> vector<16xf32>
        %and3A_883 = arith.andi %get3A_880, %broadcast_in_dim3A_29 : vector<16xi32>
        %bitcast_convert_type3A_884 = tpu.bitcast %and3A_883 : vector<16xi32> -> vector<16xf32>
        %add3A_885 = arith.addf %add3A_837, %bitcast_convert_type3A_882 : vector<16xf32>
        %add3A_886 = arith.addf %add3A_838, %bitcast_convert_type3A_884 : vector<16xf32>
        %add3A_887 = arith.constant 16 : i32
        %add3A_888 = arith.addi %mul3A_117, %add3A_887 : i32
        %get3A_889 = arith.index_cast %add3A_888 : i32 to index
        %get3A_890 = arith.constant 16 : index
        %get3A_891 = tpu.vector_load %arg8[%get3A_889, %get3A_890] {strides = array<i32>} : memref<128x64xi32, #tpu.memory_space<vmem>>, vector<1x16xi32>,
        %get3A_892 = vector.shape_cast %get3A_891 : vector<1x16xi32> to vector<16xi32>
        %shift_left3A_893 = arith.shli %get3A_892, %broadcast_in_dim3A_31 : vector<16xi32>
        %bitcast_convert_type3A_894 = tpu.bitcast %shift_left3A_893 : vector<16xi32> -> vector<16xf32>
        %and3A_895 = arith.andi %get3A_892, %broadcast_in_dim3A_29 : vector<16xi32>
        %bitcast_convert_type3A_896 = tpu.bitcast %and3A_895 : vector<16xi32> -> vector<16xf32>
        %add3A_897 = arith.addf %add3A_849, %bitcast_convert_type3A_894 : vector<16xf32>
        %add3A_898 = arith.addf %add3A_850, %bitcast_convert_type3A_896 : vector<16xf32>
        %add3A_899 = arith.constant 16 : i32
        %add3A_900 = arith.addi %mul3A_117, %add3A_899 : i32
        %get3A_901 = arith.index_cast %add3A_900 : i32 to index
        %get3A_902 = arith.constant 32 : index
        %get3A_903 = tpu.vector_load %arg8[%get3A_901, %get3A_902] {strides = array<i32>} : memref<128x64xi32, #tpu.memory_space<vmem>>, vector<1x16xi32>,
        %get3A_904 = vector.shape_cast %get3A_903 : vector<1x16xi32> to vector<16xi32>
        %shift_left3A_905 = arith.shli %get3A_904, %broadcast_in_dim3A_31 : vector<16xi32>
        %bitcast_convert_type3A_906 = tpu.bitcast %shift_left3A_905 : vector<16xi32> -> vector<16xf32>
        %and3A_907 = arith.andi %get3A_904, %broadcast_in_dim3A_29 : vector<16xi32>
        %bitcast_convert_type3A_908 = tpu.bitcast %and3A_907 : vector<16xi32> -> vector<16xf32>
        %add3A_909 = arith.addf %add3A_861, %bitcast_convert_type3A_906 : vector<16xf32>
        %add3A_910 = arith.addf %add3A_862, %bitcast_convert_type3A_908 : vector<16xf32>
        %add3A_911 = arith.constant 16 : i32
        %add3A_912 = arith.addi %mul3A_117, %add3A_911 : i32
        %get3A_913 = arith.index_cast %add3A_912 : i32 to index
        %get3A_914 = arith.constant 48 : index
        %get3A_915 = tpu.vector_load %arg8[%get3A_913, %get3A_914] {strides = array<i32>} : memref<128x64xi32, #tpu.memory_space<vmem>>, vector<1x16xi32>,
        %get3A_916 = vector.shape_cast %get3A_915 : vector<1x16xi32> to vector<16xi32>
        %shift_left3A_917 = arith.shli %get3A_916, %broadcast_in_dim3A_31 : vector<16xi32>
        %bitcast_convert_type3A_918 = tpu.bitcast %shift_left3A_917 : vector<16xi32> -> vector<16xf32>
        %and3A_919 = arith.andi %get3A_916, %broadcast_in_dim3A_29 : vector<16xi32>
        %bitcast_convert_type3A_920 = tpu.bitcast %and3A_919 : vector<16xi32> -> vector<16xf32>
        %add3A_921 = arith.addf %add3A_873, %bitcast_convert_type3A_918 : vector<16xf32>
        %add3A_922 = arith.addf %add3A_874, %bitcast_convert_type3A_920 : vector<16xf32>
        %add3A_923 = arith.constant 17 : i32
        %add3A_924 = arith.addi %mul3A_117, %add3A_923 : i32
        %get3A_925 = arith.index_cast %add3A_924 : i32 to index
        %get3A_926 = arith.constant 0 : index
        %get3A_927 = tpu.vector_load %arg8[%get3A_925, %get3A_926] {strides = array<i32>} : memref<128x64xi32, #tpu.memory_space<vmem>>, vector<1x16xi32>,
        %get3A_928 = vector.shape_cast %get3A_927 : vector<1x16xi32> to vector<16xi32>
        %shift_left3A_929 = arith.shli %get3A_928, %broadcast_in_dim3A_31 : vector<16xi32>
        %bitcast_convert_type3A_930 = tpu.bitcast %shift_left3A_929 : vector<16xi32> -> vector<16xf32>
        %and3A_931 = arith.andi %get3A_928, %broadcast_in_dim3A_29 : vector<16xi32>
        %bitcast_convert_type3A_932 = tpu.bitcast %and3A_931 : vector<16xi32> -> vector<16xf32>
        %add3A_933 = arith.addf %add3A_885, %bitcast_convert_type3A_930 : vector<16xf32>
        %add3A_934 = arith.addf %add3A_886, %bitcast_convert_type3A_932 : vector<16xf32>
        %add3A_935 = arith.constant 17 : i32
        %add3A_936 = arith.addi %mul3A_117, %add3A_935 : i32
        %get3A_937 = arith.index_cast %add3A_936 : i32 to index
        %get3A_938 = arith.constant 16 : index
        %get3A_939 = tpu.vector_load %arg8[%get3A_937, %get3A_938] {strides = array<i32>} : memref<128x64xi32, #tpu.memory_space<vmem>>, vector<1x16xi32>,
        %get3A_940 = vector.shape_cast %get3A_939 : vector<1x16xi32> to vector<16xi32>
        %shift_left3A_941 = arith.shli %get3A_940, %broadcast_in_dim3A_31 : vector<16xi32>
        %bitcast_convert_type3A_942 = tpu.bitcast %shift_left3A_941 : vector<16xi32> -> vector<16xf32>
        %and3A_943 = arith.andi %get3A_940, %broadcast_in_dim3A_29 : vector<16xi32>
        %bitcast_convert_type3A_944 = tpu.bitcast %and3A_943 : vector<16xi32> -> vector<16xf32>
        %add3A_945 = arith.addf %add3A_897, %bitcast_convert_type3A_942 : vector<16xf32>
        %add3A_946 = arith.addf %add3A_898, %bitcast_convert_type3A_944 : vector<16xf32>
        %add3A_947 = arith.constant 17 : i32
        %add3A_948 = arith.addi %mul3A_117, %add3A_947 : i32
        %get3A_949 = arith.index_cast %add3A_948 : i32 to index
        %get3A_950 = arith.constant 32 : index
        %get3A_951 = tpu.vector_load %arg8[%get3A_949, %get3A_950] {strides = array<i32>} : memref<128x64xi32, #tpu.memory_space<vmem>>, vector<1x16xi32>,
        %get3A_952 = vector.shape_cast %get3A_951 : vector<1x16xi32> to vector<16xi32>
        %shift_left3A_953 = arith.shli %get3A_952, %broadcast_in_dim3A_31 : vector<16xi32>
        %bitcast_convert_type3A_954 = tpu.bitcast %shift_left3A_953 : vector<16xi32> -> vector<16xf32>
        %and3A_955 = arith.andi %get3A_952, %broadcast_in_dim3A_29 : vector<16xi32>
        %bitcast_convert_type3A_956 = tpu.bitcast %and3A_955 : vector<16xi32> -> vector<16xf32>
        %add3A_957 = arith.addf %add3A_909, %bitcast_convert_type3A_954 : vector<16xf32>
        %add3A_958 = arith.addf %add3A_910, %bitcast_convert_type3A_956 : vector<16xf32>
        %add3A_959 = arith.constant 17 : i32
        %add3A_960 = arith.addi %mul3A_117, %add3A_959 : i32
        %get3A_961 = arith.index_cast %add3A_960 : i32 to index
        %get3A_962 = arith.constant 48 : index
        %get3A_963 = tpu.vector_load %arg8[%get3A_961, %get3A_962] {strides = array<i32>} : memref<128x64xi32, #tpu.memory_space<vmem>>, vector<1x16xi32>,
        %get3A_964 = vector.shape_cast %get3A_963 : vector<1x16xi32> to vector<16xi32>
        %shift_left3A_965 = arith.shli %get3A_964, %broadcast_in_dim3A_31 : vector<16xi32>
        %bitcast_convert_type3A_966 = tpu.bitcast %shift_left3A_965 : vector<16xi32> -> vector<16xf32>
        %and3A_967 = arith.andi %get3A_964, %broadcast_in_dim3A_29 : vector<16xi32>
        %bitcast_convert_type3A_968 = tpu.bitcast %and3A_967 : vector<16xi32> -> vector<16xf32>
        %add3A_969 = arith.addf %add3A_921, %bitcast_convert_type3A_966 : vector<16xf32>
        %add3A_970 = arith.addf %add3A_922, %bitcast_convert_type3A_968 : vector<16xf32>
        %add3A_971 = arith.constant 18 : i32
        %add3A_972 = arith.addi %mul3A_117, %add3A_971 : i32
        %get3A_973 = arith.index_cast %add3A_972 : i32 to index
        %get3A_974 = arith.constant 0 : index
        %get3A_975 = tpu.vector_load %arg8[%get3A_973, %get3A_974] {strides = array<i32>} : memref<128x64xi32, #tpu.memory_space<vmem>>, vector<1x16xi32>,
        %get3A_976 = vector.shape_cast %get3A_975 : vector<1x16xi32> to vector<16xi32>
        %shift_left3A_977 = arith.shli %get3A_976, %broadcast_in_dim3A_31 : vector<16xi32>
        %bitcast_convert_type3A_978 = tpu.bitcast %shift_left3A_977 : vector<16xi32> -> vector<16xf32>
        %and3A_979 = arith.andi %get3A_976, %broadcast_in_dim3A_29 : vector<16xi32>
        %bitcast_convert_type3A_980 = tpu.bitcast %and3A_979 : vector<16xi32> -> vector<16xf32>
        %add3A_981 = arith.addf %add3A_933, %bitcast_convert_type3A_978 : vector<16xf32>
        %add3A_982 = arith.addf %add3A_934, %bitcast_convert_type3A_980 : vector<16xf32>
        %add3A_983 = arith.constant 18 : i32
        %add3A_984 = arith.addi %mul3A_117, %add3A_983 : i32
        %get3A_985 = arith.index_cast %add3A_984 : i32 to index
        %get3A_986 = arith.constant 16 : index
        %get3A_987 = tpu.vector_load %arg8[%get3A_985, %get3A_986] {strides = array<i32>} : memref<128x64xi32, #tpu.memory_space<vmem>>, vector<1x16xi32>,
        %get3A_988 = vector.shape_cast %get3A_987 : vector<1x16xi32> to vector<16xi32>
        %shift_left3A_989 = arith.shli %get3A_988, %broadcast_in_dim3A_31 : vector<16xi32>
        %bitcast_convert_type3A_990 = tpu.bitcast %shift_left3A_989 : vector<16xi32> -> vector<16xf32>
        %and3A_991 = arith.andi %get3A_988, %broadcast_in_dim3A_29 : vector<16xi32>
        %bitcast_convert_type3A_992 = tpu.bitcast %and3A_991 : vector<16xi32> -> vector<16xf32>
        %add3A_993 = arith.addf %add3A_945, %bitcast_convert_type3A_990 : vector<16xf32>
        %add3A_994 = arith.addf %add3A_946, %bitcast_convert_type3A_992 : vector<16xf32>
        %add3A_995 = arith.constant 18 : i32
        %add3A_996 = arith.addi %mul3A_117, %add3A_995 : i32
        %get3A_997 = arith.index_cast %add3A_996 : i32 to index
        %get3A_998 = arith.constant 32 : index
        %get3A_999 = tpu.vector_load %arg8[%get3A_997, %get3A_998] {strides = array<i32>} : memref<128x64xi32, #tpu.memory_space<vmem>>, vector<1x16xi32>,
        %get3A_1000 = vector.shape_cast %get3A_999 : vector<1x16xi32> to vector<16xi32>
        %shift_left3A_1001 = arith.shli %get3A_1000, %broadcast_in_dim3A_31 : vector<16xi32>
        %bitcast_convert_type3A_1002 = tpu.bitcast %shift_left3A_1001 : vector<16xi32> -> vector<16xf32>
        %and3A_1003 = arith.andi %get3A_1000, %broadcast_in_dim3A_29 : vector<16xi32>
        %bitcast_convert_type3A_1004 = tpu.bitcast %and3A_1003 : vector<16xi32> -> vector<16xf32>
        %add3A_1005 = arith.addf %add3A_957, %bitcast_convert_type3A_1002 : vector<16xf32>
        %add3A_1006 = arith.addf %add3A_958, %bitcast_convert_type3A_1004 : vector<16xf32>
        %add3A_1007 = arith.constant 18 : i32
        %add3A_1008 = arith.addi %mul3A_117, %add3A_1007 : i32
        %get3A_1009 = arith.index_cast %add3A_1008 : i32 to index
        %get3A_1010 = arith.constant 48 : index
        %get3A_1011 = tpu.vector_load %arg8[%get3A_1009, %get3A_1010] {strides = array<i32>} : memref<128x64xi32, #tpu.memory_space<vmem>>, vector<1x16xi32>,
        %get3A_1012 = vector.shape_cast %get3A_1011 : vector<1x16xi32> to vector<16xi32>
        %shift_left3A_1013 = arith.shli %get3A_1012, %broadcast_in_dim3A_31 : vector<16xi32>
        %bitcast_convert_type3A_1014 = tpu.bitcast %shift_left3A_1013 : vector<16xi32> -> vector<16xf32>
        %and3A_1015 = arith.andi %get3A_1012, %broadcast_in_dim3A_29 : vector<16xi32>
        %bitcast_convert_type3A_1016 = tpu.bitcast %and3A_1015 : vector<16xi32> -> vector<16xf32>
        %add3A_1017 = arith.addf %add3A_969, %bitcast_convert_type3A_1014 : vector<16xf32>
        %add3A_1018 = arith.addf %add3A_970, %bitcast_convert_type3A_1016 : vector<16xf32>
        %add3A_1019 = arith.constant 19 : i32
        %add3A_1020 = arith.addi %mul3A_117, %add3A_1019 : i32
        %get3A_1021 = arith.index_cast %add3A_1020 : i32 to index
        %get3A_1022 = arith.constant 0 : index
        %get3A_1023 = tpu.vector_load %arg8[%get3A_1021, %get3A_1022] {strides = array<i32>} : memref<128x64xi32, #tpu.memory_space<vmem>>, vector<1x16xi32>,
        %get3A_1024 = vector.shape_cast %get3A_1023 : vector<1x16xi32> to vector<16xi32>
        %shift_left3A_1025 = arith.shli %get3A_1024, %broadcast_in_dim3A_31 : vector<16xi32>
        %bitcast_convert_type3A_1026 = tpu.bitcast %shift_left3A_1025 : vector<16xi32> -> vector<16xf32>
        %and3A_1027 = arith.andi %get3A_1024, %broadcast_in_dim3A_29 : vector<16xi32>
        %bitcast_convert_type3A_1028 = tpu.bitcast %and3A_1027 : vector<16xi32> -> vector<16xf32>
        %add3A_1029 = arith.addf %add3A_981, %bitcast_convert_type3A_1026 : vector<16xf32>
        %add3A_1030 = arith.addf %add3A_982, %bitcast_convert_type3A_1028 : vector<16xf32>
        %add3A_1031 = arith.constant 19 : i32
        %add3A_1032 = arith.addi %mul3A_117, %add3A_1031 : i32
        %get3A_1033 = arith.index_cast %add3A_1032 : i32 to index
        %get3A_1034 = arith.constant 16 : index
        %get3A_1035 = tpu.vector_load %arg8[%get3A_1033, %get3A_1034] {strides = array<i32>} : memref<128x64xi32, #tpu.memory_space<vmem>>, vector<1x16xi32>,
        %get3A_1036 = vector.shape_cast %get3A_1035 : vector<1x16xi32> to vector<16xi32>
        %shift_left3A_1037 = arith.shli %get3A_1036, %broadcast_in_dim3A_31 : vector<16xi32>
        %bitcast_convert_type3A_1038 = tpu.bitcast %shift_left3A_1037 : vector<16xi32> -> vector<16xf32>
        %and3A_1039 = arith.andi %get3A_1036, %broadcast_in_dim3A_29 : vector<16xi32>
        %bitcast_convert_type3A_1040 = tpu.bitcast %and3A_1039 : vector<16xi32> -> vector<16xf32>
        %add3A_1041 = arith.addf %add3A_993, %bitcast_convert_type3A_1038 : vector<16xf32>
        %add3A_1042 = arith.addf %add3A_994, %bitcast_convert_type3A_1040 : vector<16xf32>
        %add3A_1043 = arith.constant 19 : i32
        %add3A_1044 = arith.addi %mul3A_117, %add3A_1043 : i32
        %get3A_1045 = arith.index_cast %add3A_1044 : i32 to index
        %get3A_1046 = arith.constant 32 : index
        %get3A_1047 = tpu.vector_load %arg8[%get3A_1045, %get3A_1046] {strides = array<i32>} : memref<128x64xi32, #tpu.memory_space<vmem>>, vector<1x16xi32>,
        %get3A_1048 = vector.shape_cast %get3A_1047 : vector<1x16xi32> to vector<16xi32>
        %shift_left3A_1049 = arith.shli %get3A_1048, %broadcast_in_dim3A_31 : vector<16xi32>
        %bitcast_convert_type3A_1050 = tpu.bitcast %shift_left3A_1049 : vector<16xi32> -> vector<16xf32>
        %and3A_1051 = arith.andi %get3A_1048, %broadcast_in_dim3A_29 : vector<16xi32>
        %bitcast_convert_type3A_1052 = tpu.bitcast %and3A_1051 : vector<16xi32> -> vector<16xf32>
        %add3A_1053 = arith.addf %add3A_1005, %bitcast_convert_type3A_1050 : vector<16xf32>
        %add3A_1054 = arith.addf %add3A_1006, %bitcast_convert_type3A_1052 : vector<16xf32>
        %add3A_1055 = arith.constant 19 : i32
        %add3A_1056 = arith.addi %mul3A_117, %add3A_1055 : i32
        %get3A_1057 = arith.index_cast %add3A_1056 : i32 to index
        %get3A_1058 = arith.constant 48 : index
        %get3A_1059 = tpu.vector_load %arg8[%get3A_1057, %get3A_1058] {strides = array<i32>} : memref<128x64xi32, #tpu.memory_space<vmem>>, vector<1x16xi32>,
        %get3A_1060 = vector.shape_cast %get3A_1059 : vector<1x16xi32> to vector<16xi32>
        %shift_left3A_1061 = arith.shli %get3A_1060, %broadcast_in_dim3A_31 : vector<16xi32>
        %bitcast_convert_type3A_1062 = tpu.bitcast %shift_left3A_1061 : vector<16xi32> -> vector<16xf32>
        %and3A_1063 = arith.andi %get3A_1060, %broadcast_in_dim3A_29 : vector<16xi32>
        %bitcast_convert_type3A_1064 = tpu.bitcast %and3A_1063 : vector<16xi32> -> vector<16xf32>
        %add3A_1065 = arith.addf %add3A_1017, %bitcast_convert_type3A_1062 : vector<16xf32>
        %add3A_1066 = arith.addf %add3A_1018, %bitcast_convert_type3A_1064 : vector<16xf32>
        %add3A_1067 = arith.constant 20 : i32
        %add3A_1068 = arith.addi %mul3A_117, %add3A_1067 : i32
        %get3A_1069 = arith.index_cast %add3A_1068 : i32 to index
        %get3A_1070 = arith.constant 0 : index
        %get3A_1071 = tpu.vector_load %arg8[%get3A_1069, %get3A_1070] {strides = array<i32>} : memref<128x64xi32, #tpu.memory_space<vmem>>, vector<1x16xi32>,
        %get3A_1072 = vector.shape_cast %get3A_1071 : vector<1x16xi32> to vector<16xi32>
        %shift_left3A_1073 = arith.shli %get3A_1072, %broadcast_in_dim3A_31 : vector<16xi32>
        %bitcast_convert_type3A_1074 = tpu.bitcast %shift_left3A_1073 : vector<16xi32> -> vector<16xf32>
        %and3A_1075 = arith.andi %get3A_1072, %broadcast_in_dim3A_29 : vector<16xi32>
        %bitcast_convert_type3A_1076 = tpu.bitcast %and3A_1075 : vector<16xi32> -> vector<16xf32>
        %add3A_1077 = arith.addf %add3A_1029, %bitcast_convert_type3A_1074 : vector<16xf32>
        %add3A_1078 = arith.addf %add3A_1030, %bitcast_convert_type3A_1076 : vector<16xf32>
        %add3A_1079 = arith.constant 20 : i32
        %add3A_1080 = arith.addi %mul3A_117, %add3A_1079 : i32
        %get3A_1081 = arith.index_cast %add3A_1080 : i32 to index
        %get3A_1082 = arith.constant 16 : index
        %get3A_1083 = tpu.vector_load %arg8[%get3A_1081, %get3A_1082] {strides = array<i32>} : memref<128x64xi32, #tpu.memory_space<vmem>>, vector<1x16xi32>,
        %get3A_1084 = vector.shape_cast %get3A_1083 : vector<1x16xi32> to vector<16xi32>
        %shift_left3A_1085 = arith.shli %get3A_1084, %broadcast_in_dim3A_31 : vector<16xi32>
        %bitcast_convert_type3A_1086 = tpu.bitcast %shift_left3A_1085 : vector<16xi32> -> vector<16xf32>
        %and3A_1087 = arith.andi %get3A_1084, %broadcast_in_dim3A_29 : vector<16xi32>
        %bitcast_convert_type3A_1088 = tpu.bitcast %and3A_1087 : vector<16xi32> -> vector<16xf32>
        %add3A_1089 = arith.addf %add3A_1041, %bitcast_convert_type3A_1086 : vector<16xf32>
        %add3A_1090 = arith.addf %add3A_1042, %bitcast_convert_type3A_1088 : vector<16xf32>
        %add3A_1091 = arith.constant 20 : i32
        %add3A_1092 = arith.addi %mul3A_117, %add3A_1091 : i32
        %get3A_1093 = arith.index_cast %add3A_1092 : i32 to index
        %get3A_1094 = arith.constant 32 : index
        %get3A_1095 = tpu.vector_load %arg8[%get3A_1093, %get3A_1094] {strides = array<i32>} : memref<128x64xi32, #tpu.memory_space<vmem>>, vector<1x16xi32>,
        %get3A_1096 = vector.shape_cast %get3A_1095 : vector<1x16xi32> to vector<16xi32>
        %shift_left3A_1097 = arith.shli %get3A_1096, %broadcast_in_dim3A_31 : vector<16xi32>
        %bitcast_convert_type3A_1098 = tpu.bitcast %shift_left3A_1097 : vector<16xi32> -> vector<16xf32>
        %and3A_1099 = arith.andi %get3A_1096, %broadcast_in_dim3A_29 : vector<16xi32>
        %bitcast_convert_type3A_1100 = tpu.bitcast %and3A_1099 : vector<16xi32> -> vector<16xf32>
        %add3A_1101 = arith.addf %add3A_1053, %bitcast_convert_type3A_1098 : vector<16xf32>
        %add3A_1102 = arith.addf %add3A_1054, %bitcast_convert_type3A_1100 : vector<16xf32>
        %add3A_1103 = arith.constant 20 : i32
        %add3A_1104 = arith.addi %mul3A_117, %add3A_1103 : i32
        %get3A_1105 = arith.index_cast %add3A_1104 : i32 to index
        %get3A_1106 = arith.constant 48 : index
        %get3A_1107 = tpu.vector_load %arg8[%get3A_1105, %get3A_1106] {strides = array<i32>} : memref<128x64xi32, #tpu.memory_space<vmem>>, vector<1x16xi32>,
        %get3A_1108 = vector.shape_cast %get3A_1107 : vector<1x16xi32> to vector<16xi32>
        %shift_left3A_1109 = arith.shli %get3A_1108, %broadcast_in_dim3A_31 : vector<16xi32>
        %bitcast_convert_type3A_1110 = tpu.bitcast %shift_left3A_1109 : vector<16xi32> -> vector<16xf32>
        %and3A_1111 = arith.andi %get3A_1108, %broadcast_in_dim3A_29 : vector<16xi32>
        %bitcast_convert_type3A_1112 = tpu.bitcast %and3A_1111 : vector<16xi32> -> vector<16xf32>
        %add3A_1113 = arith.addf %add3A_1065, %bitcast_convert_type3A_1110 : vector<16xf32>
        %add3A_1114 = arith.addf %add3A_1066, %bitcast_convert_type3A_1112 : vector<16xf32>
        %add3A_1115 = arith.constant 21 : i32
        %add3A_1116 = arith.addi %mul3A_117, %add3A_1115 : i32
        %get3A_1117 = arith.index_cast %add3A_1116 : i32 to index
        %get3A_1118 = arith.constant 0 : index
        %get3A_1119 = tpu.vector_load %arg8[%get3A_1117, %get3A_1118] {strides = array<i32>} : memref<128x64xi32, #tpu.memory_space<vmem>>, vector<1x16xi32>,
        %get3A_1120 = vector.shape_cast %get3A_1119 : vector<1x16xi32> to vector<16xi32>
        %shift_left3A_1121 = arith.shli %get3A_1120, %broadcast_in_dim3A_31 : vector<16xi32>
        %bitcast_convert_type3A_1122 = tpu.bitcast %shift_left3A_1121 : vector<16xi32> -> vector<16xf32>
        %and3A_1123 = arith.andi %get3A_1120, %broadcast_in_dim3A_29 : vector<16xi32>
        %bitcast_convert_type3A_1124 = tpu.bitcast %and3A_1123 : vector<16xi32> -> vector<16xf32>
        %add3A_1125 = arith.addf %add3A_1077, %bitcast_convert_type3A_1122 : vector<16xf32>
        %add3A_1126 = arith.addf %add3A_1078, %bitcast_convert_type3A_1124 : vector<16xf32>
        %add3A_1127 = arith.constant 21 : i32
        %add3A_1128 = arith.addi %mul3A_117, %add3A_1127 : i32
        %get3A_1129 = arith.index_cast %add3A_1128 : i32 to index
        %get3A_1130 = arith.constant 16 : index
        %get3A_1131 = tpu.vector_load %arg8[%get3A_1129, %get3A_1130] {strides = array<i32>} : memref<128x64xi32, #tpu.memory_space<vmem>>, vector<1x16xi32>,
        %get3A_1132 = vector.shape_cast %get3A_1131 : vector<1x16xi32> to vector<16xi32>
        %shift_left3A_1133 = arith.shli %get3A_1132, %broadcast_in_dim3A_31 : vector<16xi32>
        %bitcast_convert_type3A_1134 = tpu.bitcast %shift_left3A_1133 : vector<16xi32> -> vector<16xf32>
        %and3A_1135 = arith.andi %get3A_1132, %broadcast_in_dim3A_29 : vector<16xi32>
        %bitcast_convert_type3A_1136 = tpu.bitcast %and3A_1135 : vector<16xi32> -> vector<16xf32>
        %add3A_1137 = arith.addf %add3A_1089, %bitcast_convert_type3A_1134 : vector<16xf32>
        %add3A_1138 = arith.addf %add3A_1090, %bitcast_convert_type3A_1136 : vector<16xf32>
        %add3A_1139 = arith.constant 21 : i32
        %add3A_1140 = arith.addi %mul3A_117, %add3A_1139 : i32
        %get3A_1141 = arith.index_cast %add3A_1140 : i32 to index
        %get3A_1142 = arith.constant 32 : index
        %get3A_1143 = tpu.vector_load %arg8[%get3A_1141, %get3A_1142] {strides = array<i32>} : memref<128x64xi32, #tpu.memory_space<vmem>>, vector<1x16xi32>,
        %get3A_1144 = vector.shape_cast %get3A_1143 : vector<1x16xi32> to vector<16xi32>
        %shift_left3A_1145 = arith.shli %get3A_1144, %broadcast_in_dim3A_31 : vector<16xi32>
        %bitcast_convert_type3A_1146 = tpu.bitcast %shift_left3A_1145 : vector<16xi32> -> vector<16xf32>
        %and3A_1147 = arith.andi %get3A_1144, %broadcast_in_dim3A_29 : vector<16xi32>
        %bitcast_convert_type3A_1148 = tpu.bitcast %and3A_1147 : vector<16xi32> -> vector<16xf32>
        %add3A_1149 = arith.addf %add3A_1101, %bitcast_convert_type3A_1146 : vector<16xf32>
        %add3A_1150 = arith.addf %add3A_1102, %bitcast_convert_type3A_1148 : vector<16xf32>
        %add3A_1151 = arith.constant 21 : i32
        %add3A_1152 = arith.addi %mul3A_117, %add3A_1151 : i32
        %get3A_1153 = arith.index_cast %add3A_1152 : i32 to index
        %get3A_1154 = arith.constant 48 : index
        %get3A_1155 = tpu.vector_load %arg8[%get3A_1153, %get3A_1154] {strides = array<i32>} : memref<128x64xi32, #tpu.memory_space<vmem>>, vector<1x16xi32>,
        %get3A_1156 = vector.shape_cast %get3A_1155 : vector<1x16xi32> to vector<16xi32>
        %shift_left3A_1157 = arith.shli %get3A_1156, %broadcast_in_dim3A_31 : vector<16xi32>
        %bitcast_convert_type3A_1158 = tpu.bitcast %shift_left3A_1157 : vector<16xi32> -> vector<16xf32>
        %and3A_1159 = arith.andi %get3A_1156, %broadcast_in_dim3A_29 : vector<16xi32>
        %bitcast_convert_type3A_1160 = tpu.bitcast %and3A_1159 : vector<16xi32> -> vector<16xf32>
        %add3A_1161 = arith.addf %add3A_1113, %bitcast_convert_type3A_1158 : vector<16xf32>
        %add3A_1162 = arith.addf %add3A_1114, %bitcast_convert_type3A_1160 : vector<16xf32>
        %add3A_1163 = arith.constant 22 : i32
        %add3A_1164 = arith.addi %mul3A_117, %add3A_1163 : i32
        %get3A_1165 = arith.index_cast %add3A_1164 : i32 to index
        %get3A_1166 = arith.constant 0 : index
        %get3A_1167 = tpu.vector_load %arg8[%get3A_1165, %get3A_1166] {strides = array<i32>} : memref<128x64xi32, #tpu.memory_space<vmem>>, vector<1x16xi32>,
        %get3A_1168 = vector.shape_cast %get3A_1167 : vector<1x16xi32> to vector<16xi32>
        %shift_left3A_1169 = arith.shli %get3A_1168, %broadcast_in_dim3A_31 : vector<16xi32>
        %bitcast_convert_type3A_1170 = tpu.bitcast %shift_left3A_1169 : vector<16xi32> -> vector<16xf32>
        %and3A_1171 = arith.andi %get3A_1168, %broadcast_in_dim3A_29 : vector<16xi32>
        %bitcast_convert_type3A_1172 = tpu.bitcast %and3A_1171 : vector<16xi32> -> vector<16xf32>
        %add3A_1173 = arith.addf %add3A_1125, %bitcast_convert_type3A_1170 : vector<16xf32>
        %add3A_1174 = arith.addf %add3A_1126, %bitcast_convert_type3A_1172 : vector<16xf32>
        %add3A_1175 = arith.constant 22 : i32
        %add3A_1176 = arith.addi %mul3A_117, %add3A_1175 : i32
        %get3A_1177 = arith.index_cast %add3A_1176 : i32 to index
        %get3A_1178 = arith.constant 16 : index
        %get3A_1179 = tpu.vector_load %arg8[%get3A_1177, %get3A_1178] {strides = array<i32>} : memref<128x64xi32, #tpu.memory_space<vmem>>, vector<1x16xi32>,
        %get3A_1180 = vector.shape_cast %get3A_1179 : vector<1x16xi32> to vector<16xi32>
        %shift_left3A_1181 = arith.shli %get3A_1180, %broadcast_in_dim3A_31 : vector<16xi32>
        %bitcast_convert_type3A_1182 = tpu.bitcast %shift_left3A_1181 : vector<16xi32> -> vector<16xf32>
        %and3A_1183 = arith.andi %get3A_1180, %broadcast_in_dim3A_29 : vector<16xi32>
        %bitcast_convert_type3A_1184 = tpu.bitcast %and3A_1183 : vector<16xi32> -> vector<16xf32>
        %add3A_1185 = arith.addf %add3A_1137, %bitcast_convert_type3A_1182 : vector<16xf32>
        %add3A_1186 = arith.addf %add3A_1138, %bitcast_convert_type3A_1184 : vector<16xf32>
        %add3A_1187 = arith.constant 22 : i32
        %add3A_1188 = arith.addi %mul3A_117, %add3A_1187 : i32
        %get3A_1189 = arith.index_cast %add3A_1188 : i32 to index
        %get3A_1190 = arith.constant 32 : index
        %get3A_1191 = tpu.vector_load %arg8[%get3A_1189, %get3A_1190] {strides = array<i32>} : memref<128x64xi32, #tpu.memory_space<vmem>>, vector<1x16xi32>,
        %get3A_1192 = vector.shape_cast %get3A_1191 : vector<1x16xi32> to vector<16xi32>
        %shift_left3A_1193 = arith.shli %get3A_1192, %broadcast_in_dim3A_31 : vector<16xi32>
        %bitcast_convert_type3A_1194 = tpu.bitcast %shift_left3A_1193 : vector<16xi32> -> vector<16xf32>
        %and3A_1195 = arith.andi %get3A_1192, %broadcast_in_dim3A_29 : vector<16xi32>
        %bitcast_convert_type3A_1196 = tpu.bitcast %and3A_1195 : vector<16xi32> -> vector<16xf32>
        %add3A_1197 = arith.addf %add3A_1149, %bitcast_convert_type3A_1194 : vector<16xf32>
        %add3A_1198 = arith.addf %add3A_1150, %bitcast_convert_type3A_1196 : vector<16xf32>
        %add3A_1199 = arith.constant 22 : i32
        %add3A_1200 = arith.addi %mul3A_117, %add3A_1199 : i32
        %get3A_1201 = arith.index_cast %add3A_1200 : i32 to index
        %get3A_1202 = arith.constant 48 : index
        %get3A_1203 = tpu.vector_load %arg8[%get3A_1201, %get3A_1202] {strides = array<i32>} : memref<128x64xi32, #tpu.memory_space<vmem>>, vector<1x16xi32>,
        %get3A_1204 = vector.shape_cast %get3A_1203 : vector<1x16xi32> to vector<16xi32>
        %shift_left3A_1205 = arith.shli %get3A_1204, %broadcast_in_dim3A_31 : vector<16xi32>
        %bitcast_convert_type3A_1206 = tpu.bitcast %shift_left3A_1205 : vector<16xi32> -> vector<16xf32>
        %and3A_1207 = arith.andi %get3A_1204, %broadcast_in_dim3A_29 : vector<16xi32>
        %bitcast_convert_type3A_1208 = tpu.bitcast %and3A_1207 : vector<16xi32> -> vector<16xf32>
        %add3A_1209 = arith.addf %add3A_1161, %bitcast_convert_type3A_1206 : vector<16xf32>
        %add3A_1210 = arith.addf %add3A_1162, %bitcast_convert_type3A_1208 : vector<16xf32>
        %add3A_1211 = arith.constant 23 : i32
        %add3A_1212 = arith.addi %mul3A_117, %add3A_1211 : i32
        %get3A_1213 = arith.index_cast %add3A_1212 : i32 to index
        %get3A_1214 = arith.constant 0 : index
        %get3A_1215 = tpu.vector_load %arg8[%get3A_1213, %get3A_1214] {strides = array<i32>} : memref<128x64xi32, #tpu.memory_space<vmem>>, vector<1x16xi32>,
        %get3A_1216 = vector.shape_cast %get3A_1215 : vector<1x16xi32> to vector<16xi32>
        %shift_left3A_1217 = arith.shli %get3A_1216, %broadcast_in_dim3A_31 : vector<16xi32>
        %bitcast_convert_type3A_1218 = tpu.bitcast %shift_left3A_1217 : vector<16xi32> -> vector<16xf32>
        %and3A_1219 = arith.andi %get3A_1216, %broadcast_in_dim3A_29 : vector<16xi32>
        %bitcast_convert_type3A_1220 = tpu.bitcast %and3A_1219 : vector<16xi32> -> vector<16xf32>
        %add3A_1221 = arith.addf %add3A_1173, %bitcast_convert_type3A_1218 : vector<16xf32>
        %add3A_1222 = arith.addf %add3A_1174, %bitcast_convert_type3A_1220 : vector<16xf32>
        %add3A_1223 = arith.constant 23 : i32
        %add3A_1224 = arith.addi %mul3A_117, %add3A_1223 : i32
        %get3A_1225 = arith.index_cast %add3A_1224 : i32 to index
        %get3A_1226 = arith.constant 16 : index
        %get3A_1227 = tpu.vector_load %arg8[%get3A_1225, %get3A_1226] {strides = array<i32>} : memref<128x64xi32, #tpu.memory_space<vmem>>, vector<1x16xi32>,
        %get3A_1228 = vector.shape_cast %get3A_1227 : vector<1x16xi32> to vector<16xi32>
        %shift_left3A_1229 = arith.shli %get3A_1228, %broadcast_in_dim3A_31 : vector<16xi32>
        %bitcast_convert_type3A_1230 = tpu.bitcast %shift_left3A_1229 : vector<16xi32> -> vector<16xf32>
        %and3A_1231 = arith.andi %get3A_1228, %broadcast_in_dim3A_29 : vector<16xi32>
        %bitcast_convert_type3A_1232 = tpu.bitcast %and3A_1231 : vector<16xi32> -> vector<16xf32>
        %add3A_1233 = arith.addf %add3A_1185, %bitcast_convert_type3A_1230 : vector<16xf32>
        %add3A_1234 = arith.addf %add3A_1186, %bitcast_convert_type3A_1232 : vector<16xf32>
        %add3A_1235 = arith.constant 23 : i32
        %add3A_1236 = arith.addi %mul3A_117, %add3A_1235 : i32
        %get3A_1237 = arith.index_cast %add3A_1236 : i32 to index
        %get3A_1238 = arith.constant 32 : index
        %get3A_1239 = tpu.vector_load %arg8[%get3A_1237, %get3A_1238] {strides = array<i32>} : memref<128x64xi32, #tpu.memory_space<vmem>>, vector<1x16xi32>,
        %get3A_1240 = vector.shape_cast %get3A_1239 : vector<1x16xi32> to vector<16xi32>
        %shift_left3A_1241 = arith.shli %get3A_1240, %broadcast_in_dim3A_31 : vector<16xi32>
        %bitcast_convert_type3A_1242 = tpu.bitcast %shift_left3A_1241 : vector<16xi32> -> vector<16xf32>
        %and3A_1243 = arith.andi %get3A_1240, %broadcast_in_dim3A_29 : vector<16xi32>
        %bitcast_convert_type3A_1244 = tpu.bitcast %and3A_1243 : vector<16xi32> -> vector<16xf32>
        %add3A_1245 = arith.addf %add3A_1197, %bitcast_convert_type3A_1242 : vector<16xf32>
        %add3A_1246 = arith.addf %add3A_1198, %bitcast_convert_type3A_1244 : vector<16xf32>
        %add3A_1247 = arith.constant 23 : i32
        %add3A_1248 = arith.addi %mul3A_117, %add3A_1247 : i32
        %get3A_1249 = arith.index_cast %add3A_1248 : i32 to index
        %get3A_1250 = arith.constant 48 : index
        %get3A_1251 = tpu.vector_load %arg8[%get3A_1249, %get3A_1250] {strides = array<i32>} : memref<128x64xi32, #tpu.memory_space<vmem>>, vector<1x16xi32>,
        %get3A_1252 = vector.shape_cast %get3A_1251 : vector<1x16xi32> to vector<16xi32>
        %shift_left3A_1253 = arith.shli %get3A_1252, %broadcast_in_dim3A_31 : vector<16xi32>
        %bitcast_convert_type3A_1254 = tpu.bitcast %shift_left3A_1253 : vector<16xi32> -> vector<16xf32>
        %and3A_1255 = arith.andi %get3A_1252, %broadcast_in_dim3A_29 : vector<16xi32>
        %bitcast_convert_type3A_1256 = tpu.bitcast %and3A_1255 : vector<16xi32> -> vector<16xf32>
        %add3A_1257 = arith.addf %add3A_1209, %bitcast_convert_type3A_1254 : vector<16xf32>
        %add3A_1258 = arith.addf %add3A_1210, %bitcast_convert_type3A_1256 : vector<16xf32>
        %add3A_1259 = arith.constant 24 : i32
        %add3A_1260 = arith.addi %mul3A_117, %add3A_1259 : i32
        %get3A_1261 = arith.index_cast %add3A_1260 : i32 to index
        %get3A_1262 = arith.constant 0 : index
        %get3A_1263 = tpu.vector_load %arg8[%get3A_1261, %get3A_1262] {strides = array<i32>} : memref<128x64xi32, #tpu.memory_space<vmem>>, vector<1x16xi32>,
        %get3A_1264 = vector.shape_cast %get3A_1263 : vector<1x16xi32> to vector<16xi32>
        %shift_left3A_1265 = arith.shli %get3A_1264, %broadcast_in_dim3A_31 : vector<16xi32>
        %bitcast_convert_type3A_1266 = tpu.bitcast %shift_left3A_1265 : vector<16xi32> -> vector<16xf32>
        %and3A_1267 = arith.andi %get3A_1264, %broadcast_in_dim3A_29 : vector<16xi32>
        %bitcast_convert_type3A_1268 = tpu.bitcast %and3A_1267 : vector<16xi32> -> vector<16xf32>
        %add3A_1269 = arith.addf %add3A_1221, %bitcast_convert_type3A_1266 : vector<16xf32>
        %add3A_1270 = arith.addf %add3A_1222, %bitcast_convert_type3A_1268 : vector<16xf32>
        %add3A_1271 = arith.constant 24 : i32
        %add3A_1272 = arith.addi %mul3A_117, %add3A_1271 : i32
        %get3A_1273 = arith.index_cast %add3A_1272 : i32 to index
        %get3A_1274 = arith.constant 16 : index
        %get3A_1275 = tpu.vector_load %arg8[%get3A_1273, %get3A_1274] {strides = array<i32>} : memref<128x64xi32, #tpu.memory_space<vmem>>, vector<1x16xi32>,
        %get3A_1276 = vector.shape_cast %get3A_1275 : vector<1x16xi32> to vector<16xi32>
        %shift_left3A_1277 = arith.shli %get3A_1276, %broadcast_in_dim3A_31 : vector<16xi32>
        %bitcast_convert_type3A_1278 = tpu.bitcast %shift_left3A_1277 : vector<16xi32> -> vector<16xf32>
        %and3A_1279 = arith.andi %get3A_1276, %broadcast_in_dim3A_29 : vector<16xi32>
        %bitcast_convert_type3A_1280 = tpu.bitcast %and3A_1279 : vector<16xi32> -> vector<16xf32>
        %add3A_1281 = arith.addf %add3A_1233, %bitcast_convert_type3A_1278 : vector<16xf32>
        %add3A_1282 = arith.addf %add3A_1234, %bitcast_convert_type3A_1280 : vector<16xf32>
        %add3A_1283 = arith.constant 24 : i32
        %add3A_1284 = arith.addi %mul3A_117, %add3A_1283 : i32
        %get3A_1285 = arith.index_cast %add3A_1284 : i32 to index
        %get3A_1286 = arith.constant 32 : index
        %get3A_1287 = tpu.vector_load %arg8[%get3A_1285, %get3A_1286] {strides = array<i32>} : memref<128x64xi32, #tpu.memory_space<vmem>>, vector<1x16xi32>,
        %get3A_1288 = vector.shape_cast %get3A_1287 : vector<1x16xi32> to vector<16xi32>
        %shift_left3A_1289 = arith.shli %get3A_1288, %broadcast_in_dim3A_31 : vector<16xi32>
        %bitcast_convert_type3A_1290 = tpu.bitcast %shift_left3A_1289 : vector<16xi32> -> vector<16xf32>
        %and3A_1291 = arith.andi %get3A_1288, %broadcast_in_dim3A_29 : vector<16xi32>
        %bitcast_convert_type3A_1292 = tpu.bitcast %and3A_1291 : vector<16xi32> -> vector<16xf32>
        %add3A_1293 = arith.addf %add3A_1245, %bitcast_convert_type3A_1290 : vector<16xf32>
        %add3A_1294 = arith.addf %add3A_1246, %bitcast_convert_type3A_1292 : vector<16xf32>
        %add3A_1295 = arith.constant 24 : i32
        %add3A_1296 = arith.addi %mul3A_117, %add3A_1295 : i32
        %get3A_1297 = arith.index_cast %add3A_1296 : i32 to index
        %get3A_1298 = arith.constant 48 : index
        %get3A_1299 = tpu.vector_load %arg8[%get3A_1297, %get3A_1298] {strides = array<i32>} : memref<128x64xi32, #tpu.memory_space<vmem>>, vector<1x16xi32>,
        %get3A_1300 = vector.shape_cast %get3A_1299 : vector<1x16xi32> to vector<16xi32>
        %shift_left3A_1301 = arith.shli %get3A_1300, %broadcast_in_dim3A_31 : vector<16xi32>
        %bitcast_convert_type3A_1302 = tpu.bitcast %shift_left3A_1301 : vector<16xi32> -> vector<16xf32>
        %and3A_1303 = arith.andi %get3A_1300, %broadcast_in_dim3A_29 : vector<16xi32>
        %bitcast_convert_type3A_1304 = tpu.bitcast %and3A_1303 : vector<16xi32> -> vector<16xf32>
        %add3A_1305 = arith.addf %add3A_1257, %bitcast_convert_type3A_1302 : vector<16xf32>
        %add3A_1306 = arith.addf %add3A_1258, %bitcast_convert_type3A_1304 : vector<16xf32>
        %add3A_1307 = arith.constant 25 : i32
        %add3A_1308 = arith.addi %mul3A_117, %add3A_1307 : i32
        %get3A_1309 = arith.index_cast %add3A_1308 : i32 to index
        %get3A_1310 = arith.constant 0 : index
        %get3A_1311 = tpu.vector_load %arg8[%get3A_1309, %get3A_1310] {strides = array<i32>} : memref<128x64xi32, #tpu.memory_space<vmem>>, vector<1x16xi32>,
        %get3A_1312 = vector.shape_cast %get3A_1311 : vector<1x16xi32> to vector<16xi32>
        %shift_left3A_1313 = arith.shli %get3A_1312, %broadcast_in_dim3A_31 : vector<16xi32>
        %bitcast_convert_type3A_1314 = tpu.bitcast %shift_left3A_1313 : vector<16xi32> -> vector<16xf32>
        %and3A_1315 = arith.andi %get3A_1312, %broadcast_in_dim3A_29 : vector<16xi32>
        %bitcast_convert_type3A_1316 = tpu.bitcast %and3A_1315 : vector<16xi32> -> vector<16xf32>
        %add3A_1317 = arith.addf %add3A_1269, %bitcast_convert_type3A_1314 : vector<16xf32>
        %add3A_1318 = arith.addf %add3A_1270, %bitcast_convert_type3A_1316 : vector<16xf32>
        %add3A_1319 = arith.constant 25 : i32
        %add3A_1320 = arith.addi %mul3A_117, %add3A_1319 : i32
        %get3A_1321 = arith.index_cast %add3A_1320 : i32 to index
        %get3A_1322 = arith.constant 16 : index
        %get3A_1323 = tpu.vector_load %arg8[%get3A_1321, %get3A_1322] {strides = array<i32>} : memref<128x64xi32, #tpu.memory_space<vmem>>, vector<1x16xi32>,
        %get3A_1324 = vector.shape_cast %get3A_1323 : vector<1x16xi32> to vector<16xi32>
        %shift_left3A_1325 = arith.shli %get3A_1324, %broadcast_in_dim3A_31 : vector<16xi32>
        %bitcast_convert_type3A_1326 = tpu.bitcast %shift_left3A_1325 : vector<16xi32> -> vector<16xf32>
        %and3A_1327 = arith.andi %get3A_1324, %broadcast_in_dim3A_29 : vector<16xi32>
        %bitcast_convert_type3A_1328 = tpu.bitcast %and3A_1327 : vector<16xi32> -> vector<16xf32>
        %add3A_1329 = arith.addf %add3A_1281, %bitcast_convert_type3A_1326 : vector<16xf32>
        %add3A_1330 = arith.addf %add3A_1282, %bitcast_convert_type3A_1328 : vector<16xf32>
        %add3A_1331 = arith.constant 25 : i32
        %add3A_1332 = arith.addi %mul3A_117, %add3A_1331 : i32
        %get3A_1333 = arith.index_cast %add3A_1332 : i32 to index
        %get3A_1334 = arith.constant 32 : index
        %get3A_1335 = tpu.vector_load %arg8[%get3A_1333, %get3A_1334] {strides = array<i32>} : memref<128x64xi32, #tpu.memory_space<vmem>>, vector<1x16xi32>,
        %get3A_1336 = vector.shape_cast %get3A_1335 : vector<1x16xi32> to vector<16xi32>
        %shift_left3A_1337 = arith.shli %get3A_1336, %broadcast_in_dim3A_31 : vector<16xi32>
        %bitcast_convert_type3A_1338 = tpu.bitcast %shift_left3A_1337 : vector<16xi32> -> vector<16xf32>
        %and3A_1339 = arith.andi %get3A_1336, %broadcast_in_dim3A_29 : vector<16xi32>
        %bitcast_convert_type3A_1340 = tpu.bitcast %and3A_1339 : vector<16xi32> -> vector<16xf32>
        %add3A_1341 = arith.addf %add3A_1293, %bitcast_convert_type3A_1338 : vector<16xf32>
        %add3A_1342 = arith.addf %add3A_1294, %bitcast_convert_type3A_1340 : vector<16xf32>
        %add3A_1343 = arith.constant 25 : i32
        %add3A_1344 = arith.addi %mul3A_117, %add3A_1343 : i32
        %get3A_1345 = arith.index_cast %add3A_1344 : i32 to index
        %get3A_1346 = arith.constant 48 : index
        %get3A_1347 = tpu.vector_load %arg8[%get3A_1345, %get3A_1346] {strides = array<i32>} : memref<128x64xi32, #tpu.memory_space<vmem>>, vector<1x16xi32>,
        %get3A_1348 = vector.shape_cast %get3A_1347 : vector<1x16xi32> to vector<16xi32>
        %shift_left3A_1349 = arith.shli %get3A_1348, %broadcast_in_dim3A_31 : vector<16xi32>
        %bitcast_convert_type3A_1350 = tpu.bitcast %shift_left3A_1349 : vector<16xi32> -> vector<16xf32>
        %and3A_1351 = arith.andi %get3A_1348, %broadcast_in_dim3A_29 : vector<16xi32>
        %bitcast_convert_type3A_1352 = tpu.bitcast %and3A_1351 : vector<16xi32> -> vector<16xf32>
        %add3A_1353 = arith.addf %add3A_1305, %bitcast_convert_type3A_1350 : vector<16xf32>
        %add3A_1354 = arith.addf %add3A_1306, %bitcast_convert_type3A_1352 : vector<16xf32>
        %add3A_1355 = arith.constant 26 : i32
        %add3A_1356 = arith.addi %mul3A_117, %add3A_1355 : i32
        %get3A_1357 = arith.index_cast %add3A_1356 : i32 to index
        %get3A_1358 = arith.constant 0 : index
        %get3A_1359 = tpu.vector_load %arg8[%get3A_1357, %get3A_1358] {strides = array<i32>} : memref<128x64xi32, #tpu.memory_space<vmem>>, vector<1x16xi32>,
        %get3A_1360 = vector.shape_cast %get3A_1359 : vector<1x16xi32> to vector<16xi32>
        %shift_left3A_1361 = arith.shli %get3A_1360, %broadcast_in_dim3A_31 : vector<16xi32>
        %bitcast_convert_type3A_1362 = tpu.bitcast %shift_left3A_1361 : vector<16xi32> -> vector<16xf32>
        %and3A_1363 = arith.andi %get3A_1360, %broadcast_in_dim3A_29 : vector<16xi32>
        %bitcast_convert_type3A_1364 = tpu.bitcast %and3A_1363 : vector<16xi32> -> vector<16xf32>
        %add3A_1365 = arith.addf %add3A_1317, %bitcast_convert_type3A_1362 : vector<16xf32>
        %add3A_1366 = arith.addf %add3A_1318, %bitcast_convert_type3A_1364 : vector<16xf32>
        %add3A_1367 = arith.constant 26 : i32
        %add3A_1368 = arith.addi %mul3A_117, %add3A_1367 : i32
        %get3A_1369 = arith.index_cast %add3A_1368 : i32 to index
        %get3A_1370 = arith.constant 16 : index
        %get3A_1371 = tpu.vector_load %arg8[%get3A_1369, %get3A_1370] {strides = array<i32>} : memref<128x64xi32, #tpu.memory_space<vmem>>, vector<1x16xi32>,
        %get3A_1372 = vector.shape_cast %get3A_1371 : vector<1x16xi32> to vector<16xi32>
        %shift_left3A_1373 = arith.shli %get3A_1372, %broadcast_in_dim3A_31 : vector<16xi32>
        %bitcast_convert_type3A_1374 = tpu.bitcast %shift_left3A_1373 : vector<16xi32> -> vector<16xf32>
        %and3A_1375 = arith.andi %get3A_1372, %broadcast_in_dim3A_29 : vector<16xi32>
        %bitcast_convert_type3A_1376 = tpu.bitcast %and3A_1375 : vector<16xi32> -> vector<16xf32>
        %add3A_1377 = arith.addf %add3A_1329, %bitcast_convert_type3A_1374 : vector<16xf32>
        %add3A_1378 = arith.addf %add3A_1330, %bitcast_convert_type3A_1376 : vector<16xf32>
        %add3A_1379 = arith.constant 26 : i32
        %add3A_1380 = arith.addi %mul3A_117, %add3A_1379 : i32
        %get3A_1381 = arith.index_cast %add3A_1380 : i32 to index
        %get3A_1382 = arith.constant 32 : index
        %get3A_1383 = tpu.vector_load %arg8[%get3A_1381, %get3A_1382] {strides = array<i32>} : memref<128x64xi32, #tpu.memory_space<vmem>>, vector<1x16xi32>,
        %get3A_1384 = vector.shape_cast %get3A_1383 : vector<1x16xi32> to vector<16xi32>
        %shift_left3A_1385 = arith.shli %get3A_1384, %broadcast_in_dim3A_31 : vector<16xi32>
        %bitcast_convert_type3A_1386 = tpu.bitcast %shift_left3A_1385 : vector<16xi32> -> vector<16xf32>
        %and3A_1387 = arith.andi %get3A_1384, %broadcast_in_dim3A_29 : vector<16xi32>
        %bitcast_convert_type3A_1388 = tpu.bitcast %and3A_1387 : vector<16xi32> -> vector<16xf32>
        %add3A_1389 = arith.addf %add3A_1341, %bitcast_convert_type3A_1386 : vector<16xf32>
        %add3A_1390 = arith.addf %add3A_1342, %bitcast_convert_type3A_1388 : vector<16xf32>
        %add3A_1391 = arith.constant 26 : i32
        %add3A_1392 = arith.addi %mul3A_117, %add3A_1391 : i32
        %get3A_1393 = arith.index_cast %add3A_1392 : i32 to index
        %get3A_1394 = arith.constant 48 : index
        %get3A_1395 = tpu.vector_load %arg8[%get3A_1393, %get3A_1394] {strides = array<i32>} : memref<128x64xi32, #tpu.memory_space<vmem>>, vector<1x16xi32>,
        %get3A_1396 = vector.shape_cast %get3A_1395 : vector<1x16xi32> to vector<16xi32>
        %shift_left3A_1397 = arith.shli %get3A_1396, %broadcast_in_dim3A_31 : vector<16xi32>
        %bitcast_convert_type3A_1398 = tpu.bitcast %shift_left3A_1397 : vector<16xi32> -> vector<16xf32>
        %and3A_1399 = arith.andi %get3A_1396, %broadcast_in_dim3A_29 : vector<16xi32>
        %bitcast_convert_type3A_1400 = tpu.bitcast %and3A_1399 : vector<16xi32> -> vector<16xf32>
        %add3A_1401 = arith.addf %add3A_1353, %bitcast_convert_type3A_1398 : vector<16xf32>
        %add3A_1402 = arith.addf %add3A_1354, %bitcast_convert_type3A_1400 : vector<16xf32>
        %add3A_1403 = arith.constant 27 : i32
        %add3A_1404 = arith.addi %mul3A_117, %add3A_1403 : i32
        %get3A_1405 = arith.index_cast %add3A_1404 : i32 to index
        %get3A_1406 = arith.constant 0 : index
        %get3A_1407 = tpu.vector_load %arg8[%get3A_1405, %get3A_1406] {strides = array<i32>} : memref<128x64xi32, #tpu.memory_space<vmem>>, vector<1x16xi32>,
        %get3A_1408 = vector.shape_cast %get3A_1407 : vector<1x16xi32> to vector<16xi32>
        %shift_left3A_1409 = arith.shli %get3A_1408, %broadcast_in_dim3A_31 : vector<16xi32>
        %bitcast_convert_type3A_1410 = tpu.bitcast %shift_left3A_1409 : vector<16xi32> -> vector<16xf32>
        %and3A_1411 = arith.andi %get3A_1408, %broadcast_in_dim3A_29 : vector<16xi32>
        %bitcast_convert_type3A_1412 = tpu.bitcast %and3A_1411 : vector<16xi32> -> vector<16xf32>
        %add3A_1413 = arith.addf %add3A_1365, %bitcast_convert_type3A_1410 : vector<16xf32>
        %add3A_1414 = arith.addf %add3A_1366, %bitcast_convert_type3A_1412 : vector<16xf32>
        %add3A_1415 = arith.constant 27 : i32
        %add3A_1416 = arith.addi %mul3A_117, %add3A_1415 : i32
        %get3A_1417 = arith.index_cast %add3A_1416 : i32 to index
        %get3A_1418 = arith.constant 16 : index
        %get3A_1419 = tpu.vector_load %arg8[%get3A_1417, %get3A_1418] {strides = array<i32>} : memref<128x64xi32, #tpu.memory_space<vmem>>, vector<1x16xi32>,
        %get3A_1420 = vector.shape_cast %get3A_1419 : vector<1x16xi32> to vector<16xi32>
        %shift_left3A_1421 = arith.shli %get3A_1420, %broadcast_in_dim3A_31 : vector<16xi32>
        %bitcast_convert_type3A_1422 = tpu.bitcast %shift_left3A_1421 : vector<16xi32> -> vector<16xf32>
        %and3A_1423 = arith.andi %get3A_1420, %broadcast_in_dim3A_29 : vector<16xi32>
        %bitcast_convert_type3A_1424 = tpu.bitcast %and3A_1423 : vector<16xi32> -> vector<16xf32>
        %add3A_1425 = arith.addf %add3A_1377, %bitcast_convert_type3A_1422 : vector<16xf32>
        %add3A_1426 = arith.addf %add3A_1378, %bitcast_convert_type3A_1424 : vector<16xf32>
        %add3A_1427 = arith.constant 27 : i32
        %add3A_1428 = arith.addi %mul3A_117, %add3A_1427 : i32
        %get3A_1429 = arith.index_cast %add3A_1428 : i32 to index
        %get3A_1430 = arith.constant 32 : index
        %get3A_1431 = tpu.vector_load %arg8[%get3A_1429, %get3A_1430] {strides = array<i32>} : memref<128x64xi32, #tpu.memory_space<vmem>>, vector<1x16xi32>,
        %get3A_1432 = vector.shape_cast %get3A_1431 : vector<1x16xi32> to vector<16xi32>
        %shift_left3A_1433 = arith.shli %get3A_1432, %broadcast_in_dim3A_31 : vector<16xi32>
        %bitcast_convert_type3A_1434 = tpu.bitcast %shift_left3A_1433 : vector<16xi32> -> vector<16xf32>
        %and3A_1435 = arith.andi %get3A_1432, %broadcast_in_dim3A_29 : vector<16xi32>
        %bitcast_convert_type3A_1436 = tpu.bitcast %and3A_1435 : vector<16xi32> -> vector<16xf32>
        %add3A_1437 = arith.addf %add3A_1389, %bitcast_convert_type3A_1434 : vector<16xf32>
        %add3A_1438 = arith.addf %add3A_1390, %bitcast_convert_type3A_1436 : vector<16xf32>
        %add3A_1439 = arith.constant 27 : i32
        %add3A_1440 = arith.addi %mul3A_117, %add3A_1439 : i32
        %get3A_1441 = arith.index_cast %add3A_1440 : i32 to index
        %get3A_1442 = arith.constant 48 : index
        %get3A_1443 = tpu.vector_load %arg8[%get3A_1441, %get3A_1442] {strides = array<i32>} : memref<128x64xi32, #tpu.memory_space<vmem>>, vector<1x16xi32>,
        %get3A_1444 = vector.shape_cast %get3A_1443 : vector<1x16xi32> to vector<16xi32>
        %shift_left3A_1445 = arith.shli %get3A_1444, %broadcast_in_dim3A_31 : vector<16xi32>
        %bitcast_convert_type3A_1446 = tpu.bitcast %shift_left3A_1445 : vector<16xi32> -> vector<16xf32>
        %and3A_1447 = arith.andi %get3A_1444, %broadcast_in_dim3A_29 : vector<16xi32>
        %bitcast_convert_type3A_1448 = tpu.bitcast %and3A_1447 : vector<16xi32> -> vector<16xf32>
        %add3A_1449 = arith.addf %add3A_1401, %bitcast_convert_type3A_1446 : vector<16xf32>
        %add3A_1450 = arith.addf %add3A_1402, %bitcast_convert_type3A_1448 : vector<16xf32>
        %add3A_1451 = arith.constant 28 : i32
        %add3A_1452 = arith.addi %mul3A_117, %add3A_1451 : i32
        %get3A_1453 = arith.index_cast %add3A_1452 : i32 to index
        %get3A_1454 = arith.constant 0 : index
        %get3A_1455 = tpu.vector_load %arg8[%get3A_1453, %get3A_1454] {strides = array<i32>} : memref<128x64xi32, #tpu.memory_space<vmem>>, vector<1x16xi32>,
        %get3A_1456 = vector.shape_cast %get3A_1455 : vector<1x16xi32> to vector<16xi32>
        %shift_left3A_1457 = arith.shli %get3A_1456, %broadcast_in_dim3A_31 : vector<16xi32>
        %bitcast_convert_type3A_1458 = tpu.bitcast %shift_left3A_1457 : vector<16xi32> -> vector<16xf32>
        %and3A_1459 = arith.andi %get3A_1456, %broadcast_in_dim3A_29 : vector<16xi32>
        %bitcast_convert_type3A_1460 = tpu.bitcast %and3A_1459 : vector<16xi32> -> vector<16xf32>
        %add3A_1461 = arith.addf %add3A_1413, %bitcast_convert_type3A_1458 : vector<16xf32>
        %add3A_1462 = arith.addf %add3A_1414, %bitcast_convert_type3A_1460 : vector<16xf32>
        %add3A_1463 = arith.constant 28 : i32
        %add3A_1464 = arith.addi %mul3A_117, %add3A_1463 : i32
        %get3A_1465 = arith.index_cast %add3A_1464 : i32 to index
        %get3A_1466 = arith.constant 16 : index
        %get3A_1467 = tpu.vector_load %arg8[%get3A_1465, %get3A_1466] {strides = array<i32>} : memref<128x64xi32, #tpu.memory_space<vmem>>, vector<1x16xi32>,
        %get3A_1468 = vector.shape_cast %get3A_1467 : vector<1x16xi32> to vector<16xi32>
        %shift_left3A_1469 = arith.shli %get3A_1468, %broadcast_in_dim3A_31 : vector<16xi32>
        %bitcast_convert_type3A_1470 = tpu.bitcast %shift_left3A_1469 : vector<16xi32> -> vector<16xf32>
        %and3A_1471 = arith.andi %get3A_1468, %broadcast_in_dim3A_29 : vector<16xi32>
        %bitcast_convert_type3A_1472 = tpu.bitcast %and3A_1471 : vector<16xi32> -> vector<16xf32>
        %add3A_1473 = arith.addf %add3A_1425, %bitcast_convert_type3A_1470 : vector<16xf32>
        %add3A_1474 = arith.addf %add3A_1426, %bitcast_convert_type3A_1472 : vector<16xf32>
        %add3A_1475 = arith.constant 28 : i32
        %add3A_1476 = arith.addi %mul3A_117, %add3A_1475 : i32
        %get3A_1477 = arith.index_cast %add3A_1476 : i32 to index
        %get3A_1478 = arith.constant 32 : index
        %get3A_1479 = tpu.vector_load %arg8[%get3A_1477, %get3A_1478] {strides = array<i32>} : memref<128x64xi32, #tpu.memory_space<vmem>>, vector<1x16xi32>,
        %get3A_1480 = vector.shape_cast %get3A_1479 : vector<1x16xi32> to vector<16xi32>
        %shift_left3A_1481 = arith.shli %get3A_1480, %broadcast_in_dim3A_31 : vector<16xi32>
        %bitcast_convert_type3A_1482 = tpu.bitcast %shift_left3A_1481 : vector<16xi32> -> vector<16xf32>
        %and3A_1483 = arith.andi %get3A_1480, %broadcast_in_dim3A_29 : vector<16xi32>
        %bitcast_convert_type3A_1484 = tpu.bitcast %and3A_1483 : vector<16xi32> -> vector<16xf32>
        %add3A_1485 = arith.addf %add3A_1437, %bitcast_convert_type3A_1482 : vector<16xf32>
        %add3A_1486 = arith.addf %add3A_1438, %bitcast_convert_type3A_1484 : vector<16xf32>
        %add3A_1487 = arith.constant 28 : i32
        %add3A_1488 = arith.addi %mul3A_117, %add3A_1487 : i32
        %get3A_1489 = arith.index_cast %add3A_1488 : i32 to index
        %get3A_1490 = arith.constant 48 : index
        %get3A_1491 = tpu.vector_load %arg8[%get3A_1489, %get3A_1490] {strides = array<i32>} : memref<128x64xi32, #tpu.memory_space<vmem>>, vector<1x16xi32>,
        %get3A_1492 = vector.shape_cast %get3A_1491 : vector<1x16xi32> to vector<16xi32>
        %shift_left3A_1493 = arith.shli %get3A_1492, %broadcast_in_dim3A_31 : vector<16xi32>
        %bitcast_convert_type3A_1494 = tpu.bitcast %shift_left3A_1493 : vector<16xi32> -> vector<16xf32>
        %and3A_1495 = arith.andi %get3A_1492, %broadcast_in_dim3A_29 : vector<16xi32>
        %bitcast_convert_type3A_1496 = tpu.bitcast %and3A_1495 : vector<16xi32> -> vector<16xf32>
        %add3A_1497 = arith.addf %add3A_1449, %bitcast_convert_type3A_1494 : vector<16xf32>
        %add3A_1498 = arith.addf %add3A_1450, %bitcast_convert_type3A_1496 : vector<16xf32>
        %add3A_1499 = arith.constant 29 : i32
        %add3A_1500 = arith.addi %mul3A_117, %add3A_1499 : i32
        %get3A_1501 = arith.index_cast %add3A_1500 : i32 to index
        %get3A_1502 = arith.constant 0 : index
        %get3A_1503 = tpu.vector_load %arg8[%get3A_1501, %get3A_1502] {strides = array<i32>} : memref<128x64xi32, #tpu.memory_space<vmem>>, vector<1x16xi32>,
        %get3A_1504 = vector.shape_cast %get3A_1503 : vector<1x16xi32> to vector<16xi32>
        %shift_left3A_1505 = arith.shli %get3A_1504, %broadcast_in_dim3A_31 : vector<16xi32>
        %bitcast_convert_type3A_1506 = tpu.bitcast %shift_left3A_1505 : vector<16xi32> -> vector<16xf32>
        %and3A_1507 = arith.andi %get3A_1504, %broadcast_in_dim3A_29 : vector<16xi32>
        %bitcast_convert_type3A_1508 = tpu.bitcast %and3A_1507 : vector<16xi32> -> vector<16xf32>
        %add3A_1509 = arith.addf %add3A_1461, %bitcast_convert_type3A_1506 : vector<16xf32>
        %add3A_1510 = arith.addf %add3A_1462, %bitcast_convert_type3A_1508 : vector<16xf32>
        %add3A_1511 = arith.constant 29 : i32
        %add3A_1512 = arith.addi %mul3A_117, %add3A_1511 : i32
        %get3A_1513 = arith.index_cast %add3A_1512 : i32 to index
        %get3A_1514 = arith.constant 16 : index
        %get3A_1515 = tpu.vector_load %arg8[%get3A_1513, %get3A_1514] {strides = array<i32>} : memref<128x64xi32, #tpu.memory_space<vmem>>, vector<1x16xi32>,
        %get3A_1516 = vector.shape_cast %get3A_1515 : vector<1x16xi32> to vector<16xi32>
        %shift_left3A_1517 = arith.shli %get3A_1516, %broadcast_in_dim3A_31 : vector<16xi32>
        %bitcast_convert_type3A_1518 = tpu.bitcast %shift_left3A_1517 : vector<16xi32> -> vector<16xf32>
        %and3A_1519 = arith.andi %get3A_1516, %broadcast_in_dim3A_29 : vector<16xi32>
        %bitcast_convert_type3A_1520 = tpu.bitcast %and3A_1519 : vector<16xi32> -> vector<16xf32>
        %add3A_1521 = arith.addf %add3A_1473, %bitcast_convert_type3A_1518 : vector<16xf32>
        %add3A_1522 = arith.addf %add3A_1474, %bitcast_convert_type3A_1520 : vector<16xf32>
        %add3A_1523 = arith.constant 29 : i32
        %add3A_1524 = arith.addi %mul3A_117, %add3A_1523 : i32
        %get3A_1525 = arith.index_cast %add3A_1524 : i32 to index
        %get3A_1526 = arith.constant 32 : index
        %get3A_1527 = tpu.vector_load %arg8[%get3A_1525, %get3A_1526] {strides = array<i32>} : memref<128x64xi32, #tpu.memory_space<vmem>>, vector<1x16xi32>,
        %get3A_1528 = vector.shape_cast %get3A_1527 : vector<1x16xi32> to vector<16xi32>
        %shift_left3A_1529 = arith.shli %get3A_1528, %broadcast_in_dim3A_31 : vector<16xi32>
        %bitcast_convert_type3A_1530 = tpu.bitcast %shift_left3A_1529 : vector<16xi32> -> vector<16xf32>
        %and3A_1531 = arith.andi %get3A_1528, %broadcast_in_dim3A_29 : vector<16xi32>
        %bitcast_convert_type3A_1532 = tpu.bitcast %and3A_1531 : vector<16xi32> -> vector<16xf32>
        %add3A_1533 = arith.addf %add3A_1485, %bitcast_convert_type3A_1530 : vector<16xf32>
        %add3A_1534 = arith.addf %add3A_1486, %bitcast_convert_type3A_1532 : vector<16xf32>
        %add3A_1535 = arith.constant 29 : i32
        %add3A_1536 = arith.addi %mul3A_117, %add3A_1535 : i32
        %get3A_1537 = arith.index_cast %add3A_1536 : i32 to index
        %get3A_1538 = arith.constant 48 : index
        %get3A_1539 = tpu.vector_load %arg8[%get3A_1537, %get3A_1538] {strides = array<i32>} : memref<128x64xi32, #tpu.memory_space<vmem>>, vector<1x16xi32>,
        %get3A_1540 = vector.shape_cast %get3A_1539 : vector<1x16xi32> to vector<16xi32>
        %shift_left3A_1541 = arith.shli %get3A_1540, %broadcast_in_dim3A_31 : vector<16xi32>
        %bitcast_convert_type3A_1542 = tpu.bitcast %shift_left3A_1541 : vector<16xi32> -> vector<16xf32>
        %and3A_1543 = arith.andi %get3A_1540, %broadcast_in_dim3A_29 : vector<16xi32>
        %bitcast_convert_type3A_1544 = tpu.bitcast %and3A_1543 : vector<16xi32> -> vector<16xf32>
        %add3A_1545 = arith.addf %add3A_1497, %bitcast_convert_type3A_1542 : vector<16xf32>
        %add3A_1546 = arith.addf %add3A_1498, %bitcast_convert_type3A_1544 : vector<16xf32>
        %add3A_1547 = arith.constant 30 : i32
        %add3A_1548 = arith.addi %mul3A_117, %add3A_1547 : i32
        %get3A_1549 = arith.index_cast %add3A_1548 : i32 to index
        %get3A_1550 = arith.constant 0 : index
        %get3A_1551 = tpu.vector_load %arg8[%get3A_1549, %get3A_1550] {strides = array<i32>} : memref<128x64xi32, #tpu.memory_space<vmem>>, vector<1x16xi32>,
        %get3A_1552 = vector.shape_cast %get3A_1551 : vector<1x16xi32> to vector<16xi32>
        %shift_left3A_1553 = arith.shli %get3A_1552, %broadcast_in_dim3A_31 : vector<16xi32>
        %bitcast_convert_type3A_1554 = tpu.bitcast %shift_left3A_1553 : vector<16xi32> -> vector<16xf32>
        %and3A_1555 = arith.andi %get3A_1552, %broadcast_in_dim3A_29 : vector<16xi32>
        %bitcast_convert_type3A_1556 = tpu.bitcast %and3A_1555 : vector<16xi32> -> vector<16xf32>
        %add3A_1557 = arith.addf %add3A_1509, %bitcast_convert_type3A_1554 : vector<16xf32>
        %add3A_1558 = arith.addf %add3A_1510, %bitcast_convert_type3A_1556 : vector<16xf32>
        %add3A_1559 = arith.constant 30 : i32
        %add3A_1560 = arith.addi %mul3A_117, %add3A_1559 : i32
        %get3A_1561 = arith.index_cast %add3A_1560 : i32 to index
        %get3A_1562 = arith.constant 16 : index
        %get3A_1563 = tpu.vector_load %arg8[%get3A_1561, %get3A_1562] {strides = array<i32>} : memref<128x64xi32, #tpu.memory_space<vmem>>, vector<1x16xi32>,
        %get3A_1564 = vector.shape_cast %get3A_1563 : vector<1x16xi32> to vector<16xi32>
        %shift_left3A_1565 = arith.shli %get3A_1564, %broadcast_in_dim3A_31 : vector<16xi32>
        %bitcast_convert_type3A_1566 = tpu.bitcast %shift_left3A_1565 : vector<16xi32> -> vector<16xf32>
        %and3A_1567 = arith.andi %get3A_1564, %broadcast_in_dim3A_29 : vector<16xi32>
        %bitcast_convert_type3A_1568 = tpu.bitcast %and3A_1567 : vector<16xi32> -> vector<16xf32>
        %add3A_1569 = arith.addf %add3A_1521, %bitcast_convert_type3A_1566 : vector<16xf32>
        %add3A_1570 = arith.addf %add3A_1522, %bitcast_convert_type3A_1568 : vector<16xf32>
        %add3A_1571 = arith.constant 30 : i32
        %add3A_1572 = arith.addi %mul3A_117, %add3A_1571 : i32
        %get3A_1573 = arith.index_cast %add3A_1572 : i32 to index
        %get3A_1574 = arith.constant 32 : index
        %get3A_1575 = tpu.vector_load %arg8[%get3A_1573, %get3A_1574] {strides = array<i32>} : memref<128x64xi32, #tpu.memory_space<vmem>>, vector<1x16xi32>,
        %get3A_1576 = vector.shape_cast %get3A_1575 : vector<1x16xi32> to vector<16xi32>
        %shift_left3A_1577 = arith.shli %get3A_1576, %broadcast_in_dim3A_31 : vector<16xi32>
        %bitcast_convert_type3A_1578 = tpu.bitcast %shift_left3A_1577 : vector<16xi32> -> vector<16xf32>
        %and3A_1579 = arith.andi %get3A_1576, %broadcast_in_dim3A_29 : vector<16xi32>
        %bitcast_convert_type3A_1580 = tpu.bitcast %and3A_1579 : vector<16xi32> -> vector<16xf32>
        %add3A_1581 = arith.addf %add3A_1533, %bitcast_convert_type3A_1578 : vector<16xf32>
        %add3A_1582 = arith.addf %add3A_1534, %bitcast_convert_type3A_1580 : vector<16xf32>
        %add3A_1583 = arith.constant 30 : i32
        %add3A_1584 = arith.addi %mul3A_117, %add3A_1583 : i32
        %get3A_1585 = arith.index_cast %add3A_1584 : i32 to index
        %get3A_1586 = arith.constant 48 : index
        %get3A_1587 = tpu.vector_load %arg8[%get3A_1585, %get3A_1586] {strides = array<i32>} : memref<128x64xi32, #tpu.memory_space<vmem>>, vector<1x16xi32>,
        %get3A_1588 = vector.shape_cast %get3A_1587 : vector<1x16xi32> to vector<16xi32>
        %shift_left3A_1589 = arith.shli %get3A_1588, %broadcast_in_dim3A_31 : vector<16xi32>
        %bitcast_convert_type3A_1590 = tpu.bitcast %shift_left3A_1589 : vector<16xi32> -> vector<16xf32>
        %and3A_1591 = arith.andi %get3A_1588, %broadcast_in_dim3A_29 : vector<16xi32>
        %bitcast_convert_type3A_1592 = tpu.bitcast %and3A_1591 : vector<16xi32> -> vector<16xf32>
        %add3A_1593 = arith.addf %add3A_1545, %bitcast_convert_type3A_1590 : vector<16xf32>
        %add3A_1594 = arith.addf %add3A_1546, %bitcast_convert_type3A_1592 : vector<16xf32>
        %add3A_1595 = arith.constant 31 : i32
        %add3A_1596 = arith.addi %mul3A_117, %add3A_1595 : i32
        %get3A_1597 = arith.index_cast %add3A_1596 : i32 to index
        %get3A_1598 = arith.constant 0 : index
        %get3A_1599 = tpu.vector_load %arg8[%get3A_1597, %get3A_1598] {strides = array<i32>} : memref<128x64xi32, #tpu.memory_space<vmem>>, vector<1x16xi32>,
        %get3A_1600 = vector.shape_cast %get3A_1599 : vector<1x16xi32> to vector<16xi32>
        %shift_left3A_1601 = arith.shli %get3A_1600, %broadcast_in_dim3A_31 : vector<16xi32>
        %bitcast_convert_type3A_1602 = tpu.bitcast %shift_left3A_1601 : vector<16xi32> -> vector<16xf32>
        %and3A_1603 = arith.andi %get3A_1600, %broadcast_in_dim3A_29 : vector<16xi32>
        %bitcast_convert_type3A_1604 = tpu.bitcast %and3A_1603 : vector<16xi32> -> vector<16xf32>
        %add3A_1605 = arith.addf %add3A_1557, %bitcast_convert_type3A_1602 : vector<16xf32>
        %add3A_1606 = arith.addf %add3A_1558, %bitcast_convert_type3A_1604 : vector<16xf32>
        %add3A_1607 = arith.constant 31 : i32
        %add3A_1608 = arith.addi %mul3A_117, %add3A_1607 : i32
        %get3A_1609 = arith.index_cast %add3A_1608 : i32 to index
        %get3A_1610 = arith.constant 16 : index
        %get3A_1611 = tpu.vector_load %arg8[%get3A_1609, %get3A_1610] {strides = array<i32>} : memref<128x64xi32, #tpu.memory_space<vmem>>, vector<1x16xi32>,
        %get3A_1612 = vector.shape_cast %get3A_1611 : vector<1x16xi32> to vector<16xi32>
        %shift_left3A_1613 = arith.shli %get3A_1612, %broadcast_in_dim3A_31 : vector<16xi32>
        %bitcast_convert_type3A_1614 = tpu.bitcast %shift_left3A_1613 : vector<16xi32> -> vector<16xf32>
        %and3A_1615 = arith.andi %get3A_1612, %broadcast_in_dim3A_29 : vector<16xi32>
        %bitcast_convert_type3A_1616 = tpu.bitcast %and3A_1615 : vector<16xi32> -> vector<16xf32>
        %add3A_1617 = arith.addf %add3A_1569, %bitcast_convert_type3A_1614 : vector<16xf32>
        %add3A_1618 = arith.addf %add3A_1570, %bitcast_convert_type3A_1616 : vector<16xf32>
        %add3A_1619 = arith.constant 31 : i32
        %add3A_1620 = arith.addi %mul3A_117, %add3A_1619 : i32
        %get3A_1621 = arith.index_cast %add3A_1620 : i32 to index
        %get3A_1622 = arith.constant 32 : index
        %get3A_1623 = tpu.vector_load %arg8[%get3A_1621, %get3A_1622] {strides = array<i32>} : memref<128x64xi32, #tpu.memory_space<vmem>>, vector<1x16xi32>,
        %get3A_1624 = vector.shape_cast %get3A_1623 : vector<1x16xi32> to vector<16xi32>
        %shift_left3A_1625 = arith.shli %get3A_1624, %broadcast_in_dim3A_31 : vector<16xi32>
        %bitcast_convert_type3A_1626 = tpu.bitcast %shift_left3A_1625 : vector<16xi32> -> vector<16xf32>
        %and3A_1627 = arith.andi %get3A_1624, %broadcast_in_dim3A_29 : vector<16xi32>
        %bitcast_convert_type3A_1628 = tpu.bitcast %and3A_1627 : vector<16xi32> -> vector<16xf32>
        %add3A_1629 = arith.addf %add3A_1581, %bitcast_convert_type3A_1626 : vector<16xf32>
        %add3A_1630 = arith.addf %add3A_1582, %bitcast_convert_type3A_1628 : vector<16xf32>
        %add3A_1631 = arith.constant 31 : i32
        %add3A_1632 = arith.addi %mul3A_117, %add3A_1631 : i32
        %get3A_1633 = arith.index_cast %add3A_1632 : i32 to index
        %get3A_1634 = arith.constant 48 : index
        %get3A_1635 = tpu.vector_load %arg8[%get3A_1633, %get3A_1634] {strides = array<i32>} : memref<128x64xi32, #tpu.memory_space<vmem>>, vector<1x16xi32>,
        %get3A_1636 = vector.shape_cast %get3A_1635 : vector<1x16xi32> to vector<16xi32>
        %shift_left3A_1637 = arith.shli %get3A_1636, %broadcast_in_dim3A_31 : vector<16xi32>
        %bitcast_convert_type3A_1638 = tpu.bitcast %shift_left3A_1637 : vector<16xi32> -> vector<16xf32>
        %and3A_1639 = arith.andi %get3A_1636, %broadcast_in_dim3A_29 : vector<16xi32>
        %bitcast_convert_type3A_1640 = tpu.bitcast %and3A_1639 : vector<16xi32> -> vector<16xf32>
        %add3A_1641 = arith.addf %add3A_1593, %bitcast_convert_type3A_1638 : vector<16xf32>
        %add3A_1642 = arith.addf %add3A_1594, %bitcast_convert_type3A_1640 : vector<16xf32>
        %add3A_1643 = arith.addi %mul3A_96, %scan3A_115 : i32
        %swap3A = arith.index_cast %add3A_1643 : i32 to index
        %swap3A_1644 = arith.constant 0 : index
        %swap3A_1645 = tpu.vector_load %arg9[%swap3A, %swap3A_1644] {strides = array<i32>} : memref<32x128xf32, #tpu.memory_space<vmem>>, vector<1x16xf32>,
        %swap3A_1646 = vector.shape_cast %swap3A_1645 : vector<1x16xf32> to vector<16xf32>
        %swap3A_1647 = vector.shape_cast %add3A_1605 : vector<16xf32> to vector<1x16xf32>
        tpu.vector_store %arg9[%swap3A, %swap3A_1644], %swap3A_1647 {strides = array<i32>} : memref<32x128xf32, #tpu.memory_space<vmem>>, vector<1x16xf32>,
        %add3A_1648 = arith.addi %mul3A_96, %scan3A_115 : i32
        %swap3A_1649 = arith.index_cast %add3A_1648 : i32 to index
        %swap3A_1650 = arith.constant 64 : index
        %swap3A_1651 = tpu.vector_load %arg9[%swap3A_1649, %swap3A_1650] {strides = array<i32>} : memref<32x128xf32, #tpu.memory_space<vmem>>, vector<1x16xf32>,
        %swap3A_1652 = vector.shape_cast %swap3A_1651 : vector<1x16xf32> to vector<16xf32>
        %swap3A_1653 = vector.shape_cast %add3A_1606 : vector<16xf32> to vector<1x16xf32>
        tpu.vector_store %arg9[%swap3A_1649, %swap3A_1650], %swap3A_1653 {strides = array<i32>} : memref<32x128xf32, #tpu.memory_space<vmem>>, vector<1x16xf32>,
        %add3A_1654 = arith.addi %mul3A_96, %scan3A_115 : i32
        %swap3A_1655 = arith.index_cast %add3A_1654 : i32 to index
        %swap3A_1656 = arith.constant 16 : index
        %swap3A_1657 = tpu.vector_load %arg9[%swap3A_1655, %swap3A_1656] {strides = array<i32>} : memref<32x128xf32, #tpu.memory_space<vmem>>, vector<1x16xf32>,
        %swap3A_1658 = vector.shape_cast %swap3A_1657 : vector<1x16xf32> to vector<16xf32>
        %swap3A_1659 = vector.shape_cast %add3A_1617 : vector<16xf32> to vector<1x16xf32>
        tpu.vector_store %arg9[%swap3A_1655, %swap3A_1656], %swap3A_1659 {strides = array<i32>} : memref<32x128xf32, #tpu.memory_space<vmem>>, vector<1x16xf32>,
        %add3A_1660 = arith.addi %mul3A_96, %scan3A_115 : i32
        %swap3A_1661 = arith.index_cast %add3A_1660 : i32 to index
        %swap3A_1662 = arith.constant 80 : index
        %swap3A_1663 = tpu.vector_load %arg9[%swap3A_1661, %swap3A_1662] {strides = array<i32>} : memref<32x128xf32, #tpu.memory_space<vmem>>, vector<1x16xf32>,
        %swap3A_1664 = vector.shape_cast %swap3A_1663 : vector<1x16xf32> to vector<16xf32>
        %swap3A_1665 = vector.shape_cast %add3A_1618 : vector<16xf32> to vector<1x16xf32>
        tpu.vector_store %arg9[%swap3A_1661, %swap3A_1662], %swap3A_1665 {strides = array<i32>} : memref<32x128xf32, #tpu.memory_space<vmem>>, vector<1x16xf32>,
        %add3A_1666 = arith.addi %mul3A_96, %scan3A_115 : i32
        %swap3A_1667 = arith.index_cast %add3A_1666 : i32 to index
        %swap3A_1668 = arith.constant 32 : index
        %swap3A_1669 = tpu.vector_load %arg9[%swap3A_1667, %swap3A_1668] {strides = array<i32>} : memref<32x128xf32, #tpu.memory_space<vmem>>, vector<1x16xf32>,
        %swap3A_1670 = vector.shape_cast %swap3A_1669 : vector<1x16xf32> to vector<16xf32>
        %swap3A_1671 = vector.shape_cast %add3A_1629 : vector<16xf32> to vector<1x16xf32>
        tpu.vector_store %arg9[%swap3A_1667, %swap3A_1668], %swap3A_1671 {strides = array<i32>} : memref<32x128xf32, #tpu.memory_space<vmem>>, vector<1x16xf32>,
        %add3A_1672 = arith.addi %mul3A_96, %scan3A_115 : i32
        %swap3A_1673 = arith.index_cast %add3A_1672 : i32 to index
        %swap3A_1674 = arith.constant 96 : index
        %swap3A_1675 = tpu.vector_load %arg9[%swap3A_1673, %swap3A_1674] {strides = array<i32>} : memref<32x128xf32, #tpu.memory_space<vmem>>, vector<1x16xf32>,
        %swap3A_1676 = vector.shape_cast %swap3A_1675 : vector<1x16xf32> to vector<16xf32>
        %swap3A_1677 = vector.shape_cast %add3A_1630 : vector<16xf32> to vector<1x16xf32>
        tpu.vector_store %arg9[%swap3A_1673, %swap3A_1674], %swap3A_1677 {strides = array<i32>} : memref<32x128xf32, #tpu.memory_space<vmem>>, vector<1x16xf32>,
        %add3A_1678 = arith.addi %mul3A_96, %scan3A_115 : i32
        %swap3A_1679 = arith.index_cast %add3A_1678 : i32 to index
        %swap3A_1680 = arith.constant 48 : index
        %swap3A_1681 = tpu.vector_load %arg9[%swap3A_1679, %swap3A_1680] {strides = array<i32>} : memref<32x128xf32, #tpu.memory_space<vmem>>, vector<1x16xf32>,
        %swap3A_1682 = vector.shape_cast %swap3A_1681 : vector<1x16xf32> to vector<16xf32>
        %swap3A_1683 = vector.shape_cast %add3A_1641 : vector<16xf32> to vector<1x16xf32>
        tpu.vector_store %arg9[%swap3A_1679, %swap3A_1680], %swap3A_1683 {strides = array<i32>} : memref<32x128xf32, #tpu.memory_space<vmem>>, vector<1x16xf32>,
        %add3A_1684 = arith.addi %mul3A_96, %scan3A_115 : i32
        %swap3A_1685 = arith.index_cast %add3A_1684 : i32 to index
        %swap3A_1686 = arith.constant 112 : index
        %swap3A_1687 = tpu.vector_load %arg9[%swap3A_1685, %swap3A_1686] {strides = array<i32>} : memref<32x128xf32, #tpu.memory_space<vmem>>, vector<1x16xf32>,
        %swap3A_1688 = vector.shape_cast %swap3A_1687 : vector<1x16xf32> to vector<16xf32>
        %swap3A_1689 = vector.shape_cast %add3A_1642 : vector<16xf32> to vector<1x16xf32>
        tpu.vector_store %arg9[%swap3A_1685, %swap3A_1686], %swap3A_1689 {strides = array<i32>} : memref<32x128xf32, #tpu.memory_space<vmem>>, vector<1x16xf32>,
      }
      %scan3A_102 = arith.constant 4 : i32
      %add3A_103 = arith.constant 2 : i32
      %add3A_104 = arith.addi %add3A_78, %add3A_103 : i32
      %lt3A_105 = arith.constant 80 : i32
      %lt3A_106 = arith.cmpi slt, %add3A_104, %lt3A_105 : i32
      %convert_element_type3A_107 = arith.extui %lt3A_106 : i1 to i32
      %cond3A_108 = arith.constant 0 : i32
      %cond3A_109 = arith.cmpi ne, %convert_element_type3A_107, %cond3A_108 : i32
      scf.if %cond3A_109 {
        %add3A_115 = arith.constant 2 : i32
        %add3A_116 = arith.addi %add3A_78, %add3A_115 : i32
        %dma_start3A_117 = arith.constant 0 : i32
        %dma_start3A_118 = tpu.memref_slice %arg5[%add3A_116, %dma_start3A_117] : memref<80x128xi32, #tpu.memory_space<vmem>> -> memref<1x128xi32, #tpu.memory_space<vmem>>
        %dma_start3A_119 = tpu.memref_squeeze %dma_start3A_118 : memref<1x128xi32, #tpu.memory_space<vmem>> -> memref<128xi32, #tpu.memory_space<vmem>>
        %dma_start3A_120 = arith.constant 0 : i32
        %dma_start3A_121 = arith.constant 0 : i32
        %dma_start3A_122 = tpu.memref_slice %arg6[%dma_start3A_120, %dma_start3A_121] : memref<10240x64xi32, #tpu.memory_space<vmem_shared>> -> memref<10240x64xi32, #tpu.memory_space<vmem_shared>>
        tpu.enqueue_indirect_dma source(%dma_start3A_122 : memref<10240x64xi32, #tpu.memory_space<vmem_shared>>) target(%arg8 : memref<128x64xi32, #tpu.memory_space<vmem>>) offsets(%dma_start3A_119 : memref<128xi32, #tpu.memory_space<vmem>>) semaphore(%arg12 : memref<!tpu.dma_semaphore, #tpu.memory_space<semaphore_mem>>)
      } else {
      }
      %eq3A_110 = arith.constant 7 : i32
      %eq3A_111 = arith.cmpi eq, %rem3A_80, %eq3A_110 : i32
      %convert_element_type3A_112 = arith.extui %eq3A_111 : i1 to i32
      %cond3A_113 = arith.constant 0 : i32
      %cond3A_114 = arith.cmpi ne, %convert_element_type3A_112, %cond3A_113 : i32
      scf.if %cond3A_114 {
        %div3A = arith.constant 8 : i32
        %div3A_115 = arith.divsi %add3A_78, %div3A : i32
        %mul3A_116 = arith.constant 8 : i32
        %mul3A_117 = arith.muli %div3A_115, %mul3A_116 : i32
        %mul3A_118 = arith.constant 4 : i32
        %mul3A_119 = arith.muli %mul3A_117, %mul3A_118 : i32
        %add3A_120 = arith.addi %mul3A_2, %mul3A_119 : i32
        %dma_start3A_121 = arith.constant 0 : i32
        %dma_start3A_122 = tpu.memref_slice %arg4[%add3A_120, %dma_start3A_121] : memref<10240x128xf32, #tpu.memory_space<hbm>> -> memref<32x128xf32, #tpu.memory_space<hbm>>
        %dma_start3A_123 = arith.constant 0 : i32
        %dma_start3A_124 = tpu.memref_slice %arg4[%add3A_120, %dma_start3A_123] : memref<10240x128xf32, #tpu.memory_space<hbm>> -> memref<32x128xf32, #tpu.memory_space<hbm>>
        tpu.enqueue_dma source(%arg9 : memref<32x128xf32, #tpu.memory_space<vmem>>) target(%dma_start3A_124 : memref<32x128xf32, #tpu.memory_space<hbm>>) target_semaphore(%arg13 : memref<!tpu.dma_semaphore, #tpu.memory_space<semaphore_mem>>)
      } else {
      }
    }
    %scan3A_36 = arith.constant 40 : i32
    %dma_wait3A_37 = arith.constant 0 : i32
    %dma_wait3A_38 = tpu.memref_slice %arg4[%mul3A_2, %dma_wait3A_37] : memref<10240x128xf32, #tpu.memory_space<hbm>> -> memref<32x128xf32, #tpu.memory_space<hbm>>
    %dma_wait3A_39 = arith.constant 0 : i32
    %dma_wait3A_40 = tpu.memref_slice %arg4[%mul3A_2, %dma_wait3A_39] : memref<10240x128xf32, #tpu.memory_space<hbm>> -> memref<32x128xf32, #tpu.memory_space<hbm>>
    tpu.wait_dma2 semaphore(%arg13 : memref<!tpu.dma_semaphore, #tpu.memory_space<semaphore_mem>>) src(%arg9 : memref<32x128xf32, #tpu.memory_space<vmem>>) dst(%dma_wait3A_40 : memref<32x128xf32, #tpu.memory_space<hbm>>)
    return
  }
}

module attributes {stable_mosaic.version = 14 : i64} {
  func.func @_pack_body(%arg0: i32, %arg1: memref<2048x128xf32, #tpu.memory_space<vmem>>, %arg2: memref<2048x64xi32, #tpu.memory_space<vmem>>) attributes {dimension_semantics = [#tpu.dimension_semantics<arbitrary>], iteration_bounds = array<i64: 5>, scalar_prefetch = 0 : i64, scratch_operands = 0 : i64, tpu.core_type = #tpu.core_type<tc>, window_params = [{transform_indices = @transform_0, window_bounds = array<i64: 2048, 128>}, {transform_indices = @transform_1, window_bounds = array<i64: 2048, 64>}]} {
    %get3A = arith.constant 0 : index
    %get3A_0 = arith.constant 0 : index
    %get3A_1 = vector.load %arg1[%get3A, %get3A_0] : memref<2048x128xf32, #tpu.memory_space<vmem>>, vector<2048x128xf32>
    %convert_element_type3A = arith.truncf %get3A_1 : vector<2048x128xf32> to vector<2048x128xbf16>
    %bitcast_convert_type3A = tpu.bitcast %convert_element_type3A : vector<2048x128xbf16> -> vector<2048x128xi16>
    %convert_element_type3A_2 = arith.extui %bitcast_convert_type3A : vector<2048x128xi16> to vector<2048x128xi32>
    %slice3A = vector.extract_strided_slice %convert_element_type3A_2 {offsets = [0, 0], sizes = [2048, 64], strides = [1, 1]} : vector<2048x128xi32> to vector<2048x64xi32>
    %slice3A_3 = vector.extract_strided_slice %convert_element_type3A_2 {offsets = [0, 64], sizes = [2048, 64], strides = [1, 1]} : vector<2048x128xi32> to vector<2048x64xi32>
    %shift_left3A = arith.constant 16 : i32
    %shift_left3A_4 = vector.broadcast %shift_left3A : i32 to vector<2048x64xi32>
    %shift_left3A_5 = arith.shli %slice3A_3, %shift_left3A_4 : vector<2048x64xi32>
    %or3A = arith.ori %slice3A, %shift_left3A_5 : vector<2048x64xi32>
    %swap3A = arith.constant 0 : index
    %swap3A_6 = arith.constant 0 : index
    %swap3A_7 = vector.load %arg2[%swap3A, %swap3A_6] : memref<2048x64xi32, #tpu.memory_space<vmem>>, vector<2048x64xi32>
    tpu.vector_store %arg2[%swap3A, %swap3A_6], %or3A {strides = array<i32>} : memref<2048x64xi32, #tpu.memory_space<vmem>>, vector<2048x64xi32>,
    return
  }
  func.func @transform_0(%arg0: i32) -> (i32, i32) {
    %c0_i32 = arith.constant 0 : i32
    %c0_i32_0 = arith.constant 0 : i32
    return %arg0, %c0_i32 : i32, i32
  }
  func.func @transform_1(%arg0: i32) -> (i32, i32) {
    %c0_i32 = arith.constant 0 : i32
    %c0_i32_0 = arith.constant 0 : i32
    return %arg0, %c0_i32 : i32, i32
  }
}

module attributes {stable_mosaic.version = 14 : i64} {
  func.func @_tc_body(%arg0: i32, %arg1: memref<2000x128xf32, #tpu.memory_space<vmem>>, %arg2: memref<2000x128xf32, #tpu.memory_space<vmem>>, %arg3: memref<128x128xf32, #tpu.memory_space<vmem>>, %arg4: memref<128x128xf32, #tpu.memory_space<vmem>>, %arg5: memref<1x128xf32, #tpu.memory_space<vmem>>, %arg6: memref<2000x128xf32, #tpu.memory_space<vmem>>) attributes {dimension_semantics = [#tpu.dimension_semantics<arbitrary>], iteration_bounds = array<i64: 5>, scalar_prefetch = 0 : i64, scratch_operands = 0 : i64, tpu.core_type = #tpu.core_type<tc>, window_params = [{transform_indices = @transform_0, window_bounds = array<i64: 2000, 128>}, {transform_indices = @transform_1, window_bounds = array<i64: 2000, 128>}, {pipeline_mode = #tpu.pipeline_mode<synchronous>, transform_indices = @transform_2, window_bounds = array<i64: 128, 128>}, {pipeline_mode = #tpu.pipeline_mode<synchronous>, transform_indices = @transform_3, window_bounds = array<i64: 128, 128>}, {pipeline_mode = #tpu.pipeline_mode<synchronous>, transform_indices = @transform_4, window_bounds = array<i64: 1, 128>}, {transform_indices = @transform_5, window_bounds = array<i64: 2000, 128>}]} {
    %get3A = arith.constant 0 : index
    %get3A_0 = arith.constant 0 : index
    %get3A_1 = vector.load %arg1[%get3A, %get3A_0] : memref<2000x128xf32, #tpu.memory_space<vmem>>, vector<2000x128xf32>
    %get3A_2 = arith.constant 0 : index
    %get3A_3 = arith.constant 0 : index
    %get3A_4 = vector.load %arg3[%get3A_2, %get3A_3] : memref<128x128xf32, #tpu.memory_space<vmem>>, vector<128x128xf32>
    %dot_general3A = arith.constant dense<0.000000e+00> : vector<2000x128xf32>
    %dot_general3A_5 = tpu.matmul %get3A_1, %get3A_4, %dot_general3A {dimension_numbers = #tpu.dot_dimension_numbers<[1], [0], [0], [1], [0, 0, 1, 1], [], []>, transpose_lhs_hint = false} : vector<2000x128xf32>, vector<128x128xf32>, vector<2000x128xf32> -> vector<2000x128xf32>
    %get3A_6 = arith.constant 0 : index
    %get3A_7 = arith.constant 0 : index
    %get3A_8 = vector.load %arg2[%get3A_6, %get3A_7] : memref<2000x128xf32, #tpu.memory_space<vmem>>, vector<2000x128xf32>
    %get3A_9 = arith.constant 0 : index
    %get3A_10 = arith.constant 0 : index
    %get3A_11 = vector.load %arg4[%get3A_9, %get3A_10] : memref<128x128xf32, #tpu.memory_space<vmem>>, vector<128x128xf32>
    %dot_general3A_12 = arith.constant dense<0.000000e+00> : vector<2000x128xf32>
    %dot_general3A_13 = tpu.matmul %get3A_8, %get3A_11, %dot_general3A_12 {dimension_numbers = #tpu.dot_dimension_numbers<[1], [0], [0], [1], [0, 0, 1, 1], [], []>, transpose_lhs_hint = false} : vector<2000x128xf32>, vector<128x128xf32>, vector<2000x128xf32> -> vector<2000x128xf32>
    %add3A = arith.addf %dot_general3A_5, %dot_general3A_13 : vector<2000x128xf32>
    %get3A_14 = arith.constant 0 : index
    %get3A_15 = arith.constant 0 : index
    %get3A_16 = vector.load %arg5[%get3A_14, %get3A_15] : memref<1x128xf32, #tpu.memory_space<vmem>>, vector<1x128xf32>
    %add3A_17 = vector.broadcast %get3A_16 : vector<1x128xf32> to vector<2000x128xf32>
    %add3A_18 = arith.addf %add3A, %add3A_17 : vector<2000x128xf32>
    %swap3A = arith.constant 0 : index
    %swap3A_19 = arith.constant 0 : index
    %swap3A_20 = vector.load %arg6[%swap3A, %swap3A_19] : memref<2000x128xf32, #tpu.memory_space<vmem>>, vector<2000x128xf32>
    tpu.vector_store %arg6[%swap3A, %swap3A_19], %add3A_18 {strides = array<i32>} : memref<2000x128xf32, #tpu.memory_space<vmem>>, vector<2000x128xf32>,
    return
  }
  func.func @transform_0(%arg0: i32) -> (i32, i32) {
    %c0_i32 = arith.constant 0 : i32
    %c0_i32_0 = arith.constant 0 : i32
    return %arg0, %c0_i32 : i32, i32
  }
  func.func @transform_1(%arg0: i32) -> (i32, i32) {
    %c0_i32 = arith.constant 0 : i32
    %c0_i32_0 = arith.constant 0 : i32
    return %arg0, %c0_i32 : i32, i32
  }
  func.func @transform_2(%arg0: i32) -> (i32, i32) {
    %c0_i32 = arith.constant 0 : i32
    %c0_i32_0 = arith.constant 0 : i32
    %c0_i32_1 = arith.constant 0 : i32
    return %c0_i32, %c0_i32_0 : i32, i32
  }
  func.func @transform_3(%arg0: i32) -> (i32, i32) {
    %c0_i32 = arith.constant 0 : i32
    %c0_i32_0 = arith.constant 0 : i32
    %c0_i32_1 = arith.constant 0 : i32
    return %c0_i32, %c0_i32_0 : i32, i32
  }
  func.func @transform_4(%arg0: i32) -> (i32, i32) {
    %c0_i32 = arith.constant 0 : i32
    %c0_i32_0 = arith.constant 0 : i32
    %c0_i32_1 = arith.constant 0 : i32
    return %c0_i32, %c0_i32_0 : i32, i32
  }
  func.func @transform_5(%arg0: i32) -> (i32, i32) {
    %c0_i32 = arith.constant 0 : i32
    %c0_i32_0 = arith.constant 0 : i32
    return %arg0, %c0_i32 : i32, i32
  }
}

</mosaic_0001>

<sc_bundles>
// kernel: _run.5.cloned.1.call-start
scs
__scs_entry_jumppad:
0x0: {  	(pc) =	sbr.rel $0x88, $3  }
0x1: {  	(tag) =	ssettag $0x0;
	lr =	simm.s32 $0x1  }
0x2: {  	[smem:$0x3F9B] =	sst lr;
	_ =	strace $0xD0000000  }
0x3: {  	_ = 	snop  }
0x4: {  	_ = 	snop  }
0x5: {  	_ = 	snop  }
0x6: {  	_ = 	snop  }
0x7: {  	_ = 	snop  }
__scs_overlays_trampoline_lowered:
0x8: {  	[smem:$0x3FAA] =	sst s0  }
0x9: {  	[smem:$0x3FAB] =	sst s1  }
0xa: {  	[smem:$0x3FAC] =	sst s2  }
0xb: {  	[smem:$0x3FAD] =	sst s3  }
0xc: {  	[smem:$0x3FAE] =	sst s4  }
0xd: {  	[smem:$0x3FAF] =	sst s5  }
0xe: {  	[smem:$0x3FB0] =	sst s6  }
0xf: {  	[smem:$0x3FB1] =	sst s7  }
0x10: {  	[smem:$0x3FB2] =	sst s8  }
0x11: {  	[smem:$0x3FB3] =	sst s9;
	s0 =	simm.s32 @!p0 $0x0  }
0x12: {  	s1 =	sld [smem:$0x3F99];
	s0 =	simm.s32 @p0 $0x1  }
0x13: {  	[smem:$0x3FB4] =	sst s0;
	s0 =	simm.s32 @!p1 $0x0  }
0x14: {  	s2 =	sld [smem:$0x3F98];
	s0 =	simm.s32 @p1 $0x1  }
0x15: {  	[smem:$0x3FB5] =	sst s0;
	s0 =	simm.s32 @!p2 $0x0  }
0x16: {  	s3 =	sld [smem:$0x3FDB];
	s0 =	simm.s32 @p2 $0x1  }
0x17: {  	s4 =	simm.s32 $0x1BF5;
	[smem:$0x3FB7] =	sst s0  }
0x18: {  	s0 =	sld [smem:$0x3F9A];
	_ =	swait.ge [sflag:s4], $0x0  }
0x19: {  	s7 =	sld [smem:$0x3F9B]  }
0x1a: {  	s8 =	sadd.s32 $0xFFFFE003, lr  }
0x1b: {  	s9 =	sadd.s32 $0xFFFFFEF7, lr;
	s5 =	simm.s32 $0xFFFFFFFF;
	p2 =	slt.u32 s8, $0xFFFFF086  }
0x1c: {  	p1 =	slt.u32 s9, $0xF7A;
	s5 =	simm.s32 @!p2 $0x0  }
0x1d: {  	s5 =	simm.s32 @p1 $0x1;
	p0 =	seq.s32 s7, s2  }
0x1e: {  	s7 =	smul.u32 @!p0 $0xF7A, s2;
	p2 =	seq.s32 @!p0 s5, $0x0  }
0x1f: {  	s9 =	smul.u32 $0xF7A, s1;
	s8 =	simm.s32 @!p0 $0x1BF5;
	p2 =	por !p2, p0  }
0x20: {  	[sflag:s8] =	ssyncset.s32 @!p0 $0xFFFFF086;
	s6 =	sadd.s32 @!p0 s3, s7;
	s7 =	simm.s32 @!p0 $0x108  }
0x21: {  	s3 =	sadd.s32 s3, s9;
	s6 =	sadd.s32 @!p0 $0x88, s6;
	s7 =	simm.s32 @p2 $0x1082  }
0x22: {  	[simem:s7], [sflag:s8] =	dma.local @!p0 [hbm:s6], $0xF7A  }
0x23: {  	s9 =	sor.u32 $0xD0000000, s2;
	s6 =	simm.s32 $0x108;
	_ =	swait.ge @!p0 [sflag:s8], $0x0  }
0x24: {  	s3 =	sadd.s32 $0x88, s3;
	s6 =	simm.s32 @!p1 $0x1082;
	[sflag:s4] =	ssyncset.s32 $0xFFFFF086  }
0x25: {  	[simem:s6], [sflag:s4] =	dma.local [hbm:s3], $0xF7A  }
0x26: {  	[smem:$0x3F9B] =	sst s1;
	(tag) =	ssettag s2;
	_ =	strace s9  }
0x27: {  	s1 =	sld [smem:$0x3FAB]  }
0x28: {  	s2 =	sld [smem:$0x3FAC]  }
0x29: {  	s4 =	sld [smem:$0x3FAE]  }
0x2a: {  	p0 =	seq.s32 s5, $0x0;
	s5 =	sld [smem:$0x3FAF]  }
0x2b: {  	s6 =	sld [smem:$0x3FB0]  }
0x2c: {  	s7 =	sld [smem:$0x3FB1]  }
0x2d: {  	s3 =	simm.s32 $0x108;
	s8 =	sld [smem:$0x3FB2]  }
0x2e: {  	s3 =	simm.s32 @!p0 $0x1082;
	s9 =	sld [smem:$0x3FB3]  }
0x2f: {  	lr =	sadd.s32 s0, s3;
	s0 =	sld [smem:$0x3FAA]  }
0x30: {  	s3 =	sld [smem:$0x3FAD]  }
0x31: {  	[smem:$0x3FB6] =	sst s10  }
0x32: {  	s10 =	sld [smem:$0x3FB4];
	_ =	sdelay $0x3  }
0x33: {  	p0 =	seq.s32 s10, $0x1;
	s10 =	sld [smem:$0x3FB6];
	_ =	sdelay $0x3  }
0x34: {  	[smem:$0x3FB6] =	sst s10  }
0x35: {  	s10 =	sld [smem:$0x3FB5];
	_ =	sdelay $0x3  }
0x36: {  	p1 =	seq.s32 s10, $0x1;
	s10 =	sld [smem:$0x3FB6];
	_ =	sdelay $0x3  }
0x37: {  	[smem:$0x3FB6] =	sst s10  }
0x38: {  	s10 =	sld [smem:$0x3FB7]  }
0x39: {  	_ = 	snop;
	(pc) =	sbr.ind lr, $3  }
0x3a: {  	_ = 	snop  }
0x3b: {  	_ = 	snop  }
0x3c: {  	p2 =	seq.s32 s10, $0x1;
	s10 =	sld [smem:$0x3FB6]  }
0x3d: {  	_ =	shalt  }
0x3e: {  	_ =	shalt  }
0x3f: {  	_ =	shalt  }
0x40: {  	_ =	shalt  }
0x41: {  	_ =	shalt  }
0x42: {  	_ =	shalt  }
0x43: {  	_ =	shalt  }
0x44: {  	_ =	shalt  }
0x45: {  	_ =	shalt  }
0x46: {  	_ =	shalt  }
0x47: {  	_ =	shalt  }
0x48: {  	_ =	shalt  }
0x49: {  	_ =	shalt  }
0x4a: {  	_ =	shalt  }
0x4b: {  	_ =	shalt  }
0x4c: {  	_ =	shalt  }
0x4d: {  	_ =	shalt  }
0x4e: {  	_ =	shalt  }
0x4f: {  	_ =	shalt  }
0x50: {  	_ =	shalt  }
0x51: {  	_ =	shalt  }
0x52: {  	_ =	shalt  }
0x53: {  	_ =	shalt  }
0x54: {  	_ =	shalt  }
0x55: {  	_ =	shalt  }
0x56: {  	_ =	shalt  }
0x57: {  	_ =	shalt  }
0x58: {  	_ =	shalt  }
0x59: {  	_ =	shalt  }
0x5a: {  	_ =	shalt  }
0x5b: {  	_ =	shalt  }
0x5c: {  	_ =	shalt  }
0x5d: {  	_ =	shalt  }
0x5e: {  	_ =	shalt  }
0x5f: {  	_ =	shalt  }
0x60: {  	_ =	shalt  }
0x61: {  	_ =	shalt  }
0x62: {  	_ =	shalt  }
0x63: {  	_ =	shalt  }
0x64: {  	_ =	shalt  }
0x65: {  	_ =	shalt  }
0x66: {  	_ =	shalt  }
0x67: {  	_ =	shalt  }
0x68: {  	_ =	shalt  }
0x69: {  	_ =	shalt  }
0x6a: {  	_ =	shalt  }
0x6b: {  	_ =	shalt  }
0x6c: {  	_ =	shalt  }
0x6d: {  	_ =	shalt  }
0x6e: {  	_ =	shalt  }
0x6f: {  	_ =	shalt  }
0x70: {  	_ =	shalt  }
0x71: {  	_ =	shalt  }
0x72: {  	_ =	shalt  }
0x73: {  	_ =	shalt  }
0x74: {  	_ =	shalt  }
0x75: {  	_ =	shalt  }
0x76: {  	_ =	shalt  }
0x77: {  	_ =	shalt  }
0x78: {  	_ =	shalt  }
0x79: {  	_ =	shalt  }
0x7a: {  	_ =	shalt  }
0x7b: {  	_ =	shalt  }
0x7c: {  	_ =	shalt  }
0x7d: {  	_ =	shalt  }
0x7e: {  	_ =	shalt  }
0x7f: {  	_ =	shalt  }
0x80: {  	_ =	shalt  }
0x81: {  	_ =	shalt  }
0x82: {  	_ =	shalt  }
0x83: {  	_ =	shalt  }
0x84: {  	_ =	shalt  }
0x85: {  	_ =	shalt  }
0x86: {  	_ =	shalt  }
0x87: {  	_ =	shalt  }
.Lfunc_end0:
.L_simem_size_0:
called_computation_lowered:
.L_overlay_start_0:
0x88: {  	s2 =	sld [smem:$0x3FD9]  }
0x89: {  	s3 =	sld [smem:$0x3FFE];
	_ =	sdelay $0x1  }
0x8a: {  	s1 =	srdreg.scid  }
0x8b: {  	s0 =	sand.u32 $0x1, s1  }
0x8c: {  	s17 =	sshll.u32 s0, $0xA;
	s2 =	sadd.s32 s3, s2  }
0x8d: {  	s2 =	sadd.s32 s2, s17  }
0x8e: {  	[smem:$0x3FC2] =	sst s2  }
0x8f: {  	_ = 	snop  }
0x90: {  	s2 =	sld [smem:$0x3FD0];
	(tm) =	ssettm $0x1  }
0x91: {  	s18 =	sld [smem:$0x3FFB];
	_ =	sdelay $0x3  }
0x92: {  	_ =	strace s18  }
0x93: {  	s3 =	sld [smem:$0x3FFC];
	_ =	sdelay $0x3  }
0x94: {  	_ =	strace s3  }
0x95: {  	s3 =	sld [smem:$0x3FFD];
	_ =	sdelay $0x3  }
0x96: {  	_ =	strace s3  }
0x97: {  	_ =	strace $0x8FFFFFFF  }
0x98: {  	s19 =	sld [smem:$0x3FDB];
	_ =	sdelay $0x1  }
0x99: {  	s4 =	simm.s32 $_scs_section_size  }
0x9a: {  	s5 =	simm.s32 $_size__tile_overlayer_lowered;
	s6 =	simm.s32 $_tile_overlayer_lowered  }
0x9b: {  	s22 =	simm.s32 $0x1BFF;
	s21 =	sshll.u32 s6, $0x1;
	s3 =	sadd.s32 s4, s19  }
0x9c: {  	s7 =	simm.s32 $0x0;
	s20 =	sshll.u32 s5, $0x1;
	s5 =	sadd.s32 s21, s3  }
0x9d: {  	[timem:s7], [sflag:s22] =	dma.local [hbm:s5], s20  }
0x9e: {  	_ =	swait.ge [sflag:s22], s20  }
0x9f: {  	s4 =	ssub.s32 $0x0, s20;
	[sflag:s22] =	ssyncset.done $0x0  }
0xa0: {  	[sflag:s22] =	ssyncadd.s32 s4;
	_ =	sdelay $0x1  }
0xa1: {  	s23 =	simm.s32 $0x1B8B  }
0xa2: {  	_ =	swait.ge [sflag:s23], $0x1  }
0xa3: {  	[sflag:s23] =	ssyncset.done $0x0  }
0xa4: {  	s25 =	simm.s32 $0x1B8E;
	s24 =	sld [smem:$0x3FFE];
	[sflag:s23] =	ssyncadd.s32 $0xFFFFFFFF  }
0xa5: {  	s26 =	simm.s32 $execute0_lowered;
	[smem:$0x3FD2] =	sst s25  }
0xa6: {  	s5 =	sshll.u32 s26, $0x1;
	_ =	strace $0x80000046;
	[dreg:$0x1] =	wrdreg $0xFFFFFFFF  }
0xa7: {  	s28 =	simm.s32 $_size_execute0_lowered;
	s3 =	sadd.s32 s3, s5;
	[dreg:$0x0] =	wrdreg $0x0  }
0xa8: {  	s5 =	sshll.u32 s28, $0x1;
	[dreg:$0x2] =	wrdreg s3  }
0xa9: {  	[dreg:$0x3] =	wrdreg s5  }
0xaa: {  	[dreg:$0x4] =	wrdreg $0xC0  }
0xab: {  	_ =	task [dreg:s7], $0x5FFFF  }
0xac: {  	[dreg:$0x1] =	wrdreg $0xFFFFFFFF  }
0xad: {  	[dreg:$0x0] =	wrdreg $0x60  }
0xae: {  	[dreg:$0x2] =	wrdreg s2  }
0xaf: {  	[dreg:$0x3] =	wrdreg s24  }
0xb0: {  	[dreg:$0x4] =	wrdreg $0x28000  }
0xb1: {  	[dreg:$0x5] =	wrdreg $0x9  }
0xb2: {  	_ =	task.clear_ibuf [dreg:s7], $0x6FFFF;
	_ =	strace $0x90000046  }
0xb3: {  	s29 =	simm.s32 $0x9;
	_ =	strace $0x80000048  }
0xb4: {  	_ =	swait.ge [sflag:s29], $0x1  }
0xb5: {  	[sflag:s29] =	ssyncadd.s32 $0xFFFFFFFF  }
0xb6: {  	_ =	strace $0x90000048  }
0xb7: {  	_ =	sfence  }
0xb8: {  	s30 =	sld [smem:$0x0];
	_ =	sdelay $0x2  }
0xb9: {  	s31 =	sshll.u32 s1, $0xD;
	s1 =	sshrl.u32 s1, $0x2  }
0xba: {  	s3 =	sand.u32 $0x4000, s31;
	s1 =	sadd.s32 s1, s30  }
0xbb: {  	s0 =	sor.u32 s3, s0;
	s1 =	sshll.u32 s1, $0x11  }
0xbc: {  	s0 =	sor.u32 s1, s0  }
0xbd: {  	s0 =	sadd.s32 $0x8F2B, s0  }
0xbe: {  	[sflag:s0] =	ssyncadd.remote.s32 $0x1  }
0xbf: {  	_ =	sfence.sel $0xFFFF  }
0xc0: {  	[dreg:$0x0] =	wrdreg $0xFFFFFFFF;
	(pc) =	sbr.abs _section_cstart, $3  }
0xc1: {  	[dreg:$0x1] =	wrdreg $0xFFFFFFFF  }
0xc2: {  	_ =	task.clear_ibuf [dreg:s7], $0x2FFFF;
	_ =	strace $0x9FFFFFFF  }
0xc3: {  	(tm) =	ssettm $0x7FFFFFFF  }
tec
execute0_lowered:
.L_overlay_start_1:
0x0: {  	(tag) =	ssettag $0x1  }
0x1: {  	s7 =	rddreg [dreg:$0x0]  }
0x2: {  	s4 =	rddreg [dreg:$0x1]  }
0x3: {  	s2 =	rddreg [dreg:$0x2]  }
0x4: {  	s1 =	stileid.u32;
	s0 =	rddreg [dreg:$0x3]  }
0x5: {  	s3 =	simm.s32 $0x0;
	s6 =	srdreg.scid;
	s13 =	simm.s32 $0x80  }
0x6: {  	s14 =	simm.s32 $0xC800;
	s15 =	simm.s32 $0x10800;
	s16 =	simm.s32 $0x2  }
0x7: {  	s17 =	simm.s32 $0x3;
	s18 =	simm.s32 $0x4;
	s19 =	simm.s32 $0x0  }
0x8: {  	s5 =	smul.u32 $0x2800, s1;
	[smem:$0x7FF] =	sst s3;
	s6 =	sand.u32 $0x1, s6  }
0x9: {  	s8 =	sshll.u32 s1, $0x1;
	s9 =	smul.u32 $0x50000, s1;
	s31 =	sshll.u32 s1, $0x6  }
0xa: {  	_ =	strace $0x80000047;
	s10 =	ssub.s32 $0x2, s6;
	s8 =	sor.u32 s6, s8  }
0xb: {  	s6 =	sor.u32 $0x1C01, s31;
	s5 =	sadd.s32 s5, s4;
	s4 =	sadd.s32 $0x29A00, s4  }
0xc: {  	s30 =	sshrl.u32 s10, $0x1;
	s9 =	sshrl.u32 s9, $0x2;
	s11 =	smul.u32 $0x500, s8  }
0xd: {  	s8 =	smul.u32 $0xA000, s8;
	s10 =	ssub.s32 s10, s30;
	s12 =	sadd.s32 s9, s2  }
0xe: {  	s5 =	sadd.s32 $0x1A00, s5;
	s7 =	sadd.s32 s7, s11;
	s9 =	smax.u32 s10, $0x1  }
0xf: {  	s10 =	sshrl.u32 s12, $0x3;
	s11 =	simm.s32 $0x5;
	s12 =	simm.s32 $0x1  }
.LBB2_1:
0x10: {  	[spmem:s10], [sflag:s6] =	dma.local [hbm:s5], $0x2800  }
0x11: {  	[tilespmem:s3], [sflag:$0x5] =	stream.linear.gather [hbm4b:s7+s3], $0x2800, $0x38;
	[tilespmem:$0x15800] =	vst v63  }
0x12: {  	_ =	swait.ge [sflag:s11], $0x2800  }
0x13: {  	[sflag:s11] =	ssyncset.done $0x0  }
0x14: {  	[sflag:s11] =	ssyncadd.s32 $0xFFFFD800  }
0x15: {  	_ =	swait.ge [sflag:s12], $0x2800  }
0x16: {  	[sflag:s12] =	ssyncset.done $0x0  }
0x17: {  	[sflag:s12] =	ssyncadd.s32 $0xFFFFD800  }
0x18: {  	[bflag:$0x0] =	sbarrier.arrive $0xFFFF  }
0x19: {  	[tilespmem:s14], [sflag:$0x2] =	stream.indirect.gather [spmem:s2], $0x40, s3, s13, $0xb8;
	[tilespmem:$0x15800] =	vst v63  }
0x1a: {  	s20 =	simm.s32 $0x0;
	s21 =	simm.s32 $0x0  }
0x1b: {  	[tilespmem:s15], [sflag:$0x3] =	stream.indirect.gather [spmem:s2], $0x40, s13, s13, $0xb8;
	[tilespmem:$0x15800] =	vst v63  }
.LBB2_2:
0x1c: {  	s22 =	sshll.u32 s21, $0x1  }
0x1d: {  	p0 =	seq.s32 s21, $0x0;
	s22 =	sand.u32 $0x6, s22  }
0x1e: {  	_ =	swait.ge [sflag:s16], $0x2000;
	p1 =	sne.s32 @!p0 s22, $0x0  }
0x1f: {  	[sflag:s16] =	ssyncset.done $0x0;
	p0 =	por p1, p0  }
0x20: {  	s23 =	sshll.u32 s20, $0xA;
	[sflag:s16] =	ssyncadd.s32 $0xFFFFE000;
	s24 =	simm.s32 @!p0 $0x4  }
0x21: {  	s25 =	sand.u32 $0xC00, s23;
	_ =	swait.ge @!p0 [sflag:s24], $0x1000  }
0x22: {  	s23 =	sadd.s32 $0x14A70, s25;
	s26 =	sadd.s32 $0x14870, s25;
	[sflag:s24] =	ssyncset.done @!p0 $0x0  }
0x23: {  	s25 =	simm.s32 $0xD000;
	v0 =	vmov s26;
	[sflag:s24] =	ssyncadd.s32 @!p0 $0xFFFFF000;
	s24 =	simm.s32 $0x0  }
.LBB2_3:
0x24: {  	v1 =	vld [tilespmem:s25+$0xFFFFF800]  }
0x25: {  	v2 =	vld [tilespmem:s25+$0xFFFFF810]  }
0x26: {  	v3 =	vld [tilespmem:s25+$0xFFFFF820]  }
0x27: {  	v4 =	vld [tilespmem:s25+$0xFFFFF830]  }
0x28: {  	v5 =	vld [tilespmem:s25+$0xFFFFF880]  }
0x29: {  	v6 =	vld [tilespmem:s25+$0xFFFFF890]  }
0x2a: {  	v9 =	vld [tilespmem:s25+$0xFFFFF8A0]  }
0x2b: {  	v11 =	vld [tilespmem:s25+$0xFFFFF8B0]  }
0x2c: {  	v14 =	vld [tilespmem:s25+$0xFFFFF900]  }
0x2d: {  	v59 =	vld [tilespmem:s25+$0xFFFFF910]  }
0x2e: {  	v61 =	vld [tilespmem:s25+$0xFFFFF920]  }
0x2f: {  	v63 =	vld [tilespmem:s25+$0xFFFFF930]  }
0x30: {  	v18 =	vld [tilespmem:s25+$0xFFFFF980]  }
0x31: {  	v20 =	vld [tilespmem:s25+$0xFFFFF990]  }
0x32: {  	v22 =	vld [tilespmem:s25+$0xFFFFF9A0]  }
0x33: {  	v24 =	vld [tilespmem:s25+$0xFFFFF9B0]  }
0x34: {  	v26 =	vld [tilespmem:s25+$0xFFFFFA00]  }
0x35: {  	v28 =	vld [tilespmem:s25+$0xFFFFFA10]  }
0x36: {  	v30 =	vld [tilespmem:s25+$0xFFFFFA20];
	v7 =	vshll.u32 v1, $0x10;
	v1 =	vand.u32 $0xFFFF0000, v1;
	v8 =	vshll.u32 v2, $0x10  }
0x37: {  	v32 =	vld [tilespmem:s25+$0xFFFFFA30];
	v2 =	vand.u32 $0xFFFF0000, v2;
	v10 =	vshll.u32 v3, $0x10;
	v3 =	vand.u32 $0xFFFF0000, v3  }
0x38: {  	v34 =	vld [tilespmem:s25+$0xFFFFFA80];
	v12 =	vshll.u32 v4, $0x10;
	v4 =	vand.u32 $0xFFFF0000, v4;
	v13 =	vshll.u32 v5, $0x10  }
0x39: {  	v36 =	vld [tilespmem:s25+$0xFFFFFA90];
	v5 =	vand.u32 $0xFFFF0000, v5;
	v56 =	vshll.u32 v6, $0x10;
	v57 =	vand.u32 $0xFFFF0000, v6  }
0x3a: {  	v38 =	vld [tilespmem:s25+$0xFFFFFAA0];
	v60 =	vshll.u32 v9, $0x10;
	v9 =	vand.u32 $0xFFFF0000, v9;
	v62 =	vshll.u32 v11, $0x10  }
0x3b: {  	v40 =	vld [tilespmem:s25+$0xFFFFFAB0];
	v11 =	vand.u32 $0xFFFF0000, v11;
	v16 =	vshll.u32 v14, $0x10;
	v17 =	vand.u32 $0xFFFF0000, v14  }
0x3c: {  	v42 =	vld [tilespmem:s25+$0xFFFFFB00];
	v19 =	vshll.u32 v59, $0x10;
	v21 =	vshll.u32 v61, $0x10;
	v23 =	vshll.u32 v63, $0x10  }
0x3d: {  	v44 =	vld [tilespmem:s25+$0xFFFFFB10];
	v25 =	vshll.u32 v18, $0x10;
	v27 =	vshll.u32 v20, $0x10;
	v14 =	vand.u32 $0xFFFF0000, v20  }
0x3e: {  	v46 =	vld [tilespmem:s25+$0xFFFFFB20];
	v29 =	vshll.u32 v22, $0x10;
	v31 =	vshll.u32 v24, $0x10;
	v33 =	vshll.u32 v26, $0x10  }
0x3f: {  	v48 =	vld [tilespmem:s25+$0xFFFFFB30];
	v35 =	vshll.u32 v28, $0x10;
	v37 =	vshll.u32 v30, $0x10;
	v39 =	vshll.u32 v32, $0x10  }
0x40: {  	v41 =	vshll.u32 v34, $0x10;
	v43 =	vshll.u32 v36, $0x10;
	v45 =	vshll.u32 v38, $0x10  }
0x41: {  	v47 =	vshll.u32 v40, $0x10;
	v49 =	vshll.u32 v42, $0x10;
	v7 =	vadd.f32 v13, v7  }
0x42: {  	v51 =	vshll.u32 v44, $0x10;
	v1 =	vadd.f32 v5, v1;
	v58 =	vadd.f32 v56, v8  }
0x43: {  	v50 =	vld [tilespmem:s25+$0xFFFFFB80];
	v53 =	vshll.u32 v46, $0x10;
	v2 =	vadd.f32 v57, v2;
	v5 =	vadd.f32 v60, v10  }
0x44: {  	v52 =	vld [tilespmem:s25+$0xFFFFFB90];
	v55 =	vshll.u32 v48, $0x10;
	v3 =	vadd.f32 v9, v3;
	v9 =	vadd.f32 v62, v12  }
0x45: {  	v54 =	vld [tilespmem:s25+$0xFFFFFBA0];
	v4 =	vadd.f32 v11, v4;
	v8 =	vand.u32 $0xFFFF0000, v59;
	v13 =	vand.u32 $0xFFFF0000, v61  }
0x46: {  	v10 =	vand.u32 $0xFFFF0000, v63;
	v12 =	vand.u32 $0xFFFF0000, v18;
	v7 =	vadd.f32 v16, v7  }
0x47: {  	v11 =	vand.u32 $0xFFFF0000, v22;
	v1 =	vadd.f32 v17, v1;
	v6 =	vadd.f32 v19, v58  }
0x48: {  	v57 =	vshll.u32 v50, $0x10;
	v2 =	vadd.f32 v8, v2;
	v5 =	vadd.f32 v21, v5  }
0x49: {  	v20 =	vld [tilespmem:s25+$0xFFFFFC90];
	v59 =	vshll.u32 v52, $0x10;
	v3 =	vadd.f32 v13, v3;
	v8 =	vadd.f32 v23, v9  }
0x4a: {  	v56 =	vld [tilespmem:s25+$0xFFFFFBB0];
	v61 =	vshll.u32 v54, $0x10;
	v4 =	vadd.f32 v10, v4;
	v7 =	vadd.f32 v25, v7  }
0x4b: {  	v60 =	vld [tilespmem:s25+$0xFFFFFC10];
	v9 =	vand.u32 $0xFFFF0000, v24;
	v1 =	vadd.f32 v12, v1;
	v6 =	vadd.f32 v27, v6  }
0x4c: {  	v62 =	vld [tilespmem:s25+$0xFFFFFC20];
	v13 =	vand.u32 $0xFFFF0000, v26;
	v2 =	vadd.f32 v14, v2;
	v5 =	vadd.f32 v29, v5  }
0x4d: {  	v18 =	vld [tilespmem:s25+$0xFFFFFC80];
	v10 =	vand.u32 $0xFFFF0000, v30;
	v3 =	vadd.f32 v11, v3;
	v8 =	vadd.f32 v31, v8  }
0x4e: {  	v22 =	vld [tilespmem:s25+$0xFFFFFCA0];
	v4 =	vadd.f32 v9, v4;
	v12 =	vand.u32 $0xFFFF0000, v28;
	v14 =	vand.u32 $0xFFFF0000, v32  }
0x4f: {  	v11 =	vand.u32 $0xFFFF0000, v34;
	v9 =	vand.u32 $0xFFFF0000, v36;
	v27 =	vshll.u32 v20, $0x10  }
0x50: {  	v58 =	vld [tilespmem:s25+$0xFFFFFC00];
	v63 =	vshll.u32 v56, $0x10;
	v19 =	vshll.u32 v60, $0x10;
	v7 =	vadd.f32 v33, v7  }
0x51: {  	v16 =	vld [tilespmem:s25+$0xFFFFFC30];
	v21 =	vshll.u32 v62, $0x10;
	v1 =	vadd.f32 v13, v1;
	v6 =	vadd.f32 v35, v6  }
0x52: {  	v24 =	vld [tilespmem:s25+$0xFFFFFCB0];
	v25 =	vshll.u32 v18, $0x10;
	v2 =	vadd.f32 v12, v2;
	v5 =	vadd.f32 v37, v5  }
0x53: {  	v26 =	vld [tilespmem:s25+$0xFFFFFD00];
	v29 =	vshll.u32 v22, $0x10;
	v3 =	vadd.f32 v10, v3;
	v8 =	vadd.f32 v39, v8  }
0x54: {  	v30 =	vld [tilespmem:s25+$0xFFFFFD20];
	v4 =	vadd.f32 v14, v4;
	v13 =	vand.u32 $0xFFFF0000, v38;
	v12 =	vand.u32 $0xFFFF0000, v40  }
0x55: {  	v10 =	vand.u32 $0xFFFF0000, v42;
	v14 =	vand.u32 $0xFFFF0000, v44;
	v17 =	vshll.u32 v58, $0x10  }
0x56: {  	v28 =	vld [tilespmem:s25+$0xFFFFFD10];
	v23 =	vshll.u32 v16, $0x10;
	v7 =	vadd.f32 v41, v7;
	v1 =	vadd.f32 v11, v1  }
0x57: {  	v32 =	vld [tilespmem:s25+$0xFFFFFD30];
	v31 =	vshll.u32 v24, $0x10;
	v6 =	vadd.f32 v43, v6;
	v2 =	vadd.f32 v9, v2  }
0x58: {  	v34 =	vld [tilespmem:s25+$0xFFFFFD80];
	v33 =	vshll.u32 v26, $0x10;
	v5 =	vadd.f32 v45, v5;
	v3 =	vadd.f32 v13, v3  }
0x59: {  	v36 =	vld [tilespmem:s25+$0xFFFFFD90];
	v37 =	vshll.u32 v30, $0x10;
	v8 =	vadd.f32 v47, v8;
	v4 =	vadd.f32 v12, v4  }
0x5a: {  	v11 =	vand.u32 $0xFFFF0000, v46;
	v9 =	vand.u32 $0xFFFF0000, v48;
	v13 =	vand.u32 $0xFFFF0000, v50  }
0x5b: {  	v38 =	vld [tilespmem:s25+$0xFFFFFDA0];
	v12 =	vand.u32 $0xFFFF0000, v52;
	v35 =	vshll.u32 v28, $0x10;
	v7 =	vadd.f32 v49, v7  }
0x5c: {  	v40 =	vld [tilespmem:s25+$0xFFFFFDB0];
	v39 =	vshll.u32 v32, $0x10;
	v1 =	vadd.f32 v10, v1;
	v6 =	vadd.f32 v51, v6  }
0x5d: {  	v42 =	vld [tilespmem:s25+$0xFFFFFE00];
	v41 =	vshll.u32 v34, $0x10;
	v2 =	vadd.f32 v14, v2;
	v5 =	vadd.f32 v53, v5  }
0x5e: {  	v44 =	vld [tilespmem:s25+$0xFFFFFE10];
	v43 =	vshll.u32 v36, $0x10;
	v3 =	vadd.f32 v11, v3;
	v8 =	vadd.f32 v55, v8  }
0x5f: {  	v4 =	vadd.f32 v9, v4;
	v10 =	vand.u32 $0xFFFF0000, v54;
	v14 =	vand.u32 $0xFFFF0000, v56  }
0x60: {  	v11 =	vand.u32 $0xFFFF0000, v58;
	v9 =	vand.u32 $0xFFFF0000, v60;
	v45 =	vshll.u32 v38, $0x10  }
0x61: {  	v46 =	vld [tilespmem:s25+$0xFFFFFE20];
	v47 =	vshll.u32 v40, $0x10;
	v7 =	vadd.f32 v57, v7;
	v1 =	vadd.f32 v13, v1  }
0x62: {  	v48 =	vld [tilespmem:s25+$0xFFFFFE30];
	v49 =	vshll.u32 v42, $0x10;
	v6 =	vadd.f32 v59, v6;
	v2 =	vadd.f32 v12, v2  }
0x63: {  	v50 =	vld [tilespmem:s25+$0xFFFFFE80];
	v51 =	vshll.u32 v44, $0x10;
	v5 =	vadd.f32 v61, v5;
	v3 =	vadd.f32 v10, v3  }
0x64: {  	v52 =	vld [tilespmem:s25+$0xFFFFFE90];
	v8 =	vadd.f32 v63, v8;
	v4 =	vadd.f32 v14, v4;
	v13 =	vand.u32 $0xFFFF0000, v62  }
0x65: {  	v12 =	vand.u32 $0xFFFF0000, v16;
	v10 =	vand.u32 $0xFFFF0000, v18;
	v14 =	vand.u32 $0xFFFF0000, v20  }
0x66: {  	v54 =	vld [tilespmem:s25+$0xFFFFFEA0];
	v53 =	vshll.u32 v46, $0x10;
	v7 =	vadd.f32 v17, v7;
	v1 =	vadd.f32 v11, v1  }
0x67: {  	v56 =	vld [tilespmem:s25+$0xFFFFFEB0];
	v55 =	vshll.u32 v48, $0x10;
	v6 =	vadd.f32 v19, v6;
	v2 =	vadd.f32 v9, v2  }
0x68: {  	v58 =	vld [tilespmem:s25+$0xFFFFFF00];
	v57 =	vshll.u32 v50, $0x10;
	v5 =	vadd.f32 v21, v5;
	v3 =	vadd.f32 v13, v3  }
0x69: {  	v60 =	vld [tilespmem:s25+$0xFFFFFF10];
	v59 =	vshll.u32 v52, $0x10;
	v8 =	vadd.f32 v23, v8;
	v4 =	vadd.f32 v12, v4  }
0x6a: {  	v11 =	vand.u32 $0xFFFF0000, v22;
	v9 =	vand.u32 $0xFFFF0000, v24;
	v13 =	vand.u32 $0xFFFF0000, v26  }
0x6b: {  	v62 =	vld [tilespmem:s25+$0xFFFFFF20];
	v12 =	vand.u32 $0xFFFF0000, v28;
	v61 =	vshll.u32 v54, $0x10;
	v7 =	vadd.f32 v25, v7  }
0x6c: {  	v16 =	vld [tilespmem:s25+$0xFFFFFF30];
	v63 =	vshll.u32 v56, $0x10;
	v1 =	vadd.f32 v10, v1;
	v6 =	vadd.f32 v27, v6  }
0x6d: {  	v18 =	vld [tilespmem:s25+$0xFFFFFF80];
	v17 =	vshll.u32 v58, $0x10;
	v2 =	vadd.f32 v14, v2;
	v5 =	vadd.f32 v29, v5  }
0x6e: {  	v20 =	vld [tilespmem:s25+$0xFFFFFF90];
	v19 =	vshll.u32 v60, $0x10;
	v3 =	vadd.f32 v11, v3;
	v8 =	vadd.f32 v31, v8  }
0x6f: {  	v4 =	vadd.f32 v9, v4;
	v10 =	vand.u32 $0xFFFF0000, v30;
	v14 =	vand.u32 $0xFFFF0000, v32  }
0x70: {  	v11 =	vand.u32 $0xFFFF0000, v34;
	v9 =	vand.u32 $0xFFFF0000, v36;
	v21 =	vshll.u32 v62, $0x10  }
0x71: {  	v22 =	vld [tilespmem:s25+$0xFFFFFFA0];
	v23 =	vshll.u32 v16, $0x10;
	v7 =	vadd.f32 v33, v7;
	v1 =	vadd.f32 v13, v1  }
0x72: {  	v24 =	vld [tilespmem:s25+$0xFFFFFFB0];
	v25 =	vshll.u32 v18, $0x10;
	v6 =	vadd.f32 v35, v6;
	v2 =	vadd.f32 v12, v2  }
0x73: {  	v26 =	vld [tilespmem:s25+$0x0];
	v27 =	vshll.u32 v20, $0x10;
	v5 =	vadd.f32 v37, v5;
	v3 =	vadd.f32 v10, v3  }
0x74: {  	v28 =	vld [tilespmem:s25+$0x10];
	v8 =	vadd.f32 v39, v8;
	v4 =	vadd.f32 v14, v4;
	v13 =	vand.u32 $0xFFFF0000, v38  }
0x75: {  	v12 =	vand.u32 $0xFFFF0000, v40;
	v10 =	vand.u32 $0xFFFF0000, v42;
	v14 =	vand.u32 $0xFFFF0000, v44  }
0x76: {  	v30 =	vld [tilespmem:s25+$0x20];
	v29 =	vshll.u32 v22, $0x10;
	v7 =	vadd.f32 v41, v7;
	v1 =	vadd.f32 v11, v1  }
0x77: {  	v32 =	vld [tilespmem:s25+$0x30];
	v31 =	vshll.u32 v24, $0x10;
	v6 =	vadd.f32 v43, v6;
	v2 =	vadd.f32 v9, v2  }
0x78: {  	v34 =	vld [tilespmem:s25+$0x80];
	v33 =	vshll.u32 v26, $0x10;
	v5 =	vadd.f32 v45, v5;
	v3 =	vadd.f32 v13, v3  }
0x79: {  	v36 =	vld [tilespmem:s25+$0x90];
	v35 =	vshll.u32 v28, $0x10;
	v8 =	vadd.f32 v47, v8;
	v4 =	vadd.f32 v12, v4  }
0x7a: {  	v11 =	vand.u32 $0xFFFF0000, v46;
	v9 =	vand.u32 $0xFFFF0000, v48;
	v13 =	vand.u32 $0xFFFF0000, v50  }
0x7b: {  	v38 =	vld [tilespmem:s25+$0xA0];
	v12 =	vand.u32 $0xFFFF0000, v52;
	v37 =	vshll.u32 v30, $0x10;
	v7 =	vadd.f32 v49, v7  }
0x7c: {  	v40 =	vld [tilespmem:s25+$0xB0];
	v39 =	vshll.u32 v32, $0x10;
	v1 =	vadd.f32 v10, v1;
	v6 =	vadd.f32 v51, v6  }
0x7d: {  	v42 =	vld [tilespmem:s25+$0x100];
	v41 =	vshll.u32 v34, $0x10;
	v2 =	vadd.f32 v14, v2;
	v5 =	vadd.f32 v53, v5  }
0x7e: {  	v44 =	vld [tilespmem:s25+$0x110];
	v43 =	vshll.u32 v36, $0x10;
	v3 =	vadd.f32 v11, v3;
	v8 =	vadd.f32 v55, v8  }
0x7f: {  	v4 =	vadd.f32 v9, v4;
	v10 =	vand.u32 $0xFFFF0000, v54;
	v14 =	vand.u32 $0xFFFF0000, v56  }
0x80: {  	v11 =	vand.u32 $0xFFFF0000, v58;
	v9 =	vand.u32 $0xFFFF0000, v60;
	v45 =	vshll.u32 v38, $0x10  }
0x81: {  	v46 =	vld [tilespmem:s25+$0x120];
	v47 =	vshll.u32 v40, $0x10;
	v7 =	vadd.f32 v57, v7;
	v1 =	vadd.f32 v13, v1  }
0x82: {  	v48 =	vld [tilespmem:s25+$0x130];
	v49 =	vshll.u32 v42, $0x10;
	v6 =	vadd.f32 v59, v6;
	v2 =	vadd.f32 v12, v2  }
0x83: {  	v50 =	vld [tilespmem:s25+$0x180];
	v51 =	vshll.u32 v44, $0x10;
	v5 =	vadd.f32 v61, v5;
	v3 =	vadd.f32 v10, v3  }
0x84: {  	v52 =	vld [tilespmem:s25+$0x190];
	v8 =	vadd.f32 v63, v8;
	v4 =	vadd.f32 v14, v4;
	v13 =	vand.u32 $0xFFFF0000, v62  }
0x85: {  	v12 =	vand.u32 $0xFFFF0000, v16;
	v10 =	vand.u32 $0xFFFF0000, v18;
	v14 =	vand.u32 $0xFFFF0000, v20  }
0x86: {  	v54 =	vld [tilespmem:s25+$0x1A0];
	v53 =	vshll.u32 v46, $0x10;
	v7 =	vadd.f32 v17, v7;
	v1 =	vadd.f32 v11, v1  }
0x87: {  	v56 =	vld [tilespmem:s25+$0x1B0];
	v55 =	vshll.u32 v48, $0x10;
	v6 =	vadd.f32 v19, v6;
	v2 =	vadd.f32 v9, v2  }
0x88: {  	v58 =	vld [tilespmem:s25+$0x200];
	v57 =	vshll.u32 v50, $0x10;
	v5 =	vadd.f32 v21, v5;
	v3 =	vadd.f32 v13, v3  }
0x89: {  	v60 =	vld [tilespmem:s25+$0x210];
	v59 =	vshll.u32 v52, $0x10;
	v8 =	vadd.f32 v23, v8;
	v4 =	vadd.f32 v12, v4  }
0x8a: {  	v11 =	vand.u32 $0xFFFF0000, v22;
	v9 =	vand.u32 $0xFFFF0000, v24;
	v13 =	vand.u32 $0xFFFF0000, v26  }
0x8b: {  	v62 =	vld [tilespmem:s25+$0x220];
	v12 =	vand.u32 $0xFFFF0000, v28;
	v61 =	vshll.u32 v54, $0x10;
	v7 =	vadd.f32 v25, v7  }
0x8c: {  	v16 =	vld [tilespmem:s25+$0x230];
	v63 =	vshll.u32 v56, $0x10;
	v1 =	vadd.f32 v10, v1;
	v6 =	vadd.f32 v27, v6  }
0x8d: {  	v18 =	vld [tilespmem:s25+$0x280];
	v17 =	vshll.u32 v58, $0x10;
	v2 =	vadd.f32 v14, v2;
	v5 =	vadd.f32 v29, v5  }
0x8e: {  	v20 =	vld [tilespmem:s25+$0x290];
	v19 =	vshll.u32 v60, $0x10;
	v3 =	vadd.f32 v11, v3;
	v8 =	vadd.f32 v31, v8  }
0x8f: {  	v4 =	vadd.f32 v9, v4;
	v10 =	vand.u32 $0xFFFF0000, v30;
	v14 =	vand.u32 $0xFFFF0000, v32  }
0x90: {  	v11 =	vand.u32 $0xFFFF0000, v34;
	v9 =	vand.u32 $0xFFFF0000, v36;
	v21 =	vshll.u32 v62, $0x10  }
0x91: {  	v22 =	vld [tilespmem:s25+$0x2A0];
	v23 =	vshll.u32 v16, $0x10;
	v7 =	vadd.f32 v33, v7;
	v1 =	vadd.f32 v13, v1  }
0x92: {  	v24 =	vld [tilespmem:s25+$0x2B0];
	v25 =	vshll.u32 v18, $0x10;
	v6 =	vadd.f32 v35, v6;
	v2 =	vadd.f32 v12, v2  }
0x93: {  	v26 =	vld [tilespmem:s25+$0x300];
	v27 =	vshll.u32 v20, $0x10;
	v5 =	vadd.f32 v37, v5;
	v3 =	vadd.f32 v10, v3  }
0x94: {  	v28 =	vld [tilespmem:s25+$0x310];
	v8 =	vadd.f32 v39, v8;
	v4 =	vadd.f32 v14, v4;
	v13 =	vand.u32 $0xFFFF0000, v38  }
0x95: {  	v12 =	vand.u32 $0xFFFF0000, v40;
	v10 =	vand.u32 $0xFFFF0000, v42;
	v14 =	vand.u32 $0xFFFF0000, v44  }
0x96: {  	v30 =	vld [tilespmem:s25+$0x320];
	v29 =	vshll.u32 v22, $0x10;
	v7 =	vadd.f32 v41, v7;
	v1 =	vadd.f32 v11, v1  }
0x97: {  	v32 =	vld [tilespmem:s25+$0x330];
	v31 =	vshll.u32 v24, $0x10;
	v6 =	vadd.f32 v43, v6;
	v2 =	vadd.f32 v9, v2  }
0x98: {  	v34 =	vld [tilespmem:s25+$0x380];
	v33 =	vshll.u32 v26, $0x10;
	v5 =	vadd.f32 v45, v5;
	v3 =	vadd.f32 v13, v3  }
0x99: {  	v36 =	vld [tilespmem:s25+$0x390];
	v35 =	vshll.u32 v28, $0x10;
	v8 =	vadd.f32 v47, v8;
	v4 =	vadd.f32 v12, v4  }
0x9a: {  	v11 =	vand.u32 $0xFFFF0000, v46;
	v9 =	vand.u32 $0xFFFF0000, v48;
	v13 =	vand.u32 $0xFFFF0000, v50  }
0x9b: {  	v38 =	vld [tilespmem:s25+$0x3A0];
	v12 =	vand.u32 $0xFFFF0000, v52;
	v37 =	vshll.u32 v30, $0x10;
	v7 =	vadd.f32 v49, v7  }
0x9c: {  	v40 =	vld [tilespmem:s25+$0x3B0];
	v39 =	vshll.u32 v32, $0x10;
	v1 =	vadd.f32 v10, v1;
	v6 =	vadd.f32 v51, v6  }
0x9d: {  	v42 =	vld [tilespmem:s25+$0x400];
	v41 =	vshll.u32 v34, $0x10;
	v2 =	vadd.f32 v14, v2;
	v5 =	vadd.f32 v53, v5  }
0x9e: {  	v44 =	vld [tilespmem:s25+$0x410];
	v43 =	vshll.u32 v36, $0x10;
	v3 =	vadd.f32 v11, v3;
	v8 =	vadd.f32 v55, v8  }
0x9f: {  	v4 =	vadd.f32 v9, v4;
	v10 =	vand.u32 $0xFFFF0000, v54;
	v14 =	vand.u32 $0xFFFF0000, v56  }
0xa0: {  	v11 =	vand.u32 $0xFFFF0000, v58;
	v9 =	vand.u32 $0xFFFF0000, v60;
	v45 =	vshll.u32 v38, $0x10  }
0xa1: {  	v46 =	vld [tilespmem:s25+$0x420];
	v47 =	vshll.u32 v40, $0x10;
	v7 =	vadd.f32 v57, v7;
	v1 =	vadd.f32 v13, v1  }
0xa2: {  	v48 =	vld [tilespmem:s25+$0x430];
	v49 =	vshll.u32 v42, $0x10;
	v6 =	vadd.f32 v59, v6;
	v2 =	vadd.f32 v12, v2  }
0xa3: {  	v50 =	vld [tilespmem:s25+$0x480];
	v51 =	vshll.u32 v44, $0x10;
	v5 =	vadd.f32 v61, v5;
	v3 =	vadd.f32 v10, v3  }
0xa4: {  	v52 =	vld [tilespmem:s25+$0x490];
	v8 =	vadd.f32 v63, v8;
	v4 =	vadd.f32 v14, v4;
	v13 =	vand.u32 $0xFFFF0000, v62  }
0xa5: {  	v12 =	vand.u32 $0xFFFF0000, v16;
	v10 =	vand.u32 $0xFFFF0000, v18;
	v14 =	vand.u32 $0xFFFF0000, v20  }
0xa6: {  	v54 =	vld [tilespmem:s25+$0x4A0];
	v53 =	vshll.u32 v46, $0x10;
	v7 =	vadd.f32 v17, v7;
	v1 =	vadd.f32 v11, v1  }
0xa7: {  	v56 =	vld [tilespmem:s25+$0x4B0];
	v55 =	vshll.u32 v48, $0x10;
	v6 =	vadd.f32 v19, v6;
	v2 =	vadd.f32 v9, v2  }
0xa8: {  	v58 =	vld [tilespmem:s25+$0x500];
	v57 =	vshll.u32 v50, $0x10;
	v5 =	vadd.f32 v21, v5;
	v3 =	vadd.f32 v13, v3  }
0xa9: {  	v60 =	vld [tilespmem:s25+$0x510];
	v59 =	vshll.u32 v52, $0x10;
	v8 =	vadd.f32 v23, v8;
	v4 =	vadd.f32 v12, v4  }
0xaa: {  	v11 =	vand.u32 $0xFFFF0000, v22;
	v9 =	vand.u32 $0xFFFF0000, v24;
	v13 =	vand.u32 $0xFFFF0000, v26  }
0xab: {  	v62 =	vld [tilespmem:s25+$0x520];
	v12 =	vand.u32 $0xFFFF0000, v28;
	v61 =	vshll.u32 v54, $0x10;
	v7 =	vadd.f32 v25, v7  }
0xac: {  	v16 =	vld [tilespmem:s25+$0x530];
	v63 =	vshll.u32 v56, $0x10;
	v1 =	vadd.f32 v10, v1;
	v6 =	vadd.f32 v27, v6  }
0xad: {  	v18 =	vld [tilespmem:s25+$0x580];
	v17 =	vshll.u32 v58, $0x10;
	v2 =	vadd.f32 v14, v2;
	v5 =	vadd.f32 v29, v5  }
0xae: {  	v20 =	vld [tilespmem:s25+$0x590];
	v19 =	vshll.u32 v60, $0x10;
	v3 =	vadd.f32 v11, v3;
	v8 =	vadd.f32 v31, v8  }
0xaf: {  	v4 =	vadd.f32 v9, v4;
	v10 =	vand.u32 $0xFFFF0000, v30;
	v14 =	vand.u32 $0xFFFF0000, v32  }
0xb0: {  	v11 =	vand.u32 $0xFFFF0000, v34;
	v9 =	vand.u32 $0xFFFF0000, v36;
	v21 =	vshll.u32 v62, $0x10  }
0xb1: {  	v22 =	vld [tilespmem:s25+$0x5A0];
	v23 =	vshll.u32 v16, $0x10;
	v7 =	vadd.f32 v33, v7;
	v1 =	vadd.f32 v13, v1  }
0xb2: {  	v24 =	vld [tilespmem:s25+$0x5B0];
	v25 =	vshll.u32 v18, $0x10;
	v6 =	vadd.f32 v35, v6;
	v2 =	vadd.f32 v12, v2  }
0xb3: {  	v26 =	vld [tilespmem:s25+$0x600];
	v27 =	vshll.u32 v20, $0x10;
	v5 =	vadd.f32 v37, v5;
	v3 =	vadd.f32 v10, v3  }
0xb4: {  	v28 =	vld [tilespmem:s25+$0x610];
	v8 =	vadd.f32 v39, v8;
	v4 =	vadd.f32 v14, v4;
	v13 =	vand.u32 $0xFFFF0000, v38  }
0xb5: {  	v12 =	vand.u32 $0xFFFF0000, v40;
	v10 =	vand.u32 $0xFFFF0000, v42;
	v14 =	vand.u32 $0xFFFF0000, v44  }
0xb6: {  	v30 =	vld [tilespmem:s25+$0x620];
	v29 =	vshll.u32 v22, $0x10;
	v7 =	vadd.f32 v41, v7;
	v1 =	vadd.f32 v11, v1  }
0xb7: {  	v32 =	vld [tilespmem:s25+$0x630];
	v31 =	vshll.u32 v24, $0x10;
	v6 =	vadd.f32 v43, v6;
	v2 =	vadd.f32 v9, v2  }
0xb8: {  	v34 =	vld [tilespmem:s25+$0x680];
	v33 =	vshll.u32 v26, $0x10;
	v5 =	vadd.f32 v45, v5;
	v3 =	vadd.f32 v13, v3  }
0xb9: {  	v36 =	vld [tilespmem:s25+$0x690];
	v35 =	vshll.u32 v28, $0x10;
	v8 =	vadd.f32 v47, v8;
	v4 =	vadd.f32 v12, v4  }
0xba: {  	v15 =	vld [tilespmem:s25+$0x780];
	v11 =	vand.u32 $0xFFFF0000, v46;
	v9 =	vand.u32 $0xFFFF0000, v48;
	v13 =	vand.u32 $0xFFFF0000, v50  }
0xbb: {  	v38 =	vld [tilespmem:s25+$0x6A0];
	v12 =	vand.u32 $0xFFFF0000, v52;
	v37 =	vshll.u32 v30, $0x10;
	v7 =	vadd.f32 v49, v7  }
0xbc: {  	v40 =	vld [tilespmem:s25+$0x6B0];
	v39 =	vshll.u32 v32, $0x10;
	v1 =	vadd.f32 v10, v1;
	v6 =	vadd.f32 v51, v6  }
0xbd: {  	v42 =	vld [tilespmem:s25+$0x700];
	v41 =	vshll.u32 v34, $0x10;
	v2 =	vadd.f32 v14, v2;
	v5 =	vadd.f32 v53, v5  }
0xbe: {  	v44 =	vld [tilespmem:s25+$0x710];
	v43 =	vshll.u32 v36, $0x10;
	v3 =	vadd.f32 v11, v3;
	v8 =	vadd.f32 v55, v8  }
0xbf: {  	v4 =	vadd.f32 v9, v4;
	v10 =	vand.u32 $0xFFFF0000, v54;
	v14 =	vand.u32 $0xFFFF0000, v56  }
0xc0: {  	v11 =	vand.u32 $0xFFFF0000, v58;
	v9 =	vand.u32 $0xFFFF0000, v60;
	v55 =	vshll.u32 v15, $0x10  }
0xc1: {  	v56 =	vand.u32 $0xFFFF0000, v15;
	v45 =	vshll.u32 v38, $0x10;
	v47 =	vshll.u32 v40, $0x10  }
0xc2: {  	v48 =	vshll.u32 v42, $0x10;
	v7 =	vadd.f32 v57, v7;
	v1 =	vadd.f32 v13, v1  }
0xc3: {  	v50 =	vshll.u32 v44, $0x10;
	v6 =	vadd.f32 v59, v6;
	v2 =	vadd.f32 v12, v2  }
0xc4: {  	v46 =	vld [tilespmem:s25+$0x720];
	v52 =	vand.u32 $0xFFFF0000, v44;
	v5 =	vadd.f32 v61, v5;
	v3 =	vadd.f32 v10, v3  }
0xc5: {  	v8 =	vadd.f32 v63, v8;
	v4 =	vadd.f32 v14, v4;
	v13 =	vand.u32 $0xFFFF0000, v62  }
0xc6: {  	v12 =	vand.u32 $0xFFFF0000, v16;
	v7 =	vadd.f32 v17, v7;
	v1 =	vadd.f32 v11, v1  }
0xc7: {  	v10 =	vand.u32 $0xFFFF0000, v18;
	v6 =	vadd.f32 v19, v6;
	v2 =	vadd.f32 v9, v2  }
0xc8: {  	v14 =	vand.u32 $0xFFFF0000, v20;
	v5 =	vadd.f32 v21, v5;
	v3 =	vadd.f32 v13, v3  }
0xc9: {  	v49 =	vld [tilespmem:s25+$0x790];
	v53 =	vshll.u32 v46, $0x10;
	v8 =	vadd.f32 v23, v8;
	v4 =	vadd.f32 v12, v4  }
0xca: {  	v11 =	vand.u32 $0xFFFF0000, v22;
	v7 =	vadd.f32 v25, v7;
	v1 =	vadd.f32 v10, v1  }
0xcb: {  	v9 =	vand.u32 $0xFFFF0000, v24;
	v6 =	vadd.f32 v27, v6;
	v2 =	vadd.f32 v14, v2  }
0xcc: {  	v13 =	vand.u32 $0xFFFF0000, v26;
	v5 =	vadd.f32 v29, v5;
	v3 =	vadd.f32 v11, v3  }
0xcd: {  	v12 =	vand.u32 $0xFFFF0000, v28;
	v8 =	vadd.f32 v31, v8;
	v4 =	vadd.f32 v9, v4  }
0xce: {  	v58 =	vshll.u32 v49, $0x10;
	v7 =	vadd.f32 v33, v7;
	v1 =	vadd.f32 v13, v1  }
0xcf: {  	v10 =	vand.u32 $0xFFFF0000, v30;
	v6 =	vadd.f32 v35, v6;
	v2 =	vadd.f32 v12, v2  }
0xd0: {  	v14 =	vand.u32 $0xFFFF0000, v32;
	v5 =	vadd.f32 v37, v5;
	v3 =	vadd.f32 v10, v3  }
0xd1: {  	v51 =	vld [tilespmem:s25+$0x730];
	v11 =	vand.u32 $0xFFFF0000, v34;
	v8 =	vadd.f32 v39, v8;
	v4 =	vadd.f32 v14, v4  }
0xd2: {  	v9 =	vand.u32 $0xFFFF0000, v36;
	v7 =	vadd.f32 v41, v7;
	v1 =	vadd.f32 v11, v1  }
0xd3: {  	v13 =	vand.u32 $0xFFFF0000, v38;
	v6 =	vadd.f32 v43, v6;
	v2 =	vadd.f32 v9, v2  }
0xd4: {  	v12 =	vand.u32 $0xFFFF0000, v40;
	v5 =	vadd.f32 v45, v5;
	v3 =	vadd.f32 v13, v3  }
0xd5: {  	v54 =	vld [tilespmem:s25+$0x7A0];
	v10 =	vand.u32 $0xFFFF0000, v42;
	v8 =	vadd.f32 v47, v8;
	v7 =	vadd.f32 v48, v7  }
0xd6: {  	v59 =	vshll.u32 v51, $0x10;
	v4 =	vadd.f32 v12, v4;
	v1 =	vadd.f32 v10, v1  }
0xd7: {  	v57 =	vld [tilespmem:s25+$0x7B0];
	v60 =	vand.u32 $0xFFFF0000, v49;
	v6 =	vadd.f32 v50, v6;
	v7 =	vadd.f32 v55, v7  }
0xd8: {  	s26 =	sshra.s32 s24, $0x2;
	v11 =	vand.u32 $0xFFFF0000, v46;
	v2 =	vadd.f32 v52, v2;
	v1 =	vadd.f32 v56, v1  }
0xd9: {  	v61 =	vand.u32 $0xFFFF0000, v51;
	v3 =	vadd.f32 v11, v3;
	v6 =	vadd.f32 v58, v6;
	[tilespmem:v0+s26+$0xFFFFFF90 ss:$0x1] =	vst.idx.msk $0xffff, v7  }
0xda: {  	v62 =	vand.u32 $0xFFFF0000, v54;
	v5 =	vadd.f32 v53, v5;
	v2 =	vadd.f32 v60, v2;
	[tilespmem:v0+s26+$0xFFFFFFD0 ss:$0x1] =	vst.idx.msk $0xffff, v1  }
0xdb: {  	p0 =	sne.s32 s24, $0x600;
	v3 =	vadd.f32 v62, v3;
	v7 =	vadd.f32 v59, v8;
	v1 =	vshll.u32 v54, $0x10;
	[tilespmem:v0+s26+$0xFFFFFFA0 ss:$0x1] =	vst.idx.msk $0xffff, v6  }
.Ltmp0:
0xdc: {  	v63 =	vshll.u32 v57, $0x10;
	v4 =	vadd.f32 v61, v4;
	v1 =	vadd.f32 v1, v5;
	[tilespmem:v0+s26+$0xFFFFFFE0 ss:$0x1] =	vst.idx.msk $0xffff, v2;
	(pc) =	sbr.rel @p0 .LBB2_3-.Ltmp0, $4  }
0xdd: {  	v2 =	vand.u32 $0xFFFF0000, v57;
	v5 =	vadd.f32 v63, v7;
	[tilespmem:v0+s26+$0xFFFFFFF0 ss:$0x1] =	vst.idx.msk $0xffff, v3  }
0xde: {  	[tilespmem:v0+s26+$0xFFFFFFB0 ss:$0x1] =	vst.idx.msk $0xffff, v1;
	v1 =	vadd.f32 v2, v4  }
0xdf: {  	[tilespmem:v0+s26+$0xFFFFFFC0 ss:$0x1] =	vst.idx.msk $0xffff, v5  }
0xe0: {  	s24 =	sadd.s32 $0x200, s24;
	s25 =	sadd.s32 $0x1000, s25;
	[tilespmem:v0+s26+$0x0 ss:$0x1] =	vst.idx.msk $0xffff, v1  }
0xe1: {  	p0 =	seq.s32 s21, $0x27  }
0xe2: {  	s24 =	sshll.u32 @!p0 s21, $0x8  }
0xe3: {  	s24 =	sand.u32 @!p0 $0x3FFFFF00, s24  }
0xe4: {  	s26 =	simm.s32 @!p0 $0x80;
	s28 =	simm.s32 @!p0 $0xC800;
	s25 =	sadd.s32 @!p0 $0x100, s24  }
0xe5: {  	[tilespmem:s28], [sflag:$0x2] =	stream.indirect.gather @!p0 [spmem:s2], $0x40, s25, s26, $0xb8;
	[tilespmem:$0x15800] =	vst v63  }
0xe6: {  	_ =	swait.ge [sflag:s17], $0x2000  }
0xe7: {  	[sflag:s17] =	ssyncset.done $0x0  }
0xe8: {  	v0 =	vmov s23;
	s25 =	simm.s32 $0x0;
	s26 =	simm.s32 $0x11000;
	[sflag:s17] =	ssyncadd.s32 $0xFFFFE000  }
.LBB2_5:
0xe9: {  	v1 =	vld [tilespmem:s26+$0xFFFFF800]  }
0xea: {  	v2 =	vld [tilespmem:s26+$0xFFFFF810]  }
0xeb: {  	v3 =	vld [tilespmem:s26+$0xFFFFF820]  }
0xec: {  	v4 =	vld [tilespmem:s26+$0xFFFFF830]  }
0xed: {  	v5 =	vld [tilespmem:s26+$0xFFFFF880]  }
0xee: {  	v6 =	vld [tilespmem:s26+$0xFFFFF890]  }
0xef: {  	v9 =	vld [tilespmem:s26+$0xFFFFF8A0]  }
0xf0: {  	v11 =	vld [tilespmem:s26+$0xFFFFF8B0]  }
0xf1: {  	v14 =	vld [tilespmem:s26+$0xFFFFF900]  }
0xf2: {  	v59 =	vld [tilespmem:s26+$0xFFFFF910]  }
0xf3: {  	v61 =	vld [tilespmem:s26+$0xFFFFF920]  }
0xf4: {  	v63 =	vld [tilespmem:s26+$0xFFFFF930]  }
0xf5: {  	v18 =	vld [tilespmem:s26+$0xFFFFF980]  }
0xf6: {  	v20 =	vld [tilespmem:s26+$0xFFFFF990]  }
0xf7: {  	v22 =	vld [tilespmem:s26+$0xFFFFF9A0]  }
0xf8: {  	v24 =	vld [tilespmem:s26+$0xFFFFF9B0]  }
0xf9: {  	v26 =	vld [tilespmem:s26+$0xFFFFFA00]  }
0xfa: {  	v28 =	vld [tilespmem:s26+$0xFFFFFA10]  }
0xfb: {  	v30 =	vld [tilespmem:s26+$0xFFFFFA20];
	v7 =	vshll.u32 v1, $0x10;
	v1 =	vand.u32 $0xFFFF0000, v1;
	v8 =	vshll.u32 v2, $0x10  }
0xfc: {  	v32 =	vld [tilespmem:s26+$0xFFFFFA30];
	v2 =	vand.u32 $0xFFFF0000, v2;
	v10 =	vshll.u32 v3, $0x10;
	v3 =	vand.u32 $0xFFFF0000, v3  }
0xfd: {  	v34 =	vld [tilespmem:s26+$0xFFFFFA80];
	v12 =	vshll.u32 v4, $0x10;
	v4 =	vand.u32 $0xFFFF0000, v4;
	v13 =	vshll.u32 v5, $0x10  }
0xfe: {  	v36 =	vld [tilespmem:s26+$0xFFFFFA90];
	v5 =	vand.u32 $0xFFFF0000, v5;
	v56 =	vshll.u32 v6, $0x10;
	v57 =	vand.u32 $0xFFFF0000, v6  }
0xff: {  	v38 =	vld [tilespmem:s26+$0xFFFFFAA0];
	v60 =	vshll.u32 v9, $0x10;
	v9 =	vand.u32 $0xFFFF0000, v9;
	v62 =	vshll.u32 v11, $0x10  }
0x100: {  	v40 =	vld [tilespmem:s26+$0xFFFFFAB0];
	v11 =	vand.u32 $0xFFFF0000, v11;
	v16 =	vshll.u32 v14, $0x10;
	v17 =	vand.u32 $0xFFFF0000, v14  }
0x101: {  	v42 =	vld [tilespmem:s26+$0xFFFFFB00];
	v19 =	vshll.u32 v59, $0x10;
	v21 =	vshll.u32 v61, $0x10;
	v23 =	vshll.u32 v63, $0x10  }
0x102: {  	v44 =	vld [tilespmem:s26+$0xFFFFFB10];
	v25 =	vshll.u32 v18, $0x10;
	v27 =	vshll.u32 v20, $0x10;
	v14 =	vand.u32 $0xFFFF0000, v20  }
0x103: {  	v46 =	vld [tilespmem:s26+$0xFFFFFB20];
	v29 =	vshll.u32 v22, $0x10;
	v31 =	vshll.u32 v24, $0x10;
	v33 =	vshll.u32 v26, $0x10  }
0x104: {  	v48 =	vld [tilespmem:s26+$0xFFFFFB30];
	v35 =	vshll.u32 v28, $0x10;
	v37 =	vshll.u32 v30, $0x10;
	v39 =	vshll.u32 v32, $0x10  }
0x105: {  	v41 =	vshll.u32 v34, $0x10;
	v43 =	vshll.u32 v36, $0x10;
	v45 =	vshll.u32 v38, $0x10  }
0x106: {  	v47 =	vshll.u32 v40, $0x10;
	v49 =	vshll.u32 v42, $0x10;
	v7 =	vadd.f32 v13, v7  }
0x107: {  	v51 =	vshll.u32 v44, $0x10;
	v1 =	vadd.f32 v5, v1;
	v58 =	vadd.f32 v56, v8  }
0x108: {  	v50 =	vld [tilespmem:s26+$0xFFFFFB80];
	v53 =	vshll.u32 v46, $0x10;
	v2 =	vadd.f32 v57, v2;
	v5 =	vadd.f32 v60, v10  }
0x109: {  	v52 =	vld [tilespmem:s26+$0xFFFFFB90];
	v55 =	vshll.u32 v48, $0x10;
	v3 =	vadd.f32 v9, v3;
	v9 =	vadd.f32 v62, v12  }
0x10a: {  	v54 =	vld [tilespmem:s26+$0xFFFFFBA0];
	v4 =	vadd.f32 v11, v4;
	v8 =	vand.u32 $0xFFFF0000, v59;
	v13 =	vand.u32 $0xFFFF0000, v61  }
0x10b: {  	v10 =	vand.u32 $0xFFFF0000, v63;
	v12 =	vand.u32 $0xFFFF0000, v18;
	v7 =	vadd.f32 v16, v7  }
0x10c: {  	v11 =	vand.u32 $0xFFFF0000, v22;
	v1 =	vadd.f32 v17, v1;
	v6 =	vadd.f32 v19, v58  }
0x10d: {  	v57 =	vshll.u32 v50, $0x10;
	v2 =	vadd.f32 v8, v2;
	v5 =	vadd.f32 v21, v5  }
0x10e: {  	v20 =	vld [tilespmem:s26+$0xFFFFFC90];
	v59 =	vshll.u32 v52, $0x10;
	v3 =	vadd.f32 v13, v3;
	v8 =	vadd.f32 v23, v9  }
0x10f: {  	v56 =	vld [tilespmem:s26+$0xFFFFFBB0];
	v61 =	vshll.u32 v54, $0x10;
	v4 =	vadd.f32 v10, v4;
	v7 =	vadd.f32 v25, v7  }
0x110: {  	v60 =	vld [tilespmem:s26+$0xFFFFFC10];
	v9 =	vand.u32 $0xFFFF0000, v24;
	v1 =	vadd.f32 v12, v1;
	v6 =	vadd.f32 v27, v6  }
0x111: {  	v62 =	vld [tilespmem:s26+$0xFFFFFC20];
	v13 =	vand.u32 $0xFFFF0000, v26;
	v2 =	vadd.f32 v14, v2;
	v5 =	vadd.f32 v29, v5  }
0x112: {  	v18 =	vld [tilespmem:s26+$0xFFFFFC80];
	v10 =	vand.u32 $0xFFFF0000, v30;
	v3 =	vadd.f32 v11, v3;
	v8 =	vadd.f32 v31, v8  }
0x113: {  	v22 =	vld [tilespmem:s26+$0xFFFFFCA0];
	v4 =	vadd.f32 v9, v4;
	v12 =	vand.u32 $0xFFFF0000, v28;
	v14 =	vand.u32 $0xFFFF0000, v32  }
0x114: {  	v11 =	vand.u32 $0xFFFF0000, v34;
	v9 =	vand.u32 $0xFFFF0000, v36;
	v27 =	vshll.u32 v20, $0x10  }
0x115: {  	v58 =	vld [tilespmem:s26+$0xFFFFFC00];
	v63 =	vshll.u32 v56, $0x10;
	v19 =	vshll.u32 v60, $0x10;
	v7 =	vadd.f32 v33, v7  }
0x116: {  	v16 =	vld [tilespmem:s26+$0xFFFFFC30];
	v21 =	vshll.u32 v62, $0x10;
	v1 =	vadd.f32 v13, v1;
	v6 =	vadd.f32 v35, v6  }
0x117: {  	v24 =	vld [tilespmem:s26+$0xFFFFFCB0];
	v25 =	vshll.u32 v18, $0x10;
	v2 =	vadd.f32 v12, v2;
	v5 =	vadd.f32 v37, v5  }
0x118: {  	v26 =	vld [tilespmem:s26+$0xFFFFFD00];
	v29 =	vshll.u32 v22, $0x10;
	v3 =	vadd.f32 v10, v3;
	v8 =	vadd.f32 v39, v8  }
0x119: {  	v30 =	vld [tilespmem:s26+$0xFFFFFD20];
	v4 =	vadd.f32 v14, v4;
	v13 =	vand.u32 $0xFFFF0000, v38;
	v12 =	vand.u32 $0xFFFF0000, v40  }
0x11a: {  	v10 =	vand.u32 $0xFFFF0000, v42;
	v14 =	vand.u32 $0xFFFF0000, v44;
	v17 =	vshll.u32 v58, $0x10  }
0x11b: {  	v28 =	vld [tilespmem:s26+$0xFFFFFD10];
	v23 =	vshll.u32 v16, $0x10;
	v7 =	vadd.f32 v41, v7;
	v1 =	vadd.f32 v11, v1  }
0x11c: {  	v32 =	vld [tilespmem:s26+$0xFFFFFD30];
	v31 =	vshll.u32 v24, $0x10;
	v6 =	vadd.f32 v43, v6;
	v2 =	vadd.f32 v9, v2  }
0x11d: {  	v34 =	vld [tilespmem:s26+$0xFFFFFD80];
	v33 =	vshll.u32 v26, $0x10;
	v5 =	vadd.f32 v45, v5;
	v3 =	vadd.f32 v13, v3  }
0x11e: {  	v36 =	vld [tilespmem:s26+$0xFFFFFD90];
	v37 =	vshll.u32 v30, $0x10;
	v8 =	vadd.f32 v47, v8;
	v4 =	vadd.f32 v12, v4  }
0x11f: {  	v11 =	vand.u32 $0xFFFF0000, v46;
	v9 =	vand.u32 $0xFFFF0000, v48;
	v13 =	vand.u32 $0xFFFF0000, v50  }
0x120: {  	v38 =	vld [tilespmem:s26+$0xFFFFFDA0];
	v12 =	vand.u32 $0xFFFF0000, v52;
	v35 =	vshll.u32 v28, $0x10;
	v7 =	vadd.f32 v49, v7  }
0x121: {  	v40 =	vld [tilespmem:s26+$0xFFFFFDB0];
	v39 =	vshll.u32 v32, $0x10;
	v1 =	vadd.f32 v10, v1;
	v6 =	vadd.f32 v51, v6  }
0x122: {  	v42 =	vld [tilespmem:s26+$0xFFFFFE00];
	v41 =	vshll.u32 v34, $0x10;
	v2 =	vadd.f32 v14, v2;
	v5 =	vadd.f32 v53, v5  }
0x123: {  	v44 =	vld [tilespmem:s26+$0xFFFFFE10];
	v43 =	vshll.u32 v36, $0x10;
	v3 =	vadd.f32 v11, v3;
	v8 =	vadd.f32 v55, v8  }
0x124: {  	v4 =	vadd.f32 v9, v4;
	v10 =	vand.u32 $0xFFFF0000, v54;
	v14 =	vand.u32 $0xFFFF0000, v56  }
0x125: {  	v11 =	vand.u32 $0xFFFF0000, v58;
	v9 =	vand.u32 $0xFFFF0000, v60;
	v45 =	vshll.u32 v38, $0x10  }
0x126: {  	v46 =	vld [tilespmem:s26+$0xFFFFFE20];
	v47 =	vshll.u32 v40, $0x10;
	v7 =	vadd.f32 v57, v7;
	v1 =	vadd.f32 v13, v1  }
0x127: {  	v48 =	vld [tilespmem:s26+$0xFFFFFE30];
	v49 =	vshll.u32 v42, $0x10;
	v6 =	vadd.f32 v59, v6;
	v2 =	vadd.f32 v12, v2  }
0x128: {  	v50 =	vld [tilespmem:s26+$0xFFFFFE80];
	v51 =	vshll.u32 v44, $0x10;
	v5 =	vadd.f32 v61, v5;
	v3 =	vadd.f32 v10, v3  }
0x129: {  	v52 =	vld [tilespmem:s26+$0xFFFFFE90];
	v8 =	vadd.f32 v63, v8;
	v4 =	vadd.f32 v14, v4;
	v13 =	vand.u32 $0xFFFF0000, v62  }
0x12a: {  	v12 =	vand.u32 $0xFFFF0000, v16;
	v10 =	vand.u32 $0xFFFF0000, v18;
	v14 =	vand.u32 $0xFFFF0000, v20  }
0x12b: {  	v54 =	vld [tilespmem:s26+$0xFFFFFEA0];
	v53 =	vshll.u32 v46, $0x10;
	v7 =	vadd.f32 v17, v7;
	v1 =	vadd.f32 v11, v1  }
0x12c: {  	v56 =	vld [tilespmem:s26+$0xFFFFFEB0];
	v55 =	vshll.u32 v48, $0x10;
	v6 =	vadd.f32 v19, v6;
	v2 =	vadd.f32 v9, v2  }
0x12d: {  	v58 =	vld [tilespmem:s26+$0xFFFFFF00];
	v57 =	vshll.u32 v50, $0x10;
	v5 =	vadd.f32 v21, v5;
	v3 =	vadd.f32 v13, v3  }
0x12e: {  	v60 =	vld [tilespmem:s26+$0xFFFFFF10];
	v59 =	vshll.u32 v52, $0x10;
	v8 =	vadd.f32 v23, v8;
	v4 =	vadd.f32 v12, v4  }
0x12f: {  	v11 =	vand.u32 $0xFFFF0000, v22;
	v9 =	vand.u32 $0xFFFF0000, v24;
	v13 =	vand.u32 $0xFFFF0000, v26  }
0x130: {  	v62 =	vld [tilespmem:s26+$0xFFFFFF20];
	v12 =	vand.u32 $0xFFFF0000, v28;
	v61 =	vshll.u32 v54, $0x10;
	v7 =	vadd.f32 v25, v7  }
0x131: {  	v16 =	vld [tilespmem:s26+$0xFFFFFF30];
	v63 =	vshll.u32 v56, $0x10;
	v1 =	vadd.f32 v10, v1;
	v6 =	vadd.f32 v27, v6  }
0x132: {  	v18 =	vld [tilespmem:s26+$0xFFFFFF80];
	v17 =	vshll.u32 v58, $0x10;
	v2 =	vadd.f32 v14, v2;
	v5 =	vadd.f32 v29, v5  }
0x133: {  	v20 =	vld [tilespmem:s26+$0xFFFFFF90];
	v19 =	vshll.u32 v60, $0x10;
	v3 =	vadd.f32 v11, v3;
	v8 =	vadd.f32 v31, v8  }
0x134: {  	v4 =	vadd.f32 v9, v4;
	v10 =	vand.u32 $0xFFFF0000, v30;
	v14 =	vand.u32 $0xFFFF0000, v32  }
0x135: {  	v11 =	vand.u32 $0xFFFF0000, v34;
	v9 =	vand.u32 $0xFFFF0000, v36;
	v21 =	vshll.u32 v62, $0x10  }
0x136: {  	v22 =	vld [tilespmem:s26+$0xFFFFFFA0];
	v23 =	vshll.u32 v16, $0x10;
	v7 =	vadd.f32 v33, v7;
	v1 =	vadd.f32 v13, v1  }
0x137: {  	v24 =	vld [tilespmem:s26+$0xFFFFFFB0];
	v25 =	vshll.u32 v18, $0x10;
	v6 =	vadd.f32 v35, v6;
	v2 =	vadd.f32 v12, v2  }
0x138: {  	v26 =	vld [tilespmem:s26+$0x0];
	v27 =	vshll.u32 v20, $0x10;
	v5 =	vadd.f32 v37, v5;
	v3 =	vadd.f32 v10, v3  }
0x139: {  	v28 =	vld [tilespmem:s26+$0x10];
	v8 =	vadd.f32 v39, v8;
	v4 =	vadd.f32 v14, v4;
	v13 =	vand.u32 $0xFFFF0000, v38  }
0x13a: {  	v12 =	vand.u32 $0xFFFF0000, v40;
	v10 =	vand.u32 $0xFFFF0000, v42;
	v14 =	vand.u32 $0xFFFF0000, v44  }
0x13b: {  	v30 =	vld [tilespmem:s26+$0x20];
	v29 =	vshll.u32 v22, $0x10;
	v7 =	vadd.f32 v41, v7;
	v1 =	vadd.f32 v11, v1  }
0x13c: {  	v32 =	vld [tilespmem:s26+$0x30];
	v31 =	vshll.u32 v24, $0x10;
	v6 =	vadd.f32 v43, v6;
	v2 =	vadd.f32 v9, v2  }
0x13d: {  	v34 =	vld [tilespmem:s26+$0x80];
	v33 =	vshll.u32 v26, $0x10;
	v5 =	vadd.f32 v45, v5;
	v3 =	vadd.f32 v13, v3  }
0x13e: {  	v36 =	vld [tilespmem:s26+$0x90];
	v35 =	vshll.u32 v28, $0x10;
	v8 =	vadd.f32 v47, v8;
	v4 =	vadd.f32 v12, v4  }
0x13f: {  	v11 =	vand.u32 $0xFFFF0000, v46;
	v9 =	vand.u32 $0xFFFF0000, v48;
	v13 =	vand.u32 $0xFFFF0000, v50  }
0x140: {  	v38 =	vld [tilespmem:s26+$0xA0];
	v12 =	vand.u32 $0xFFFF0000, v52;
	v37 =	vshll.u32 v30, $0x10;
	v7 =	vadd.f32 v49, v7  }
0x141: {  	v40 =	vld [tilespmem:s26+$0xB0];
	v39 =	vshll.u32 v32, $0x10;
	v1 =	vadd.f32 v10, v1;
	v6 =	vadd.f32 v51, v6  }
0x142: {  	v42 =	vld [tilespmem:s26+$0x100];
	v41 =	vshll.u32 v34, $0x10;
	v2 =	vadd.f32 v14, v2;
	v5 =	vadd.f32 v53, v5  }
0x143: {  	v44 =	vld [tilespmem:s26+$0x110];
	v43 =	vshll.u32 v36, $0x10;
	v3 =	vadd.f32 v11, v3;
	v8 =	vadd.f32 v55, v8  }
0x144: {  	v4 =	vadd.f32 v9, v4;
	v10 =	vand.u32 $0xFFFF0000, v54;
	v14 =	vand.u32 $0xFFFF0000, v56  }
0x145: {  	v11 =	vand.u32 $0xFFFF0000, v58;
	v9 =	vand.u32 $0xFFFF0000, v60;
	v45 =	vshll.u32 v38, $0x10  }
0x146: {  	v46 =	vld [tilespmem:s26+$0x120];
	v47 =	vshll.u32 v40, $0x10;
	v7 =	vadd.f32 v57, v7;
	v1 =	vadd.f32 v13, v1  }
0x147: {  	v48 =	vld [tilespmem:s26+$0x130];
	v49 =	vshll.u32 v42, $0x10;
	v6 =	vadd.f32 v59, v6;
	v2 =	vadd.f32 v12, v2  }
0x148: {  	v50 =	vld [tilespmem:s26+$0x180];
	v51 =	vshll.u32 v44, $0x10;
	v5 =	vadd.f32 v61, v5;
	v3 =	vadd.f32 v10, v3  }
0x149: {  	v52 =	vld [tilespmem:s26+$0x190];
	v8 =	vadd.f32 v63, v8;
	v4 =	vadd.f32 v14, v4;
	v13 =	vand.u32 $0xFFFF0000, v62  }
0x14a: {  	v12 =	vand.u32 $0xFFFF0000, v16;
	v10 =	vand.u32 $0xFFFF0000, v18;
	v14 =	vand.u32 $0xFFFF0000, v20  }
0x14b: {  	v54 =	vld [tilespmem:s26+$0x1A0];
	v53 =	vshll.u32 v46, $0x10;
	v7 =	vadd.f32 v17, v7;
	v1 =	vadd.f32 v11, v1  }
0x14c: {  	v56 =	vld [tilespmem:s26+$0x1B0];
	v55 =	vshll.u32 v48, $0x10;
	v6 =	vadd.f32 v19, v6;
	v2 =	vadd.f32 v9, v2  }
0x14d: {  	v58 =	vld [tilespmem:s26+$0x200];
	v57 =	vshll.u32 v50, $0x10;
	v5 =	vadd.f32 v21, v5;
	v3 =	vadd.f32 v13, v3  }
0x14e: {  	v60 =	vld [tilespmem:s26+$0x210];
	v59 =	vshll.u32 v52, $0x10;
	v8 =	vadd.f32 v23, v8;
	v4 =	vadd.f32 v12, v4  }
0x14f: {  	v11 =	vand.u32 $0xFFFF0000, v22;
	v9 =	vand.u32 $0xFFFF0000, v24;
	v13 =	vand.u32 $0xFFFF0000, v26  }
0x150: {  	v62 =	vld [tilespmem:s26+$0x220];
	v12 =	vand.u32 $0xFFFF0000, v28;
	v61 =	vshll.u32 v54, $0x10;
	v7 =	vadd.f32 v25, v7  }
0x151: {  	v16 =	vld [tilespmem:s26+$0x230];
	v63 =	vshll.u32 v56, $0x10;
	v1 =	vadd.f32 v10, v1;
	v6 =	vadd.f32 v27, v6  }
0x152: {  	v18 =	vld [tilespmem:s26+$0x280];
	v17 =	vshll.u32 v58, $0x10;
	v2 =	vadd.f32 v14, v2;
	v5 =	vadd.f32 v29, v5  }
0x153: {  	v20 =	vld [tilespmem:s26+$0x290];
	v19 =	vshll.u32 v60, $0x10;
	v3 =	vadd.f32 v11, v3;
	v8 =	vadd.f32 v31, v8  }
0x154: {  	v4 =	vadd.f32 v9, v4;
	v10 =	vand.u32 $0xFFFF0000, v30;
	v14 =	vand.u32 $0xFFFF0000, v32  }
0x155: {  	v11 =	vand.u32 $0xFFFF0000, v34;
	v9 =	vand.u32 $0xFFFF0000, v36;
	v21 =	vshll.u32 v62, $0x10  }
0x156: {  	v22 =	vld [tilespmem:s26+$0x2A0];
	v23 =	vshll.u32 v16, $0x10;
	v7 =	vadd.f32 v33, v7;
	v1 =	vadd.f32 v13, v1  }
0x157: {  	v24 =	vld [tilespmem:s26+$0x2B0];
	v25 =	vshll.u32 v18, $0x10;
	v6 =	vadd.f32 v35, v6;
	v2 =	vadd.f32 v12, v2  }
0x158: {  	v26 =	vld [tilespmem:s26+$0x300];
	v27 =	vshll.u32 v20, $0x10;
	v5 =	vadd.f32 v37, v5;
	v3 =	vadd.f32 v10, v3  }
0x159: {  	v28 =	vld [tilespmem:s26+$0x310];
	v8 =	vadd.f32 v39, v8;
	v4 =	vadd.f32 v14, v4;
	v13 =	vand.u32 $0xFFFF0000, v38  }
0x15a: {  	v12 =	vand.u32 $0xFFFF0000, v40;
	v10 =	vand.u32 $0xFFFF0000, v42;
	v14 =	vand.u32 $0xFFFF0000, v44  }
0x15b: {  	v30 =	vld [tilespmem:s26+$0x320];
	v29 =	vshll.u32 v22, $0x10;
	v7 =	vadd.f32 v41, v7;
	v1 =	vadd.f32 v11, v1  }
0x15c: {  	v32 =	vld [tilespmem:s26+$0x330];
	v31 =	vshll.u32 v24, $0x10;
	v6 =	vadd.f32 v43, v6;
	v2 =	vadd.f32 v9, v2  }
0x15d: {  	v34 =	vld [tilespmem:s26+$0x380];
	v33 =	vshll.u32 v26, $0x10;
	v5 =	vadd.f32 v45, v5;
	v3 =	vadd.f32 v13, v3  }
0x15e: {  	v36 =	vld [tilespmem:s26+$0x390];
	v35 =	vshll.u32 v28, $0x10;
	v8 =	vadd.f32 v47, v8;
	v4 =	vadd.f32 v12, v4  }
0x15f: {  	v11 =	vand.u32 $0xFFFF0000, v46;
	v9 =	vand.u32 $0xFFFF0000, v48;
	v13 =	vand.u32 $0xFFFF0000, v50  }
0x160: {  	v38 =	vld [tilespmem:s26+$0x3A0];
	v12 =	vand.u32 $0xFFFF0000, v52;
	v37 =	vshll.u32 v30, $0x10;
	v7 =	vadd.f32 v49, v7  }
0x161: {  	v40 =	vld [tilespmem:s26+$0x3B0];
	v39 =	vshll.u32 v32, $0x10;
	v1 =	vadd.f32 v10, v1;
	v6 =	vadd.f32 v51, v6  }
0x162: {  	v42 =	vld [tilespmem:s26+$0x400];
	v41 =	vshll.u32 v34, $0x10;
	v2 =	vadd.f32 v14, v2;
	v5 =	vadd.f32 v53, v5  }
0x163: {  	v44 =	vld [tilespmem:s26+$0x410];
	v43 =	vshll.u32 v36, $0x10;
	v3 =	vadd.f32 v11, v3;
	v8 =	vadd.f32 v55, v8  }
0x164: {  	v4 =	vadd.f32 v9, v4;
	v10 =	vand.u32 $0xFFFF0000, v54;
	v14 =	vand.u32 $0xFFFF0000, v56  }
0x165: {  	v11 =	vand.u32 $0xFFFF0000, v58;
	v9 =	vand.u32 $0xFFFF0000, v60;
	v45 =	vshll.u32 v38, $0x10  }
0x166: {  	v46 =	vld [tilespmem:s26+$0x420];
	v47 =	vshll.u32 v40, $0x10;
	v7 =	vadd.f32 v57, v7;
	v1 =	vadd.f32 v13, v1  }
0x167: {  	v48 =	vld [tilespmem:s26+$0x430];
	v49 =	vshll.u32 v42, $0x10;
	v6 =	vadd.f32 v59, v6;
	v2 =	vadd.f32 v12, v2  }
0x168: {  	v50 =	vld [tilespmem:s26+$0x480];
	v51 =	vshll.u32 v44, $0x10;
	v5 =	vadd.f32 v61, v5;
	v3 =	vadd.f32 v10, v3  }
0x169: {  	v52 =	vld [tilespmem:s26+$0x490];
	v8 =	vadd.f32 v63, v8;
	v4 =	vadd.f32 v14, v4;
	v13 =	vand.u32 $0xFFFF0000, v62  }
0x16a: {  	v12 =	vand.u32 $0xFFFF0000, v16;
	v10 =	vand.u32 $0xFFFF0000, v18;
	v14 =	vand.u32 $0xFFFF0000, v20  }
0x16b: {  	v54 =	vld [tilespmem:s26+$0x4A0];
	v53 =	vshll.u32 v46, $0x10;
	v7 =	vadd.f32 v17, v7;
	v1 =	vadd.f32 v11, v1  }
0x16c: {  	v56 =	vld [tilespmem:s26+$0x4B0];
	v55 =	vshll.u32 v48, $0x10;
	v6 =	vadd.f32 v19, v6;
	v2 =	vadd.f32 v9, v2  }
0x16d: {  	v58 =	vld [tilespmem:s26+$0x500];
	v57 =	vshll.u32 v50, $0x10;
	v5 =	vadd.f32 v21, v5;
	v3 =	vadd.f32 v13, v3  }
0x16e: {  	v60 =	vld [tilespmem:s26+$0x510];
	v59 =	vshll.u32 v52, $0x10;
	v8 =	vadd.f32 v23, v8;
	v4 =	vadd.f32 v12, v4  }
0x16f: {  	v11 =	vand.u32 $0xFFFF0000, v22;
	v9 =	vand.u32 $0xFFFF0000, v24;
	v13 =	vand.u32 $0xFFFF0000, v26  }
0x170: {  	v62 =	vld [tilespmem:s26+$0x520];
	v12 =	vand.u32 $0xFFFF0000, v28;
	v61 =	vshll.u32 v54, $0x10;
	v7 =	vadd.f32 v25, v7  }
0x171: {  	v16 =	vld [tilespmem:s26+$0x530];
	v63 =	vshll.u32 v56, $0x10;
	v1 =	vadd.f32 v10, v1;
	v6 =	vadd.f32 v27, v6  }
0x172: {  	v18 =	vld [tilespmem:s26+$0x580];
	v17 =	vshll.u32 v58, $0x10;
	v2 =	vadd.f32 v14, v2;
	v5 =	vadd.f32 v29, v5  }
0x173: {  	v20 =	vld [tilespmem:s26+$0x590];
	v19 =	vshll.u32 v60, $0x10;
	v3 =	vadd.f32 v11, v3;
	v8 =	vadd.f32 v31, v8  }
0x174: {  	v4 =	vadd.f32 v9, v4;
	v10 =	vand.u32 $0xFFFF0000, v30;
	v14 =	vand.u32 $0xFFFF0000, v32  }
0x175: {  	v11 =	vand.u32 $0xFFFF0000, v34;
	v9 =	vand.u32 $0xFFFF0000, v36;
	v21 =	vshll.u32 v62, $0x10  }
0x176: {  	v22 =	vld [tilespmem:s26+$0x5A0];
	v23 =	vshll.u32 v16, $0x10;
	v7 =	vadd.f32 v33, v7;
	v1 =	vadd.f32 v13, v1  }
0x177: {  	v24 =	vld [tilespmem:s26+$0x5B0];
	v25 =	vshll.u32 v18, $0x10;
	v6 =	vadd.f32 v35, v6;
	v2 =	vadd.f32 v12, v2  }
0x178: {  	v26 =	vld [tilespmem:s26+$0x600];
	v27 =	vshll.u32 v20, $0x10;
	v5 =	vadd.f32 v37, v5;
	v3 =	vadd.f32 v10, v3  }
0x179: {  	v28 =	vld [tilespmem:s26+$0x610];
	v8 =	vadd.f32 v39, v8;
	v4 =	vadd.f32 v14, v4;
	v13 =	vand.u32 $0xFFFF0000, v38  }
0x17a: {  	v12 =	vand.u32 $0xFFFF0000, v40;
	v10 =	vand.u32 $0xFFFF0000, v42;
	v14 =	vand.u32 $0xFFFF0000, v44  }
0x17b: {  	v30 =	vld [tilespmem:s26+$0x620];
	v29 =	vshll.u32 v22, $0x10;
	v7 =	vadd.f32 v41, v7;
	v1 =	vadd.f32 v11, v1  }
0x17c: {  	v32 =	vld [tilespmem:s26+$0x630];
	v31 =	vshll.u32 v24, $0x10;
	v6 =	vadd.f32 v43, v6;
	v2 =	vadd.f32 v9, v2  }
0x17d: {  	v34 =	vld [tilespmem:s26+$0x680];
	v33 =	vshll.u32 v26, $0x10;
	v5 =	vadd.f32 v45, v5;
	v3 =	vadd.f32 v13, v3  }
0x17e: {  	v36 =	vld [tilespmem:s26+$0x690];
	v35 =	vshll.u32 v28, $0x10;
	v8 =	vadd.f32 v47, v8;
	v4 =	vadd.f32 v12, v4  }
0x17f: {  	v15 =	vld [tilespmem:s26+$0x780];
	v11 =	vand.u32 $0xFFFF0000, v46;
	v9 =	vand.u32 $0xFFFF0000, v48;
	v13 =	vand.u32 $0xFFFF0000, v50  }
0x180: {  	v38 =	vld [tilespmem:s26+$0x6A0];
	v12 =	vand.u32 $0xFFFF0000, v52;
	v37 =	vshll.u32 v30, $0x10;
	v7 =	vadd.f32 v49, v7  }
0x181: {  	v40 =	vld [tilespmem:s26+$0x6B0];
	v39 =	vshll.u32 v32, $0x10;
	v1 =	vadd.f32 v10, v1;
	v6 =	vadd.f32 v51, v6  }
0x182: {  	v42 =	vld [tilespmem:s26+$0x700];
	v41 =	vshll.u32 v34, $0x10;
	v2 =	vadd.f32 v14, v2;
	v5 =	vadd.f32 v53, v5  }
0x183: {  	v44 =	vld [tilespmem:s26+$0x710];
	v43 =	vshll.u32 v36, $0x10;
	v3 =	vadd.f32 v11, v3;
	v8 =	vadd.f32 v55, v8  }
0x184: {  	v4 =	vadd.f32 v9, v4;
	v10 =	vand.u32 $0xFFFF0000, v54;
	v14 =	vand.u32 $0xFFFF0000, v56  }
0x185: {  	v11 =	vand.u32 $0xFFFF0000, v58;
	v9 =	vand.u32 $0xFFFF0000, v60;
	v55 =	vshll.u32 v15, $0x10  }
0x186: {  	v56 =	vand.u32 $0xFFFF0000, v15;
	v45 =	vshll.u32 v38, $0x10;
	v47 =	vshll.u32 v40, $0x10  }
0x187: {  	v48 =	vshll.u32 v42, $0x10;
	v7 =	vadd.f32 v57, v7;
	v1 =	vadd.f32 v13, v1  }
0x188: {  	v50 =	vshll.u32 v44, $0x10;
	v6 =	vadd.f32 v59, v6;
	v2 =	vadd.f32 v12, v2  }
0x189: {  	v46 =	vld [tilespmem:s26+$0x720];
	v52 =	vand.u32 $0xFFFF0000, v44;
	v5 =	vadd.f32 v61, v5;
	v3 =	vadd.f32 v10, v3  }
0x18a: {  	v8 =	vadd.f32 v63, v8;
	v4 =	vadd.f32 v14, v4;
	v13 =	vand.u32 $0xFFFF0000, v62  }
0x18b: {  	v12 =	vand.u32 $0xFFFF0000, v16;
	v7 =	vadd.f32 v17, v7;
	v1 =	vadd.f32 v11, v1  }
0x18c: {  	v10 =	vand.u32 $0xFFFF0000, v18;
	v6 =	vadd.f32 v19, v6;
	v2 =	vadd.f32 v9, v2  }
0x18d: {  	v14 =	vand.u32 $0xFFFF0000, v20;
	v5 =	vadd.f32 v21, v5;
	v3 =	vadd.f32 v13, v3  }
0x18e: {  	v49 =	vld [tilespmem:s26+$0x790];
	v53 =	vshll.u32 v46, $0x10;
	v8 =	vadd.f32 v23, v8;
	v4 =	vadd.f32 v12, v4  }
0x18f: {  	v11 =	vand.u32 $0xFFFF0000, v22;
	v7 =	vadd.f32 v25, v7;
	v1 =	vadd.f32 v10, v1  }
0x190: {  	v9 =	vand.u32 $0xFFFF0000, v24;
	v6 =	vadd.f32 v27, v6;
	v2 =	vadd.f32 v14, v2  }
0x191: {  	v13 =	vand.u32 $0xFFFF0000, v26;
	v5 =	vadd.f32 v29, v5;
	v3 =	vadd.f32 v11, v3  }
0x192: {  	v12 =	vand.u32 $0xFFFF0000, v28;
	v8 =	vadd.f32 v31, v8;
	v4 =	vadd.f32 v9, v4  }
0x193: {  	v58 =	vshll.u32 v49, $0x10;
	v7 =	vadd.f32 v33, v7;
	v1 =	vadd.f32 v13, v1  }
0x194: {  	v10 =	vand.u32 $0xFFFF0000, v30;
	v6 =	vadd.f32 v35, v6;
	v2 =	vadd.f32 v12, v2  }
0x195: {  	v14 =	vand.u32 $0xFFFF0000, v32;
	v5 =	vadd.f32 v37, v5;
	v3 =	vadd.f32 v10, v3  }
0x196: {  	v51 =	vld [tilespmem:s26+$0x730];
	v11 =	vand.u32 $0xFFFF0000, v34;
	v8 =	vadd.f32 v39, v8;
	v4 =	vadd.f32 v14, v4  }
0x197: {  	v9 =	vand.u32 $0xFFFF0000, v36;
	v7 =	vadd.f32 v41, v7;
	v1 =	vadd.f32 v11, v1  }
0x198: {  	v13 =	vand.u32 $0xFFFF0000, v38;
	v6 =	vadd.f32 v43, v6;
	v2 =	vadd.f32 v9, v2  }
0x199: {  	v12 =	vand.u32 $0xFFFF0000, v40;
	v5 =	vadd.f32 v45, v5;
	v3 =	vadd.f32 v13, v3  }
0x19a: {  	v54 =	vld [tilespmem:s26+$0x7A0];
	v10 =	vand.u32 $0xFFFF0000, v42;
	v8 =	vadd.f32 v47, v8;
	v7 =	vadd.f32 v48, v7  }
0x19b: {  	v59 =	vshll.u32 v51, $0x10;
	v4 =	vadd.f32 v12, v4;
	v1 =	vadd.f32 v10, v1  }
0x19c: {  	v57 =	vld [tilespmem:s26+$0x7B0];
	v60 =	vand.u32 $0xFFFF0000, v49;
	v6 =	vadd.f32 v50, v6;
	v7 =	vadd.f32 v55, v7  }
0x19d: {  	s23 =	sshra.s32 s25, $0x2;
	v11 =	vand.u32 $0xFFFF0000, v46;
	v2 =	vadd.f32 v52, v2;
	v1 =	vadd.f32 v56, v1  }
0x19e: {  	v61 =	vand.u32 $0xFFFF0000, v51;
	v3 =	vadd.f32 v11, v3;
	v6 =	vadd.f32 v58, v6;
	[tilespmem:v0+s23+$0xFFFFFF90 ss:$0x1] =	vst.idx.msk $0xffff, v7  }
0x19f: {  	v62 =	vand.u32 $0xFFFF0000, v54;
	v5 =	vadd.f32 v53, v5;
	v2 =	vadd.f32 v60, v2;
	[tilespmem:v0+s23+$0xFFFFFFD0 ss:$0x1] =	vst.idx.msk $0xffff, v1  }
0x1a0: {  	p1 =	sne.s32 s25, $0x600;
	v3 =	vadd.f32 v62, v3;
	v7 =	vadd.f32 v59, v8;
	v1 =	vshll.u32 v54, $0x10;
	[tilespmem:v0+s23+$0xFFFFFFA0 ss:$0x1] =	vst.idx.msk $0xffff, v6  }
.Ltmp1:
0x1a1: {  	v63 =	vshll.u32 v57, $0x10;
	v4 =	vadd.f32 v61, v4;
	v1 =	vadd.f32 v1, v5;
	[tilespmem:v0+s23+$0xFFFFFFE0 ss:$0x1] =	vst.idx.msk $0xffff, v2;
	(pc) =	sbr.rel @p1 .LBB2_5-.Ltmp1, $4  }
0x1a2: {  	v2 =	vand.u32 $0xFFFF0000, v57;
	v5 =	vadd.f32 v63, v7;
	[tilespmem:v0+s23+$0xFFFFFFF0 ss:$0x1] =	vst.idx.msk $0xffff, v3  }
0x1a3: {  	[tilespmem:v0+s23+$0xFFFFFFB0 ss:$0x1] =	vst.idx.msk $0xffff, v1;
	v1 =	vadd.f32 v2, v4  }
0x1a4: {  	[tilespmem:v0+s23+$0xFFFFFFC0 ss:$0x1] =	vst.idx.msk $0xffff, v5  }
0x1a5: {  	s25 =	sadd.s32 $0x200, s25;
	s26 =	sadd.s32 $0x1000, s26;
	[tilespmem:v0+s23+$0x0 ss:$0x1] =	vst.idx.msk $0xffff, v1  }
0x1a6: {  	s23 =	sadd.s32 @!p0 $0x180, s24;
	s24 =	simm.s32 @!p0 $0x80;
	s25 =	simm.s32 @!p0 $0x10800  }
0x1a7: {  	[tilespmem:s25], [sflag:$0x3] =	stream.indirect.gather @!p0 [spmem:s2], $0x40, s23, s24, $0xb8;
	[tilespmem:$0x15800] =	vst v63  }
0x1a8: {  	p0 =	sne.s32 s22, $0x6  }
0x1a9: {  	s22 =	sshll.u32 @!p0 s21, $0xA  }
0x1aa: {  	s22 =	sand.u32 @!p0 $0xF000, s22  }
0x1ab: {  	s22 =	sadd.s32 @!p0 s8, s22  }
0x1ac: {  	s23 =	simm.s32 @!p0 $0x0;
	s22 =	sshrl.u32 @!p0 s22, $0x3  }
0x1ad: {  	s24 =	simm.s32 @!p0 $0x14800;
	s21 =	sadd.s32 $0x1, s21;
	s22 =	sadd.s32 @!p0 s4, s22  }
0x1ae: {  	[hbm4b:s22+s23] =	stream.linear.scatter @!p0 [tilespmem:s24], [sflag:$0x4], $0x1000, $0x38;
	[tilespmem:$0x15800] =	vst v63  }
0x1af: {  	p0 =	sne.s32 s21, $0x28  }
.Ltmp2:
0x1b0: {  	_ = 	snop;
	(pc) =	sbr.rel @p0 .LBB2_2-.Ltmp2, $2  }
0x1b1: {  	_ =	sdelay $0x2  }
0x1b2: {  	s20 =	sadd.s32 $0x1, s20  }
0x1b3: {  	s19 =	sadd.s32 $0x1, s19  }
0x1b4: {  	p0 =	sne.s32 s19, s9  }
.Ltmp3:
0x1b5: {  	_ = 	snop;
	(pc) =	sbr.rel @p0 .LBB2_1-.Ltmp3, $4  }
0x1b6: {  	_ = 	snop  }
0x1b7: {  	_ =	swait.ge [sflag:s18], $0x1000  }
0x1b8: {  	[sflag:s18] =	ssyncset.done $0x0  }
0x1b9: {  	[sflag:s18] =	ssyncadd.s32 $0xFFFFF000  }
0x1ba: {  	_ =	sfence.sel $0x180000  }
0x1bb: {  	[bflag:$0x0] =	sbarrier.arrive $0xFFFF  }
0x1bc: {  	p0 =	sne.s32 s1, $0x0;
	_ =	strace $0x90000047  }
0x1bd: {  	s0 =	sadd.s32 @!p0 $0x100000, s0;
	[bflag:$0x2] =	sbarrier.arrive $0xFFFF  }
0x1be: {  	[sflag:s0] =	ssyncadd.tile.s32 @!p0 $0x1;
	_ =	shalt  }
.Lfunc_end2:
_tile_overlayer_lowered:
.L_overlay_start_2:
0x1bf: {  	(tag) =	ssettag $0x2  }
0x1c0: {  	s0 =	rddreg [dreg:$0x0];
	s2 =	stileid.u32  }
0x1c1: {  	s1 =	rddreg [dreg:$0x1];
	p0 =	sne.s32 s2, $0x0  }
0x1c2: {  	s3 =	rddreg [dreg:$0x2];
	[bflag:$0x3] =	sbarrier.arrive $0xFFFF;
	s2 =	simm.s32 @!p0 $0x1C05  }
0x1c3: {  	[timem:s3], [sflag:s2] =	dma.local @!p0 [hbm:s0], s1  }
0x1c4: {  	s0 =	simm.s32 @!p0 $0x5  }
0x1c5: {  	_ =	swait.ge @!p0 [sflag:s0], s1  }
0x1c6: {  	s1 =	ssub.s32 @!p0 $0x0, s1;
	[sflag:s0] =	ssyncset.done @!p0 $0x0  }
0x1c7: {  	[sflag:s0] =	ssyncadd.s32 @!p0 s1  }
0x1c8: {  	[bflag:$0x3] =	sbarrier.arrive $0xFFFF  }
0x1c9: {  	_ =	shalt  }

</sc_bundles>
